<compile_context>
chip_gen: v7x
topology: tpu7x:2x2x1
jax: 0.10.2.dev20260603
libtpu: 0.0.44.dev20260713+nightly
codegen_flags: <defaults>
</compile_context>

<pallas_src>
import functools

import jax
import jax.numpy as jnp
from jax import lax
from jax.experimental import pallas as pl
from jax.experimental.pallas import tpu as pltpu
from jax.experimental.pallas import tpu_sc as plsc

B, Q, C = 16, 20000, 80
K_TOP = 100
NC, NS, L = 2, 16, 16
NW = NC * NS
ROWS_W = B * Q // NW
WIN = 400
NWIN = ROWS_W // WIN
CAP = 128
NEG = -3.0e38

_mesh = plsc.VectorSubcoreMesh(core_axis_name="c", subcore_axis_name="s")


def _wid():
    return lax.axis_index("s") * NC + lax.axis_index("c")


def _mono(v):
    u = lax.bitcast_convert_type(v, jnp.uint32)
    flip = jnp.where(v < 0.0, jnp.uint32(0xFFFFFFFF), jnp.uint32(0x80000000))
    return u ^ flip


def _lanesum(v_i32):
    return jnp.sum(v_i32, axis=0)


def _bload(ref, j):
    return plsc.load_gather(ref, [jnp.zeros((16,), jnp.int32) + j])


def _radix_select_u(read_vreg, nv, k, hist, suf):
    lanes = lax.iota(jnp.int32, 16)
    ones = jnp.ones((16,), jnp.int32)
    zeros = jnp.zeros((16,), jnp.int32)
    pref = jnp.uint32(0)
    kk = jnp.int32(k)
    for p in range(4):
        sh = 24 - 8 * p

        def zbody(h, _):
            hist[pl.ds(h * 16, 16)] = zeros
            return 0

        lax.fori_loop(0, 256, zbody, 0)

        def hbody(vi, _, _sh=sh, _p=p, _pref=pref):
            u = read_vreg(vi)
            bin_ = ((u >> jnp.uint32(_sh)) & jnp.uint32(255)).astype(jnp.int32)
            idx = bin_ * 16 + lanes
            if _p == 0:
                plsc.addupdate_scatter(hist, [idx], ones)
            else:
                m = (u >> jnp.uint32(_sh + 8)) == (_pref >> jnp.uint32(_sh + 8))
                plsc.addupdate_scatter(hist, [idx], ones, mask=m)
            return 0

        lax.fori_loop(0, nv, hbody, 0)

        def sbody(i, acc):
            b_ = 255 - i
            acc = acc + hist[pl.ds(b_ * 16, 16)]
            suf[pl.ds(b_ * 16, 16)] = acc
            return acc

        lax.fori_loop(0, 256, sbody, zeros)

        def bbody(_, lohi):
            lo, hi = lohi
            mid = (lo + hi) // 2
            smid = _lanesum(suf[pl.ds(mid * 16, 16)])
            ok = smid >= kk
            return (jnp.where(ok, mid, lo), jnp.where(ok, hi, mid))

        lo, _hi = lax.fori_loop(0, 8, bbody, (jnp.int32(0), jnp.int32(256)))
        t = lo
        nxt = jnp.minimum(t + 1, 255)
        s_above = jnp.where(t >= 255, jnp.int32(0),
                            _lanesum(suf[pl.ds(nxt * 16, 16)]))
        kk = kk - s_above
        pref = pref | (t.astype(jnp.uint32) << jnp.uint32(sh))
    return pref


@functools.partial(
    pl.kernel, mesh=_mesh,
    compiler_params=pltpu.CompilerParams(needs_layout_passes=False),
    out_type=jax.ShapeDtypeStruct((B * Q,), jnp.float32),
    scratch_types=[
        pltpu.VMEM((WIN, C), jnp.float32),
        pltpu.VMEM((WIN, C), jnp.float32),
        pltpu.VMEM((ROWS_W,), jnp.int32),
        pltpu.VMEM((ROWS_W,), jnp.float32),
        pltpu.SemaphoreType.DMA,
        pltpu.SemaphoreType.DMA,
    ],
)
def _rowmax_k(logits_hbm, mask_hbm, rm_hbm, buf0, buf1, maskv, rmv, s0, s1):
    w = _wid()
    b = w // 2
    row0 = (w % 2) * ROWS_W
    base = w * ROWS_W
    pltpu.sync_copy(mask_hbm.at[pl.ds(base, ROWS_W)], maskv)

    lanes = lax.iota(jnp.int32, 16)
    lane0 = lanes == 0
    zeros = jnp.zeros((16,), jnp.int32)
    fzeros = jnp.zeros((16,), jnp.float32)

    def do_window(wi, buf):
        def rbody(rr, _):
            v0 = buf[rr, pl.ds(0, 16)]
            v1 = buf[rr, pl.ds(16, 16)]
            v2 = buf[rr, pl.ds(32, 16)]
            v3 = buf[rr, pl.ds(48, 16)]
            v4 = buf[rr, pl.ds(64, 16)]
            acc = jnp.maximum(jnp.maximum(jnp.maximum(v0, v1),
                                          jnp.maximum(v2, v3)), v4)
            rmax = jnp.max(acc)
            plsc.store_scatter(rmv, [zeros + (wi * WIN + rr)],
                               fzeros + rmax, mask=lane0)
            return 0

        lax.fori_loop(0, WIN, rbody, 0)

    pltpu.async_copy(logits_hbm.at[b, pl.ds(row0, WIN)], buf0, s0)

    def pair_body(g2, _):
        for sub, bufa, sema, bufb, semb in ((0, buf0, s0, buf1, s1),
                                            (1, buf1, s1, buf0, s0)):
            wi = g2 * 2 + sub
            pltpu.make_async_copy(logits_hbm.at[b, pl.ds(row0, WIN)],
                                  bufa, sema).wait()
            pltpu.async_copy(
                logits_hbm.at[b, pl.ds(row0 + (wi + 1) * WIN, WIN)],
                bufb, semb)
            do_window(wi, bufa)
        return 0

    lax.fori_loop(0, (NWIN - 1) // 2, pair_body, 0)
    pltpu.make_async_copy(logits_hbm.at[b, pl.ds(row0, WIN)],
                          buf0, s0).wait()
    do_window(NWIN - 1, buf0)

    negv = jnp.full((16,), NEG, jnp.float32)

    def mbody(vi, _):
        mv = maskv[pl.ds(vi * 16, 16)]
        rv = rmv[pl.ds(vi * 16, 16)]
        rmv[pl.ds(vi * 16, 16)] = jnp.where(mv != 0, negv, rv)
        return 0

    lax.fori_loop(0, ROWS_W // 16, mbody, 0)
    pltpu.sync_copy(rmv, rm_hbm.at[pl.ds(base, ROWS_W)])


@functools.partial(
    pl.kernel, mesh=_mesh,
    compiler_params=pltpu.CompilerParams(needs_layout_passes=False),
    out_type=(
        jax.ShapeDtypeStruct((B, 128), jnp.float32),
        jax.ShapeDtypeStruct((B, 128), jnp.int32),
        jax.ShapeDtypeStruct((B, 128, 4), jnp.float32),
    ),
    scratch_types=[
        pltpu.VMEM((Q,), jnp.float32),
        pltpu.VMEM((256 * 16,), jnp.int32),
        pltpu.VMEM((256 * 16,), jnp.int32),
        pltpu.VMEM((CAP + 16,), jnp.int32),
        pltpu.VMEM((CAP, C), jnp.float32),
        pltpu.VMEM((CAP * C,), jnp.float32),
        pltpu.VMEM((128,), jnp.float32),
        pltpu.VMEM((128,), jnp.int32),
        pltpu.VMEM((128,), jnp.float32),
        pltpu.VMEM((128,), jnp.int32),
        pltpu.VMEM((128 + 16,), jnp.int32),
        pltpu.VMEM((128, 4), jnp.float32),
        pltpu.VMEM((128,), jnp.float32),
        pltpu.VMEM((128,), jnp.int32),
        pltpu.SemaphoreType.DMA,
        pltpu.SemaphoreType.DMA,
    ],
)
def _select_k(logits_hbm, rm_hbm, boxes_hbm, scores_hbm, labels_hbm,
              oboxes_hbm, rmv, hist, suf, rowids, cand2, cand, vals2, idx2,
              svals, sidx, srow, obox2, osc, olab, sem, bsem):
    w = _wid()

    @pl.when(w < B)
    def _():
        b = w
        bq = b * Q
        lanes = lax.iota(jnp.int32, 16)
        zeros = jnp.zeros((16,), jnp.int32)
        negv = jnp.full((16,), NEG, jnp.float32)

        pltpu.sync_copy(rm_hbm.at[pl.ds(bq, Q)], rmv)

        def rd_rm(vi):
            return _mono(rmv[pl.ds(vi * 16, 16)])

        t_row = _radix_select_u(rd_rm, Q // 16, K_TOP, hist, suf)

        for h in range(CAP // 16 + 1):
            rowids[pl.ds(h * 16, 16)] = h * 16 + lanes

        def cbody(vi, off):
            v = rmv[pl.ds(vi * 16, 16)]
            u = _mono(v)
            m = (u >= t_row) & (v > NEG)
            cnt = plsc.all_reduce_population_count(m)

            @pl.when(jnp.any(m))
            def _():
                pos = off + plsc.cumsum(m.astype(jnp.int32)) - 1
                pos = jnp.minimum(pos, CAP - 1)
                plsc.store_scatter(rowids, [pos], vi * 16 + lanes, mask=m)

            return off + cnt

        off = lax.fori_loop(0, Q // 16, cbody, zeros)
        nrows = jnp.minimum(jnp.max(off, axis=0), jnp.int32(CAP))

        def fire_body(j, _):
            r = rowids[pl.ds(j, 16)][0]
            pltpu.async_copy(logits_hbm.at[b, pl.ds(r, 1)],
                             cand2.at[pl.ds(j, 1)], sem)
            return 0

        lax.fori_loop(0, CAP, fire_body, 0)

        def drain_body(j, _):
            pltpu.make_async_copy(logits_hbm.at[b, pl.ds(0, 1)],
                                  cand2.at[pl.ds(j, 1)], sem).wait()
            return 0

        lax.fori_loop(0, CAP, drain_body, 0)

        def ibody(j, _):
            rloc = _bload(rowids, j)
            rmj = plsc.load_gather(rmv, [rloc])
            keep = (j < nrows) & (rmj > NEG)
            for i in range(5):
                v = cand2[j, pl.ds(i * 16, 16)]
                cand[pl.ds(j * C + i * 16, 16)] = jnp.where(keep, v, negv)
            return 0

        lax.fori_loop(0, CAP, ibody, 0)

        def rd_cand(vi):
            return _mono(cand[pl.ds(vi * 16, 16)])

        t_el = _radix_select_u(rd_cand, CAP * 5, K_TOP, hist, suf)

        for h in range(8):
            vals2[pl.ds(h * 16, 16)] = negv
            idx2[pl.ds(h * 16, 16)] = zeros + jnp.int32(1 << 28)

        def c2body(j, off2):
            rloc = _bload(rowids, j)
            for i in range(5):
                v = cand[pl.ds(j * C + i * 16, 16)]
                u = _mono(v)
                m = u >= t_el
                cnt = plsc.all_reduce_population_count(m)

                @pl.when(jnp.any(m))
                def _(off2=off2, v=v, m=m, rloc=rloc, i=i):
                    pos = off2 + plsc.cumsum(m.astype(jnp.int32)) - 1
                    pos = jnp.minimum(pos, 127)
                    plsc.store_scatter(vals2, [pos], v, mask=m)
                    plsc.store_scatter(idx2, [pos],
                                      rloc * C + i * 16 + lanes, mask=m)

                off2 = off2 + cnt
            return off2

        lax.fori_loop(0, CAP, c2body, zeros)

        for h in range(8):
            svals[pl.ds(h * 16, 16)] = negv
            sidx[pl.ds(h * 16, 16)] = zeros

        lane0 = lanes == 0

        def rbody(j, _):
            vj = _bload(vals2, j)
            ij = _bload(idx2, j)
            acc = zeros
            for h in range(8):
                vv = vals2[pl.ds(h * 16, 16)]
                iv = idx2[pl.ds(h * 16, 16)]
                gt = (vv > vj) | ((vv == vj) & (iv < ij))
                acc = acc + gt.astype(jnp.int32)
            rank = jnp.minimum(_lanesum(acc), jnp.int32(127))
            rankv = jnp.zeros((16,), jnp.int32) + rank
            plsc.store_scatter(svals, [rankv], vj, mask=lane0)
            plsc.store_scatter(sidx, [rankv], ij, mask=lane0)
            return 0

        lax.fori_loop(0, 128, rbody, 0)

        for h in range(8):
            v = svals[pl.ds(h * 16, 16)]
            osc[pl.ds(h * 16, 16)] = 1.0 / (1.0 + jnp.exp(-v))
            iv = sidx[pl.ds(h * 16, 16)]
            olab[pl.ds(h * 16, 16)] = lax.rem(iv, jnp.int32(C))
            srow[pl.ds(h * 16, 16)] = jnp.minimum(lax.div(iv, jnp.int32(C)),
                                                  jnp.int32(Q - 1))

        def bfire(k, _):
            r = srow[pl.ds(k, 16)][0]
            pltpu.async_copy(boxes_hbm.at[b, pl.ds(r, 1)],
                             obox2.at[pl.ds(k, 1)], bsem)
            return 0

        lax.fori_loop(0, 128, bfire, 0)

        def bdrain(k, _):
            pltpu.make_async_copy(boxes_hbm.at[b, pl.ds(0, 1)],
                                  obox2.at[pl.ds(k, 1)], bsem).wait()
            return 0

        lax.fori_loop(0, 128, bdrain, 0)

        pltpu.sync_copy(osc, scores_hbm.at[b])
        pltpu.sync_copy(olab, labels_hbm.at[b])
        pltpu.sync_copy(obox2, oboxes_hbm.at[b])


def kernel(action_pred_logits, pred_boxes, pred_boxes_mask):
    mask_i = pred_boxes_mask.reshape(B * Q).astype(jnp.int32)
    rm = _rowmax_k(action_pred_logits, mask_i)
    scores_p, labels_p, boxes_p = _select_k(action_pred_logits, rm,
                                            pred_boxes)
    return (scores_p[:, :K_TOP], labels_p[:, :K_TOP],
            boxes_p[:, :K_TOP, :])

# --- scband reference (transcript-rebuilt; emitter-appended) ---
"""Pipeline reference for scband-action-post-process-69595650064597 (READ-ONLY COPY).

The authoritative reference and input builder live on the scoring server;
editing this copy changes nothing except your own understanding.
"""

import jax, jax.numpy as jnp
import numpy as np

K_TOP = 100


def setup_inputs(seed: int = 0) -> dict:
    key = jax.random.key(seed)
    k1, k2, k3 = jax.random.split(key, 3)
    B, Q, C = 16, 20000, 80
    action_pred_logits = jax.random.normal(k1, (B, Q, C), dtype=jnp.float32)
    pred_boxes = jax.random.uniform(k2, (B, Q, 4), dtype=jnp.float32)
    pred_boxes_mask = jax.random.randint(k3, (B, Q), 0, 2).astype(jnp.bool_)
    return {
        "action_pred_logits": action_pred_logits,
        "pred_boxes": pred_boxes,
        "pred_boxes_mask": pred_boxes_mask,
    }


def reference(action_pred_logits, pred_boxes, pred_boxes_mask):
    B, Q, C = action_pred_logits.shape
    prob = jax.nn.sigmoid(action_pred_logits)
    # mask out invalid boxes
    prob = prob * (~pred_boxes_mask).astype(jnp.float32)[..., None]
    flat = prob.reshape(B, Q * C)
    topk_values, topk_indexes = jax.lax.top_k(flat, K_TOP)
    scores = topk_values
    topk_boxes = topk_indexes // C
    labels = topk_indexes % C
    idx = jnp.broadcast_to(topk_boxes[:, :, None], (B, K_TOP, 4))
    boxes = jnp.take_along_axis(pred_boxes, idx, axis=1)
    return (scores, labels, boxes)

if __name__ == "__main__":
    import jax
    _d = setup_inputs()
    print(jax.jit(kernel)(*tuple(_d.values())))

</pallas_src>

<mosaic_0001>
#map = affine_map<(d0, d1) -> (0, 0, 0)>
#map1 = affine_map<(d0, d1) -> (0)>
module attributes {stable_mosaic.version = 14 : i64} {
  func.func @_rowmax_k(%arg0: i32, %arg1: i32, %arg2: memref<16x20000x80xf32, #tpu.memory_space<hbm>>, %arg3: memref<320000xi32, #tpu.memory_space<hbm>>, %arg4: memref<320000xf32, #tpu.memory_space<hbm>>, %arg5: memref<400x80xf32, #tpu.memory_space<vmem>>, %arg6: memref<400x80xf32, #tpu.memory_space<vmem>>, %arg7: memref<10000xi32, #tpu.memory_space<vmem>>, %arg8: memref<10000xf32, #tpu.memory_space<vmem>>, %arg9: memref<!tpu.dma_semaphore, #tpu.memory_space<semaphore_mem>>, %arg10: memref<!tpu.dma_semaphore, #tpu.memory_space<semaphore_mem>>) attributes {dimension_semantics = [#tpu.dimension_semantics<core_parallel>, #tpu.dimension_semantics<subcore_parallel>], iteration_bounds = array<i64: 2, 16>, scalar_prefetch = 0 : i64, scratch_operands = 6 : i64, tpu.core_type = #tpu.core_type<sc_vector_subcore>, window_params = [{transform_indices = #map}, {transform_indices = #map1}, {transform_indices = #map1}]} {
    %mul3A = arith.constant 2 : i32
    %mul3A_0 = arith.muli %arg1, %mul3A : i32
    %add3A = arith.addi %mul3A_0, %arg0 : i32
    %jit3A = arith.constant 2 : i32
    %div3A = arith.divsi %add3A, %jit3A : i32
    %sign3A = arith.constant 0 : i32
    %sign3A_1 = arith.cmpi sgt, %add3A, %sign3A : i32
    %sign3A_2 = arith.extui %sign3A_1 : i1 to i32
    %sign3A_3 = arith.constant 0 : i32
    %sign3A_4 = arith.cmpi slt, %add3A, %sign3A_3 : i32
    %sign3A_5 = arith.extui %sign3A_4 : i1 to i32
    %sign3A_6 = arith.subi %sign3A_2, %sign3A_5 : i32
    %sign3A_7 = arith.constant 0 : i32
    %sign3A_8 = arith.cmpi sgt, %jit3A, %sign3A_7 : i32
    %sign3A_9 = arith.extui %sign3A_8 : i1 to i32
    %sign3A_10 = arith.constant 0 : i32
    %sign3A_11 = arith.cmpi slt, %jit3A, %sign3A_10 : i32
    %sign3A_12 = arith.extui %sign3A_11 : i1 to i32
    %sign3A_13 = arith.subi %sign3A_9, %sign3A_12 : i32
    %ne3A = arith.cmpi ne, %sign3A_6, %sign3A_13 : i32
    %rem3A = arith.remsi %add3A, %jit3A : i32
    %ne3A_14 = arith.constant 0 : i32
    %ne3A_15 = arith.cmpi ne, %rem3A, %ne3A_14 : i32
    %and3A = arith.andi %ne3A, %ne3A_15 : i1
    %sub3A = arith.constant 1 : i32
    %sub3A_16 = arith.subi %div3A, %sub3A : i32
    %select_n3A = arith.select %and3A, %sub3A_16, %div3A : i32
    %jit3A_17 = arith.constant 2 : i32
    %eq3A = arith.constant 0 : i32
    %eq3A_18 = arith.cmpi eq, %jit3A_17, %eq3A : i32
    %jit3A_19 = arith.constant 1 : i32
    %select_n3A_20 = arith.select %eq3A_18, %jit3A_19, %jit3A_17 : i32
    %rem3A_21 = arith.remsi %add3A, %select_n3A_20 : i32
    %ne3A_22 = arith.constant 0 : i32
    %ne3A_23 = arith.cmpi ne, %rem3A_21, %ne3A_22 : i32
    %lt3A = arith.constant 0 : i32
    %lt3A_24 = arith.cmpi slt, %rem3A_21, %lt3A : i32
    %lt3A_25 = arith.constant 0 : i32
    %lt3A_26 = arith.cmpi slt, %select_n3A_20, %lt3A_25 : i32
    %ne3A_27 = arith.xori %lt3A_24, %lt3A_26 : i1
    %and3A_28 = arith.andi %ne3A_27, %ne3A_23 : i1
    %add3A_29 = arith.addi %rem3A_21, %select_n3A_20 : i32
    %select_n3A_30 = arith.select %and3A_28, %add3A_29, %rem3A_21 : i32
    %mul3A_31 = arith.constant 10000 : i32
    %mul3A_32 = arith.muli %select_n3A_30, %mul3A_31 : i32
    %mul3A_33 = arith.constant 10000 : i32
    %mul3A_34 = arith.muli %add3A, %mul3A_33 : i32
    "tpu.region"() ({
      %run_scoped3A = tpu.sem_alloc : memref<!tpu.dma_semaphore, #tpu.memory_space<semaphore_mem>>
      %dma_start3A_73 = tpu.memref_slice %arg3[%mul3A_34] : memref<320000xi32, #tpu.memory_space<hbm>> -> memref<10000xi32, #tpu.memory_space<hbm>>
      %dma_start3A_74 = tpu.memref_slice %arg3[%mul3A_34] : memref<320000xi32, #tpu.memory_space<hbm>> -> memref<10000xi32, #tpu.memory_space<hbm>>
      tpu.enqueue_dma source(%dma_start3A_74 : memref<10000xi32, #tpu.memory_space<hbm>>) target(%arg7 : memref<10000xi32, #tpu.memory_space<vmem>>) target_semaphore(%run_scoped3A : memref<!tpu.dma_semaphore, #tpu.memory_space<semaphore_mem>>)
      %dma_wait3A_75 = tpu.memref_slice %arg3[%mul3A_34] : memref<320000xi32, #tpu.memory_space<hbm>> -> memref<10000xi32, #tpu.memory_space<hbm>>
      %dma_wait3A_76 = tpu.memref_slice %arg3[%mul3A_34] : memref<320000xi32, #tpu.memory_space<hbm>> -> memref<10000xi32, #tpu.memory_space<hbm>>
      tpu.wait_dma2 semaphore(%run_scoped3A : memref<!tpu.dma_semaphore, #tpu.memory_space<semaphore_mem>>) src(%dma_wait3A_76 : memref<10000xi32, #tpu.memory_space<hbm>>) dst(%arg7 : memref<10000xi32, #tpu.memory_space<vmem>>)
      tpu.yield
    }) : () -> ()
    %iota3A = tpu.iota {dimensions = array<i32: 0>} : vector<16xi32>
    %eq3A_35 = arith.constant 0 : i32
    %eq3A_36 = vector.broadcast %eq3A_35 : i32 to vector<16xi32>
    %eq3A_37 = arith.cmpi eq, %iota3A, %eq3A_36 : vector<16xi32>
    %broadcast_in_dim3A = arith.constant 0 : i32
    %broadcast_in_dim3A_38 = vector.broadcast %broadcast_in_dim3A : i32 to vector<16xi32>
    %broadcast_in_dim3A_39 = arith.constant 0.000000e+00 : f32
    %broadcast_in_dim3A_40 = vector.broadcast %broadcast_in_dim3A_39 : f32 to vector<16xf32>
    %dma_start3A = arith.constant 0 : i32
    %dma_start3A_41 = tpu.memref_slice %arg2[%select_n3A, %mul3A_32, %dma_start3A] : memref<16x20000x80xf32, #tpu.memory_space<hbm>> -> memref<1x400x80xf32, #tpu.memory_space<hbm>>
    %dma_start3A_42 = tpu.memref_squeeze %dma_start3A_41 : memref<1x400x80xf32, #tpu.memory_space<hbm>> -> memref<400x80xf32, #tpu.memory_space<hbm>>
    %dma_start3A_43 = arith.constant 0 : i32
    %dma_start3A_44 = tpu.memref_slice %arg2[%select_n3A, %mul3A_32, %dma_start3A_43] : memref<16x20000x80xf32, #tpu.memory_space<hbm>> -> memref<1x400x80xf32, #tpu.memory_space<hbm>>
    %dma_start3A_45 = tpu.memref_squeeze %dma_start3A_44 : memref<1x400x80xf32, #tpu.memory_space<hbm>> -> memref<400x80xf32, #tpu.memory_space<hbm>>
    tpu.enqueue_dma source(%dma_start3A_45 : memref<400x80xf32, #tpu.memory_space<hbm>>) target(%arg5 : memref<400x80xf32, #tpu.memory_space<vmem>>) target_semaphore(%arg9 : memref<!tpu.dma_semaphore, #tpu.memory_space<semaphore_mem>>)
    %scan3A = arith.constant 0 : i32
    %scan3A_46 = arith.constant 0 : i32
    %scan3A_47 = arith.constant 12 : i32
    %scan3A_48 = arith.addi %scan3A_46, %scan3A_47 : i32
    %scan3A_49 = arith.constant 1 : i32
    %scan3A_50 = scf.for %scan3A_73 = %scan3A_46 to %scan3A_48 step %scan3A_49 iter_args(%scan3A_74 = %scan3A) -> (i32)  : i32 {
      %mul3A_75 = arith.constant 2 : i32
      %mul3A_76 = arith.muli %scan3A_73, %mul3A_75 : i32
      %add3A_77 = arith.constant 0 : i32
      %add3A_78 = arith.addi %mul3A_76, %add3A_77 : i32
      %dma_wait3A_79 = arith.constant 0 : i32
      %dma_wait3A_80 = tpu.memref_slice %arg2[%select_n3A, %mul3A_32, %dma_wait3A_79] : memref<16x20000x80xf32, #tpu.memory_space<hbm>> -> memref<1x400x80xf32, #tpu.memory_space<hbm>>
      %dma_wait3A_81 = tpu.memref_squeeze %dma_wait3A_80 : memref<1x400x80xf32, #tpu.memory_space<hbm>> -> memref<400x80xf32, #tpu.memory_space<hbm>>
      %dma_wait3A_82 = arith.constant 0 : i32
      %dma_wait3A_83 = tpu.memref_slice %arg2[%select_n3A, %mul3A_32, %dma_wait3A_82] : memref<16x20000x80xf32, #tpu.memory_space<hbm>> -> memref<1x400x80xf32, #tpu.memory_space<hbm>>
      %dma_wait3A_84 = tpu.memref_squeeze %dma_wait3A_83 : memref<1x400x80xf32, #tpu.memory_space<hbm>> -> memref<400x80xf32, #tpu.memory_space<hbm>>
      tpu.wait_dma2 semaphore(%arg9 : memref<!tpu.dma_semaphore, #tpu.memory_space<semaphore_mem>>) src(%dma_wait3A_84 : memref<400x80xf32, #tpu.memory_space<hbm>>) dst(%arg5 : memref<400x80xf32, #tpu.memory_space<vmem>>)
      %add3A_85 = arith.constant 1 : i32
      %add3A_86 = arith.addi %add3A_78, %add3A_85 : i32
      %mul3A_87 = arith.constant 400 : i32
      %mul3A_88 = arith.muli %add3A_86, %mul3A_87 : i32
      %add3A_89 = arith.addi %mul3A_32, %mul3A_88 : i32
      %dma_start3A_90 = arith.constant 0 : i32
      %dma_start3A_91 = tpu.memref_slice %arg2[%select_n3A, %add3A_89, %dma_start3A_90] : memref<16x20000x80xf32, #tpu.memory_space<hbm>> -> memref<1x400x80xf32, #tpu.memory_space<hbm>>
      %dma_start3A_92 = tpu.memref_squeeze %dma_start3A_91 : memref<1x400x80xf32, #tpu.memory_space<hbm>> -> memref<400x80xf32, #tpu.memory_space<hbm>>
      %dma_start3A_93 = arith.constant 0 : i32
      %dma_start3A_94 = tpu.memref_slice %arg2[%select_n3A, %add3A_89, %dma_start3A_93] : memref<16x20000x80xf32, #tpu.memory_space<hbm>> -> memref<1x400x80xf32, #tpu.memory_space<hbm>>
      %dma_start3A_95 = tpu.memref_squeeze %dma_start3A_94 : memref<1x400x80xf32, #tpu.memory_space<hbm>> -> memref<400x80xf32, #tpu.memory_space<hbm>>
      tpu.enqueue_dma source(%dma_start3A_95 : memref<400x80xf32, #tpu.memory_space<hbm>>) target(%arg6 : memref<400x80xf32, #tpu.memory_space<vmem>>) target_semaphore(%arg10 : memref<!tpu.dma_semaphore, #tpu.memory_space<semaphore_mem>>)
      %scan3A_96 = arith.constant 0 : i32
      %scan3A_97 = arith.constant 0 : i32
      %scan3A_98 = arith.constant 400 : i32
      %scan3A_99 = arith.addi %scan3A_97, %scan3A_98 : i32
      %scan3A_100 = arith.constant 1 : i32
      %scan3A_101 = scf.for %scan3A_132 = %scan3A_97 to %scan3A_99 step %scan3A_100 iter_args(%scan3A_133 = %scan3A_96) -> (i32)  : i32 {
        %get3A = arith.index_cast %scan3A_132 : i32 to index
        %get3A_134 = arith.constant 0 : index
        %get3A_135 = tpu.vector_load %arg5[%get3A, %get3A_134] {strides = array<i32>} : memref<400x80xf32, #tpu.memory_space<vmem>>, vector<16xf32>,
        %get3A_136 = arith.index_cast %scan3A_132 : i32 to index
        %get3A_137 = arith.constant 16 : index
        %get3A_138 = tpu.vector_load %arg5[%get3A_136, %get3A_137] {strides = array<i32>} : memref<400x80xf32, #tpu.memory_space<vmem>>, vector<16xf32>,
        %get3A_139 = arith.index_cast %scan3A_132 : i32 to index
        %get3A_140 = arith.constant 32 : index
        %get3A_141 = tpu.vector_load %arg5[%get3A_139, %get3A_140] {strides = array<i32>} : memref<400x80xf32, #tpu.memory_space<vmem>>, vector<16xf32>,
        %get3A_142 = arith.index_cast %scan3A_132 : i32 to index
        %get3A_143 = arith.constant 48 : index
        %get3A_144 = tpu.vector_load %arg5[%get3A_142, %get3A_143] {strides = array<i32>} : memref<400x80xf32, #tpu.memory_space<vmem>>, vector<16xf32>,
        %get3A_145 = arith.index_cast %scan3A_132 : i32 to index
        %get3A_146 = arith.constant 64 : index
        %get3A_147 = tpu.vector_load %arg5[%get3A_145, %get3A_146] {strides = array<i32>} : memref<400x80xf32, #tpu.memory_space<vmem>>, vector<16xf32>,
        %max3A = arith.maximumf %get3A_135, %get3A_138 : vector<16xf32>
        %max3A_148 = arith.maximumf %get3A_141, %get3A_144 : vector<16xf32>
        %max3A_149 = arith.maximumf %max3A, %max3A_148 : vector<16xf32>
        %max3A_150 = arith.maximumf %max3A_149, %get3A_147 : vector<16xf32>
        %reduce_max3A = arith.constant true
        %reduce_max3A_151 = vector.broadcast %reduce_max3A : i1 to vector<16xi1>
        %reduce_max3A_152 = tpu.scan <max>, %max3A_150 masked %reduce_max3A_151 : vector<16xf32>, vector<16xi1> -> vector<16xf32>
        %reduce_max3A_153 = vector.extract %reduce_max3A_152[15] : f32 from vector<16xf32>
        %mul3A_154 = arith.constant 400 : i32
        %mul3A_155 = arith.muli %add3A_78, %mul3A_154 : i32
        %add3A_156 = arith.addi %mul3A_155, %scan3A_132 : i32
        %add3A_157 = vector.broadcast %add3A_156 : i32 to vector<16xi32>
        %add3A_158 = arith.addi %broadcast_in_dim3A_38, %add3A_157 : vector<16xi32>
        %add3A_159 = vector.broadcast %reduce_max3A_153 : f32 to vector<16xf32>
        %add3A_160 = arith.addf %broadcast_in_dim3A_40, %add3A_159 : vector<16xf32>
        tpu.vector_store_idx %arg8[%add3A_158], %add3A_160 masked %eq3A_37 : memref<10000xf32, #tpu.memory_space<vmem>>[vector<16xi32>], vector<16xf32>, vector<16xi1>
        %scan3A_161 = arith.constant 0 : i32
        scf.yield %scan3A_161 : i32
      }
      %scan3A_102 = arith.constant 400 : i32
      %mul3A_103 = arith.constant 2 : i32
      %mul3A_104 = arith.muli %scan3A_73, %mul3A_103 : i32
      %add3A_105 = arith.constant 1 : i32
      %add3A_106 = arith.addi %mul3A_104, %add3A_105 : i32
      %dma_wait3A_107 = arith.constant 0 : i32
      %dma_wait3A_108 = tpu.memref_slice %arg2[%select_n3A, %mul3A_32, %dma_wait3A_107] : memref<16x20000x80xf32, #tpu.memory_space<hbm>> -> memref<1x400x80xf32, #tpu.memory_space<hbm>>
      %dma_wait3A_109 = tpu.memref_squeeze %dma_wait3A_108 : memref<1x400x80xf32, #tpu.memory_space<hbm>> -> memref<400x80xf32, #tpu.memory_space<hbm>>
      %dma_wait3A_110 = arith.constant 0 : i32
      %dma_wait3A_111 = tpu.memref_slice %arg2[%select_n3A, %mul3A_32, %dma_wait3A_110] : memref<16x20000x80xf32, #tpu.memory_space<hbm>> -> memref<1x400x80xf32, #tpu.memory_space<hbm>>
      %dma_wait3A_112 = tpu.memref_squeeze %dma_wait3A_111 : memref<1x400x80xf32, #tpu.memory_space<hbm>> -> memref<400x80xf32, #tpu.memory_space<hbm>>
      tpu.wait_dma2 semaphore(%arg10 : memref<!tpu.dma_semaphore, #tpu.memory_space<semaphore_mem>>) src(%dma_wait3A_112 : memref<400x80xf32, #tpu.memory_space<hbm>>) dst(%arg6 : memref<400x80xf32, #tpu.memory_space<vmem>>)
      %add3A_113 = arith.constant 1 : i32
      %add3A_114 = arith.addi %add3A_106, %add3A_113 : i32
      %mul3A_115 = arith.constant 400 : i32
      %mul3A_116 = arith.muli %add3A_114, %mul3A_115 : i32
      %add3A_117 = arith.addi %mul3A_32, %mul3A_116 : i32
      %dma_start3A_118 = arith.constant 0 : i32
      %dma_start3A_119 = tpu.memref_slice %arg2[%select_n3A, %add3A_117, %dma_start3A_118] : memref<16x20000x80xf32, #tpu.memory_space<hbm>> -> memref<1x400x80xf32, #tpu.memory_space<hbm>>
      %dma_start3A_120 = tpu.memref_squeeze %dma_start3A_119 : memref<1x400x80xf32, #tpu.memory_space<hbm>> -> memref<400x80xf32, #tpu.memory_space<hbm>>
      %dma_start3A_121 = arith.constant 0 : i32
      %dma_start3A_122 = tpu.memref_slice %arg2[%select_n3A, %add3A_117, %dma_start3A_121] : memref<16x20000x80xf32, #tpu.memory_space<hbm>> -> memref<1x400x80xf32, #tpu.memory_space<hbm>>
      %dma_start3A_123 = tpu.memref_squeeze %dma_start3A_122 : memref<1x400x80xf32, #tpu.memory_space<hbm>> -> memref<400x80xf32, #tpu.memory_space<hbm>>
      tpu.enqueue_dma source(%dma_start3A_123 : memref<400x80xf32, #tpu.memory_space<hbm>>) target(%arg5 : memref<400x80xf32, #tpu.memory_space<vmem>>) target_semaphore(%arg9 : memref<!tpu.dma_semaphore, #tpu.memory_space<semaphore_mem>>)
      %scan3A_124 = arith.constant 0 : i32
      %scan3A_125 = arith.constant 0 : i32
      %scan3A_126 = arith.constant 400 : i32
      %scan3A_127 = arith.addi %scan3A_125, %scan3A_126 : i32
      %scan3A_128 = arith.constant 1 : i32
      %scan3A_129 = scf.for %scan3A_132 = %scan3A_125 to %scan3A_127 step %scan3A_128 iter_args(%scan3A_133 = %scan3A_124) -> (i32)  : i32 {
        %get3A = arith.index_cast %scan3A_132 : i32 to index
        %get3A_134 = arith.constant 0 : index
        %get3A_135 = tpu.vector_load %arg6[%get3A, %get3A_134] {strides = array<i32>} : memref<400x80xf32, #tpu.memory_space<vmem>>, vector<16xf32>,
        %get3A_136 = arith.index_cast %scan3A_132 : i32 to index
        %get3A_137 = arith.constant 16 : index
        %get3A_138 = tpu.vector_load %arg6[%get3A_136, %get3A_137] {strides = array<i32>} : memref<400x80xf32, #tpu.memory_space<vmem>>, vector<16xf32>,
        %get3A_139 = arith.index_cast %scan3A_132 : i32 to index
        %get3A_140 = arith.constant 32 : index
        %get3A_141 = tpu.vector_load %arg6[%get3A_139, %get3A_140] {strides = array<i32>} : memref<400x80xf32, #tpu.memory_space<vmem>>, vector<16xf32>,
        %get3A_142 = arith.index_cast %scan3A_132 : i32 to index
        %get3A_143 = arith.constant 48 : index
        %get3A_144 = tpu.vector_load %arg6[%get3A_142, %get3A_143] {strides = array<i32>} : memref<400x80xf32, #tpu.memory_space<vmem>>, vector<16xf32>,
        %get3A_145 = arith.index_cast %scan3A_132 : i32 to index
        %get3A_146 = arith.constant 64 : index
        %get3A_147 = tpu.vector_load %arg6[%get3A_145, %get3A_146] {strides = array<i32>} : memref<400x80xf32, #tpu.memory_space<vmem>>, vector<16xf32>,
        %max3A = arith.maximumf %get3A_135, %get3A_138 : vector<16xf32>
        %max3A_148 = arith.maximumf %get3A_141, %get3A_144 : vector<16xf32>
        %max3A_149 = arith.maximumf %max3A, %max3A_148 : vector<16xf32>
        %max3A_150 = arith.maximumf %max3A_149, %get3A_147 : vector<16xf32>
        %reduce_max3A = arith.constant true
        %reduce_max3A_151 = vector.broadcast %reduce_max3A : i1 to vector<16xi1>
        %reduce_max3A_152 = tpu.scan <max>, %max3A_150 masked %reduce_max3A_151 : vector<16xf32>, vector<16xi1> -> vector<16xf32>
        %reduce_max3A_153 = vector.extract %reduce_max3A_152[15] : f32 from vector<16xf32>
        %mul3A_154 = arith.constant 400 : i32
        %mul3A_155 = arith.muli %add3A_106, %mul3A_154 : i32
        %add3A_156 = arith.addi %mul3A_155, %scan3A_132 : i32
        %add3A_157 = vector.broadcast %add3A_156 : i32 to vector<16xi32>
        %add3A_158 = arith.addi %broadcast_in_dim3A_38, %add3A_157 : vector<16xi32>
        %add3A_159 = vector.broadcast %reduce_max3A_153 : f32 to vector<16xf32>
        %add3A_160 = arith.addf %broadcast_in_dim3A_40, %add3A_159 : vector<16xf32>
        tpu.vector_store_idx %arg8[%add3A_158], %add3A_160 masked %eq3A_37 : memref<10000xf32, #tpu.memory_space<vmem>>[vector<16xi32>], vector<16xf32>, vector<16xi1>
        %scan3A_161 = arith.constant 0 : i32
        scf.yield %scan3A_161 : i32
      }
      %scan3A_130 = arith.constant 400 : i32
      %scan3A_131 = arith.constant 0 : i32
      scf.yield %scan3A_131 : i32
    }
    %scan3A_51 = arith.constant 12 : i32
    %dma_wait3A = arith.constant 0 : i32
    %dma_wait3A_52 = tpu.memref_slice %arg2[%select_n3A, %mul3A_32, %dma_wait3A] : memref<16x20000x80xf32, #tpu.memory_space<hbm>> -> memref<1x400x80xf32, #tpu.memory_space<hbm>>
    %dma_wait3A_53 = tpu.memref_squeeze %dma_wait3A_52 : memref<1x400x80xf32, #tpu.memory_space<hbm>> -> memref<400x80xf32, #tpu.memory_space<hbm>>
    %dma_wait3A_54 = arith.constant 0 : i32
    %dma_wait3A_55 = tpu.memref_slice %arg2[%select_n3A, %mul3A_32, %dma_wait3A_54] : memref<16x20000x80xf32, #tpu.memory_space<hbm>> -> memref<1x400x80xf32, #tpu.memory_space<hbm>>
    %dma_wait3A_56 = tpu.memref_squeeze %dma_wait3A_55 : memref<1x400x80xf32, #tpu.memory_space<hbm>> -> memref<400x80xf32, #tpu.memory_space<hbm>>
    tpu.wait_dma2 semaphore(%arg9 : memref<!tpu.dma_semaphore, #tpu.memory_space<semaphore_mem>>) src(%dma_wait3A_56 : memref<400x80xf32, #tpu.memory_space<hbm>>) dst(%arg5 : memref<400x80xf32, #tpu.memory_space<vmem>>)
    %scan3A_57 = arith.constant 0 : i32
    %scan3A_58 = arith.constant 0 : i32
    %scan3A_59 = arith.constant 400 : i32
    %scan3A_60 = arith.addi %scan3A_58, %scan3A_59 : i32
    %scan3A_61 = arith.constant 1 : i32
    %scan3A_62 = scf.for %scan3A_73 = %scan3A_58 to %scan3A_60 step %scan3A_61 iter_args(%scan3A_74 = %scan3A_57) -> (i32)  : i32 {
      %get3A = arith.index_cast %scan3A_73 : i32 to index
      %get3A_75 = arith.constant 0 : index
      %get3A_76 = tpu.vector_load %arg5[%get3A, %get3A_75] {strides = array<i32>} : memref<400x80xf32, #tpu.memory_space<vmem>>, vector<16xf32>,
      %get3A_77 = arith.index_cast %scan3A_73 : i32 to index
      %get3A_78 = arith.constant 16 : index
      %get3A_79 = tpu.vector_load %arg5[%get3A_77, %get3A_78] {strides = array<i32>} : memref<400x80xf32, #tpu.memory_space<vmem>>, vector<16xf32>,
      %get3A_80 = arith.index_cast %scan3A_73 : i32 to index
      %get3A_81 = arith.constant 32 : index
      %get3A_82 = tpu.vector_load %arg5[%get3A_80, %get3A_81] {strides = array<i32>} : memref<400x80xf32, #tpu.memory_space<vmem>>, vector<16xf32>,
      %get3A_83 = arith.index_cast %scan3A_73 : i32 to index
      %get3A_84 = arith.constant 48 : index
      %get3A_85 = tpu.vector_load %arg5[%get3A_83, %get3A_84] {strides = array<i32>} : memref<400x80xf32, #tpu.memory_space<vmem>>, vector<16xf32>,
      %get3A_86 = arith.index_cast %scan3A_73 : i32 to index
      %get3A_87 = arith.constant 64 : index
      %get3A_88 = tpu.vector_load %arg5[%get3A_86, %get3A_87] {strides = array<i32>} : memref<400x80xf32, #tpu.memory_space<vmem>>, vector<16xf32>,
      %max3A = arith.maximumf %get3A_76, %get3A_79 : vector<16xf32>
      %max3A_89 = arith.maximumf %get3A_82, %get3A_85 : vector<16xf32>
      %max3A_90 = arith.maximumf %max3A, %max3A_89 : vector<16xf32>
      %max3A_91 = arith.maximumf %max3A_90, %get3A_88 : vector<16xf32>
      %reduce_max3A = arith.constant true
      %reduce_max3A_92 = vector.broadcast %reduce_max3A : i1 to vector<16xi1>
      %reduce_max3A_93 = tpu.scan <max>, %max3A_91 masked %reduce_max3A_92 : vector<16xf32>, vector<16xi1> -> vector<16xf32>
      %reduce_max3A_94 = vector.extract %reduce_max3A_93[15] : f32 from vector<16xf32>
      %add3A_95 = arith.constant 9600 : i32
      %add3A_96 = arith.addi %add3A_95, %scan3A_73 : i32
      %add3A_97 = vector.broadcast %add3A_96 : i32 to vector<16xi32>
      %add3A_98 = arith.addi %broadcast_in_dim3A_38, %add3A_97 : vector<16xi32>
      %add3A_99 = vector.broadcast %reduce_max3A_94 : f32 to vector<16xf32>
      %add3A_100 = arith.addf %broadcast_in_dim3A_40, %add3A_99 : vector<16xf32>
      tpu.vector_store_idx %arg8[%add3A_98], %add3A_100 masked %eq3A_37 : memref<10000xf32, #tpu.memory_space<vmem>>[vector<16xi32>], vector<16xf32>, vector<16xi1>
      %scan3A_101 = arith.constant 0 : i32
      scf.yield %scan3A_101 : i32
    }
    %scan3A_63 = arith.constant 400 : i32
    %broadcast_in_dim3A_64 = arith.constant -3.000000e+38 : f32
    %broadcast_in_dim3A_65 = vector.broadcast %broadcast_in_dim3A_64 : f32 to vector<16xf32>
    %scan3A_66 = arith.constant 0 : i32
    %scan3A_67 = arith.constant 0 : i32
    %scan3A_68 = arith.constant 625 : i32
    %scan3A_69 = arith.addi %scan3A_67, %scan3A_68 : i32
    %scan3A_70 = arith.constant 1 : i32
    %scan3A_71 = scf.for %scan3A_73 = %scan3A_67 to %scan3A_69 step %scan3A_70 iter_args(%scan3A_74 = %scan3A_66) -> (i32)  : i32 {
      %mul3A_75 = arith.constant 16 : i32
      %mul3A_76 = arith.muli %scan3A_73, %mul3A_75 : i32
      %get3A = arith.index_cast %mul3A_76 : i32 to index
      %get3A_77 = tpu.vector_load %arg7[%get3A] {strides = array<i32>} : memref<10000xi32, #tpu.memory_space<vmem>>, vector<16xi32>,
      %mul3A_78 = arith.constant 16 : i32
      %mul3A_79 = arith.muli %scan3A_73, %mul3A_78 : i32
      %get3A_80 = arith.index_cast %mul3A_79 : i32 to index
      %get3A_81 = tpu.vector_load %arg8[%get3A_80] {strides = array<i32>} : memref<10000xf32, #tpu.memory_space<vmem>>, vector<16xf32>,
      %ne3A_82 = arith.constant 0 : i32
      %ne3A_83 = vector.broadcast %ne3A_82 : i32 to vector<16xi32>
      %ne3A_84 = arith.cmpi ne, %get3A_77, %ne3A_83 : vector<16xi32>
      %select_n3A_85 = arith.select %ne3A_84, %broadcast_in_dim3A_65, %get3A_81 : vector<16xi1>, vector<16xf32>
      %mul3A_86 = arith.constant 16 : i32
      %mul3A_87 = arith.muli %scan3A_73, %mul3A_86 : i32
      %swap3A = arith.index_cast %mul3A_87 : i32 to index
      %swap3A_88 = tpu.vector_load %arg8[%swap3A] {strides = array<i32>} : memref<10000xf32, #tpu.memory_space<vmem>>, vector<16xf32>,
      tpu.vector_store %arg8[%swap3A], %select_n3A_85 {strides = array<i32>} : memref<10000xf32, #tpu.memory_space<vmem>>, vector<16xf32>,
      %scan3A_89 = arith.constant 0 : i32
      scf.yield %scan3A_89 : i32
    }
    %scan3A_72 = arith.constant 625 : i32
    "tpu.region"() ({
      %run_scoped3A = tpu.sem_alloc : memref<!tpu.dma_semaphore, #tpu.memory_space<semaphore_mem>>
      %dma_start3A_73 = tpu.memref_slice %arg4[%mul3A_34] : memref<320000xf32, #tpu.memory_space<hbm>> -> memref<10000xf32, #tpu.memory_space<hbm>>
      %dma_start3A_74 = tpu.memref_slice %arg4[%mul3A_34] : memref<320000xf32, #tpu.memory_space<hbm>> -> memref<10000xf32, #tpu.memory_space<hbm>>
      tpu.enqueue_dma source(%arg8 : memref<10000xf32, #tpu.memory_space<vmem>>) target(%dma_start3A_74 : memref<10000xf32, #tpu.memory_space<hbm>>) target_semaphore(%run_scoped3A : memref<!tpu.dma_semaphore, #tpu.memory_space<semaphore_mem>>)
      %dma_wait3A_75 = tpu.memref_slice %arg4[%mul3A_34] : memref<320000xf32, #tpu.memory_space<hbm>> -> memref<10000xf32, #tpu.memory_space<hbm>>
      %dma_wait3A_76 = tpu.memref_slice %arg4[%mul3A_34] : memref<320000xf32, #tpu.memory_space<hbm>> -> memref<10000xf32, #tpu.memory_space<hbm>>
      tpu.wait_dma2 semaphore(%run_scoped3A : memref<!tpu.dma_semaphore, #tpu.memory_space<semaphore_mem>>) src(%arg8 : memref<10000xf32, #tpu.memory_space<vmem>>) dst(%dma_wait3A_76 : memref<10000xf32, #tpu.memory_space<hbm>>)
      tpu.yield
    }) : () -> ()
    return
  }
}

#map = affine_map<(d0, d1) -> (0, 0, 0)>
#map1 = affine_map<(d0, d1) -> (0)>
#map2 = affine_map<(d0, d1) -> (0, 0)>
module attributes {stable_mosaic.version = 14 : i64} {
  func.func @_select_k(%arg0: i32, %arg1: i32, %arg2: memref<16x20000x80xf32, #tpu.memory_space<hbm>>, %arg3: memref<320000xf32, #tpu.memory_space<hbm>>, %arg4: memref<16x20000x4xf32, #tpu.memory_space<hbm>>, %arg5: memref<16x128xf32, #tpu.memory_space<hbm>>, %arg6: memref<16x128xi32, #tpu.memory_space<hbm>>, %arg7: memref<16x128x4xf32, #tpu.memory_space<hbm>>, %arg8: memref<20000xf32, #tpu.memory_space<vmem>>, %arg9: memref<4096xi32, #tpu.memory_space<vmem>>, %arg10: memref<4096xi32, #tpu.memory_space<vmem>>, %arg11: memref<144xi32, #tpu.memory_space<vmem>>, %arg12: memref<128x80xf32, #tpu.memory_space<vmem>>, %arg13: memref<10240xf32, #tpu.memory_space<vmem>>, %arg14: memref<128xf32, #tpu.memory_space<vmem>>, %arg15: memref<128xi32, #tpu.memory_space<vmem>>, %arg16: memref<128xf32, #tpu.memory_space<vmem>>, %arg17: memref<128xi32, #tpu.memory_space<vmem>>, %arg18: memref<144xi32, #tpu.memory_space<vmem>>, %arg19: memref<128x4xf32, #tpu.memory_space<vmem>>, %arg20: memref<128xf32, #tpu.memory_space<vmem>>, %arg21: memref<128xi32, #tpu.memory_space<vmem>>, %arg22: memref<!tpu.dma_semaphore, #tpu.memory_space<semaphore_mem>>, %arg23: memref<!tpu.dma_semaphore, #tpu.memory_space<semaphore_mem>>) attributes {dimension_semantics = [#tpu.dimension_semantics<core_parallel>, #tpu.dimension_semantics<subcore_parallel>], iteration_bounds = array<i64: 2, 16>, scalar_prefetch = 0 : i64, scratch_operands = 16 : i64, tpu.core_type = #tpu.core_type<sc_vector_subcore>, window_params = [{transform_indices = #map}, {transform_indices = #map1}, {transform_indices = #map}, {transform_indices = #map2}, {transform_indices = #map2}, {transform_indices = #map}]} {
    %mul3A = arith.constant 2 : i32
    %mul3A_0 = arith.muli %arg1, %mul3A : i32
    %add3A = arith.addi %mul3A_0, %arg0 : i32
    %lt3A = arith.constant 16 : i32
    %lt3A_1 = arith.cmpi slt, %add3A, %lt3A : i32
    %convert_element_type3A = arith.extui %lt3A_1 : i1 to i32
    %cond3A = arith.constant 0 : i32
    %cond3A_2 = arith.cmpi ne, %convert_element_type3A, %cond3A : i32
    scf.if %cond3A_2 {
      %mul3A_3 = arith.constant 20000 : i32
      %mul3A_4 = arith.muli %add3A, %mul3A_3 : i32
      %iota3A = tpu.iota {dimensions = array<i32: 0>} : vector<16xi32>
      %broadcast_in_dim3A = arith.constant 0 : i32
      %broadcast_in_dim3A_5 = vector.broadcast %broadcast_in_dim3A : i32 to vector<16xi32>
      %broadcast_in_dim3A_6 = arith.constant -3.000000e+38 : f32
      %broadcast_in_dim3A_7 = vector.broadcast %broadcast_in_dim3A_6 : f32 to vector<16xf32>
      "tpu.region"() ({
        %run_scoped3A = tpu.sem_alloc : memref<!tpu.dma_semaphore, #tpu.memory_space<semaphore_mem>>
        %dma_start3A = tpu.memref_slice %arg3[%mul3A_4] : memref<320000xf32, #tpu.memory_space<hbm>> -> memref<20000xf32, #tpu.memory_space<hbm>>
        %dma_start3A_823 = tpu.memref_slice %arg3[%mul3A_4] : memref<320000xf32, #tpu.memory_space<hbm>> -> memref<20000xf32, #tpu.memory_space<hbm>>
        tpu.enqueue_dma source(%dma_start3A_823 : memref<20000xf32, #tpu.memory_space<hbm>>) target(%arg8 : memref<20000xf32, #tpu.memory_space<vmem>>) target_semaphore(%run_scoped3A : memref<!tpu.dma_semaphore, #tpu.memory_space<semaphore_mem>>)
        %dma_wait3A = tpu.memref_slice %arg3[%mul3A_4] : memref<320000xf32, #tpu.memory_space<hbm>> -> memref<20000xf32, #tpu.memory_space<hbm>>
        %dma_wait3A_824 = tpu.memref_slice %arg3[%mul3A_4] : memref<320000xf32, #tpu.memory_space<hbm>> -> memref<20000xf32, #tpu.memory_space<hbm>>
        tpu.wait_dma2 semaphore(%run_scoped3A : memref<!tpu.dma_semaphore, #tpu.memory_space<semaphore_mem>>) src(%dma_wait3A_824 : memref<20000xf32, #tpu.memory_space<hbm>>) dst(%arg8 : memref<20000xf32, #tpu.memory_space<vmem>>)
        tpu.yield
      }) : () -> ()
      %iota3A_8 = tpu.iota {dimensions = array<i32: 0>} : vector<16xi32>
      %broadcast_in_dim3A_9 = arith.constant 1 : i32
      %broadcast_in_dim3A_10 = vector.broadcast %broadcast_in_dim3A_9 : i32 to vector<16xi32>
      %broadcast_in_dim3A_11 = arith.constant 0 : i32
      %broadcast_in_dim3A_12 = vector.broadcast %broadcast_in_dim3A_11 : i32 to vector<16xi32>
      %scan3A = arith.constant 0 : i32
      %scan3A_13 = arith.constant 0 : i32
      %scan3A_14 = arith.constant 256 : i32
      %scan3A_15 = arith.addi %scan3A_13, %scan3A_14 : i32
      %scan3A_16 = arith.constant 1 : i32
      %scan3A_17 = scf.for %scan3A_823 = %scan3A_13 to %scan3A_15 step %scan3A_16 iter_args(%scan3A_824 = %scan3A) -> (i32)  : i32 {
        %mul3A_825 = arith.constant 16 : i32
        %mul3A_826 = arith.muli %scan3A_823, %mul3A_825 : i32
        %swap3A_827 = arith.index_cast %mul3A_826 : i32 to index
        %swap3A_828 = tpu.vector_load %arg9[%swap3A_827] {strides = array<i32>} : memref<4096xi32, #tpu.memory_space<vmem>>, vector<16xi32>,
        tpu.vector_store %arg9[%swap3A_827], %broadcast_in_dim3A_12 {strides = array<i32>} : memref<4096xi32, #tpu.memory_space<vmem>>, vector<16xi32>,
        %scan3A_829 = arith.constant 0 : i32
        scf.yield %scan3A_829 : i32
      }
      %scan3A_18 = arith.constant 256 : i32
      %scan3A_19 = arith.constant 0 : i32
      %scan3A_20 = arith.constant 0 : i32
      %scan3A_21 = arith.constant 1250 : i32
      %scan3A_22 = arith.addi %scan3A_20, %scan3A_21 : i32
      %scan3A_23 = arith.constant 1 : i32
      %scan3A_24 = scf.for %scan3A_823 = %scan3A_20 to %scan3A_22 step %scan3A_23 iter_args(%scan3A_824 = %scan3A_19) -> (i32)  : i32 {
        %mul3A_825 = arith.constant 16 : i32
        %mul3A_826 = arith.muli %scan3A_823, %mul3A_825 : i32
        %get3A_827 = arith.index_cast %mul3A_826 : i32 to index
        %get3A_828 = tpu.vector_load %arg8[%get3A_827] {strides = array<i32>} : memref<20000xf32, #tpu.memory_space<vmem>>, vector<16xf32>,
        %bitcast_convert_type3A = tpu.bitcast %get3A_828 : vector<16xf32> -> vector<16xi32>
        %lt3A_829 = arith.constant 0.000000e+00 : f32
        %lt3A_830 = vector.broadcast %lt3A_829 : f32 to vector<16xf32>
        %lt3A_831 = arith.cmpf olt, %get3A_828, %lt3A_830 : vector<16xf32>
        %jit3A_832 = arith.constant -1 : i32
        %jit3A_833 = arith.constant -2147483648 : i32
        %broadcast_in_dim3A_834 = vector.broadcast %jit3A_832 : i32 to vector<16xi32>
        %broadcast_in_dim3A_835 = vector.broadcast %jit3A_833 : i32 to vector<16xi32>
        %select_n3A_836 = arith.select %lt3A_831, %broadcast_in_dim3A_834, %broadcast_in_dim3A_835 : vector<16xi1>, vector<16xi32>
        %xor3A = arith.xori %bitcast_convert_type3A, %select_n3A_836 : vector<16xi32>
        %shift_right_logical3A = arith.constant 24 : i32
        %shift_right_logical3A_837 = vector.broadcast %shift_right_logical3A : i32 to vector<16xi32>
        %shift_right_logical3A_838 = arith.shrui %xor3A, %shift_right_logical3A_837 : vector<16xi32>
        %and3A = arith.constant 255 : i32
        %and3A_839 = vector.broadcast %and3A : i32 to vector<16xi32>
        %and3A_840 = arith.andi %shift_right_logical3A_838, %and3A_839 : vector<16xi32>
        %mul3A_841 = arith.constant 16 : i32
        %mul3A_842 = vector.broadcast %mul3A_841 : i32 to vector<16xi32>
        %mul3A_843 = arith.muli %and3A_840, %mul3A_842 : vector<16xi32>
        %add3A_844 = arith.addi %mul3A_843, %iota3A_8 : vector<16xi32>
        tpu.vector_store_idx %arg9[%add3A_844], %broadcast_in_dim3A_10 {add = true} : memref<4096xi32, #tpu.memory_space<vmem>>[vector<16xi32>], vector<16xi32>,
        %scan3A_845 = arith.constant 0 : i32
        scf.yield %scan3A_845 : i32
      }
      %scan3A_25 = arith.constant 1250 : i32
      %scan3A_26 = arith.constant 0 : i32
      %scan3A_27 = arith.constant 256 : i32
      %scan3A_28 = arith.addi %scan3A_26, %scan3A_27 : i32
      %scan3A_29 = arith.constant 1 : i32
      %scan3A_30 = scf.for %scan3A_823 = %scan3A_26 to %scan3A_28 step %scan3A_29 iter_args(%scan3A_824 = %broadcast_in_dim3A_12) -> (vector<16xi32>)  : i32 {
        %sub3A_825 = arith.constant 255 : i32
        %sub3A_826 = arith.subi %sub3A_825, %scan3A_823 : i32
        %mul3A_827 = arith.constant 16 : i32
        %mul3A_828 = arith.muli %sub3A_826, %mul3A_827 : i32
        %get3A_829 = arith.index_cast %mul3A_828 : i32 to index
        %get3A_830 = tpu.vector_load %arg9[%get3A_829] {strides = array<i32>} : memref<4096xi32, #tpu.memory_space<vmem>>, vector<16xi32>,
        %add3A_831 = arith.addi %scan3A_824, %get3A_830 : vector<16xi32>
        %mul3A_832 = arith.constant 16 : i32
        %mul3A_833 = arith.muli %sub3A_826, %mul3A_832 : i32
        %swap3A_834 = arith.index_cast %mul3A_833 : i32 to index
        %swap3A_835 = tpu.vector_load %arg10[%swap3A_834] {strides = array<i32>} : memref<4096xi32, #tpu.memory_space<vmem>>, vector<16xi32>,
        tpu.vector_store %arg10[%swap3A_834], %add3A_831 {strides = array<i32>} : memref<4096xi32, #tpu.memory_space<vmem>>, vector<16xi32>,
        scf.yield %add3A_831 : vector<16xi32>
      }
      %scan3A_31 = arith.constant 256 : i32
      %scan3A_32 = arith.constant 100 : i32
      %scan3A_33 = arith.constant 0 : i32
      %scan3A_34 = arith.constant 256 : i32
      %scan3A_35 = arith.constant 0 : i32
      %scan3A_36 = arith.constant 8 : i32
      %scan3A_37 = arith.addi %scan3A_35, %scan3A_36 : i32
      %scan3A_38 = arith.constant 1 : i32
      %scan3A_39:2 = scf.for %scan3A_823 = %scan3A_35 to %scan3A_37 step %scan3A_38 iter_args(%scan3A_824 = %scan3A_33, %scan3A_825 = %scan3A_34) -> (i32, i32)  : i32 {
        %add3A_826 = arith.addi %scan3A_824, %scan3A_825 : i32
        %jit3A_827 = arith.constant 2 : i32
        %div3A_828 = arith.divsi %add3A_826, %jit3A_827 : i32
        %sign3A = arith.constant 0 : i32
        %sign3A_829 = arith.cmpi sgt, %add3A_826, %sign3A : i32
        %sign3A_830 = arith.extui %sign3A_829 : i1 to i32
        %sign3A_831 = arith.constant 0 : i32
        %sign3A_832 = arith.cmpi slt, %add3A_826, %sign3A_831 : i32
        %sign3A_833 = arith.extui %sign3A_832 : i1 to i32
        %sign3A_834 = arith.subi %sign3A_830, %sign3A_833 : i32
        %sign3A_835 = arith.constant 0 : i32
        %sign3A_836 = arith.cmpi sgt, %jit3A_827, %sign3A_835 : i32
        %sign3A_837 = arith.extui %sign3A_836 : i1 to i32
        %sign3A_838 = arith.constant 0 : i32
        %sign3A_839 = arith.cmpi slt, %jit3A_827, %sign3A_838 : i32
        %sign3A_840 = arith.extui %sign3A_839 : i1 to i32
        %sign3A_841 = arith.subi %sign3A_837, %sign3A_840 : i32
        %ne3A = arith.cmpi ne, %sign3A_834, %sign3A_841 : i32
        %rem3A_842 = arith.remsi %add3A_826, %jit3A_827 : i32
        %ne3A_843 = arith.constant 0 : i32
        %ne3A_844 = arith.cmpi ne, %rem3A_842, %ne3A_843 : i32
        %and3A = arith.andi %ne3A, %ne3A_844 : i1
        %sub3A_845 = arith.constant 1 : i32
        %sub3A_846 = arith.subi %div3A_828, %sub3A_845 : i32
        %select_n3A_847 = arith.select %and3A, %sub3A_846, %div3A_828 : i32
        %mul3A_848 = arith.constant 16 : i32
        %mul3A_849 = arith.muli %select_n3A_847, %mul3A_848 : i32
        %get3A_850 = arith.index_cast %mul3A_849 : i32 to index
        %get3A_851 = tpu.vector_load %arg10[%get3A_850] {strides = array<i32>} : memref<4096xi32, #tpu.memory_space<vmem>>, vector<16xi32>,
        %reduce_sum3A_852 = arith.constant true
        %reduce_sum3A_853 = vector.broadcast %reduce_sum3A_852 : i1 to vector<16xi1>
        %reduce_sum3A_854 = tpu.scan <sum>, %get3A_851 masked %reduce_sum3A_853 : vector<16xi32>, vector<16xi1> -> vector<16xi32>
        %reduce_sum3A_855 = vector.extract %reduce_sum3A_854[15] : i32 from vector<16xi32>
        %ge3A_856 = arith.cmpi sge, %reduce_sum3A_855, %scan3A_32 : i32
        %select_n3A_857 = arith.select %ge3A_856, %select_n3A_847, %scan3A_824 : i32
        %select_n3A_858 = arith.select %ge3A_856, %scan3A_825, %select_n3A_847 : i32
        scf.yield %select_n3A_857, %select_n3A_858 : i32, i32
      }
      %scan3A_40 = arith.constant 8 : i32
      %add3A_41 = arith.constant 1 : i32
      %add3A_42 = arith.addi %scan3A_39#0, %add3A_41 : i32
      %min3A = arith.constant 255 : i32
      %min3A_43 = arith.minsi %add3A_42, %min3A : i32
      %ge3A = arith.constant 255 : i32
      %ge3A_44 = arith.cmpi sge, %scan3A_39#0, %ge3A : i32
      %mul3A_45 = arith.constant 16 : i32
      %mul3A_46 = arith.muli %min3A_43, %mul3A_45 : i32
      %get3A = arith.index_cast %mul3A_46 : i32 to index
      %get3A_47 = tpu.vector_load %arg10[%get3A] {strides = array<i32>} : memref<4096xi32, #tpu.memory_space<vmem>>, vector<16xi32>,
      %reduce_sum3A = arith.constant true
      %reduce_sum3A_48 = vector.broadcast %reduce_sum3A : i1 to vector<16xi1>
      %reduce_sum3A_49 = tpu.scan <sum>, %get3A_47 masked %reduce_sum3A_48 : vector<16xi32>, vector<16xi1> -> vector<16xi32>
      %reduce_sum3A_50 = vector.extract %reduce_sum3A_49[15] : i32 from vector<16xi32>
      %jit3A = arith.constant 0 : i32
      %select_n3A = arith.select %ge3A_44, %jit3A, %reduce_sum3A_50 : i32
      %sub3A = arith.constant 100 : i32
      %sub3A_51 = arith.subi %sub3A, %select_n3A : i32
      %shift_left3A = arith.constant 24 : i32
      %shift_left3A_52 = arith.shli %scan3A_39#0, %shift_left3A : i32
      %or3A = arith.constant 0 : i32
      %or3A_53 = arith.ori %or3A, %shift_left3A_52 : i32
      %scan3A_54 = arith.constant 0 : i32
      %scan3A_55 = arith.constant 0 : i32
      %scan3A_56 = arith.constant 256 : i32
      %scan3A_57 = arith.addi %scan3A_55, %scan3A_56 : i32
      %scan3A_58 = arith.constant 1 : i32
      %scan3A_59 = scf.for %scan3A_823 = %scan3A_55 to %scan3A_57 step %scan3A_58 iter_args(%scan3A_824 = %scan3A_54) -> (i32)  : i32 {
        %mul3A_825 = arith.constant 16 : i32
        %mul3A_826 = arith.muli %scan3A_823, %mul3A_825 : i32
        %swap3A_827 = arith.index_cast %mul3A_826 : i32 to index
        %swap3A_828 = tpu.vector_load %arg9[%swap3A_827] {strides = array<i32>} : memref<4096xi32, #tpu.memory_space<vmem>>, vector<16xi32>,
        tpu.vector_store %arg9[%swap3A_827], %broadcast_in_dim3A_12 {strides = array<i32>} : memref<4096xi32, #tpu.memory_space<vmem>>, vector<16xi32>,
        %scan3A_829 = arith.constant 0 : i32
        scf.yield %scan3A_829 : i32
      }
      %scan3A_60 = arith.constant 256 : i32
      %scan3A_61 = arith.constant 0 : i32
      %scan3A_62 = arith.constant 0 : i32
      %scan3A_63 = arith.constant 1250 : i32
      %scan3A_64 = arith.addi %scan3A_62, %scan3A_63 : i32
      %scan3A_65 = arith.constant 1 : i32
      %scan3A_66 = scf.for %scan3A_823 = %scan3A_62 to %scan3A_64 step %scan3A_65 iter_args(%scan3A_824 = %scan3A_61) -> (i32)  : i32 {
        %mul3A_825 = arith.constant 16 : i32
        %mul3A_826 = arith.muli %scan3A_823, %mul3A_825 : i32
        %get3A_827 = arith.index_cast %mul3A_826 : i32 to index
        %get3A_828 = tpu.vector_load %arg8[%get3A_827] {strides = array<i32>} : memref<20000xf32, #tpu.memory_space<vmem>>, vector<16xf32>,
        %bitcast_convert_type3A = tpu.bitcast %get3A_828 : vector<16xf32> -> vector<16xi32>
        %lt3A_829 = arith.constant 0.000000e+00 : f32
        %lt3A_830 = vector.broadcast %lt3A_829 : f32 to vector<16xf32>
        %lt3A_831 = arith.cmpf olt, %get3A_828, %lt3A_830 : vector<16xf32>
        %jit3A_832 = arith.constant -1 : i32
        %jit3A_833 = arith.constant -2147483648 : i32
        %broadcast_in_dim3A_834 = vector.broadcast %jit3A_832 : i32 to vector<16xi32>
        %broadcast_in_dim3A_835 = vector.broadcast %jit3A_833 : i32 to vector<16xi32>
        %select_n3A_836 = arith.select %lt3A_831, %broadcast_in_dim3A_834, %broadcast_in_dim3A_835 : vector<16xi1>, vector<16xi32>
        %xor3A = arith.xori %bitcast_convert_type3A, %select_n3A_836 : vector<16xi32>
        %shift_right_logical3A = arith.constant 16 : i32
        %shift_right_logical3A_837 = vector.broadcast %shift_right_logical3A : i32 to vector<16xi32>
        %shift_right_logical3A_838 = arith.shrui %xor3A, %shift_right_logical3A_837 : vector<16xi32>
        %and3A = arith.constant 255 : i32
        %and3A_839 = vector.broadcast %and3A : i32 to vector<16xi32>
        %and3A_840 = arith.andi %shift_right_logical3A_838, %and3A_839 : vector<16xi32>
        %mul3A_841 = arith.constant 16 : i32
        %mul3A_842 = vector.broadcast %mul3A_841 : i32 to vector<16xi32>
        %mul3A_843 = arith.muli %and3A_840, %mul3A_842 : vector<16xi32>
        %add3A_844 = arith.addi %mul3A_843, %iota3A_8 : vector<16xi32>
        %shift_right_logical3A_845 = arith.constant 24 : i32
        %shift_right_logical3A_846 = vector.broadcast %shift_right_logical3A_845 : i32 to vector<16xi32>
        %shift_right_logical3A_847 = arith.shrui %xor3A, %shift_right_logical3A_846 : vector<16xi32>
        %shift_right_logical3A_848 = arith.constant 24 : i32
        %shift_right_logical3A_849 = arith.shrui %or3A_53, %shift_right_logical3A_848 : i32
        %eq3A_850 = vector.broadcast %shift_right_logical3A_849 : i32 to vector<16xi32>
        %eq3A_851 = arith.cmpi eq, %shift_right_logical3A_847, %eq3A_850 : vector<16xi32>
        tpu.vector_store_idx %arg9[%add3A_844], %broadcast_in_dim3A_10 masked %eq3A_851 {add = true} : memref<4096xi32, #tpu.memory_space<vmem>>[vector<16xi32>], vector<16xi32>, vector<16xi1>
        %scan3A_852 = arith.constant 0 : i32
        scf.yield %scan3A_852 : i32
      }
      %scan3A_67 = arith.constant 1250 : i32
      %scan3A_68 = arith.constant 0 : i32
      %scan3A_69 = arith.constant 256 : i32
      %scan3A_70 = arith.addi %scan3A_68, %scan3A_69 : i32
      %scan3A_71 = arith.constant 1 : i32
      %scan3A_72 = scf.for %scan3A_823 = %scan3A_68 to %scan3A_70 step %scan3A_71 iter_args(%scan3A_824 = %broadcast_in_dim3A_12) -> (vector<16xi32>)  : i32 {
        %sub3A_825 = arith.constant 255 : i32
        %sub3A_826 = arith.subi %sub3A_825, %scan3A_823 : i32
        %mul3A_827 = arith.constant 16 : i32
        %mul3A_828 = arith.muli %sub3A_826, %mul3A_827 : i32
        %get3A_829 = arith.index_cast %mul3A_828 : i32 to index
        %get3A_830 = tpu.vector_load %arg9[%get3A_829] {strides = array<i32>} : memref<4096xi32, #tpu.memory_space<vmem>>, vector<16xi32>,
        %add3A_831 = arith.addi %scan3A_824, %get3A_830 : vector<16xi32>
        %mul3A_832 = arith.constant 16 : i32
        %mul3A_833 = arith.muli %sub3A_826, %mul3A_832 : i32
        %swap3A_834 = arith.index_cast %mul3A_833 : i32 to index
        %swap3A_835 = tpu.vector_load %arg10[%swap3A_834] {strides = array<i32>} : memref<4096xi32, #tpu.memory_space<vmem>>, vector<16xi32>,
        tpu.vector_store %arg10[%swap3A_834], %add3A_831 {strides = array<i32>} : memref<4096xi32, #tpu.memory_space<vmem>>, vector<16xi32>,
        scf.yield %add3A_831 : vector<16xi32>
      }
      %scan3A_73 = arith.constant 256 : i32
      %scan3A_74 = arith.constant 0 : i32
      %scan3A_75 = arith.constant 256 : i32
      %scan3A_76 = arith.constant 0 : i32
      %scan3A_77 = arith.constant 8 : i32
      %scan3A_78 = arith.addi %scan3A_76, %scan3A_77 : i32
      %scan3A_79 = arith.constant 1 : i32
      %scan3A_80:2 = scf.for %scan3A_823 = %scan3A_76 to %scan3A_78 step %scan3A_79 iter_args(%scan3A_824 = %scan3A_74, %scan3A_825 = %scan3A_75) -> (i32, i32)  : i32 {
        %add3A_826 = arith.addi %scan3A_824, %scan3A_825 : i32
        %jit3A_827 = arith.constant 2 : i32
        %div3A_828 = arith.divsi %add3A_826, %jit3A_827 : i32
        %sign3A = arith.constant 0 : i32
        %sign3A_829 = arith.cmpi sgt, %add3A_826, %sign3A : i32
        %sign3A_830 = arith.extui %sign3A_829 : i1 to i32
        %sign3A_831 = arith.constant 0 : i32
        %sign3A_832 = arith.cmpi slt, %add3A_826, %sign3A_831 : i32
        %sign3A_833 = arith.extui %sign3A_832 : i1 to i32
        %sign3A_834 = arith.subi %sign3A_830, %sign3A_833 : i32
        %sign3A_835 = arith.constant 0 : i32
        %sign3A_836 = arith.cmpi sgt, %jit3A_827, %sign3A_835 : i32
        %sign3A_837 = arith.extui %sign3A_836 : i1 to i32
        %sign3A_838 = arith.constant 0 : i32
        %sign3A_839 = arith.cmpi slt, %jit3A_827, %sign3A_838 : i32
        %sign3A_840 = arith.extui %sign3A_839 : i1 to i32
        %sign3A_841 = arith.subi %sign3A_837, %sign3A_840 : i32
        %ne3A = arith.cmpi ne, %sign3A_834, %sign3A_841 : i32
        %rem3A_842 = arith.remsi %add3A_826, %jit3A_827 : i32
        %ne3A_843 = arith.constant 0 : i32
        %ne3A_844 = arith.cmpi ne, %rem3A_842, %ne3A_843 : i32
        %and3A = arith.andi %ne3A, %ne3A_844 : i1
        %sub3A_845 = arith.constant 1 : i32
        %sub3A_846 = arith.subi %div3A_828, %sub3A_845 : i32
        %select_n3A_847 = arith.select %and3A, %sub3A_846, %div3A_828 : i32
        %mul3A_848 = arith.constant 16 : i32
        %mul3A_849 = arith.muli %select_n3A_847, %mul3A_848 : i32
        %get3A_850 = arith.index_cast %mul3A_849 : i32 to index
        %get3A_851 = tpu.vector_load %arg10[%get3A_850] {strides = array<i32>} : memref<4096xi32, #tpu.memory_space<vmem>>, vector<16xi32>,
        %reduce_sum3A_852 = arith.constant true
        %reduce_sum3A_853 = vector.broadcast %reduce_sum3A_852 : i1 to vector<16xi1>
        %reduce_sum3A_854 = tpu.scan <sum>, %get3A_851 masked %reduce_sum3A_853 : vector<16xi32>, vector<16xi1> -> vector<16xi32>
        %reduce_sum3A_855 = vector.extract %reduce_sum3A_854[15] : i32 from vector<16xi32>
        %ge3A_856 = arith.cmpi sge, %reduce_sum3A_855, %sub3A_51 : i32
        %select_n3A_857 = arith.select %ge3A_856, %select_n3A_847, %scan3A_824 : i32
        %select_n3A_858 = arith.select %ge3A_856, %scan3A_825, %select_n3A_847 : i32
        scf.yield %select_n3A_857, %select_n3A_858 : i32, i32
      }
      %scan3A_81 = arith.constant 8 : i32
      %add3A_82 = arith.constant 1 : i32
      %add3A_83 = arith.addi %scan3A_80#0, %add3A_82 : i32
      %min3A_84 = arith.constant 255 : i32
      %min3A_85 = arith.minsi %add3A_83, %min3A_84 : i32
      %ge3A_86 = arith.constant 255 : i32
      %ge3A_87 = arith.cmpi sge, %scan3A_80#0, %ge3A_86 : i32
      %mul3A_88 = arith.constant 16 : i32
      %mul3A_89 = arith.muli %min3A_85, %mul3A_88 : i32
      %get3A_90 = arith.index_cast %mul3A_89 : i32 to index
      %get3A_91 = tpu.vector_load %arg10[%get3A_90] {strides = array<i32>} : memref<4096xi32, #tpu.memory_space<vmem>>, vector<16xi32>,
      %reduce_sum3A_92 = arith.constant true
      %reduce_sum3A_93 = vector.broadcast %reduce_sum3A_92 : i1 to vector<16xi1>
      %reduce_sum3A_94 = tpu.scan <sum>, %get3A_91 masked %reduce_sum3A_93 : vector<16xi32>, vector<16xi1> -> vector<16xi32>
      %reduce_sum3A_95 = vector.extract %reduce_sum3A_94[15] : i32 from vector<16xi32>
      %jit3A_96 = arith.constant 0 : i32
      %select_n3A_97 = arith.select %ge3A_87, %jit3A_96, %reduce_sum3A_95 : i32
      %sub3A_98 = arith.subi %sub3A_51, %select_n3A_97 : i32
      %shift_left3A_99 = arith.constant 16 : i32
      %shift_left3A_100 = arith.shli %scan3A_80#0, %shift_left3A_99 : i32
      %or3A_101 = arith.ori %or3A_53, %shift_left3A_100 : i32
      %scan3A_102 = arith.constant 0 : i32
      %scan3A_103 = arith.constant 0 : i32
      %scan3A_104 = arith.constant 256 : i32
      %scan3A_105 = arith.addi %scan3A_103, %scan3A_104 : i32
      %scan3A_106 = arith.constant 1 : i32
      %scan3A_107 = scf.for %scan3A_823 = %scan3A_103 to %scan3A_105 step %scan3A_106 iter_args(%scan3A_824 = %scan3A_102) -> (i32)  : i32 {
        %mul3A_825 = arith.constant 16 : i32
        %mul3A_826 = arith.muli %scan3A_823, %mul3A_825 : i32
        %swap3A_827 = arith.index_cast %mul3A_826 : i32 to index
        %swap3A_828 = tpu.vector_load %arg9[%swap3A_827] {strides = array<i32>} : memref<4096xi32, #tpu.memory_space<vmem>>, vector<16xi32>,
        tpu.vector_store %arg9[%swap3A_827], %broadcast_in_dim3A_12 {strides = array<i32>} : memref<4096xi32, #tpu.memory_space<vmem>>, vector<16xi32>,
        %scan3A_829 = arith.constant 0 : i32
        scf.yield %scan3A_829 : i32
      }
      %scan3A_108 = arith.constant 256 : i32
      %scan3A_109 = arith.constant 0 : i32
      %scan3A_110 = arith.constant 0 : i32
      %scan3A_111 = arith.constant 1250 : i32
      %scan3A_112 = arith.addi %scan3A_110, %scan3A_111 : i32
      %scan3A_113 = arith.constant 1 : i32
      %scan3A_114 = scf.for %scan3A_823 = %scan3A_110 to %scan3A_112 step %scan3A_113 iter_args(%scan3A_824 = %scan3A_109) -> (i32)  : i32 {
        %mul3A_825 = arith.constant 16 : i32
        %mul3A_826 = arith.muli %scan3A_823, %mul3A_825 : i32
        %get3A_827 = arith.index_cast %mul3A_826 : i32 to index
        %get3A_828 = tpu.vector_load %arg8[%get3A_827] {strides = array<i32>} : memref<20000xf32, #tpu.memory_space<vmem>>, vector<16xf32>,
        %bitcast_convert_type3A = tpu.bitcast %get3A_828 : vector<16xf32> -> vector<16xi32>
        %lt3A_829 = arith.constant 0.000000e+00 : f32
        %lt3A_830 = vector.broadcast %lt3A_829 : f32 to vector<16xf32>
        %lt3A_831 = arith.cmpf olt, %get3A_828, %lt3A_830 : vector<16xf32>
        %jit3A_832 = arith.constant -1 : i32
        %jit3A_833 = arith.constant -2147483648 : i32
        %broadcast_in_dim3A_834 = vector.broadcast %jit3A_832 : i32 to vector<16xi32>
        %broadcast_in_dim3A_835 = vector.broadcast %jit3A_833 : i32 to vector<16xi32>
        %select_n3A_836 = arith.select %lt3A_831, %broadcast_in_dim3A_834, %broadcast_in_dim3A_835 : vector<16xi1>, vector<16xi32>
        %xor3A = arith.xori %bitcast_convert_type3A, %select_n3A_836 : vector<16xi32>
        %shift_right_logical3A = arith.constant 8 : i32
        %shift_right_logical3A_837 = vector.broadcast %shift_right_logical3A : i32 to vector<16xi32>
        %shift_right_logical3A_838 = arith.shrui %xor3A, %shift_right_logical3A_837 : vector<16xi32>
        %and3A = arith.constant 255 : i32
        %and3A_839 = vector.broadcast %and3A : i32 to vector<16xi32>
        %and3A_840 = arith.andi %shift_right_logical3A_838, %and3A_839 : vector<16xi32>
        %mul3A_841 = arith.constant 16 : i32
        %mul3A_842 = vector.broadcast %mul3A_841 : i32 to vector<16xi32>
        %mul3A_843 = arith.muli %and3A_840, %mul3A_842 : vector<16xi32>
        %add3A_844 = arith.addi %mul3A_843, %iota3A_8 : vector<16xi32>
        %shift_right_logical3A_845 = arith.constant 16 : i32
        %shift_right_logical3A_846 = vector.broadcast %shift_right_logical3A_845 : i32 to vector<16xi32>
        %shift_right_logical3A_847 = arith.shrui %xor3A, %shift_right_logical3A_846 : vector<16xi32>
        %shift_right_logical3A_848 = arith.constant 16 : i32
        %shift_right_logical3A_849 = arith.shrui %or3A_101, %shift_right_logical3A_848 : i32
        %eq3A_850 = vector.broadcast %shift_right_logical3A_849 : i32 to vector<16xi32>
        %eq3A_851 = arith.cmpi eq, %shift_right_logical3A_847, %eq3A_850 : vector<16xi32>
        tpu.vector_store_idx %arg9[%add3A_844], %broadcast_in_dim3A_10 masked %eq3A_851 {add = true} : memref<4096xi32, #tpu.memory_space<vmem>>[vector<16xi32>], vector<16xi32>, vector<16xi1>
        %scan3A_852 = arith.constant 0 : i32
        scf.yield %scan3A_852 : i32
      }
      %scan3A_115 = arith.constant 1250 : i32
      %scan3A_116 = arith.constant 0 : i32
      %scan3A_117 = arith.constant 256 : i32
      %scan3A_118 = arith.addi %scan3A_116, %scan3A_117 : i32
      %scan3A_119 = arith.constant 1 : i32
      %scan3A_120 = scf.for %scan3A_823 = %scan3A_116 to %scan3A_118 step %scan3A_119 iter_args(%scan3A_824 = %broadcast_in_dim3A_12) -> (vector<16xi32>)  : i32 {
        %sub3A_825 = arith.constant 255 : i32
        %sub3A_826 = arith.subi %sub3A_825, %scan3A_823 : i32
        %mul3A_827 = arith.constant 16 : i32
        %mul3A_828 = arith.muli %sub3A_826, %mul3A_827 : i32
        %get3A_829 = arith.index_cast %mul3A_828 : i32 to index
        %get3A_830 = tpu.vector_load %arg9[%get3A_829] {strides = array<i32>} : memref<4096xi32, #tpu.memory_space<vmem>>, vector<16xi32>,
        %add3A_831 = arith.addi %scan3A_824, %get3A_830 : vector<16xi32>
        %mul3A_832 = arith.constant 16 : i32
        %mul3A_833 = arith.muli %sub3A_826, %mul3A_832 : i32
        %swap3A_834 = arith.index_cast %mul3A_833 : i32 to index
        %swap3A_835 = tpu.vector_load %arg10[%swap3A_834] {strides = array<i32>} : memref<4096xi32, #tpu.memory_space<vmem>>, vector<16xi32>,
        tpu.vector_store %arg10[%swap3A_834], %add3A_831 {strides = array<i32>} : memref<4096xi32, #tpu.memory_space<vmem>>, vector<16xi32>,
        scf.yield %add3A_831 : vector<16xi32>
      }
      %scan3A_121 = arith.constant 256 : i32
      %scan3A_122 = arith.constant 0 : i32
      %scan3A_123 = arith.constant 256 : i32
      %scan3A_124 = arith.constant 0 : i32
      %scan3A_125 = arith.constant 8 : i32
      %scan3A_126 = arith.addi %scan3A_124, %scan3A_125 : i32
      %scan3A_127 = arith.constant 1 : i32
      %scan3A_128:2 = scf.for %scan3A_823 = %scan3A_124 to %scan3A_126 step %scan3A_127 iter_args(%scan3A_824 = %scan3A_122, %scan3A_825 = %scan3A_123) -> (i32, i32)  : i32 {
        %add3A_826 = arith.addi %scan3A_824, %scan3A_825 : i32
        %jit3A_827 = arith.constant 2 : i32
        %div3A_828 = arith.divsi %add3A_826, %jit3A_827 : i32
        %sign3A = arith.constant 0 : i32
        %sign3A_829 = arith.cmpi sgt, %add3A_826, %sign3A : i32
        %sign3A_830 = arith.extui %sign3A_829 : i1 to i32
        %sign3A_831 = arith.constant 0 : i32
        %sign3A_832 = arith.cmpi slt, %add3A_826, %sign3A_831 : i32
        %sign3A_833 = arith.extui %sign3A_832 : i1 to i32
        %sign3A_834 = arith.subi %sign3A_830, %sign3A_833 : i32
        %sign3A_835 = arith.constant 0 : i32
        %sign3A_836 = arith.cmpi sgt, %jit3A_827, %sign3A_835 : i32
        %sign3A_837 = arith.extui %sign3A_836 : i1 to i32
        %sign3A_838 = arith.constant 0 : i32
        %sign3A_839 = arith.cmpi slt, %jit3A_827, %sign3A_838 : i32
        %sign3A_840 = arith.extui %sign3A_839 : i1 to i32
        %sign3A_841 = arith.subi %sign3A_837, %sign3A_840 : i32
        %ne3A = arith.cmpi ne, %sign3A_834, %sign3A_841 : i32
        %rem3A_842 = arith.remsi %add3A_826, %jit3A_827 : i32
        %ne3A_843 = arith.constant 0 : i32
        %ne3A_844 = arith.cmpi ne, %rem3A_842, %ne3A_843 : i32
        %and3A = arith.andi %ne3A, %ne3A_844 : i1
        %sub3A_845 = arith.constant 1 : i32
        %sub3A_846 = arith.subi %div3A_828, %sub3A_845 : i32
        %select_n3A_847 = arith.select %and3A, %sub3A_846, %div3A_828 : i32
        %mul3A_848 = arith.constant 16 : i32
        %mul3A_849 = arith.muli %select_n3A_847, %mul3A_848 : i32
        %get3A_850 = arith.index_cast %mul3A_849 : i32 to index
        %get3A_851 = tpu.vector_load %arg10[%get3A_850] {strides = array<i32>} : memref<4096xi32, #tpu.memory_space<vmem>>, vector<16xi32>,
        %reduce_sum3A_852 = arith.constant true
        %reduce_sum3A_853 = vector.broadcast %reduce_sum3A_852 : i1 to vector<16xi1>
        %reduce_sum3A_854 = tpu.scan <sum>, %get3A_851 masked %reduce_sum3A_853 : vector<16xi32>, vector<16xi1> -> vector<16xi32>
        %reduce_sum3A_855 = vector.extract %reduce_sum3A_854[15] : i32 from vector<16xi32>
        %ge3A_856 = arith.cmpi sge, %reduce_sum3A_855, %sub3A_98 : i32
        %select_n3A_857 = arith.select %ge3A_856, %select_n3A_847, %scan3A_824 : i32
        %select_n3A_858 = arith.select %ge3A_856, %scan3A_825, %select_n3A_847 : i32
        scf.yield %select_n3A_857, %select_n3A_858 : i32, i32
      }
      %scan3A_129 = arith.constant 8 : i32
      %add3A_130 = arith.constant 1 : i32
      %add3A_131 = arith.addi %scan3A_128#0, %add3A_130 : i32
      %min3A_132 = arith.constant 255 : i32
      %min3A_133 = arith.minsi %add3A_131, %min3A_132 : i32
      %ge3A_134 = arith.constant 255 : i32
      %ge3A_135 = arith.cmpi sge, %scan3A_128#0, %ge3A_134 : i32
      %mul3A_136 = arith.constant 16 : i32
      %mul3A_137 = arith.muli %min3A_133, %mul3A_136 : i32
      %get3A_138 = arith.index_cast %mul3A_137 : i32 to index
      %get3A_139 = tpu.vector_load %arg10[%get3A_138] {strides = array<i32>} : memref<4096xi32, #tpu.memory_space<vmem>>, vector<16xi32>,
      %reduce_sum3A_140 = arith.constant true
      %reduce_sum3A_141 = vector.broadcast %reduce_sum3A_140 : i1 to vector<16xi1>
      %reduce_sum3A_142 = tpu.scan <sum>, %get3A_139 masked %reduce_sum3A_141 : vector<16xi32>, vector<16xi1> -> vector<16xi32>
      %reduce_sum3A_143 = vector.extract %reduce_sum3A_142[15] : i32 from vector<16xi32>
      %jit3A_144 = arith.constant 0 : i32
      %select_n3A_145 = arith.select %ge3A_135, %jit3A_144, %reduce_sum3A_143 : i32
      %sub3A_146 = arith.subi %sub3A_98, %select_n3A_145 : i32
      %shift_left3A_147 = arith.constant 8 : i32
      %shift_left3A_148 = arith.shli %scan3A_128#0, %shift_left3A_147 : i32
      %or3A_149 = arith.ori %or3A_101, %shift_left3A_148 : i32
      %scan3A_150 = arith.constant 0 : i32
      %scan3A_151 = arith.constant 0 : i32
      %scan3A_152 = arith.constant 256 : i32
      %scan3A_153 = arith.addi %scan3A_151, %scan3A_152 : i32
      %scan3A_154 = arith.constant 1 : i32
      %scan3A_155 = scf.for %scan3A_823 = %scan3A_151 to %scan3A_153 step %scan3A_154 iter_args(%scan3A_824 = %scan3A_150) -> (i32)  : i32 {
        %mul3A_825 = arith.constant 16 : i32
        %mul3A_826 = arith.muli %scan3A_823, %mul3A_825 : i32
        %swap3A_827 = arith.index_cast %mul3A_826 : i32 to index
        %swap3A_828 = tpu.vector_load %arg9[%swap3A_827] {strides = array<i32>} : memref<4096xi32, #tpu.memory_space<vmem>>, vector<16xi32>,
        tpu.vector_store %arg9[%swap3A_827], %broadcast_in_dim3A_12 {strides = array<i32>} : memref<4096xi32, #tpu.memory_space<vmem>>, vector<16xi32>,
        %scan3A_829 = arith.constant 0 : i32
        scf.yield %scan3A_829 : i32
      }
      %scan3A_156 = arith.constant 256 : i32
      %scan3A_157 = arith.constant 0 : i32
      %scan3A_158 = arith.constant 0 : i32
      %scan3A_159 = arith.constant 1250 : i32
      %scan3A_160 = arith.addi %scan3A_158, %scan3A_159 : i32
      %scan3A_161 = arith.constant 1 : i32
      %scan3A_162 = scf.for %scan3A_823 = %scan3A_158 to %scan3A_160 step %scan3A_161 iter_args(%scan3A_824 = %scan3A_157) -> (i32)  : i32 {
        %mul3A_825 = arith.constant 16 : i32
        %mul3A_826 = arith.muli %scan3A_823, %mul3A_825 : i32
        %get3A_827 = arith.index_cast %mul3A_826 : i32 to index
        %get3A_828 = tpu.vector_load %arg8[%get3A_827] {strides = array<i32>} : memref<20000xf32, #tpu.memory_space<vmem>>, vector<16xf32>,
        %bitcast_convert_type3A = tpu.bitcast %get3A_828 : vector<16xf32> -> vector<16xi32>
        %lt3A_829 = arith.constant 0.000000e+00 : f32
        %lt3A_830 = vector.broadcast %lt3A_829 : f32 to vector<16xf32>
        %lt3A_831 = arith.cmpf olt, %get3A_828, %lt3A_830 : vector<16xf32>
        %jit3A_832 = arith.constant -1 : i32
        %jit3A_833 = arith.constant -2147483648 : i32
        %broadcast_in_dim3A_834 = vector.broadcast %jit3A_832 : i32 to vector<16xi32>
        %broadcast_in_dim3A_835 = vector.broadcast %jit3A_833 : i32 to vector<16xi32>
        %select_n3A_836 = arith.select %lt3A_831, %broadcast_in_dim3A_834, %broadcast_in_dim3A_835 : vector<16xi1>, vector<16xi32>
        %xor3A = arith.xori %bitcast_convert_type3A, %select_n3A_836 : vector<16xi32>
        %shift_right_logical3A = arith.constant 0 : i32
        %shift_right_logical3A_837 = vector.broadcast %shift_right_logical3A : i32 to vector<16xi32>
        %shift_right_logical3A_838 = arith.shrui %xor3A, %shift_right_logical3A_837 : vector<16xi32>
        %and3A = arith.constant 255 : i32
        %and3A_839 = vector.broadcast %and3A : i32 to vector<16xi32>
        %and3A_840 = arith.andi %shift_right_logical3A_838, %and3A_839 : vector<16xi32>
        %mul3A_841 = arith.constant 16 : i32
        %mul3A_842 = vector.broadcast %mul3A_841 : i32 to vector<16xi32>
        %mul3A_843 = arith.muli %and3A_840, %mul3A_842 : vector<16xi32>
        %add3A_844 = arith.addi %mul3A_843, %iota3A_8 : vector<16xi32>
        %shift_right_logical3A_845 = arith.constant 8 : i32
        %shift_right_logical3A_846 = vector.broadcast %shift_right_logical3A_845 : i32 to vector<16xi32>
        %shift_right_logical3A_847 = arith.shrui %xor3A, %shift_right_logical3A_846 : vector<16xi32>
        %shift_right_logical3A_848 = arith.constant 8 : i32
        %shift_right_logical3A_849 = arith.shrui %or3A_149, %shift_right_logical3A_848 : i32
        %eq3A_850 = vector.broadcast %shift_right_logical3A_849 : i32 to vector<16xi32>
        %eq3A_851 = arith.cmpi eq, %shift_right_logical3A_847, %eq3A_850 : vector<16xi32>
        tpu.vector_store_idx %arg9[%add3A_844], %broadcast_in_dim3A_10 masked %eq3A_851 {add = true} : memref<4096xi32, #tpu.memory_space<vmem>>[vector<16xi32>], vector<16xi32>, vector<16xi1>
        %scan3A_852 = arith.constant 0 : i32
        scf.yield %scan3A_852 : i32
      }
      %scan3A_163 = arith.constant 1250 : i32
      %scan3A_164 = arith.constant 0 : i32
      %scan3A_165 = arith.constant 256 : i32
      %scan3A_166 = arith.addi %scan3A_164, %scan3A_165 : i32
      %scan3A_167 = arith.constant 1 : i32
      %scan3A_168 = scf.for %scan3A_823 = %scan3A_164 to %scan3A_166 step %scan3A_167 iter_args(%scan3A_824 = %broadcast_in_dim3A_12) -> (vector<16xi32>)  : i32 {
        %sub3A_825 = arith.constant 255 : i32
        %sub3A_826 = arith.subi %sub3A_825, %scan3A_823 : i32
        %mul3A_827 = arith.constant 16 : i32
        %mul3A_828 = arith.muli %sub3A_826, %mul3A_827 : i32
        %get3A_829 = arith.index_cast %mul3A_828 : i32 to index
        %get3A_830 = tpu.vector_load %arg9[%get3A_829] {strides = array<i32>} : memref<4096xi32, #tpu.memory_space<vmem>>, vector<16xi32>,
        %add3A_831 = arith.addi %scan3A_824, %get3A_830 : vector<16xi32>
        %mul3A_832 = arith.constant 16 : i32
        %mul3A_833 = arith.muli %sub3A_826, %mul3A_832 : i32
        %swap3A_834 = arith.index_cast %mul3A_833 : i32 to index
        %swap3A_835 = tpu.vector_load %arg10[%swap3A_834] {strides = array<i32>} : memref<4096xi32, #tpu.memory_space<vmem>>, vector<16xi32>,
        tpu.vector_store %arg10[%swap3A_834], %add3A_831 {strides = array<i32>} : memref<4096xi32, #tpu.memory_space<vmem>>, vector<16xi32>,
        scf.yield %add3A_831 : vector<16xi32>
      }
      %scan3A_169 = arith.constant 256 : i32
      %scan3A_170 = arith.constant 0 : i32
      %scan3A_171 = arith.constant 256 : i32
      %scan3A_172 = arith.constant 0 : i32
      %scan3A_173 = arith.constant 8 : i32
      %scan3A_174 = arith.addi %scan3A_172, %scan3A_173 : i32
      %scan3A_175 = arith.constant 1 : i32
      %scan3A_176:2 = scf.for %scan3A_823 = %scan3A_172 to %scan3A_174 step %scan3A_175 iter_args(%scan3A_824 = %scan3A_170, %scan3A_825 = %scan3A_171) -> (i32, i32)  : i32 {
        %add3A_826 = arith.addi %scan3A_824, %scan3A_825 : i32
        %jit3A_827 = arith.constant 2 : i32
        %div3A_828 = arith.divsi %add3A_826, %jit3A_827 : i32
        %sign3A = arith.constant 0 : i32
        %sign3A_829 = arith.cmpi sgt, %add3A_826, %sign3A : i32
        %sign3A_830 = arith.extui %sign3A_829 : i1 to i32
        %sign3A_831 = arith.constant 0 : i32
        %sign3A_832 = arith.cmpi slt, %add3A_826, %sign3A_831 : i32
        %sign3A_833 = arith.extui %sign3A_832 : i1 to i32
        %sign3A_834 = arith.subi %sign3A_830, %sign3A_833 : i32
        %sign3A_835 = arith.constant 0 : i32
        %sign3A_836 = arith.cmpi sgt, %jit3A_827, %sign3A_835 : i32
        %sign3A_837 = arith.extui %sign3A_836 : i1 to i32
        %sign3A_838 = arith.constant 0 : i32
        %sign3A_839 = arith.cmpi slt, %jit3A_827, %sign3A_838 : i32
        %sign3A_840 = arith.extui %sign3A_839 : i1 to i32
        %sign3A_841 = arith.subi %sign3A_837, %sign3A_840 : i32
        %ne3A = arith.cmpi ne, %sign3A_834, %sign3A_841 : i32
        %rem3A_842 = arith.remsi %add3A_826, %jit3A_827 : i32
        %ne3A_843 = arith.constant 0 : i32
        %ne3A_844 = arith.cmpi ne, %rem3A_842, %ne3A_843 : i32
        %and3A = arith.andi %ne3A, %ne3A_844 : i1
        %sub3A_845 = arith.constant 1 : i32
        %sub3A_846 = arith.subi %div3A_828, %sub3A_845 : i32
        %select_n3A_847 = arith.select %and3A, %sub3A_846, %div3A_828 : i32
        %mul3A_848 = arith.constant 16 : i32
        %mul3A_849 = arith.muli %select_n3A_847, %mul3A_848 : i32
        %get3A_850 = arith.index_cast %mul3A_849 : i32 to index
        %get3A_851 = tpu.vector_load %arg10[%get3A_850] {strides = array<i32>} : memref<4096xi32, #tpu.memory_space<vmem>>, vector<16xi32>,
        %reduce_sum3A_852 = arith.constant true
        %reduce_sum3A_853 = vector.broadcast %reduce_sum3A_852 : i1 to vector<16xi1>
        %reduce_sum3A_854 = tpu.scan <sum>, %get3A_851 masked %reduce_sum3A_853 : vector<16xi32>, vector<16xi1> -> vector<16xi32>
        %reduce_sum3A_855 = vector.extract %reduce_sum3A_854[15] : i32 from vector<16xi32>
        %ge3A_856 = arith.cmpi sge, %reduce_sum3A_855, %sub3A_146 : i32
        %select_n3A_857 = arith.select %ge3A_856, %select_n3A_847, %scan3A_824 : i32
        %select_n3A_858 = arith.select %ge3A_856, %scan3A_825, %select_n3A_847 : i32
        scf.yield %select_n3A_857, %select_n3A_858 : i32, i32
      }
      %scan3A_177 = arith.constant 8 : i32
      %add3A_178 = arith.constant 1 : i32
      %add3A_179 = arith.addi %scan3A_176#0, %add3A_178 : i32
      %min3A_180 = arith.constant 255 : i32
      %min3A_181 = arith.minsi %add3A_179, %min3A_180 : i32
      %ge3A_182 = arith.constant 255 : i32
      %ge3A_183 = arith.cmpi sge, %scan3A_176#0, %ge3A_182 : i32
      %mul3A_184 = arith.constant 16 : i32
      %mul3A_185 = arith.muli %min3A_181, %mul3A_184 : i32
      %get3A_186 = arith.index_cast %mul3A_185 : i32 to index
      %get3A_187 = tpu.vector_load %arg10[%get3A_186] {strides = array<i32>} : memref<4096xi32, #tpu.memory_space<vmem>>, vector<16xi32>,
      %reduce_sum3A_188 = arith.constant true
      %reduce_sum3A_189 = vector.broadcast %reduce_sum3A_188 : i1 to vector<16xi1>
      %reduce_sum3A_190 = tpu.scan <sum>, %get3A_187 masked %reduce_sum3A_189 : vector<16xi32>, vector<16xi1> -> vector<16xi32>
      %reduce_sum3A_191 = vector.extract %reduce_sum3A_190[15] : i32 from vector<16xi32>
      %jit3A_192 = arith.constant 0 : i32
      %select_n3A_193 = arith.select %ge3A_183, %jit3A_192, %reduce_sum3A_191 : i32
      %sub3A_194 = arith.subi %sub3A_146, %select_n3A_193 : i32
      %shift_left3A_195 = arith.constant 0 : i32
      %shift_left3A_196 = arith.shli %scan3A_176#0, %shift_left3A_195 : i32
      %or3A_197 = arith.ori %or3A_149, %shift_left3A_196 : i32
      %add3A_198 = arith.constant 0 : i32
      %add3A_199 = vector.broadcast %add3A_198 : i32 to vector<16xi32>
      %add3A_200 = arith.addi %add3A_199, %iota3A : vector<16xi32>
      %swap3A = arith.constant 0 : index
      %swap3A_201 = tpu.vector_load %arg11[%swap3A] {strides = array<i32>} : memref<144xi32, #tpu.memory_space<vmem>>, vector<16xi32>,
      tpu.vector_store %arg11[%swap3A], %add3A_200 {strides = array<i32>} : memref<144xi32, #tpu.memory_space<vmem>>, vector<16xi32>,
      %add3A_202 = arith.constant 16 : i32
      %add3A_203 = vector.broadcast %add3A_202 : i32 to vector<16xi32>
      %add3A_204 = arith.addi %add3A_203, %iota3A : vector<16xi32>
      %swap3A_205 = arith.constant 16 : index
      %swap3A_206 = tpu.vector_load %arg11[%swap3A_205] {strides = array<i32>} : memref<144xi32, #tpu.memory_space<vmem>>, vector<16xi32>,
      tpu.vector_store %arg11[%swap3A_205], %add3A_204 {strides = array<i32>} : memref<144xi32, #tpu.memory_space<vmem>>, vector<16xi32>,
      %add3A_207 = arith.constant 32 : i32
      %add3A_208 = vector.broadcast %add3A_207 : i32 to vector<16xi32>
      %add3A_209 = arith.addi %add3A_208, %iota3A : vector<16xi32>
      %swap3A_210 = arith.constant 32 : index
      %swap3A_211 = tpu.vector_load %arg11[%swap3A_210] {strides = array<i32>} : memref<144xi32, #tpu.memory_space<vmem>>, vector<16xi32>,
      tpu.vector_store %arg11[%swap3A_210], %add3A_209 {strides = array<i32>} : memref<144xi32, #tpu.memory_space<vmem>>, vector<16xi32>,
      %add3A_212 = arith.constant 48 : i32
      %add3A_213 = vector.broadcast %add3A_212 : i32 to vector<16xi32>
      %add3A_214 = arith.addi %add3A_213, %iota3A : vector<16xi32>
      %swap3A_215 = arith.constant 48 : index
      %swap3A_216 = tpu.vector_load %arg11[%swap3A_215] {strides = array<i32>} : memref<144xi32, #tpu.memory_space<vmem>>, vector<16xi32>,
      tpu.vector_store %arg11[%swap3A_215], %add3A_214 {strides = array<i32>} : memref<144xi32, #tpu.memory_space<vmem>>, vector<16xi32>,
      %add3A_217 = arith.constant 64 : i32
      %add3A_218 = vector.broadcast %add3A_217 : i32 to vector<16xi32>
      %add3A_219 = arith.addi %add3A_218, %iota3A : vector<16xi32>
      %swap3A_220 = arith.constant 64 : index
      %swap3A_221 = tpu.vector_load %arg11[%swap3A_220] {strides = array<i32>} : memref<144xi32, #tpu.memory_space<vmem>>, vector<16xi32>,
      tpu.vector_store %arg11[%swap3A_220], %add3A_219 {strides = array<i32>} : memref<144xi32, #tpu.memory_space<vmem>>, vector<16xi32>,
      %add3A_222 = arith.constant 80 : i32
      %add3A_223 = vector.broadcast %add3A_222 : i32 to vector<16xi32>
      %add3A_224 = arith.addi %add3A_223, %iota3A : vector<16xi32>
      %swap3A_225 = arith.constant 80 : index
      %swap3A_226 = tpu.vector_load %arg11[%swap3A_225] {strides = array<i32>} : memref<144xi32, #tpu.memory_space<vmem>>, vector<16xi32>,
      tpu.vector_store %arg11[%swap3A_225], %add3A_224 {strides = array<i32>} : memref<144xi32, #tpu.memory_space<vmem>>, vector<16xi32>,
      %add3A_227 = arith.constant 96 : i32
      %add3A_228 = vector.broadcast %add3A_227 : i32 to vector<16xi32>
      %add3A_229 = arith.addi %add3A_228, %iota3A : vector<16xi32>
      %swap3A_230 = arith.constant 96 : index
      %swap3A_231 = tpu.vector_load %arg11[%swap3A_230] {strides = array<i32>} : memref<144xi32, #tpu.memory_space<vmem>>, vector<16xi32>,
      tpu.vector_store %arg11[%swap3A_230], %add3A_229 {strides = array<i32>} : memref<144xi32, #tpu.memory_space<vmem>>, vector<16xi32>,
      %add3A_232 = arith.constant 112 : i32
      %add3A_233 = vector.broadcast %add3A_232 : i32 to vector<16xi32>
      %add3A_234 = arith.addi %add3A_233, %iota3A : vector<16xi32>
      %swap3A_235 = arith.constant 112 : index
      %swap3A_236 = tpu.vector_load %arg11[%swap3A_235] {strides = array<i32>} : memref<144xi32, #tpu.memory_space<vmem>>, vector<16xi32>,
      tpu.vector_store %arg11[%swap3A_235], %add3A_234 {strides = array<i32>} : memref<144xi32, #tpu.memory_space<vmem>>, vector<16xi32>,
      %add3A_237 = arith.constant 128 : i32
      %add3A_238 = vector.broadcast %add3A_237 : i32 to vector<16xi32>
      %add3A_239 = arith.addi %add3A_238, %iota3A : vector<16xi32>
      %swap3A_240 = arith.constant 128 : index
      %swap3A_241 = tpu.vector_load %arg11[%swap3A_240] {strides = array<i32>} : memref<144xi32, #tpu.memory_space<vmem>>, vector<16xi32>,
      tpu.vector_store %arg11[%swap3A_240], %add3A_239 {strides = array<i32>} : memref<144xi32, #tpu.memory_space<vmem>>, vector<16xi32>,
      %scan3A_242 = arith.constant 0 : i32
      %scan3A_243 = arith.constant 1250 : i32
      %scan3A_244 = arith.addi %scan3A_242, %scan3A_243 : i32
      %scan3A_245 = arith.constant 1 : i32
      %scan3A_246 = scf.for %scan3A_823 = %scan3A_242 to %scan3A_244 step %scan3A_245 iter_args(%scan3A_824 = %broadcast_in_dim3A_5) -> (vector<16xi32>)  : i32 {
        %mul3A_825 = arith.constant 16 : i32
        %mul3A_826 = arith.muli %scan3A_823, %mul3A_825 : i32
        %get3A_827 = arith.index_cast %mul3A_826 : i32 to index
        %get3A_828 = tpu.vector_load %arg8[%get3A_827] {strides = array<i32>} : memref<20000xf32, #tpu.memory_space<vmem>>, vector<16xf32>,
        %bitcast_convert_type3A = tpu.bitcast %get3A_828 : vector<16xf32> -> vector<16xi32>
        %lt3A_829 = arith.constant 0.000000e+00 : f32
        %lt3A_830 = vector.broadcast %lt3A_829 : f32 to vector<16xf32>
        %lt3A_831 = arith.cmpf olt, %get3A_828, %lt3A_830 : vector<16xf32>
        %jit3A_832 = arith.constant -1 : i32
        %jit3A_833 = arith.constant -2147483648 : i32
        %broadcast_in_dim3A_834 = vector.broadcast %jit3A_832 : i32 to vector<16xi32>
        %broadcast_in_dim3A_835 = vector.broadcast %jit3A_833 : i32 to vector<16xi32>
        %select_n3A_836 = arith.select %lt3A_831, %broadcast_in_dim3A_834, %broadcast_in_dim3A_835 : vector<16xi1>, vector<16xi32>
        %xor3A = arith.xori %bitcast_convert_type3A, %select_n3A_836 : vector<16xi32>
        %ge3A_837 = vector.broadcast %or3A_197 : i32 to vector<16xi32>
        %ge3A_838 = arith.cmpi uge, %xor3A, %ge3A_837 : vector<16xi32>
        %gt3A = arith.constant -3.000000e+38 : f32
        %gt3A_839 = vector.broadcast %gt3A : f32 to vector<16xf32>
        %gt3A_840 = arith.cmpf ogt, %get3A_828, %gt3A_839 : vector<16xf32>
        %and3A = arith.andi %ge3A_838, %gt3A_840 : vector<16xi1>
        %all_reduce_population_count3A = tpu.all_reduce %and3A {dim = 0 : i64, kind = #tpu.reduction_kind<sum>} : vector<16xi1> -> vector<16xi32>
        %reduce_or3A = arith.constant 1.000000e+00 : f32
        %reduce_or3A_841 = arith.constant 0.000000e+00 : f32
        %reduce_or3A_842 = vector.broadcast %reduce_or3A : f32 to vector<16xf32>
        %reduce_or3A_843 = vector.broadcast %reduce_or3A_841 : f32 to vector<16xf32>
        %reduce_or3A_844 = arith.select %and3A, %reduce_or3A_842, %reduce_or3A_843 : vector<16xi1>, vector<16xf32>
        %reduce_or3A_845 = arith.constant true
        %reduce_or3A_846 = vector.broadcast %reduce_or3A_845 : i1 to vector<16xi1>
        %reduce_or3A_847 = tpu.scan <max>, %reduce_or3A_844 masked %reduce_or3A_846 : vector<16xf32>, vector<16xi1> -> vector<16xf32>
        %reduce_or3A_848 = vector.extract %reduce_or3A_847[15] : f32 from vector<16xf32>
        %reduce_or3A_849 = arith.constant 0.000000e+00 : f32
        %reduce_or3A_850 = arith.cmpf ogt, %reduce_or3A_848, %reduce_or3A_849 : f32
        %convert_element_type3A_851 = arith.extui %reduce_or3A_850 : i1 to i32
        %cond3A_852 = arith.constant 0 : i32
        %cond3A_853 = arith.cmpi ne, %convert_element_type3A_851, %cond3A_852 : i32
        scf.if %cond3A_853 {
          %convert_element_type3A_855 = arith.extui %and3A : vector<16xi1> to vector<16xi32>
          %broadcast_in_dim3A_856 = arith.constant true
          %broadcast_in_dim3A_857 = vector.broadcast %broadcast_in_dim3A_856 : i1 to vector<16xi1>
          %masked_cumsum3A = tpu.scan <sum>, %convert_element_type3A_855 masked %broadcast_in_dim3A_857 : vector<16xi32>, vector<16xi1> -> vector<16xi32>
          %add3A_858 = arith.addi %scan3A_824, %masked_cumsum3A : vector<16xi32>
          %sub3A_859 = arith.constant 1 : i32
          %sub3A_860 = vector.broadcast %sub3A_859 : i32 to vector<16xi32>
          %sub3A_861 = arith.subi %add3A_858, %sub3A_860 : vector<16xi32>
          %min3A_862 = arith.constant 127 : i32
          %min3A_863 = vector.broadcast %min3A_862 : i32 to vector<16xi32>
          %min3A_864 = arith.minsi %sub3A_861, %min3A_863 : vector<16xi32>
          %mul3A_865 = arith.constant 16 : i32
          %mul3A_866 = arith.muli %scan3A_823, %mul3A_865 : i32
          %add3A_867 = vector.broadcast %mul3A_866 : i32 to vector<16xi32>
          %add3A_868 = arith.addi %add3A_867, %iota3A : vector<16xi32>
          tpu.vector_store_idx %arg11[%min3A_864], %add3A_868 masked %and3A : memref<144xi32, #tpu.memory_space<vmem>>[vector<16xi32>], vector<16xi32>, vector<16xi1>
        } else {
        }
        %add3A_854 = arith.addi %scan3A_824, %all_reduce_population_count3A : vector<16xi32>
        scf.yield %add3A_854 : vector<16xi32>
      }
      %scan3A_247 = arith.constant 1250 : i32
      %reduce_max3A = arith.constant true
      %reduce_max3A_248 = vector.broadcast %reduce_max3A : i1 to vector<16xi1>
      %reduce_max3A_249 = arith.constant -2147483648 : i32
      %reduce_max3A_250 = vector.broadcast %reduce_max3A_249 : i32 to vector<16xi32>
      %reduce_max3A_251 = arith.xori %scan3A_246, %reduce_max3A_250 : vector<16xi32>
      %reduce_max3A_252 = tpu.scan <max>, %reduce_max3A_251 masked %reduce_max3A_248 : vector<16xi32>, vector<16xi1> -> vector<16xi32>
      %reduce_max3A_253 = arith.xori %reduce_max3A_252, %reduce_max3A_250 : vector<16xi32>
      %reduce_max3A_254 = vector.extract %reduce_max3A_253[15] : i32 from vector<16xi32>
      %min3A_255 = arith.constant 128 : i32
      %min3A_256 = arith.minsi %reduce_max3A_254, %min3A_255 : i32
      %scan3A_257 = arith.constant 0 : i32
      %scan3A_258 = arith.constant 0 : i32
      %scan3A_259 = arith.constant 128 : i32
      %scan3A_260 = arith.addi %scan3A_258, %scan3A_259 : i32
      %scan3A_261 = arith.constant 1 : i32
      %scan3A_262 = scf.for %scan3A_823 = %scan3A_258 to %scan3A_260 step %scan3A_261 iter_args(%scan3A_824 = %scan3A_257) -> (i32)  : i32 {
        %get3A_825 = arith.index_cast %scan3A_823 : i32 to index
        %get3A_826 = tpu.vector_load %arg11[%get3A_825] {strides = array<i32>} : memref<144xi32, #tpu.memory_space<vmem>>, vector<16xi32>,
        %slice3A = vector.extract_strided_slice %get3A_826 {offsets = [0], sizes = [1], strides = [1]} : vector<16xi32> to vector<1xi32>
        %squeeze3A = vector.extract %slice3A[0] : i32 from vector<1xi32>
        %dma_start3A = arith.constant 0 : i32
        %dma_start3A_827 = tpu.memref_slice %arg12[%scan3A_823, %dma_start3A] : memref<128x80xf32, #tpu.memory_space<vmem>> -> memref<1x80xf32, #tpu.memory_space<vmem>>
        %dma_start3A_828 = arith.constant 0 : i32
        %dma_start3A_829 = tpu.memref_slice %arg2[%add3A, %squeeze3A, %dma_start3A_828] : memref<16x20000x80xf32, #tpu.memory_space<hbm>> -> memref<1x1x80xf32, #tpu.memory_space<hbm>>
        %dma_start3A_830 = tpu.memref_squeeze %dma_start3A_829 : memref<1x1x80xf32, #tpu.memory_space<hbm>> -> memref<1x80xf32, #tpu.memory_space<hbm>>
        %dma_start3A_831 = arith.constant 0 : i32
        %dma_start3A_832 = tpu.memref_slice %arg12[%scan3A_823, %dma_start3A_831] : memref<128x80xf32, #tpu.memory_space<vmem>> -> memref<1x80xf32, #tpu.memory_space<vmem>>
        %dma_start3A_833 = arith.constant 0 : i32
        %dma_start3A_834 = tpu.memref_slice %arg2[%add3A, %squeeze3A, %dma_start3A_833] : memref<16x20000x80xf32, #tpu.memory_space<hbm>> -> memref<1x1x80xf32, #tpu.memory_space<hbm>>
        %dma_start3A_835 = tpu.memref_squeeze %dma_start3A_834 : memref<1x1x80xf32, #tpu.memory_space<hbm>> -> memref<1x80xf32, #tpu.memory_space<hbm>>
        tpu.enqueue_dma source(%dma_start3A_835 : memref<1x80xf32, #tpu.memory_space<hbm>>) target(%dma_start3A_832 : memref<1x80xf32, #tpu.memory_space<vmem>>) target_semaphore(%arg22 : memref<!tpu.dma_semaphore, #tpu.memory_space<semaphore_mem>>)
        %scan3A_836 = arith.constant 0 : i32
        scf.yield %scan3A_836 : i32
      }
      %scan3A_263 = arith.constant 128 : i32
      %scan3A_264 = arith.constant 0 : i32
      %scan3A_265 = arith.constant 0 : i32
      %scan3A_266 = arith.constant 128 : i32
      %scan3A_267 = arith.addi %scan3A_265, %scan3A_266 : i32
      %scan3A_268 = arith.constant 1 : i32
      %scan3A_269 = scf.for %scan3A_823 = %scan3A_265 to %scan3A_267 step %scan3A_268 iter_args(%scan3A_824 = %scan3A_264) -> (i32)  : i32 {
        %dma_wait3A = arith.constant 0 : i32
        %dma_wait3A_825 = tpu.memref_slice %arg12[%scan3A_823, %dma_wait3A] : memref<128x80xf32, #tpu.memory_space<vmem>> -> memref<1x80xf32, #tpu.memory_space<vmem>>
        %dma_wait3A_826 = arith.constant 0 : i32
        %dma_wait3A_827 = arith.constant 0 : i32
        %dma_wait3A_828 = tpu.memref_slice %arg2[%add3A, %dma_wait3A_826, %dma_wait3A_827] : memref<16x20000x80xf32, #tpu.memory_space<hbm>> -> memref<1x1x80xf32, #tpu.memory_space<hbm>>
        %dma_wait3A_829 = tpu.memref_squeeze %dma_wait3A_828 : memref<1x1x80xf32, #tpu.memory_space<hbm>> -> memref<1x80xf32, #tpu.memory_space<hbm>>
        %dma_wait3A_830 = arith.constant 0 : i32
        %dma_wait3A_831 = tpu.memref_slice %arg12[%scan3A_823, %dma_wait3A_830] : memref<128x80xf32, #tpu.memory_space<vmem>> -> memref<1x80xf32, #tpu.memory_space<vmem>>
        %dma_wait3A_832 = arith.constant 0 : i32
        %dma_wait3A_833 = arith.constant 0 : i32
        %dma_wait3A_834 = tpu.memref_slice %arg2[%add3A, %dma_wait3A_832, %dma_wait3A_833] : memref<16x20000x80xf32, #tpu.memory_space<hbm>> -> memref<1x1x80xf32, #tpu.memory_space<hbm>>
        %dma_wait3A_835 = tpu.memref_squeeze %dma_wait3A_834 : memref<1x1x80xf32, #tpu.memory_space<hbm>> -> memref<1x80xf32, #tpu.memory_space<hbm>>
        tpu.wait_dma2 semaphore(%arg22 : memref<!tpu.dma_semaphore, #tpu.memory_space<semaphore_mem>>) src(%dma_wait3A_835 : memref<1x80xf32, #tpu.memory_space<hbm>>) dst(%dma_wait3A_831 : memref<1x80xf32, #tpu.memory_space<vmem>>)
        %scan3A_836 = arith.constant 0 : i32
        scf.yield %scan3A_836 : i32
      }
      %scan3A_270 = arith.constant 128 : i32
      %scan3A_271 = arith.constant 0 : i32
      %scan3A_272 = arith.constant 0 : i32
      %scan3A_273 = arith.constant 128 : i32
      %scan3A_274 = arith.addi %scan3A_272, %scan3A_273 : i32
      %scan3A_275 = arith.constant 1 : i32
      %scan3A_276 = scf.for %scan3A_823 = %scan3A_272 to %scan3A_274 step %scan3A_275 iter_args(%scan3A_824 = %scan3A_271) -> (i32)  : i32 {
        %broadcast_in_dim3A_825 = arith.constant 0 : i32
        %broadcast_in_dim3A_826 = vector.broadcast %broadcast_in_dim3A_825 : i32 to vector<16xi32>
        %add3A_827 = vector.broadcast %scan3A_823 : i32 to vector<16xi32>
        %add3A_828 = arith.addi %broadcast_in_dim3A_826, %add3A_827 : vector<16xi32>
        %gather3A = tpu.vector_load_idx %arg11[%add3A_828] : memref<144xi32, #tpu.memory_space<vmem>>[vector<16xi32>], vector<16xi32>,
        %gather3A_829 = tpu.vector_load_idx %arg8[%gather3A] : memref<20000xf32, #tpu.memory_space<vmem>>[vector<16xi32>], vector<16xf32>,
        %lt3A_830 = arith.cmpi slt, %scan3A_823, %min3A_256 : i32
        %gt3A = arith.constant -3.000000e+38 : f32
        %gt3A_831 = vector.broadcast %gt3A : f32 to vector<16xf32>
        %gt3A_832 = arith.cmpf ogt, %gather3A_829, %gt3A_831 : vector<16xf32>
        %and3A = vector.broadcast %lt3A_830 : i1 to vector<16xi1>
        %and3A_833 = arith.andi %and3A, %gt3A_832 : vector<16xi1>
        %get3A_834 = arith.index_cast %scan3A_823 : i32 to index
        %get3A_835 = arith.constant 0 : index
        %get3A_836 = tpu.vector_load %arg12[%get3A_834, %get3A_835] {strides = array<i32>} : memref<128x80xf32, #tpu.memory_space<vmem>>, vector<16xf32>,
        %select_n3A_837 = arith.select %and3A_833, %get3A_836, %broadcast_in_dim3A_7 : vector<16xi1>, vector<16xf32>
        %mul3A_838 = arith.constant 80 : i32
        %mul3A_839 = arith.muli %scan3A_823, %mul3A_838 : i32
        %add3A_840 = arith.constant 0 : i32
        %add3A_841 = arith.addi %mul3A_839, %add3A_840 : i32
        %swap3A_842 = arith.index_cast %add3A_841 : i32 to index
        %swap3A_843 = tpu.vector_load %arg13[%swap3A_842] {strides = array<i32>} : memref<10240xf32, #tpu.memory_space<vmem>>, vector<16xf32>,
        tpu.vector_store %arg13[%swap3A_842], %select_n3A_837 {strides = array<i32>} : memref<10240xf32, #tpu.memory_space<vmem>>, vector<16xf32>,
        %get3A_844 = arith.index_cast %scan3A_823 : i32 to index
        %get3A_845 = arith.constant 16 : index
        %get3A_846 = tpu.vector_load %arg12[%get3A_844, %get3A_845] {strides = array<i32>} : memref<128x80xf32, #tpu.memory_space<vmem>>, vector<16xf32>,
        %select_n3A_847 = arith.select %and3A_833, %get3A_846, %broadcast_in_dim3A_7 : vector<16xi1>, vector<16xf32>
        %mul3A_848 = arith.constant 80 : i32
        %mul3A_849 = arith.muli %scan3A_823, %mul3A_848 : i32
        %add3A_850 = arith.constant 16 : i32
        %add3A_851 = arith.addi %mul3A_849, %add3A_850 : i32
        %swap3A_852 = arith.index_cast %add3A_851 : i32 to index
        %swap3A_853 = tpu.vector_load %arg13[%swap3A_852] {strides = array<i32>} : memref<10240xf32, #tpu.memory_space<vmem>>, vector<16xf32>,
        tpu.vector_store %arg13[%swap3A_852], %select_n3A_847 {strides = array<i32>} : memref<10240xf32, #tpu.memory_space<vmem>>, vector<16xf32>,
        %get3A_854 = arith.index_cast %scan3A_823 : i32 to index
        %get3A_855 = arith.constant 32 : index
        %get3A_856 = tpu.vector_load %arg12[%get3A_854, %get3A_855] {strides = array<i32>} : memref<128x80xf32, #tpu.memory_space<vmem>>, vector<16xf32>,
        %select_n3A_857 = arith.select %and3A_833, %get3A_856, %broadcast_in_dim3A_7 : vector<16xi1>, vector<16xf32>
        %mul3A_858 = arith.constant 80 : i32
        %mul3A_859 = arith.muli %scan3A_823, %mul3A_858 : i32
        %add3A_860 = arith.constant 32 : i32
        %add3A_861 = arith.addi %mul3A_859, %add3A_860 : i32
        %swap3A_862 = arith.index_cast %add3A_861 : i32 to index
        %swap3A_863 = tpu.vector_load %arg13[%swap3A_862] {strides = array<i32>} : memref<10240xf32, #tpu.memory_space<vmem>>, vector<16xf32>,
        tpu.vector_store %arg13[%swap3A_862], %select_n3A_857 {strides = array<i32>} : memref<10240xf32, #tpu.memory_space<vmem>>, vector<16xf32>,
        %get3A_864 = arith.index_cast %scan3A_823 : i32 to index
        %get3A_865 = arith.constant 48 : index
        %get3A_866 = tpu.vector_load %arg12[%get3A_864, %get3A_865] {strides = array<i32>} : memref<128x80xf32, #tpu.memory_space<vmem>>, vector<16xf32>,
        %select_n3A_867 = arith.select %and3A_833, %get3A_866, %broadcast_in_dim3A_7 : vector<16xi1>, vector<16xf32>
        %mul3A_868 = arith.constant 80 : i32
        %mul3A_869 = arith.muli %scan3A_823, %mul3A_868 : i32
        %add3A_870 = arith.constant 48 : i32
        %add3A_871 = arith.addi %mul3A_869, %add3A_870 : i32
        %swap3A_872 = arith.index_cast %add3A_871 : i32 to index
        %swap3A_873 = tpu.vector_load %arg13[%swap3A_872] {strides = array<i32>} : memref<10240xf32, #tpu.memory_space<vmem>>, vector<16xf32>,
        tpu.vector_store %arg13[%swap3A_872], %select_n3A_867 {strides = array<i32>} : memref<10240xf32, #tpu.memory_space<vmem>>, vector<16xf32>,
        %get3A_874 = arith.index_cast %scan3A_823 : i32 to index
        %get3A_875 = arith.constant 64 : index
        %get3A_876 = tpu.vector_load %arg12[%get3A_874, %get3A_875] {strides = array<i32>} : memref<128x80xf32, #tpu.memory_space<vmem>>, vector<16xf32>,
        %select_n3A_877 = arith.select %and3A_833, %get3A_876, %broadcast_in_dim3A_7 : vector<16xi1>, vector<16xf32>
        %mul3A_878 = arith.constant 80 : i32
        %mul3A_879 = arith.muli %scan3A_823, %mul3A_878 : i32
        %add3A_880 = arith.constant 64 : i32
        %add3A_881 = arith.addi %mul3A_879, %add3A_880 : i32
        %swap3A_882 = arith.index_cast %add3A_881 : i32 to index
        %swap3A_883 = tpu.vector_load %arg13[%swap3A_882] {strides = array<i32>} : memref<10240xf32, #tpu.memory_space<vmem>>, vector<16xf32>,
        tpu.vector_store %arg13[%swap3A_882], %select_n3A_877 {strides = array<i32>} : memref<10240xf32, #tpu.memory_space<vmem>>, vector<16xf32>,
        %scan3A_884 = arith.constant 0 : i32
        scf.yield %scan3A_884 : i32
      }
      %scan3A_277 = arith.constant 128 : i32
      %iota3A_278 = tpu.iota {dimensions = array<i32: 0>} : vector<16xi32>
      %broadcast_in_dim3A_279 = arith.constant 1 : i32
      %broadcast_in_dim3A_280 = vector.broadcast %broadcast_in_dim3A_279 : i32 to vector<16xi32>
      %broadcast_in_dim3A_281 = arith.constant 0 : i32
      %broadcast_in_dim3A_282 = vector.broadcast %broadcast_in_dim3A_281 : i32 to vector<16xi32>
      %scan3A_283 = arith.constant 0 : i32
      %scan3A_284 = arith.constant 0 : i32
      %scan3A_285 = arith.constant 256 : i32
      %scan3A_286 = arith.addi %scan3A_284, %scan3A_285 : i32
      %scan3A_287 = arith.constant 1 : i32
      %scan3A_288 = scf.for %scan3A_823 = %scan3A_284 to %scan3A_286 step %scan3A_287 iter_args(%scan3A_824 = %scan3A_283) -> (i32)  : i32 {
        %mul3A_825 = arith.constant 16 : i32
        %mul3A_826 = arith.muli %scan3A_823, %mul3A_825 : i32
        %swap3A_827 = arith.index_cast %mul3A_826 : i32 to index
        %swap3A_828 = tpu.vector_load %arg9[%swap3A_827] {strides = array<i32>} : memref<4096xi32, #tpu.memory_space<vmem>>, vector<16xi32>,
        tpu.vector_store %arg9[%swap3A_827], %broadcast_in_dim3A_282 {strides = array<i32>} : memref<4096xi32, #tpu.memory_space<vmem>>, vector<16xi32>,
        %scan3A_829 = arith.constant 0 : i32
        scf.yield %scan3A_829 : i32
      }
      %scan3A_289 = arith.constant 256 : i32
      %scan3A_290 = arith.constant 0 : i32
      %scan3A_291 = arith.constant 0 : i32
      %scan3A_292 = arith.constant 640 : i32
      %scan3A_293 = arith.addi %scan3A_291, %scan3A_292 : i32
      %scan3A_294 = arith.constant 1 : i32
      %scan3A_295 = scf.for %scan3A_823 = %scan3A_291 to %scan3A_293 step %scan3A_294 iter_args(%scan3A_824 = %scan3A_290) -> (i32)  : i32 {
        %mul3A_825 = arith.constant 16 : i32
        %mul3A_826 = arith.muli %scan3A_823, %mul3A_825 : i32
        %get3A_827 = arith.index_cast %mul3A_826 : i32 to index
        %get3A_828 = tpu.vector_load %arg13[%get3A_827] {strides = array<i32>} : memref<10240xf32, #tpu.memory_space<vmem>>, vector<16xf32>,
        %bitcast_convert_type3A = tpu.bitcast %get3A_828 : vector<16xf32> -> vector<16xi32>
        %lt3A_829 = arith.constant 0.000000e+00 : f32
        %lt3A_830 = vector.broadcast %lt3A_829 : f32 to vector<16xf32>
        %lt3A_831 = arith.cmpf olt, %get3A_828, %lt3A_830 : vector<16xf32>
        %jit3A_832 = arith.constant -1 : i32
        %jit3A_833 = arith.constant -2147483648 : i32
        %broadcast_in_dim3A_834 = vector.broadcast %jit3A_832 : i32 to vector<16xi32>
        %broadcast_in_dim3A_835 = vector.broadcast %jit3A_833 : i32 to vector<16xi32>
        %select_n3A_836 = arith.select %lt3A_831, %broadcast_in_dim3A_834, %broadcast_in_dim3A_835 : vector<16xi1>, vector<16xi32>
        %xor3A = arith.xori %bitcast_convert_type3A, %select_n3A_836 : vector<16xi32>
        %shift_right_logical3A = arith.constant 24 : i32
        %shift_right_logical3A_837 = vector.broadcast %shift_right_logical3A : i32 to vector<16xi32>
        %shift_right_logical3A_838 = arith.shrui %xor3A, %shift_right_logical3A_837 : vector<16xi32>
        %and3A = arith.constant 255 : i32
        %and3A_839 = vector.broadcast %and3A : i32 to vector<16xi32>
        %and3A_840 = arith.andi %shift_right_logical3A_838, %and3A_839 : vector<16xi32>
        %mul3A_841 = arith.constant 16 : i32
        %mul3A_842 = vector.broadcast %mul3A_841 : i32 to vector<16xi32>
        %mul3A_843 = arith.muli %and3A_840, %mul3A_842 : vector<16xi32>
        %add3A_844 = arith.addi %mul3A_843, %iota3A_278 : vector<16xi32>
        tpu.vector_store_idx %arg9[%add3A_844], %broadcast_in_dim3A_280 {add = true} : memref<4096xi32, #tpu.memory_space<vmem>>[vector<16xi32>], vector<16xi32>,
        %scan3A_845 = arith.constant 0 : i32
        scf.yield %scan3A_845 : i32
      }
      %scan3A_296 = arith.constant 640 : i32
      %scan3A_297 = arith.constant 0 : i32
      %scan3A_298 = arith.constant 256 : i32
      %scan3A_299 = arith.addi %scan3A_297, %scan3A_298 : i32
      %scan3A_300 = arith.constant 1 : i32
      %scan3A_301 = scf.for %scan3A_823 = %scan3A_297 to %scan3A_299 step %scan3A_300 iter_args(%scan3A_824 = %broadcast_in_dim3A_282) -> (vector<16xi32>)  : i32 {
        %sub3A_825 = arith.constant 255 : i32
        %sub3A_826 = arith.subi %sub3A_825, %scan3A_823 : i32
        %mul3A_827 = arith.constant 16 : i32
        %mul3A_828 = arith.muli %sub3A_826, %mul3A_827 : i32
        %get3A_829 = arith.index_cast %mul3A_828 : i32 to index
        %get3A_830 = tpu.vector_load %arg9[%get3A_829] {strides = array<i32>} : memref<4096xi32, #tpu.memory_space<vmem>>, vector<16xi32>,
        %add3A_831 = arith.addi %scan3A_824, %get3A_830 : vector<16xi32>
        %mul3A_832 = arith.constant 16 : i32
        %mul3A_833 = arith.muli %sub3A_826, %mul3A_832 : i32
        %swap3A_834 = arith.index_cast %mul3A_833 : i32 to index
        %swap3A_835 = tpu.vector_load %arg10[%swap3A_834] {strides = array<i32>} : memref<4096xi32, #tpu.memory_space<vmem>>, vector<16xi32>,
        tpu.vector_store %arg10[%swap3A_834], %add3A_831 {strides = array<i32>} : memref<4096xi32, #tpu.memory_space<vmem>>, vector<16xi32>,
        scf.yield %add3A_831 : vector<16xi32>
      }
      %scan3A_302 = arith.constant 256 : i32
      %scan3A_303 = arith.constant 100 : i32
      %scan3A_304 = arith.constant 0 : i32
      %scan3A_305 = arith.constant 256 : i32
      %scan3A_306 = arith.constant 0 : i32
      %scan3A_307 = arith.constant 8 : i32
      %scan3A_308 = arith.addi %scan3A_306, %scan3A_307 : i32
      %scan3A_309 = arith.constant 1 : i32
      %scan3A_310:2 = scf.for %scan3A_823 = %scan3A_306 to %scan3A_308 step %scan3A_309 iter_args(%scan3A_824 = %scan3A_304, %scan3A_825 = %scan3A_305) -> (i32, i32)  : i32 {
        %add3A_826 = arith.addi %scan3A_824, %scan3A_825 : i32
        %jit3A_827 = arith.constant 2 : i32
        %div3A_828 = arith.divsi %add3A_826, %jit3A_827 : i32
        %sign3A = arith.constant 0 : i32
        %sign3A_829 = arith.cmpi sgt, %add3A_826, %sign3A : i32
        %sign3A_830 = arith.extui %sign3A_829 : i1 to i32
        %sign3A_831 = arith.constant 0 : i32
        %sign3A_832 = arith.cmpi slt, %add3A_826, %sign3A_831 : i32
        %sign3A_833 = arith.extui %sign3A_832 : i1 to i32
        %sign3A_834 = arith.subi %sign3A_830, %sign3A_833 : i32
        %sign3A_835 = arith.constant 0 : i32
        %sign3A_836 = arith.cmpi sgt, %jit3A_827, %sign3A_835 : i32
        %sign3A_837 = arith.extui %sign3A_836 : i1 to i32
        %sign3A_838 = arith.constant 0 : i32
        %sign3A_839 = arith.cmpi slt, %jit3A_827, %sign3A_838 : i32
        %sign3A_840 = arith.extui %sign3A_839 : i1 to i32
        %sign3A_841 = arith.subi %sign3A_837, %sign3A_840 : i32
        %ne3A = arith.cmpi ne, %sign3A_834, %sign3A_841 : i32
        %rem3A_842 = arith.remsi %add3A_826, %jit3A_827 : i32
        %ne3A_843 = arith.constant 0 : i32
        %ne3A_844 = arith.cmpi ne, %rem3A_842, %ne3A_843 : i32
        %and3A = arith.andi %ne3A, %ne3A_844 : i1
        %sub3A_845 = arith.constant 1 : i32
        %sub3A_846 = arith.subi %div3A_828, %sub3A_845 : i32
        %select_n3A_847 = arith.select %and3A, %sub3A_846, %div3A_828 : i32
        %mul3A_848 = arith.constant 16 : i32
        %mul3A_849 = arith.muli %select_n3A_847, %mul3A_848 : i32
        %get3A_850 = arith.index_cast %mul3A_849 : i32 to index
        %get3A_851 = tpu.vector_load %arg10[%get3A_850] {strides = array<i32>} : memref<4096xi32, #tpu.memory_space<vmem>>, vector<16xi32>,
        %reduce_sum3A_852 = arith.constant true
        %reduce_sum3A_853 = vector.broadcast %reduce_sum3A_852 : i1 to vector<16xi1>
        %reduce_sum3A_854 = tpu.scan <sum>, %get3A_851 masked %reduce_sum3A_853 : vector<16xi32>, vector<16xi1> -> vector<16xi32>
        %reduce_sum3A_855 = vector.extract %reduce_sum3A_854[15] : i32 from vector<16xi32>
        %ge3A_856 = arith.cmpi sge, %reduce_sum3A_855, %scan3A_303 : i32
        %select_n3A_857 = arith.select %ge3A_856, %select_n3A_847, %scan3A_824 : i32
        %select_n3A_858 = arith.select %ge3A_856, %scan3A_825, %select_n3A_847 : i32
        scf.yield %select_n3A_857, %select_n3A_858 : i32, i32
      }
      %scan3A_311 = arith.constant 8 : i32
      %add3A_312 = arith.constant 1 : i32
      %add3A_313 = arith.addi %scan3A_310#0, %add3A_312 : i32
      %min3A_314 = arith.constant 255 : i32
      %min3A_315 = arith.minsi %add3A_313, %min3A_314 : i32
      %ge3A_316 = arith.constant 255 : i32
      %ge3A_317 = arith.cmpi sge, %scan3A_310#0, %ge3A_316 : i32
      %mul3A_318 = arith.constant 16 : i32
      %mul3A_319 = arith.muli %min3A_315, %mul3A_318 : i32
      %get3A_320 = arith.index_cast %mul3A_319 : i32 to index
      %get3A_321 = tpu.vector_load %arg10[%get3A_320] {strides = array<i32>} : memref<4096xi32, #tpu.memory_space<vmem>>, vector<16xi32>,
      %reduce_sum3A_322 = arith.constant true
      %reduce_sum3A_323 = vector.broadcast %reduce_sum3A_322 : i1 to vector<16xi1>
      %reduce_sum3A_324 = tpu.scan <sum>, %get3A_321 masked %reduce_sum3A_323 : vector<16xi32>, vector<16xi1> -> vector<16xi32>
      %reduce_sum3A_325 = vector.extract %reduce_sum3A_324[15] : i32 from vector<16xi32>
      %jit3A_326 = arith.constant 0 : i32
      %select_n3A_327 = arith.select %ge3A_317, %jit3A_326, %reduce_sum3A_325 : i32
      %sub3A_328 = arith.constant 100 : i32
      %sub3A_329 = arith.subi %sub3A_328, %select_n3A_327 : i32
      %shift_left3A_330 = arith.constant 24 : i32
      %shift_left3A_331 = arith.shli %scan3A_310#0, %shift_left3A_330 : i32
      %or3A_332 = arith.constant 0 : i32
      %or3A_333 = arith.ori %or3A_332, %shift_left3A_331 : i32
      %scan3A_334 = arith.constant 0 : i32
      %scan3A_335 = arith.constant 0 : i32
      %scan3A_336 = arith.constant 256 : i32
      %scan3A_337 = arith.addi %scan3A_335, %scan3A_336 : i32
      %scan3A_338 = arith.constant 1 : i32
      %scan3A_339 = scf.for %scan3A_823 = %scan3A_335 to %scan3A_337 step %scan3A_338 iter_args(%scan3A_824 = %scan3A_334) -> (i32)  : i32 {
        %mul3A_825 = arith.constant 16 : i32
        %mul3A_826 = arith.muli %scan3A_823, %mul3A_825 : i32
        %swap3A_827 = arith.index_cast %mul3A_826 : i32 to index
        %swap3A_828 = tpu.vector_load %arg9[%swap3A_827] {strides = array<i32>} : memref<4096xi32, #tpu.memory_space<vmem>>, vector<16xi32>,
        tpu.vector_store %arg9[%swap3A_827], %broadcast_in_dim3A_282 {strides = array<i32>} : memref<4096xi32, #tpu.memory_space<vmem>>, vector<16xi32>,
        %scan3A_829 = arith.constant 0 : i32
        scf.yield %scan3A_829 : i32
      }
      %scan3A_340 = arith.constant 256 : i32
      %scan3A_341 = arith.constant 0 : i32
      %scan3A_342 = arith.constant 0 : i32
      %scan3A_343 = arith.constant 640 : i32
      %scan3A_344 = arith.addi %scan3A_342, %scan3A_343 : i32
      %scan3A_345 = arith.constant 1 : i32
      %scan3A_346 = scf.for %scan3A_823 = %scan3A_342 to %scan3A_344 step %scan3A_345 iter_args(%scan3A_824 = %scan3A_341) -> (i32)  : i32 {
        %mul3A_825 = arith.constant 16 : i32
        %mul3A_826 = arith.muli %scan3A_823, %mul3A_825 : i32
        %get3A_827 = arith.index_cast %mul3A_826 : i32 to index
        %get3A_828 = tpu.vector_load %arg13[%get3A_827] {strides = array<i32>} : memref<10240xf32, #tpu.memory_space<vmem>>, vector<16xf32>,
        %bitcast_convert_type3A = tpu.bitcast %get3A_828 : vector<16xf32> -> vector<16xi32>
        %lt3A_829 = arith.constant 0.000000e+00 : f32
        %lt3A_830 = vector.broadcast %lt3A_829 : f32 to vector<16xf32>
        %lt3A_831 = arith.cmpf olt, %get3A_828, %lt3A_830 : vector<16xf32>
        %jit3A_832 = arith.constant -1 : i32
        %jit3A_833 = arith.constant -2147483648 : i32
        %broadcast_in_dim3A_834 = vector.broadcast %jit3A_832 : i32 to vector<16xi32>
        %broadcast_in_dim3A_835 = vector.broadcast %jit3A_833 : i32 to vector<16xi32>
        %select_n3A_836 = arith.select %lt3A_831, %broadcast_in_dim3A_834, %broadcast_in_dim3A_835 : vector<16xi1>, vector<16xi32>
        %xor3A = arith.xori %bitcast_convert_type3A, %select_n3A_836 : vector<16xi32>
        %shift_right_logical3A = arith.constant 16 : i32
        %shift_right_logical3A_837 = vector.broadcast %shift_right_logical3A : i32 to vector<16xi32>
        %shift_right_logical3A_838 = arith.shrui %xor3A, %shift_right_logical3A_837 : vector<16xi32>
        %and3A = arith.constant 255 : i32
        %and3A_839 = vector.broadcast %and3A : i32 to vector<16xi32>
        %and3A_840 = arith.andi %shift_right_logical3A_838, %and3A_839 : vector<16xi32>
        %mul3A_841 = arith.constant 16 : i32
        %mul3A_842 = vector.broadcast %mul3A_841 : i32 to vector<16xi32>
        %mul3A_843 = arith.muli %and3A_840, %mul3A_842 : vector<16xi32>
        %add3A_844 = arith.addi %mul3A_843, %iota3A_278 : vector<16xi32>
        %shift_right_logical3A_845 = arith.constant 24 : i32
        %shift_right_logical3A_846 = vector.broadcast %shift_right_logical3A_845 : i32 to vector<16xi32>
        %shift_right_logical3A_847 = arith.shrui %xor3A, %shift_right_logical3A_846 : vector<16xi32>
        %shift_right_logical3A_848 = arith.constant 24 : i32
        %shift_right_logical3A_849 = arith.shrui %or3A_333, %shift_right_logical3A_848 : i32
        %eq3A_850 = vector.broadcast %shift_right_logical3A_849 : i32 to vector<16xi32>
        %eq3A_851 = arith.cmpi eq, %shift_right_logical3A_847, %eq3A_850 : vector<16xi32>
        tpu.vector_store_idx %arg9[%add3A_844], %broadcast_in_dim3A_280 masked %eq3A_851 {add = true} : memref<4096xi32, #tpu.memory_space<vmem>>[vector<16xi32>], vector<16xi32>, vector<16xi1>
        %scan3A_852 = arith.constant 0 : i32
        scf.yield %scan3A_852 : i32
      }
      %scan3A_347 = arith.constant 640 : i32
      %scan3A_348 = arith.constant 0 : i32
      %scan3A_349 = arith.constant 256 : i32
      %scan3A_350 = arith.addi %scan3A_348, %scan3A_349 : i32
      %scan3A_351 = arith.constant 1 : i32
      %scan3A_352 = scf.for %scan3A_823 = %scan3A_348 to %scan3A_350 step %scan3A_351 iter_args(%scan3A_824 = %broadcast_in_dim3A_282) -> (vector<16xi32>)  : i32 {
        %sub3A_825 = arith.constant 255 : i32
        %sub3A_826 = arith.subi %sub3A_825, %scan3A_823 : i32
        %mul3A_827 = arith.constant 16 : i32
        %mul3A_828 = arith.muli %sub3A_826, %mul3A_827 : i32
        %get3A_829 = arith.index_cast %mul3A_828 : i32 to index
        %get3A_830 = tpu.vector_load %arg9[%get3A_829] {strides = array<i32>} : memref<4096xi32, #tpu.memory_space<vmem>>, vector<16xi32>,
        %add3A_831 = arith.addi %scan3A_824, %get3A_830 : vector<16xi32>
        %mul3A_832 = arith.constant 16 : i32
        %mul3A_833 = arith.muli %sub3A_826, %mul3A_832 : i32
        %swap3A_834 = arith.index_cast %mul3A_833 : i32 to index
        %swap3A_835 = tpu.vector_load %arg10[%swap3A_834] {strides = array<i32>} : memref<4096xi32, #tpu.memory_space<vmem>>, vector<16xi32>,
        tpu.vector_store %arg10[%swap3A_834], %add3A_831 {strides = array<i32>} : memref<4096xi32, #tpu.memory_space<vmem>>, vector<16xi32>,
        scf.yield %add3A_831 : vector<16xi32>
      }
      %scan3A_353 = arith.constant 256 : i32
      %scan3A_354 = arith.constant 0 : i32
      %scan3A_355 = arith.constant 256 : i32
      %scan3A_356 = arith.constant 0 : i32
      %scan3A_357 = arith.constant 8 : i32
      %scan3A_358 = arith.addi %scan3A_356, %scan3A_357 : i32
      %scan3A_359 = arith.constant 1 : i32
      %scan3A_360:2 = scf.for %scan3A_823 = %scan3A_356 to %scan3A_358 step %scan3A_359 iter_args(%scan3A_824 = %scan3A_354, %scan3A_825 = %scan3A_355) -> (i32, i32)  : i32 {
        %add3A_826 = arith.addi %scan3A_824, %scan3A_825 : i32
        %jit3A_827 = arith.constant 2 : i32
        %div3A_828 = arith.divsi %add3A_826, %jit3A_827 : i32
        %sign3A = arith.constant 0 : i32
        %sign3A_829 = arith.cmpi sgt, %add3A_826, %sign3A : i32
        %sign3A_830 = arith.extui %sign3A_829 : i1 to i32
        %sign3A_831 = arith.constant 0 : i32
        %sign3A_832 = arith.cmpi slt, %add3A_826, %sign3A_831 : i32
        %sign3A_833 = arith.extui %sign3A_832 : i1 to i32
        %sign3A_834 = arith.subi %sign3A_830, %sign3A_833 : i32
        %sign3A_835 = arith.constant 0 : i32
        %sign3A_836 = arith.cmpi sgt, %jit3A_827, %sign3A_835 : i32
        %sign3A_837 = arith.extui %sign3A_836 : i1 to i32
        %sign3A_838 = arith.constant 0 : i32
        %sign3A_839 = arith.cmpi slt, %jit3A_827, %sign3A_838 : i32
        %sign3A_840 = arith.extui %sign3A_839 : i1 to i32
        %sign3A_841 = arith.subi %sign3A_837, %sign3A_840 : i32
        %ne3A = arith.cmpi ne, %sign3A_834, %sign3A_841 : i32
        %rem3A_842 = arith.remsi %add3A_826, %jit3A_827 : i32
        %ne3A_843 = arith.constant 0 : i32
        %ne3A_844 = arith.cmpi ne, %rem3A_842, %ne3A_843 : i32
        %and3A = arith.andi %ne3A, %ne3A_844 : i1
        %sub3A_845 = arith.constant 1 : i32
        %sub3A_846 = arith.subi %div3A_828, %sub3A_845 : i32
        %select_n3A_847 = arith.select %and3A, %sub3A_846, %div3A_828 : i32
        %mul3A_848 = arith.constant 16 : i32
        %mul3A_849 = arith.muli %select_n3A_847, %mul3A_848 : i32
        %get3A_850 = arith.index_cast %mul3A_849 : i32 to index
        %get3A_851 = tpu.vector_load %arg10[%get3A_850] {strides = array<i32>} : memref<4096xi32, #tpu.memory_space<vmem>>, vector<16xi32>,
        %reduce_sum3A_852 = arith.constant true
        %reduce_sum3A_853 = vector.broadcast %reduce_sum3A_852 : i1 to vector<16xi1>
        %reduce_sum3A_854 = tpu.scan <sum>, %get3A_851 masked %reduce_sum3A_853 : vector<16xi32>, vector<16xi1> -> vector<16xi32>
        %reduce_sum3A_855 = vector.extract %reduce_sum3A_854[15] : i32 from vector<16xi32>
        %ge3A_856 = arith.cmpi sge, %reduce_sum3A_855, %sub3A_329 : i32
        %select_n3A_857 = arith.select %ge3A_856, %select_n3A_847, %scan3A_824 : i32
        %select_n3A_858 = arith.select %ge3A_856, %scan3A_825, %select_n3A_847 : i32
        scf.yield %select_n3A_857, %select_n3A_858 : i32, i32
      }
      %scan3A_361 = arith.constant 8 : i32
      %add3A_362 = arith.constant 1 : i32
      %add3A_363 = arith.addi %scan3A_360#0, %add3A_362 : i32
      %min3A_364 = arith.constant 255 : i32
      %min3A_365 = arith.minsi %add3A_363, %min3A_364 : i32
      %ge3A_366 = arith.constant 255 : i32
      %ge3A_367 = arith.cmpi sge, %scan3A_360#0, %ge3A_366 : i32
      %mul3A_368 = arith.constant 16 : i32
      %mul3A_369 = arith.muli %min3A_365, %mul3A_368 : i32
      %get3A_370 = arith.index_cast %mul3A_369 : i32 to index
      %get3A_371 = tpu.vector_load %arg10[%get3A_370] {strides = array<i32>} : memref<4096xi32, #tpu.memory_space<vmem>>, vector<16xi32>,
      %reduce_sum3A_372 = arith.constant true
      %reduce_sum3A_373 = vector.broadcast %reduce_sum3A_372 : i1 to vector<16xi1>
      %reduce_sum3A_374 = tpu.scan <sum>, %get3A_371 masked %reduce_sum3A_373 : vector<16xi32>, vector<16xi1> -> vector<16xi32>
      %reduce_sum3A_375 = vector.extract %reduce_sum3A_374[15] : i32 from vector<16xi32>
      %jit3A_376 = arith.constant 0 : i32
      %select_n3A_377 = arith.select %ge3A_367, %jit3A_376, %reduce_sum3A_375 : i32
      %sub3A_378 = arith.subi %sub3A_329, %select_n3A_377 : i32
      %shift_left3A_379 = arith.constant 16 : i32
      %shift_left3A_380 = arith.shli %scan3A_360#0, %shift_left3A_379 : i32
      %or3A_381 = arith.ori %or3A_333, %shift_left3A_380 : i32
      %scan3A_382 = arith.constant 0 : i32
      %scan3A_383 = arith.constant 0 : i32
      %scan3A_384 = arith.constant 256 : i32
      %scan3A_385 = arith.addi %scan3A_383, %scan3A_384 : i32
      %scan3A_386 = arith.constant 1 : i32
      %scan3A_387 = scf.for %scan3A_823 = %scan3A_383 to %scan3A_385 step %scan3A_386 iter_args(%scan3A_824 = %scan3A_382) -> (i32)  : i32 {
        %mul3A_825 = arith.constant 16 : i32
        %mul3A_826 = arith.muli %scan3A_823, %mul3A_825 : i32
        %swap3A_827 = arith.index_cast %mul3A_826 : i32 to index
        %swap3A_828 = tpu.vector_load %arg9[%swap3A_827] {strides = array<i32>} : memref<4096xi32, #tpu.memory_space<vmem>>, vector<16xi32>,
        tpu.vector_store %arg9[%swap3A_827], %broadcast_in_dim3A_282 {strides = array<i32>} : memref<4096xi32, #tpu.memory_space<vmem>>, vector<16xi32>,
        %scan3A_829 = arith.constant 0 : i32
        scf.yield %scan3A_829 : i32
      }
      %scan3A_388 = arith.constant 256 : i32
      %scan3A_389 = arith.constant 0 : i32
      %scan3A_390 = arith.constant 0 : i32
      %scan3A_391 = arith.constant 640 : i32
      %scan3A_392 = arith.addi %scan3A_390, %scan3A_391 : i32
      %scan3A_393 = arith.constant 1 : i32
      %scan3A_394 = scf.for %scan3A_823 = %scan3A_390 to %scan3A_392 step %scan3A_393 iter_args(%scan3A_824 = %scan3A_389) -> (i32)  : i32 {
        %mul3A_825 = arith.constant 16 : i32
        %mul3A_826 = arith.muli %scan3A_823, %mul3A_825 : i32
        %get3A_827 = arith.index_cast %mul3A_826 : i32 to index
        %get3A_828 = tpu.vector_load %arg13[%get3A_827] {strides = array<i32>} : memref<10240xf32, #tpu.memory_space<vmem>>, vector<16xf32>,
        %bitcast_convert_type3A = tpu.bitcast %get3A_828 : vector<16xf32> -> vector<16xi32>
        %lt3A_829 = arith.constant 0.000000e+00 : f32
        %lt3A_830 = vector.broadcast %lt3A_829 : f32 to vector<16xf32>
        %lt3A_831 = arith.cmpf olt, %get3A_828, %lt3A_830 : vector<16xf32>
        %jit3A_832 = arith.constant -1 : i32
        %jit3A_833 = arith.constant -2147483648 : i32
        %broadcast_in_dim3A_834 = vector.broadcast %jit3A_832 : i32 to vector<16xi32>
        %broadcast_in_dim3A_835 = vector.broadcast %jit3A_833 : i32 to vector<16xi32>
        %select_n3A_836 = arith.select %lt3A_831, %broadcast_in_dim3A_834, %broadcast_in_dim3A_835 : vector<16xi1>, vector<16xi32>
        %xor3A = arith.xori %bitcast_convert_type3A, %select_n3A_836 : vector<16xi32>
        %shift_right_logical3A = arith.constant 8 : i32
        %shift_right_logical3A_837 = vector.broadcast %shift_right_logical3A : i32 to vector<16xi32>
        %shift_right_logical3A_838 = arith.shrui %xor3A, %shift_right_logical3A_837 : vector<16xi32>
        %and3A = arith.constant 255 : i32
        %and3A_839 = vector.broadcast %and3A : i32 to vector<16xi32>
        %and3A_840 = arith.andi %shift_right_logical3A_838, %and3A_839 : vector<16xi32>
        %mul3A_841 = arith.constant 16 : i32
        %mul3A_842 = vector.broadcast %mul3A_841 : i32 to vector<16xi32>
        %mul3A_843 = arith.muli %and3A_840, %mul3A_842 : vector<16xi32>
        %add3A_844 = arith.addi %mul3A_843, %iota3A_278 : vector<16xi32>
        %shift_right_logical3A_845 = arith.constant 16 : i32
        %shift_right_logical3A_846 = vector.broadcast %shift_right_logical3A_845 : i32 to vector<16xi32>
        %shift_right_logical3A_847 = arith.shrui %xor3A, %shift_right_logical3A_846 : vector<16xi32>
        %shift_right_logical3A_848 = arith.constant 16 : i32
        %shift_right_logical3A_849 = arith.shrui %or3A_381, %shift_right_logical3A_848 : i32
        %eq3A_850 = vector.broadcast %shift_right_logical3A_849 : i32 to vector<16xi32>
        %eq3A_851 = arith.cmpi eq, %shift_right_logical3A_847, %eq3A_850 : vector<16xi32>
        tpu.vector_store_idx %arg9[%add3A_844], %broadcast_in_dim3A_280 masked %eq3A_851 {add = true} : memref<4096xi32, #tpu.memory_space<vmem>>[vector<16xi32>], vector<16xi32>, vector<16xi1>
        %scan3A_852 = arith.constant 0 : i32
        scf.yield %scan3A_852 : i32
      }
      %scan3A_395 = arith.constant 640 : i32
      %scan3A_396 = arith.constant 0 : i32
      %scan3A_397 = arith.constant 256 : i32
      %scan3A_398 = arith.addi %scan3A_396, %scan3A_397 : i32
      %scan3A_399 = arith.constant 1 : i32
      %scan3A_400 = scf.for %scan3A_823 = %scan3A_396 to %scan3A_398 step %scan3A_399 iter_args(%scan3A_824 = %broadcast_in_dim3A_282) -> (vector<16xi32>)  : i32 {
        %sub3A_825 = arith.constant 255 : i32
        %sub3A_826 = arith.subi %sub3A_825, %scan3A_823 : i32
        %mul3A_827 = arith.constant 16 : i32
        %mul3A_828 = arith.muli %sub3A_826, %mul3A_827 : i32
        %get3A_829 = arith.index_cast %mul3A_828 : i32 to index
        %get3A_830 = tpu.vector_load %arg9[%get3A_829] {strides = array<i32>} : memref<4096xi32, #tpu.memory_space<vmem>>, vector<16xi32>,
        %add3A_831 = arith.addi %scan3A_824, %get3A_830 : vector<16xi32>
        %mul3A_832 = arith.constant 16 : i32
        %mul3A_833 = arith.muli %sub3A_826, %mul3A_832 : i32
        %swap3A_834 = arith.index_cast %mul3A_833 : i32 to index
        %swap3A_835 = tpu.vector_load %arg10[%swap3A_834] {strides = array<i32>} : memref<4096xi32, #tpu.memory_space<vmem>>, vector<16xi32>,
        tpu.vector_store %arg10[%swap3A_834], %add3A_831 {strides = array<i32>} : memref<4096xi32, #tpu.memory_space<vmem>>, vector<16xi32>,
        scf.yield %add3A_831 : vector<16xi32>
      }
      %scan3A_401 = arith.constant 256 : i32
      %scan3A_402 = arith.constant 0 : i32
      %scan3A_403 = arith.constant 256 : i32
      %scan3A_404 = arith.constant 0 : i32
      %scan3A_405 = arith.constant 8 : i32
      %scan3A_406 = arith.addi %scan3A_404, %scan3A_405 : i32
      %scan3A_407 = arith.constant 1 : i32
      %scan3A_408:2 = scf.for %scan3A_823 = %scan3A_404 to %scan3A_406 step %scan3A_407 iter_args(%scan3A_824 = %scan3A_402, %scan3A_825 = %scan3A_403) -> (i32, i32)  : i32 {
        %add3A_826 = arith.addi %scan3A_824, %scan3A_825 : i32
        %jit3A_827 = arith.constant 2 : i32
        %div3A_828 = arith.divsi %add3A_826, %jit3A_827 : i32
        %sign3A = arith.constant 0 : i32
        %sign3A_829 = arith.cmpi sgt, %add3A_826, %sign3A : i32
        %sign3A_830 = arith.extui %sign3A_829 : i1 to i32
        %sign3A_831 = arith.constant 0 : i32
        %sign3A_832 = arith.cmpi slt, %add3A_826, %sign3A_831 : i32
        %sign3A_833 = arith.extui %sign3A_832 : i1 to i32
        %sign3A_834 = arith.subi %sign3A_830, %sign3A_833 : i32
        %sign3A_835 = arith.constant 0 : i32
        %sign3A_836 = arith.cmpi sgt, %jit3A_827, %sign3A_835 : i32
        %sign3A_837 = arith.extui %sign3A_836 : i1 to i32
        %sign3A_838 = arith.constant 0 : i32
        %sign3A_839 = arith.cmpi slt, %jit3A_827, %sign3A_838 : i32
        %sign3A_840 = arith.extui %sign3A_839 : i1 to i32
        %sign3A_841 = arith.subi %sign3A_837, %sign3A_840 : i32
        %ne3A = arith.cmpi ne, %sign3A_834, %sign3A_841 : i32
        %rem3A_842 = arith.remsi %add3A_826, %jit3A_827 : i32
        %ne3A_843 = arith.constant 0 : i32
        %ne3A_844 = arith.cmpi ne, %rem3A_842, %ne3A_843 : i32
        %and3A = arith.andi %ne3A, %ne3A_844 : i1
        %sub3A_845 = arith.constant 1 : i32
        %sub3A_846 = arith.subi %div3A_828, %sub3A_845 : i32
        %select_n3A_847 = arith.select %and3A, %sub3A_846, %div3A_828 : i32
        %mul3A_848 = arith.constant 16 : i32
        %mul3A_849 = arith.muli %select_n3A_847, %mul3A_848 : i32
        %get3A_850 = arith.index_cast %mul3A_849 : i32 to index
        %get3A_851 = tpu.vector_load %arg10[%get3A_850] {strides = array<i32>} : memref<4096xi32, #tpu.memory_space<vmem>>, vector<16xi32>,
        %reduce_sum3A_852 = arith.constant true
        %reduce_sum3A_853 = vector.broadcast %reduce_sum3A_852 : i1 to vector<16xi1>
        %reduce_sum3A_854 = tpu.scan <sum>, %get3A_851 masked %reduce_sum3A_853 : vector<16xi32>, vector<16xi1> -> vector<16xi32>
        %reduce_sum3A_855 = vector.extract %reduce_sum3A_854[15] : i32 from vector<16xi32>
        %ge3A_856 = arith.cmpi sge, %reduce_sum3A_855, %sub3A_378 : i32
        %select_n3A_857 = arith.select %ge3A_856, %select_n3A_847, %scan3A_824 : i32
        %select_n3A_858 = arith.select %ge3A_856, %scan3A_825, %select_n3A_847 : i32
        scf.yield %select_n3A_857, %select_n3A_858 : i32, i32
      }
      %scan3A_409 = arith.constant 8 : i32
      %add3A_410 = arith.constant 1 : i32
      %add3A_411 = arith.addi %scan3A_408#0, %add3A_410 : i32
      %min3A_412 = arith.constant 255 : i32
      %min3A_413 = arith.minsi %add3A_411, %min3A_412 : i32
      %ge3A_414 = arith.constant 255 : i32
      %ge3A_415 = arith.cmpi sge, %scan3A_408#0, %ge3A_414 : i32
      %mul3A_416 = arith.constant 16 : i32
      %mul3A_417 = arith.muli %min3A_413, %mul3A_416 : i32
      %get3A_418 = arith.index_cast %mul3A_417 : i32 to index
      %get3A_419 = tpu.vector_load %arg10[%get3A_418] {strides = array<i32>} : memref<4096xi32, #tpu.memory_space<vmem>>, vector<16xi32>,
      %reduce_sum3A_420 = arith.constant true
      %reduce_sum3A_421 = vector.broadcast %reduce_sum3A_420 : i1 to vector<16xi1>
      %reduce_sum3A_422 = tpu.scan <sum>, %get3A_419 masked %reduce_sum3A_421 : vector<16xi32>, vector<16xi1> -> vector<16xi32>
      %reduce_sum3A_423 = vector.extract %reduce_sum3A_422[15] : i32 from vector<16xi32>
      %jit3A_424 = arith.constant 0 : i32
      %select_n3A_425 = arith.select %ge3A_415, %jit3A_424, %reduce_sum3A_423 : i32
      %sub3A_426 = arith.subi %sub3A_378, %select_n3A_425 : i32
      %shift_left3A_427 = arith.constant 8 : i32
      %shift_left3A_428 = arith.shli %scan3A_408#0, %shift_left3A_427 : i32
      %or3A_429 = arith.ori %or3A_381, %shift_left3A_428 : i32
      %scan3A_430 = arith.constant 0 : i32
      %scan3A_431 = arith.constant 0 : i32
      %scan3A_432 = arith.constant 256 : i32
      %scan3A_433 = arith.addi %scan3A_431, %scan3A_432 : i32
      %scan3A_434 = arith.constant 1 : i32
      %scan3A_435 = scf.for %scan3A_823 = %scan3A_431 to %scan3A_433 step %scan3A_434 iter_args(%scan3A_824 = %scan3A_430) -> (i32)  : i32 {
        %mul3A_825 = arith.constant 16 : i32
        %mul3A_826 = arith.muli %scan3A_823, %mul3A_825 : i32
        %swap3A_827 = arith.index_cast %mul3A_826 : i32 to index
        %swap3A_828 = tpu.vector_load %arg9[%swap3A_827] {strides = array<i32>} : memref<4096xi32, #tpu.memory_space<vmem>>, vector<16xi32>,
        tpu.vector_store %arg9[%swap3A_827], %broadcast_in_dim3A_282 {strides = array<i32>} : memref<4096xi32, #tpu.memory_space<vmem>>, vector<16xi32>,
        %scan3A_829 = arith.constant 0 : i32
        scf.yield %scan3A_829 : i32
      }
      %scan3A_436 = arith.constant 256 : i32
      %scan3A_437 = arith.constant 0 : i32
      %scan3A_438 = arith.constant 0 : i32
      %scan3A_439 = arith.constant 640 : i32
      %scan3A_440 = arith.addi %scan3A_438, %scan3A_439 : i32
      %scan3A_441 = arith.constant 1 : i32
      %scan3A_442 = scf.for %scan3A_823 = %scan3A_438 to %scan3A_440 step %scan3A_441 iter_args(%scan3A_824 = %scan3A_437) -> (i32)  : i32 {
        %mul3A_825 = arith.constant 16 : i32
        %mul3A_826 = arith.muli %scan3A_823, %mul3A_825 : i32
        %get3A_827 = arith.index_cast %mul3A_826 : i32 to index
        %get3A_828 = tpu.vector_load %arg13[%get3A_827] {strides = array<i32>} : memref<10240xf32, #tpu.memory_space<vmem>>, vector<16xf32>,
        %bitcast_convert_type3A = tpu.bitcast %get3A_828 : vector<16xf32> -> vector<16xi32>
        %lt3A_829 = arith.constant 0.000000e+00 : f32
        %lt3A_830 = vector.broadcast %lt3A_829 : f32 to vector<16xf32>
        %lt3A_831 = arith.cmpf olt, %get3A_828, %lt3A_830 : vector<16xf32>
        %jit3A_832 = arith.constant -1 : i32
        %jit3A_833 = arith.constant -2147483648 : i32
        %broadcast_in_dim3A_834 = vector.broadcast %jit3A_832 : i32 to vector<16xi32>
        %broadcast_in_dim3A_835 = vector.broadcast %jit3A_833 : i32 to vector<16xi32>
        %select_n3A_836 = arith.select %lt3A_831, %broadcast_in_dim3A_834, %broadcast_in_dim3A_835 : vector<16xi1>, vector<16xi32>
        %xor3A = arith.xori %bitcast_convert_type3A, %select_n3A_836 : vector<16xi32>
        %shift_right_logical3A = arith.constant 0 : i32
        %shift_right_logical3A_837 = vector.broadcast %shift_right_logical3A : i32 to vector<16xi32>
        %shift_right_logical3A_838 = arith.shrui %xor3A, %shift_right_logical3A_837 : vector<16xi32>
        %and3A = arith.constant 255 : i32
        %and3A_839 = vector.broadcast %and3A : i32 to vector<16xi32>
        %and3A_840 = arith.andi %shift_right_logical3A_838, %and3A_839 : vector<16xi32>
        %mul3A_841 = arith.constant 16 : i32
        %mul3A_842 = vector.broadcast %mul3A_841 : i32 to vector<16xi32>
        %mul3A_843 = arith.muli %and3A_840, %mul3A_842 : vector<16xi32>
        %add3A_844 = arith.addi %mul3A_843, %iota3A_278 : vector<16xi32>
        %shift_right_logical3A_845 = arith.constant 8 : i32
        %shift_right_logical3A_846 = vector.broadcast %shift_right_logical3A_845 : i32 to vector<16xi32>
        %shift_right_logical3A_847 = arith.shrui %xor3A, %shift_right_logical3A_846 : vector<16xi32>
        %shift_right_logical3A_848 = arith.constant 8 : i32
        %shift_right_logical3A_849 = arith.shrui %or3A_429, %shift_right_logical3A_848 : i32
        %eq3A_850 = vector.broadcast %shift_right_logical3A_849 : i32 to vector<16xi32>
        %eq3A_851 = arith.cmpi eq, %shift_right_logical3A_847, %eq3A_850 : vector<16xi32>
        tpu.vector_store_idx %arg9[%add3A_844], %broadcast_in_dim3A_280 masked %eq3A_851 {add = true} : memref<4096xi32, #tpu.memory_space<vmem>>[vector<16xi32>], vector<16xi32>, vector<16xi1>
        %scan3A_852 = arith.constant 0 : i32
        scf.yield %scan3A_852 : i32
      }
      %scan3A_443 = arith.constant 640 : i32
      %scan3A_444 = arith.constant 0 : i32
      %scan3A_445 = arith.constant 256 : i32
      %scan3A_446 = arith.addi %scan3A_444, %scan3A_445 : i32
      %scan3A_447 = arith.constant 1 : i32
      %scan3A_448 = scf.for %scan3A_823 = %scan3A_444 to %scan3A_446 step %scan3A_447 iter_args(%scan3A_824 = %broadcast_in_dim3A_282) -> (vector<16xi32>)  : i32 {
        %sub3A_825 = arith.constant 255 : i32
        %sub3A_826 = arith.subi %sub3A_825, %scan3A_823 : i32
        %mul3A_827 = arith.constant 16 : i32
        %mul3A_828 = arith.muli %sub3A_826, %mul3A_827 : i32
        %get3A_829 = arith.index_cast %mul3A_828 : i32 to index
        %get3A_830 = tpu.vector_load %arg9[%get3A_829] {strides = array<i32>} : memref<4096xi32, #tpu.memory_space<vmem>>, vector<16xi32>,
        %add3A_831 = arith.addi %scan3A_824, %get3A_830 : vector<16xi32>
        %mul3A_832 = arith.constant 16 : i32
        %mul3A_833 = arith.muli %sub3A_826, %mul3A_832 : i32
        %swap3A_834 = arith.index_cast %mul3A_833 : i32 to index
        %swap3A_835 = tpu.vector_load %arg10[%swap3A_834] {strides = array<i32>} : memref<4096xi32, #tpu.memory_space<vmem>>, vector<16xi32>,
        tpu.vector_store %arg10[%swap3A_834], %add3A_831 {strides = array<i32>} : memref<4096xi32, #tpu.memory_space<vmem>>, vector<16xi32>,
        scf.yield %add3A_831 : vector<16xi32>
      }
      %scan3A_449 = arith.constant 256 : i32
      %scan3A_450 = arith.constant 0 : i32
      %scan3A_451 = arith.constant 256 : i32
      %scan3A_452 = arith.constant 0 : i32
      %scan3A_453 = arith.constant 8 : i32
      %scan3A_454 = arith.addi %scan3A_452, %scan3A_453 : i32
      %scan3A_455 = arith.constant 1 : i32
      %scan3A_456:2 = scf.for %scan3A_823 = %scan3A_452 to %scan3A_454 step %scan3A_455 iter_args(%scan3A_824 = %scan3A_450, %scan3A_825 = %scan3A_451) -> (i32, i32)  : i32 {
        %add3A_826 = arith.addi %scan3A_824, %scan3A_825 : i32
        %jit3A_827 = arith.constant 2 : i32
        %div3A_828 = arith.divsi %add3A_826, %jit3A_827 : i32
        %sign3A = arith.constant 0 : i32
        %sign3A_829 = arith.cmpi sgt, %add3A_826, %sign3A : i32
        %sign3A_830 = arith.extui %sign3A_829 : i1 to i32
        %sign3A_831 = arith.constant 0 : i32
        %sign3A_832 = arith.cmpi slt, %add3A_826, %sign3A_831 : i32
        %sign3A_833 = arith.extui %sign3A_832 : i1 to i32
        %sign3A_834 = arith.subi %sign3A_830, %sign3A_833 : i32
        %sign3A_835 = arith.constant 0 : i32
        %sign3A_836 = arith.cmpi sgt, %jit3A_827, %sign3A_835 : i32
        %sign3A_837 = arith.extui %sign3A_836 : i1 to i32
        %sign3A_838 = arith.constant 0 : i32
        %sign3A_839 = arith.cmpi slt, %jit3A_827, %sign3A_838 : i32
        %sign3A_840 = arith.extui %sign3A_839 : i1 to i32
        %sign3A_841 = arith.subi %sign3A_837, %sign3A_840 : i32
        %ne3A = arith.cmpi ne, %sign3A_834, %sign3A_841 : i32
        %rem3A_842 = arith.remsi %add3A_826, %jit3A_827 : i32
        %ne3A_843 = arith.constant 0 : i32
        %ne3A_844 = arith.cmpi ne, %rem3A_842, %ne3A_843 : i32
        %and3A = arith.andi %ne3A, %ne3A_844 : i1
        %sub3A_845 = arith.constant 1 : i32
        %sub3A_846 = arith.subi %div3A_828, %sub3A_845 : i32
        %select_n3A_847 = arith.select %and3A, %sub3A_846, %div3A_828 : i32
        %mul3A_848 = arith.constant 16 : i32
        %mul3A_849 = arith.muli %select_n3A_847, %mul3A_848 : i32
        %get3A_850 = arith.index_cast %mul3A_849 : i32 to index
        %get3A_851 = tpu.vector_load %arg10[%get3A_850] {strides = array<i32>} : memref<4096xi32, #tpu.memory_space<vmem>>, vector<16xi32>,
        %reduce_sum3A_852 = arith.constant true
        %reduce_sum3A_853 = vector.broadcast %reduce_sum3A_852 : i1 to vector<16xi1>
        %reduce_sum3A_854 = tpu.scan <sum>, %get3A_851 masked %reduce_sum3A_853 : vector<16xi32>, vector<16xi1> -> vector<16xi32>
        %reduce_sum3A_855 = vector.extract %reduce_sum3A_854[15] : i32 from vector<16xi32>
        %ge3A_856 = arith.cmpi sge, %reduce_sum3A_855, %sub3A_426 : i32
        %select_n3A_857 = arith.select %ge3A_856, %select_n3A_847, %scan3A_824 : i32
        %select_n3A_858 = arith.select %ge3A_856, %scan3A_825, %select_n3A_847 : i32
        scf.yield %select_n3A_857, %select_n3A_858 : i32, i32
      }
      %scan3A_457 = arith.constant 8 : i32
      %add3A_458 = arith.constant 1 : i32
      %add3A_459 = arith.addi %scan3A_456#0, %add3A_458 : i32
      %min3A_460 = arith.constant 255 : i32
      %min3A_461 = arith.minsi %add3A_459, %min3A_460 : i32
      %ge3A_462 = arith.constant 255 : i32
      %ge3A_463 = arith.cmpi sge, %scan3A_456#0, %ge3A_462 : i32
      %mul3A_464 = arith.constant 16 : i32
      %mul3A_465 = arith.muli %min3A_461, %mul3A_464 : i32
      %get3A_466 = arith.index_cast %mul3A_465 : i32 to index
      %get3A_467 = tpu.vector_load %arg10[%get3A_466] {strides = array<i32>} : memref<4096xi32, #tpu.memory_space<vmem>>, vector<16xi32>,
      %reduce_sum3A_468 = arith.constant true
      %reduce_sum3A_469 = vector.broadcast %reduce_sum3A_468 : i1 to vector<16xi1>
      %reduce_sum3A_470 = tpu.scan <sum>, %get3A_467 masked %reduce_sum3A_469 : vector<16xi32>, vector<16xi1> -> vector<16xi32>
      %reduce_sum3A_471 = vector.extract %reduce_sum3A_470[15] : i32 from vector<16xi32>
      %jit3A_472 = arith.constant 0 : i32
      %select_n3A_473 = arith.select %ge3A_463, %jit3A_472, %reduce_sum3A_471 : i32
      %sub3A_474 = arith.subi %sub3A_426, %select_n3A_473 : i32
      %shift_left3A_475 = arith.constant 0 : i32
      %shift_left3A_476 = arith.shli %scan3A_456#0, %shift_left3A_475 : i32
      %or3A_477 = arith.ori %or3A_429, %shift_left3A_476 : i32
      %swap3A_478 = arith.constant 0 : index
      %swap3A_479 = tpu.vector_load %arg14[%swap3A_478] {strides = array<i32>} : memref<128xf32, #tpu.memory_space<vmem>>, vector<16xf32>,
      tpu.vector_store %arg14[%swap3A_478], %broadcast_in_dim3A_7 {strides = array<i32>} : memref<128xf32, #tpu.memory_space<vmem>>, vector<16xf32>,
      %add3A_480 = arith.constant 268435456 : i32
      %add3A_481 = vector.broadcast %add3A_480 : i32 to vector<16xi32>
      %add3A_482 = arith.addi %broadcast_in_dim3A_5, %add3A_481 : vector<16xi32>
      %swap3A_483 = arith.constant 0 : index
      %swap3A_484 = tpu.vector_load %arg15[%swap3A_483] {strides = array<i32>} : memref<128xi32, #tpu.memory_space<vmem>>, vector<16xi32>,
      tpu.vector_store %arg15[%swap3A_483], %add3A_482 {strides = array<i32>} : memref<128xi32, #tpu.memory_space<vmem>>, vector<16xi32>,
      %swap3A_485 = arith.constant 16 : index
      %swap3A_486 = tpu.vector_load %arg14[%swap3A_485] {strides = array<i32>} : memref<128xf32, #tpu.memory_space<vmem>>, vector<16xf32>,
      tpu.vector_store %arg14[%swap3A_485], %broadcast_in_dim3A_7 {strides = array<i32>} : memref<128xf32, #tpu.memory_space<vmem>>, vector<16xf32>,
      %add3A_487 = arith.constant 268435456 : i32
      %add3A_488 = vector.broadcast %add3A_487 : i32 to vector<16xi32>
      %add3A_489 = arith.addi %broadcast_in_dim3A_5, %add3A_488 : vector<16xi32>
      %swap3A_490 = arith.constant 16 : index
      %swap3A_491 = tpu.vector_load %arg15[%swap3A_490] {strides = array<i32>} : memref<128xi32, #tpu.memory_space<vmem>>, vector<16xi32>,
      tpu.vector_store %arg15[%swap3A_490], %add3A_489 {strides = array<i32>} : memref<128xi32, #tpu.memory_space<vmem>>, vector<16xi32>,
      %swap3A_492 = arith.constant 32 : index
      %swap3A_493 = tpu.vector_load %arg14[%swap3A_492] {strides = array<i32>} : memref<128xf32, #tpu.memory_space<vmem>>, vector<16xf32>,
      tpu.vector_store %arg14[%swap3A_492], %broadcast_in_dim3A_7 {strides = array<i32>} : memref<128xf32, #tpu.memory_space<vmem>>, vector<16xf32>,
      %add3A_494 = arith.constant 268435456 : i32
      %add3A_495 = vector.broadcast %add3A_494 : i32 to vector<16xi32>
      %add3A_496 = arith.addi %broadcast_in_dim3A_5, %add3A_495 : vector<16xi32>
      %swap3A_497 = arith.constant 32 : index
      %swap3A_498 = tpu.vector_load %arg15[%swap3A_497] {strides = array<i32>} : memref<128xi32, #tpu.memory_space<vmem>>, vector<16xi32>,
      tpu.vector_store %arg15[%swap3A_497], %add3A_496 {strides = array<i32>} : memref<128xi32, #tpu.memory_space<vmem>>, vector<16xi32>,
      %swap3A_499 = arith.constant 48 : index
      %swap3A_500 = tpu.vector_load %arg14[%swap3A_499] {strides = array<i32>} : memref<128xf32, #tpu.memory_space<vmem>>, vector<16xf32>,
      tpu.vector_store %arg14[%swap3A_499], %broadcast_in_dim3A_7 {strides = array<i32>} : memref<128xf32, #tpu.memory_space<vmem>>, vector<16xf32>,
      %add3A_501 = arith.constant 268435456 : i32
      %add3A_502 = vector.broadcast %add3A_501 : i32 to vector<16xi32>
      %add3A_503 = arith.addi %broadcast_in_dim3A_5, %add3A_502 : vector<16xi32>
      %swap3A_504 = arith.constant 48 : index
      %swap3A_505 = tpu.vector_load %arg15[%swap3A_504] {strides = array<i32>} : memref<128xi32, #tpu.memory_space<vmem>>, vector<16xi32>,
      tpu.vector_store %arg15[%swap3A_504], %add3A_503 {strides = array<i32>} : memref<128xi32, #tpu.memory_space<vmem>>, vector<16xi32>,
      %swap3A_506 = arith.constant 64 : index
      %swap3A_507 = tpu.vector_load %arg14[%swap3A_506] {strides = array<i32>} : memref<128xf32, #tpu.memory_space<vmem>>, vector<16xf32>,
      tpu.vector_store %arg14[%swap3A_506], %broadcast_in_dim3A_7 {strides = array<i32>} : memref<128xf32, #tpu.memory_space<vmem>>, vector<16xf32>,
      %add3A_508 = arith.constant 268435456 : i32
      %add3A_509 = vector.broadcast %add3A_508 : i32 to vector<16xi32>
      %add3A_510 = arith.addi %broadcast_in_dim3A_5, %add3A_509 : vector<16xi32>
      %swap3A_511 = arith.constant 64 : index
      %swap3A_512 = tpu.vector_load %arg15[%swap3A_511] {strides = array<i32>} : memref<128xi32, #tpu.memory_space<vmem>>, vector<16xi32>,
      tpu.vector_store %arg15[%swap3A_511], %add3A_510 {strides = array<i32>} : memref<128xi32, #tpu.memory_space<vmem>>, vector<16xi32>,
      %swap3A_513 = arith.constant 80 : index
      %swap3A_514 = tpu.vector_load %arg14[%swap3A_513] {strides = array<i32>} : memref<128xf32, #tpu.memory_space<vmem>>, vector<16xf32>,
      tpu.vector_store %arg14[%swap3A_513], %broadcast_in_dim3A_7 {strides = array<i32>} : memref<128xf32, #tpu.memory_space<vmem>>, vector<16xf32>,
      %add3A_515 = arith.constant 268435456 : i32
      %add3A_516 = vector.broadcast %add3A_515 : i32 to vector<16xi32>
      %add3A_517 = arith.addi %broadcast_in_dim3A_5, %add3A_516 : vector<16xi32>
      %swap3A_518 = arith.constant 80 : index
      %swap3A_519 = tpu.vector_load %arg15[%swap3A_518] {strides = array<i32>} : memref<128xi32, #tpu.memory_space<vmem>>, vector<16xi32>,
      tpu.vector_store %arg15[%swap3A_518], %add3A_517 {strides = array<i32>} : memref<128xi32, #tpu.memory_space<vmem>>, vector<16xi32>,
      %swap3A_520 = arith.constant 96 : index
      %swap3A_521 = tpu.vector_load %arg14[%swap3A_520] {strides = array<i32>} : memref<128xf32, #tpu.memory_space<vmem>>, vector<16xf32>,
      tpu.vector_store %arg14[%swap3A_520], %broadcast_in_dim3A_7 {strides = array<i32>} : memref<128xf32, #tpu.memory_space<vmem>>, vector<16xf32>,
      %add3A_522 = arith.constant 268435456 : i32
      %add3A_523 = vector.broadcast %add3A_522 : i32 to vector<16xi32>
      %add3A_524 = arith.addi %broadcast_in_dim3A_5, %add3A_523 : vector<16xi32>
      %swap3A_525 = arith.constant 96 : index
      %swap3A_526 = tpu.vector_load %arg15[%swap3A_525] {strides = array<i32>} : memref<128xi32, #tpu.memory_space<vmem>>, vector<16xi32>,
      tpu.vector_store %arg15[%swap3A_525], %add3A_524 {strides = array<i32>} : memref<128xi32, #tpu.memory_space<vmem>>, vector<16xi32>,
      %swap3A_527 = arith.constant 112 : index
      %swap3A_528 = tpu.vector_load %arg14[%swap3A_527] {strides = array<i32>} : memref<128xf32, #tpu.memory_space<vmem>>, vector<16xf32>,
      tpu.vector_store %arg14[%swap3A_527], %broadcast_in_dim3A_7 {strides = array<i32>} : memref<128xf32, #tpu.memory_space<vmem>>, vector<16xf32>,
      %add3A_529 = arith.constant 268435456 : i32
      %add3A_530 = vector.broadcast %add3A_529 : i32 to vector<16xi32>
      %add3A_531 = arith.addi %broadcast_in_dim3A_5, %add3A_530 : vector<16xi32>
      %swap3A_532 = arith.constant 112 : index
      %swap3A_533 = tpu.vector_load %arg15[%swap3A_532] {strides = array<i32>} : memref<128xi32, #tpu.memory_space<vmem>>, vector<16xi32>,
      tpu.vector_store %arg15[%swap3A_532], %add3A_531 {strides = array<i32>} : memref<128xi32, #tpu.memory_space<vmem>>, vector<16xi32>,
      %scan3A_534 = arith.constant 0 : i32
      %scan3A_535 = arith.constant 128 : i32
      %scan3A_536 = arith.addi %scan3A_534, %scan3A_535 : i32
      %scan3A_537 = arith.constant 1 : i32
      %scan3A_538 = scf.for %scan3A_823 = %scan3A_534 to %scan3A_536 step %scan3A_537 iter_args(%scan3A_824 = %broadcast_in_dim3A_5) -> (vector<16xi32>)  : i32 {
        %broadcast_in_dim3A_825 = arith.constant 0 : i32
        %broadcast_in_dim3A_826 = vector.broadcast %broadcast_in_dim3A_825 : i32 to vector<16xi32>
        %add3A_827 = vector.broadcast %scan3A_823 : i32 to vector<16xi32>
        %add3A_828 = arith.addi %broadcast_in_dim3A_826, %add3A_827 : vector<16xi32>
        %gather3A = tpu.vector_load_idx %arg11[%add3A_828] : memref<144xi32, #tpu.memory_space<vmem>>[vector<16xi32>], vector<16xi32>,
        %mul3A_829 = arith.constant 80 : i32
        %mul3A_830 = arith.muli %scan3A_823, %mul3A_829 : i32
        %add3A_831 = arith.constant 0 : i32
        %add3A_832 = arith.addi %mul3A_830, %add3A_831 : i32
        %get3A_833 = arith.index_cast %add3A_832 : i32 to index
        %get3A_834 = tpu.vector_load %arg13[%get3A_833] {strides = array<i32>} : memref<10240xf32, #tpu.memory_space<vmem>>, vector<16xf32>,
        %bitcast_convert_type3A = tpu.bitcast %get3A_834 : vector<16xf32> -> vector<16xi32>
        %lt3A_835 = arith.constant 0.000000e+00 : f32
        %lt3A_836 = vector.broadcast %lt3A_835 : f32 to vector<16xf32>
        %lt3A_837 = arith.cmpf olt, %get3A_834, %lt3A_836 : vector<16xf32>
        %jit3A_838 = arith.constant -1 : i32
        %jit3A_839 = arith.constant -2147483648 : i32
        %broadcast_in_dim3A_840 = vector.broadcast %jit3A_838 : i32 to vector<16xi32>
        %broadcast_in_dim3A_841 = vector.broadcast %jit3A_839 : i32 to vector<16xi32>
        %select_n3A_842 = arith.select %lt3A_837, %broadcast_in_dim3A_840, %broadcast_in_dim3A_841 : vector<16xi1>, vector<16xi32>
        %xor3A = arith.xori %bitcast_convert_type3A, %select_n3A_842 : vector<16xi32>
        %ge3A_843 = vector.broadcast %or3A_477 : i32 to vector<16xi32>
        %ge3A_844 = arith.cmpi uge, %xor3A, %ge3A_843 : vector<16xi32>
        %all_reduce_population_count3A = tpu.all_reduce %ge3A_844 {dim = 0 : i64, kind = #tpu.reduction_kind<sum>} : vector<16xi1> -> vector<16xi32>
        %reduce_or3A = arith.constant 1.000000e+00 : f32
        %reduce_or3A_845 = arith.constant 0.000000e+00 : f32
        %reduce_or3A_846 = vector.broadcast %reduce_or3A : f32 to vector<16xf32>
        %reduce_or3A_847 = vector.broadcast %reduce_or3A_845 : f32 to vector<16xf32>
        %reduce_or3A_848 = arith.select %ge3A_844, %reduce_or3A_846, %reduce_or3A_847 : vector<16xi1>, vector<16xf32>
        %reduce_or3A_849 = arith.constant true
        %reduce_or3A_850 = vector.broadcast %reduce_or3A_849 : i1 to vector<16xi1>
        %reduce_or3A_851 = tpu.scan <max>, %reduce_or3A_848 masked %reduce_or3A_850 : vector<16xf32>, vector<16xi1> -> vector<16xf32>
        %reduce_or3A_852 = vector.extract %reduce_or3A_851[15] : f32 from vector<16xf32>
        %reduce_or3A_853 = arith.constant 0.000000e+00 : f32
        %reduce_or3A_854 = arith.cmpf ogt, %reduce_or3A_852, %reduce_or3A_853 : f32
        %convert_element_type3A_855 = arith.extui %reduce_or3A_854 : i1 to i32
        %cond3A_856 = arith.constant 0 : i32
        %cond3A_857 = arith.cmpi ne, %convert_element_type3A_855, %cond3A_856 : i32
        scf.if %cond3A_857 {
          %convert_element_type3A_995 = arith.extui %ge3A_844 : vector<16xi1> to vector<16xi32>
          %broadcast_in_dim3A_996 = arith.constant true
          %broadcast_in_dim3A_997 = vector.broadcast %broadcast_in_dim3A_996 : i1 to vector<16xi1>
          %masked_cumsum3A = tpu.scan <sum>, %convert_element_type3A_995 masked %broadcast_in_dim3A_997 : vector<16xi32>, vector<16xi1> -> vector<16xi32>
          %add3A_998 = arith.addi %scan3A_824, %masked_cumsum3A : vector<16xi32>
          %sub3A_999 = arith.constant 1 : i32
          %sub3A_1000 = vector.broadcast %sub3A_999 : i32 to vector<16xi32>
          %sub3A_1001 = arith.subi %add3A_998, %sub3A_1000 : vector<16xi32>
          %min3A_1002 = arith.constant 127 : i32
          %min3A_1003 = vector.broadcast %min3A_1002 : i32 to vector<16xi32>
          %min3A_1004 = arith.minsi %sub3A_1001, %min3A_1003 : vector<16xi32>
          tpu.vector_store_idx %arg14[%min3A_1004], %get3A_834 masked %ge3A_844 : memref<128xf32, #tpu.memory_space<vmem>>[vector<16xi32>], vector<16xf32>, vector<16xi1>
          %mul3A_1005 = arith.constant 80 : i32
          %mul3A_1006 = vector.broadcast %mul3A_1005 : i32 to vector<16xi32>
          %mul3A_1007 = arith.muli %gather3A, %mul3A_1006 : vector<16xi32>
          %add3A_1008 = arith.constant 0 : i32
          %add3A_1009 = vector.broadcast %add3A_1008 : i32 to vector<16xi32>
          %add3A_1010 = arith.addi %mul3A_1007, %add3A_1009 : vector<16xi32>
          %add3A_1011 = arith.addi %add3A_1010, %iota3A : vector<16xi32>
          tpu.vector_store_idx %arg15[%min3A_1004], %add3A_1011 masked %ge3A_844 : memref<128xi32, #tpu.memory_space<vmem>>[vector<16xi32>], vector<16xi32>, vector<16xi1>
        } else {
        }
        %add3A_858 = arith.addi %scan3A_824, %all_reduce_population_count3A : vector<16xi32>
        %mul3A_859 = arith.constant 80 : i32
        %mul3A_860 = arith.muli %scan3A_823, %mul3A_859 : i32
        %add3A_861 = arith.constant 16 : i32
        %add3A_862 = arith.addi %mul3A_860, %add3A_861 : i32
        %get3A_863 = arith.index_cast %add3A_862 : i32 to index
        %get3A_864 = tpu.vector_load %arg13[%get3A_863] {strides = array<i32>} : memref<10240xf32, #tpu.memory_space<vmem>>, vector<16xf32>,
        %bitcast_convert_type3A_865 = tpu.bitcast %get3A_864 : vector<16xf32> -> vector<16xi32>
        %lt3A_866 = arith.constant 0.000000e+00 : f32
        %lt3A_867 = vector.broadcast %lt3A_866 : f32 to vector<16xf32>
        %lt3A_868 = arith.cmpf olt, %get3A_864, %lt3A_867 : vector<16xf32>
        %jit3A_869 = arith.constant -1 : i32
        %jit3A_870 = arith.constant -2147483648 : i32
        %broadcast_in_dim3A_871 = vector.broadcast %jit3A_869 : i32 to vector<16xi32>
        %broadcast_in_dim3A_872 = vector.broadcast %jit3A_870 : i32 to vector<16xi32>
        %select_n3A_873 = arith.select %lt3A_868, %broadcast_in_dim3A_871, %broadcast_in_dim3A_872 : vector<16xi1>, vector<16xi32>
        %xor3A_874 = arith.xori %bitcast_convert_type3A_865, %select_n3A_873 : vector<16xi32>
        %ge3A_875 = vector.broadcast %or3A_477 : i32 to vector<16xi32>
        %ge3A_876 = arith.cmpi uge, %xor3A_874, %ge3A_875 : vector<16xi32>
        %all_reduce_population_count3A_877 = tpu.all_reduce %ge3A_876 {dim = 0 : i64, kind = #tpu.reduction_kind<sum>} : vector<16xi1> -> vector<16xi32>
        %reduce_or3A_878 = arith.constant 1.000000e+00 : f32
        %reduce_or3A_879 = arith.constant 0.000000e+00 : f32
        %reduce_or3A_880 = vector.broadcast %reduce_or3A_878 : f32 to vector<16xf32>
        %reduce_or3A_881 = vector.broadcast %reduce_or3A_879 : f32 to vector<16xf32>
        %reduce_or3A_882 = arith.select %ge3A_876, %reduce_or3A_880, %reduce_or3A_881 : vector<16xi1>, vector<16xf32>
        %reduce_or3A_883 = arith.constant true
        %reduce_or3A_884 = vector.broadcast %reduce_or3A_883 : i1 to vector<16xi1>
        %reduce_or3A_885 = tpu.scan <max>, %reduce_or3A_882 masked %reduce_or3A_884 : vector<16xf32>, vector<16xi1> -> vector<16xf32>
        %reduce_or3A_886 = vector.extract %reduce_or3A_885[15] : f32 from vector<16xf32>
        %reduce_or3A_887 = arith.constant 0.000000e+00 : f32
        %reduce_or3A_888 = arith.cmpf ogt, %reduce_or3A_886, %reduce_or3A_887 : f32
        %convert_element_type3A_889 = arith.extui %reduce_or3A_888 : i1 to i32
        %cond3A_890 = arith.constant 0 : i32
        %cond3A_891 = arith.cmpi ne, %convert_element_type3A_889, %cond3A_890 : i32
        scf.if %cond3A_891 {
          %convert_element_type3A_995 = arith.extui %ge3A_876 : vector<16xi1> to vector<16xi32>
          %broadcast_in_dim3A_996 = arith.constant true
          %broadcast_in_dim3A_997 = vector.broadcast %broadcast_in_dim3A_996 : i1 to vector<16xi1>
          %masked_cumsum3A = tpu.scan <sum>, %convert_element_type3A_995 masked %broadcast_in_dim3A_997 : vector<16xi32>, vector<16xi1> -> vector<16xi32>
          %add3A_998 = arith.addi %add3A_858, %masked_cumsum3A : vector<16xi32>
          %sub3A_999 = arith.constant 1 : i32
          %sub3A_1000 = vector.broadcast %sub3A_999 : i32 to vector<16xi32>
          %sub3A_1001 = arith.subi %add3A_998, %sub3A_1000 : vector<16xi32>
          %min3A_1002 = arith.constant 127 : i32
          %min3A_1003 = vector.broadcast %min3A_1002 : i32 to vector<16xi32>
          %min3A_1004 = arith.minsi %sub3A_1001, %min3A_1003 : vector<16xi32>
          tpu.vector_store_idx %arg14[%min3A_1004], %get3A_864 masked %ge3A_876 : memref<128xf32, #tpu.memory_space<vmem>>[vector<16xi32>], vector<16xf32>, vector<16xi1>
          %mul3A_1005 = arith.constant 80 : i32
          %mul3A_1006 = vector.broadcast %mul3A_1005 : i32 to vector<16xi32>
          %mul3A_1007 = arith.muli %gather3A, %mul3A_1006 : vector<16xi32>
          %add3A_1008 = arith.constant 16 : i32
          %add3A_1009 = vector.broadcast %add3A_1008 : i32 to vector<16xi32>
          %add3A_1010 = arith.addi %mul3A_1007, %add3A_1009 : vector<16xi32>
          %add3A_1011 = arith.addi %add3A_1010, %iota3A : vector<16xi32>
          tpu.vector_store_idx %arg15[%min3A_1004], %add3A_1011 masked %ge3A_876 : memref<128xi32, #tpu.memory_space<vmem>>[vector<16xi32>], vector<16xi32>, vector<16xi1>
        } else {
        }
        %add3A_892 = arith.addi %add3A_858, %all_reduce_population_count3A_877 : vector<16xi32>
        %mul3A_893 = arith.constant 80 : i32
        %mul3A_894 = arith.muli %scan3A_823, %mul3A_893 : i32
        %add3A_895 = arith.constant 32 : i32
        %add3A_896 = arith.addi %mul3A_894, %add3A_895 : i32
        %get3A_897 = arith.index_cast %add3A_896 : i32 to index
        %get3A_898 = tpu.vector_load %arg13[%get3A_897] {strides = array<i32>} : memref<10240xf32, #tpu.memory_space<vmem>>, vector<16xf32>,
        %bitcast_convert_type3A_899 = tpu.bitcast %get3A_898 : vector<16xf32> -> vector<16xi32>
        %lt3A_900 = arith.constant 0.000000e+00 : f32
        %lt3A_901 = vector.broadcast %lt3A_900 : f32 to vector<16xf32>
        %lt3A_902 = arith.cmpf olt, %get3A_898, %lt3A_901 : vector<16xf32>
        %jit3A_903 = arith.constant -1 : i32
        %jit3A_904 = arith.constant -2147483648 : i32
        %broadcast_in_dim3A_905 = vector.broadcast %jit3A_903 : i32 to vector<16xi32>
        %broadcast_in_dim3A_906 = vector.broadcast %jit3A_904 : i32 to vector<16xi32>
        %select_n3A_907 = arith.select %lt3A_902, %broadcast_in_dim3A_905, %broadcast_in_dim3A_906 : vector<16xi1>, vector<16xi32>
        %xor3A_908 = arith.xori %bitcast_convert_type3A_899, %select_n3A_907 : vector<16xi32>
        %ge3A_909 = vector.broadcast %or3A_477 : i32 to vector<16xi32>
        %ge3A_910 = arith.cmpi uge, %xor3A_908, %ge3A_909 : vector<16xi32>
        %all_reduce_population_count3A_911 = tpu.all_reduce %ge3A_910 {dim = 0 : i64, kind = #tpu.reduction_kind<sum>} : vector<16xi1> -> vector<16xi32>
        %reduce_or3A_912 = arith.constant 1.000000e+00 : f32
        %reduce_or3A_913 = arith.constant 0.000000e+00 : f32
        %reduce_or3A_914 = vector.broadcast %reduce_or3A_912 : f32 to vector<16xf32>
        %reduce_or3A_915 = vector.broadcast %reduce_or3A_913 : f32 to vector<16xf32>
        %reduce_or3A_916 = arith.select %ge3A_910, %reduce_or3A_914, %reduce_or3A_915 : vector<16xi1>, vector<16xf32>
        %reduce_or3A_917 = arith.constant true
        %reduce_or3A_918 = vector.broadcast %reduce_or3A_917 : i1 to vector<16xi1>
        %reduce_or3A_919 = tpu.scan <max>, %reduce_or3A_916 masked %reduce_or3A_918 : vector<16xf32>, vector<16xi1> -> vector<16xf32>
        %reduce_or3A_920 = vector.extract %reduce_or3A_919[15] : f32 from vector<16xf32>
        %reduce_or3A_921 = arith.constant 0.000000e+00 : f32
        %reduce_or3A_922 = arith.cmpf ogt, %reduce_or3A_920, %reduce_or3A_921 : f32
        %convert_element_type3A_923 = arith.extui %reduce_or3A_922 : i1 to i32
        %cond3A_924 = arith.constant 0 : i32
        %cond3A_925 = arith.cmpi ne, %convert_element_type3A_923, %cond3A_924 : i32
        scf.if %cond3A_925 {
          %convert_element_type3A_995 = arith.extui %ge3A_910 : vector<16xi1> to vector<16xi32>
          %broadcast_in_dim3A_996 = arith.constant true
          %broadcast_in_dim3A_997 = vector.broadcast %broadcast_in_dim3A_996 : i1 to vector<16xi1>
          %masked_cumsum3A = tpu.scan <sum>, %convert_element_type3A_995 masked %broadcast_in_dim3A_997 : vector<16xi32>, vector<16xi1> -> vector<16xi32>
          %add3A_998 = arith.addi %add3A_892, %masked_cumsum3A : vector<16xi32>
          %sub3A_999 = arith.constant 1 : i32
          %sub3A_1000 = vector.broadcast %sub3A_999 : i32 to vector<16xi32>
          %sub3A_1001 = arith.subi %add3A_998, %sub3A_1000 : vector<16xi32>
          %min3A_1002 = arith.constant 127 : i32
          %min3A_1003 = vector.broadcast %min3A_1002 : i32 to vector<16xi32>
          %min3A_1004 = arith.minsi %sub3A_1001, %min3A_1003 : vector<16xi32>
          tpu.vector_store_idx %arg14[%min3A_1004], %get3A_898 masked %ge3A_910 : memref<128xf32, #tpu.memory_space<vmem>>[vector<16xi32>], vector<16xf32>, vector<16xi1>
          %mul3A_1005 = arith.constant 80 : i32
          %mul3A_1006 = vector.broadcast %mul3A_1005 : i32 to vector<16xi32>
          %mul3A_1007 = arith.muli %gather3A, %mul3A_1006 : vector<16xi32>
          %add3A_1008 = arith.constant 32 : i32
          %add3A_1009 = vector.broadcast %add3A_1008 : i32 to vector<16xi32>
          %add3A_1010 = arith.addi %mul3A_1007, %add3A_1009 : vector<16xi32>
          %add3A_1011 = arith.addi %add3A_1010, %iota3A : vector<16xi32>
          tpu.vector_store_idx %arg15[%min3A_1004], %add3A_1011 masked %ge3A_910 : memref<128xi32, #tpu.memory_space<vmem>>[vector<16xi32>], vector<16xi32>, vector<16xi1>
        } else {
        }
        %add3A_926 = arith.addi %add3A_892, %all_reduce_population_count3A_911 : vector<16xi32>
        %mul3A_927 = arith.constant 80 : i32
        %mul3A_928 = arith.muli %scan3A_823, %mul3A_927 : i32
        %add3A_929 = arith.constant 48 : i32
        %add3A_930 = arith.addi %mul3A_928, %add3A_929 : i32
        %get3A_931 = arith.index_cast %add3A_930 : i32 to index
        %get3A_932 = tpu.vector_load %arg13[%get3A_931] {strides = array<i32>} : memref<10240xf32, #tpu.memory_space<vmem>>, vector<16xf32>,
        %bitcast_convert_type3A_933 = tpu.bitcast %get3A_932 : vector<16xf32> -> vector<16xi32>
        %lt3A_934 = arith.constant 0.000000e+00 : f32
        %lt3A_935 = vector.broadcast %lt3A_934 : f32 to vector<16xf32>
        %lt3A_936 = arith.cmpf olt, %get3A_932, %lt3A_935 : vector<16xf32>
        %jit3A_937 = arith.constant -1 : i32
        %jit3A_938 = arith.constant -2147483648 : i32
        %broadcast_in_dim3A_939 = vector.broadcast %jit3A_937 : i32 to vector<16xi32>
        %broadcast_in_dim3A_940 = vector.broadcast %jit3A_938 : i32 to vector<16xi32>
        %select_n3A_941 = arith.select %lt3A_936, %broadcast_in_dim3A_939, %broadcast_in_dim3A_940 : vector<16xi1>, vector<16xi32>
        %xor3A_942 = arith.xori %bitcast_convert_type3A_933, %select_n3A_941 : vector<16xi32>
        %ge3A_943 = vector.broadcast %or3A_477 : i32 to vector<16xi32>
        %ge3A_944 = arith.cmpi uge, %xor3A_942, %ge3A_943 : vector<16xi32>
        %all_reduce_population_count3A_945 = tpu.all_reduce %ge3A_944 {dim = 0 : i64, kind = #tpu.reduction_kind<sum>} : vector<16xi1> -> vector<16xi32>
        %reduce_or3A_946 = arith.constant 1.000000e+00 : f32
        %reduce_or3A_947 = arith.constant 0.000000e+00 : f32
        %reduce_or3A_948 = vector.broadcast %reduce_or3A_946 : f32 to vector<16xf32>
        %reduce_or3A_949 = vector.broadcast %reduce_or3A_947 : f32 to vector<16xf32>
        %reduce_or3A_950 = arith.select %ge3A_944, %reduce_or3A_948, %reduce_or3A_949 : vector<16xi1>, vector<16xf32>
        %reduce_or3A_951 = arith.constant true
        %reduce_or3A_952 = vector.broadcast %reduce_or3A_951 : i1 to vector<16xi1>
        %reduce_or3A_953 = tpu.scan <max>, %reduce_or3A_950 masked %reduce_or3A_952 : vector<16xf32>, vector<16xi1> -> vector<16xf32>
        %reduce_or3A_954 = vector.extract %reduce_or3A_953[15] : f32 from vector<16xf32>
        %reduce_or3A_955 = arith.constant 0.000000e+00 : f32
        %reduce_or3A_956 = arith.cmpf ogt, %reduce_or3A_954, %reduce_or3A_955 : f32
        %convert_element_type3A_957 = arith.extui %reduce_or3A_956 : i1 to i32
        %cond3A_958 = arith.constant 0 : i32
        %cond3A_959 = arith.cmpi ne, %convert_element_type3A_957, %cond3A_958 : i32
        scf.if %cond3A_959 {
          %convert_element_type3A_995 = arith.extui %ge3A_944 : vector<16xi1> to vector<16xi32>
          %broadcast_in_dim3A_996 = arith.constant true
          %broadcast_in_dim3A_997 = vector.broadcast %broadcast_in_dim3A_996 : i1 to vector<16xi1>
          %masked_cumsum3A = tpu.scan <sum>, %convert_element_type3A_995 masked %broadcast_in_dim3A_997 : vector<16xi32>, vector<16xi1> -> vector<16xi32>
          %add3A_998 = arith.addi %add3A_926, %masked_cumsum3A : vector<16xi32>
          %sub3A_999 = arith.constant 1 : i32
          %sub3A_1000 = vector.broadcast %sub3A_999 : i32 to vector<16xi32>
          %sub3A_1001 = arith.subi %add3A_998, %sub3A_1000 : vector<16xi32>
          %min3A_1002 = arith.constant 127 : i32
          %min3A_1003 = vector.broadcast %min3A_1002 : i32 to vector<16xi32>
          %min3A_1004 = arith.minsi %sub3A_1001, %min3A_1003 : vector<16xi32>
          tpu.vector_store_idx %arg14[%min3A_1004], %get3A_932 masked %ge3A_944 : memref<128xf32, #tpu.memory_space<vmem>>[vector<16xi32>], vector<16xf32>, vector<16xi1>
          %mul3A_1005 = arith.constant 80 : i32
          %mul3A_1006 = vector.broadcast %mul3A_1005 : i32 to vector<16xi32>
          %mul3A_1007 = arith.muli %gather3A, %mul3A_1006 : vector<16xi32>
          %add3A_1008 = arith.constant 48 : i32
          %add3A_1009 = vector.broadcast %add3A_1008 : i32 to vector<16xi32>
          %add3A_1010 = arith.addi %mul3A_1007, %add3A_1009 : vector<16xi32>
          %add3A_1011 = arith.addi %add3A_1010, %iota3A : vector<16xi32>
          tpu.vector_store_idx %arg15[%min3A_1004], %add3A_1011 masked %ge3A_944 : memref<128xi32, #tpu.memory_space<vmem>>[vector<16xi32>], vector<16xi32>, vector<16xi1>
        } else {
        }
        %add3A_960 = arith.addi %add3A_926, %all_reduce_population_count3A_945 : vector<16xi32>
        %mul3A_961 = arith.constant 80 : i32
        %mul3A_962 = arith.muli %scan3A_823, %mul3A_961 : i32
        %add3A_963 = arith.constant 64 : i32
        %add3A_964 = arith.addi %mul3A_962, %add3A_963 : i32
        %get3A_965 = arith.index_cast %add3A_964 : i32 to index
        %get3A_966 = tpu.vector_load %arg13[%get3A_965] {strides = array<i32>} : memref<10240xf32, #tpu.memory_space<vmem>>, vector<16xf32>,
        %bitcast_convert_type3A_967 = tpu.bitcast %get3A_966 : vector<16xf32> -> vector<16xi32>
        %lt3A_968 = arith.constant 0.000000e+00 : f32
        %lt3A_969 = vector.broadcast %lt3A_968 : f32 to vector<16xf32>
        %lt3A_970 = arith.cmpf olt, %get3A_966, %lt3A_969 : vector<16xf32>
        %jit3A_971 = arith.constant -1 : i32
        %jit3A_972 = arith.constant -2147483648 : i32
        %broadcast_in_dim3A_973 = vector.broadcast %jit3A_971 : i32 to vector<16xi32>
        %broadcast_in_dim3A_974 = vector.broadcast %jit3A_972 : i32 to vector<16xi32>
        %select_n3A_975 = arith.select %lt3A_970, %broadcast_in_dim3A_973, %broadcast_in_dim3A_974 : vector<16xi1>, vector<16xi32>
        %xor3A_976 = arith.xori %bitcast_convert_type3A_967, %select_n3A_975 : vector<16xi32>
        %ge3A_977 = vector.broadcast %or3A_477 : i32 to vector<16xi32>
        %ge3A_978 = arith.cmpi uge, %xor3A_976, %ge3A_977 : vector<16xi32>
        %all_reduce_population_count3A_979 = tpu.all_reduce %ge3A_978 {dim = 0 : i64, kind = #tpu.reduction_kind<sum>} : vector<16xi1> -> vector<16xi32>
        %reduce_or3A_980 = arith.constant 1.000000e+00 : f32
        %reduce_or3A_981 = arith.constant 0.000000e+00 : f32
        %reduce_or3A_982 = vector.broadcast %reduce_or3A_980 : f32 to vector<16xf32>
        %reduce_or3A_983 = vector.broadcast %reduce_or3A_981 : f32 to vector<16xf32>
        %reduce_or3A_984 = arith.select %ge3A_978, %reduce_or3A_982, %reduce_or3A_983 : vector<16xi1>, vector<16xf32>
        %reduce_or3A_985 = arith.constant true
        %reduce_or3A_986 = vector.broadcast %reduce_or3A_985 : i1 to vector<16xi1>
        %reduce_or3A_987 = tpu.scan <max>, %reduce_or3A_984 masked %reduce_or3A_986 : vector<16xf32>, vector<16xi1> -> vector<16xf32>
        %reduce_or3A_988 = vector.extract %reduce_or3A_987[15] : f32 from vector<16xf32>
        %reduce_or3A_989 = arith.constant 0.000000e+00 : f32
        %reduce_or3A_990 = arith.cmpf ogt, %reduce_or3A_988, %reduce_or3A_989 : f32
        %convert_element_type3A_991 = arith.extui %reduce_or3A_990 : i1 to i32
        %cond3A_992 = arith.constant 0 : i32
        %cond3A_993 = arith.cmpi ne, %convert_element_type3A_991, %cond3A_992 : i32
        scf.if %cond3A_993 {
          %convert_element_type3A_995 = arith.extui %ge3A_978 : vector<16xi1> to vector<16xi32>
          %broadcast_in_dim3A_996 = arith.constant true
          %broadcast_in_dim3A_997 = vector.broadcast %broadcast_in_dim3A_996 : i1 to vector<16xi1>
          %masked_cumsum3A = tpu.scan <sum>, %convert_element_type3A_995 masked %broadcast_in_dim3A_997 : vector<16xi32>, vector<16xi1> -> vector<16xi32>
          %add3A_998 = arith.addi %add3A_960, %masked_cumsum3A : vector<16xi32>
          %sub3A_999 = arith.constant 1 : i32
          %sub3A_1000 = vector.broadcast %sub3A_999 : i32 to vector<16xi32>
          %sub3A_1001 = arith.subi %add3A_998, %sub3A_1000 : vector<16xi32>
          %min3A_1002 = arith.constant 127 : i32
          %min3A_1003 = vector.broadcast %min3A_1002 : i32 to vector<16xi32>
          %min3A_1004 = arith.minsi %sub3A_1001, %min3A_1003 : vector<16xi32>
          tpu.vector_store_idx %arg14[%min3A_1004], %get3A_966 masked %ge3A_978 : memref<128xf32, #tpu.memory_space<vmem>>[vector<16xi32>], vector<16xf32>, vector<16xi1>
          %mul3A_1005 = arith.constant 80 : i32
          %mul3A_1006 = vector.broadcast %mul3A_1005 : i32 to vector<16xi32>
          %mul3A_1007 = arith.muli %gather3A, %mul3A_1006 : vector<16xi32>
          %add3A_1008 = arith.constant 64 : i32
          %add3A_1009 = vector.broadcast %add3A_1008 : i32 to vector<16xi32>
          %add3A_1010 = arith.addi %mul3A_1007, %add3A_1009 : vector<16xi32>
          %add3A_1011 = arith.addi %add3A_1010, %iota3A : vector<16xi32>
          tpu.vector_store_idx %arg15[%min3A_1004], %add3A_1011 masked %ge3A_978 : memref<128xi32, #tpu.memory_space<vmem>>[vector<16xi32>], vector<16xi32>, vector<16xi1>
        } else {
        }
        %add3A_994 = arith.addi %add3A_960, %all_reduce_population_count3A_979 : vector<16xi32>
        scf.yield %add3A_994 : vector<16xi32>
      }
      %scan3A_539 = arith.constant 128 : i32
      %swap3A_540 = arith.constant 0 : index
      %swap3A_541 = tpu.vector_load %arg16[%swap3A_540] {strides = array<i32>} : memref<128xf32, #tpu.memory_space<vmem>>, vector<16xf32>,
      tpu.vector_store %arg16[%swap3A_540], %broadcast_in_dim3A_7 {strides = array<i32>} : memref<128xf32, #tpu.memory_space<vmem>>, vector<16xf32>,
      %swap3A_542 = arith.constant 0 : index
      %swap3A_543 = tpu.vector_load %arg17[%swap3A_542] {strides = array<i32>} : memref<128xi32, #tpu.memory_space<vmem>>, vector<16xi32>,
      tpu.vector_store %arg17[%swap3A_542], %broadcast_in_dim3A_5 {strides = array<i32>} : memref<128xi32, #tpu.memory_space<vmem>>, vector<16xi32>,
      %swap3A_544 = arith.constant 16 : index
      %swap3A_545 = tpu.vector_load %arg16[%swap3A_544] {strides = array<i32>} : memref<128xf32, #tpu.memory_space<vmem>>, vector<16xf32>,
      tpu.vector_store %arg16[%swap3A_544], %broadcast_in_dim3A_7 {strides = array<i32>} : memref<128xf32, #tpu.memory_space<vmem>>, vector<16xf32>,
      %swap3A_546 = arith.constant 16 : index
      %swap3A_547 = tpu.vector_load %arg17[%swap3A_546] {strides = array<i32>} : memref<128xi32, #tpu.memory_space<vmem>>, vector<16xi32>,
      tpu.vector_store %arg17[%swap3A_546], %broadcast_in_dim3A_5 {strides = array<i32>} : memref<128xi32, #tpu.memory_space<vmem>>, vector<16xi32>,
      %swap3A_548 = arith.constant 32 : index
      %swap3A_549 = tpu.vector_load %arg16[%swap3A_548] {strides = array<i32>} : memref<128xf32, #tpu.memory_space<vmem>>, vector<16xf32>,
      tpu.vector_store %arg16[%swap3A_548], %broadcast_in_dim3A_7 {strides = array<i32>} : memref<128xf32, #tpu.memory_space<vmem>>, vector<16xf32>,
      %swap3A_550 = arith.constant 32 : index
      %swap3A_551 = tpu.vector_load %arg17[%swap3A_550] {strides = array<i32>} : memref<128xi32, #tpu.memory_space<vmem>>, vector<16xi32>,
      tpu.vector_store %arg17[%swap3A_550], %broadcast_in_dim3A_5 {strides = array<i32>} : memref<128xi32, #tpu.memory_space<vmem>>, vector<16xi32>,
      %swap3A_552 = arith.constant 48 : index
      %swap3A_553 = tpu.vector_load %arg16[%swap3A_552] {strides = array<i32>} : memref<128xf32, #tpu.memory_space<vmem>>, vector<16xf32>,
      tpu.vector_store %arg16[%swap3A_552], %broadcast_in_dim3A_7 {strides = array<i32>} : memref<128xf32, #tpu.memory_space<vmem>>, vector<16xf32>,
      %swap3A_554 = arith.constant 48 : index
      %swap3A_555 = tpu.vector_load %arg17[%swap3A_554] {strides = array<i32>} : memref<128xi32, #tpu.memory_space<vmem>>, vector<16xi32>,
      tpu.vector_store %arg17[%swap3A_554], %broadcast_in_dim3A_5 {strides = array<i32>} : memref<128xi32, #tpu.memory_space<vmem>>, vector<16xi32>,
      %swap3A_556 = arith.constant 64 : index
      %swap3A_557 = tpu.vector_load %arg16[%swap3A_556] {strides = array<i32>} : memref<128xf32, #tpu.memory_space<vmem>>, vector<16xf32>,
      tpu.vector_store %arg16[%swap3A_556], %broadcast_in_dim3A_7 {strides = array<i32>} : memref<128xf32, #tpu.memory_space<vmem>>, vector<16xf32>,
      %swap3A_558 = arith.constant 64 : index
      %swap3A_559 = tpu.vector_load %arg17[%swap3A_558] {strides = array<i32>} : memref<128xi32, #tpu.memory_space<vmem>>, vector<16xi32>,
      tpu.vector_store %arg17[%swap3A_558], %broadcast_in_dim3A_5 {strides = array<i32>} : memref<128xi32, #tpu.memory_space<vmem>>, vector<16xi32>,
      %swap3A_560 = arith.constant 80 : index
      %swap3A_561 = tpu.vector_load %arg16[%swap3A_560] {strides = array<i32>} : memref<128xf32, #tpu.memory_space<vmem>>, vector<16xf32>,
      tpu.vector_store %arg16[%swap3A_560], %broadcast_in_dim3A_7 {strides = array<i32>} : memref<128xf32, #tpu.memory_space<vmem>>, vector<16xf32>,
      %swap3A_562 = arith.constant 80 : index
      %swap3A_563 = tpu.vector_load %arg17[%swap3A_562] {strides = array<i32>} : memref<128xi32, #tpu.memory_space<vmem>>, vector<16xi32>,
      tpu.vector_store %arg17[%swap3A_562], %broadcast_in_dim3A_5 {strides = array<i32>} : memref<128xi32, #tpu.memory_space<vmem>>, vector<16xi32>,
      %swap3A_564 = arith.constant 96 : index
      %swap3A_565 = tpu.vector_load %arg16[%swap3A_564] {strides = array<i32>} : memref<128xf32, #tpu.memory_space<vmem>>, vector<16xf32>,
      tpu.vector_store %arg16[%swap3A_564], %broadcast_in_dim3A_7 {strides = array<i32>} : memref<128xf32, #tpu.memory_space<vmem>>, vector<16xf32>,
      %swap3A_566 = arith.constant 96 : index
      %swap3A_567 = tpu.vector_load %arg17[%swap3A_566] {strides = array<i32>} : memref<128xi32, #tpu.memory_space<vmem>>, vector<16xi32>,
      tpu.vector_store %arg17[%swap3A_566], %broadcast_in_dim3A_5 {strides = array<i32>} : memref<128xi32, #tpu.memory_space<vmem>>, vector<16xi32>,
      %swap3A_568 = arith.constant 112 : index
      %swap3A_569 = tpu.vector_load %arg16[%swap3A_568] {strides = array<i32>} : memref<128xf32, #tpu.memory_space<vmem>>, vector<16xf32>,
      tpu.vector_store %arg16[%swap3A_568], %broadcast_in_dim3A_7 {strides = array<i32>} : memref<128xf32, #tpu.memory_space<vmem>>, vector<16xf32>,
      %swap3A_570 = arith.constant 112 : index
      %swap3A_571 = tpu.vector_load %arg17[%swap3A_570] {strides = array<i32>} : memref<128xi32, #tpu.memory_space<vmem>>, vector<16xi32>,
      tpu.vector_store %arg17[%swap3A_570], %broadcast_in_dim3A_5 {strides = array<i32>} : memref<128xi32, #tpu.memory_space<vmem>>, vector<16xi32>,
      %eq3A = arith.constant 0 : i32
      %eq3A_572 = vector.broadcast %eq3A : i32 to vector<16xi32>
      %eq3A_573 = arith.cmpi eq, %iota3A, %eq3A_572 : vector<16xi32>
      %scan3A_574 = arith.constant 0 : i32
      %scan3A_575 = arith.constant 0 : i32
      %scan3A_576 = arith.constant 128 : i32
      %scan3A_577 = arith.addi %scan3A_575, %scan3A_576 : i32
      %scan3A_578 = arith.constant 1 : i32
      %scan3A_579 = scf.for %scan3A_823 = %scan3A_575 to %scan3A_577 step %scan3A_578 iter_args(%scan3A_824 = %scan3A_574) -> (i32)  : i32 {
        %broadcast_in_dim3A_825 = arith.constant 0 : i32
        %broadcast_in_dim3A_826 = vector.broadcast %broadcast_in_dim3A_825 : i32 to vector<16xi32>
        %add3A_827 = vector.broadcast %scan3A_823 : i32 to vector<16xi32>
        %add3A_828 = arith.addi %broadcast_in_dim3A_826, %add3A_827 : vector<16xi32>
        %gather3A = tpu.vector_load_idx %arg14[%add3A_828] : memref<128xf32, #tpu.memory_space<vmem>>[vector<16xi32>], vector<16xf32>,
        %broadcast_in_dim3A_829 = arith.constant 0 : i32
        %broadcast_in_dim3A_830 = vector.broadcast %broadcast_in_dim3A_829 : i32 to vector<16xi32>
        %add3A_831 = vector.broadcast %scan3A_823 : i32 to vector<16xi32>
        %add3A_832 = arith.addi %broadcast_in_dim3A_830, %add3A_831 : vector<16xi32>
        %gather3A_833 = tpu.vector_load_idx %arg15[%add3A_832] : memref<128xi32, #tpu.memory_space<vmem>>[vector<16xi32>], vector<16xi32>,
        %get3A_834 = arith.constant 0 : index
        %get3A_835 = tpu.vector_load %arg14[%get3A_834] {strides = array<i32>} : memref<128xf32, #tpu.memory_space<vmem>>, vector<16xf32>,
        %get3A_836 = arith.constant 0 : index
        %get3A_837 = tpu.vector_load %arg15[%get3A_836] {strides = array<i32>} : memref<128xi32, #tpu.memory_space<vmem>>, vector<16xi32>,
        %gt3A = arith.cmpf ogt, %get3A_835, %gather3A : vector<16xf32>
        %eq3A_838 = arith.cmpf oeq, %get3A_835, %gather3A : vector<16xf32>
        %lt3A_839 = arith.cmpi slt, %get3A_837, %gather3A_833 : vector<16xi32>
        %and3A = arith.andi %eq3A_838, %lt3A_839 : vector<16xi1>
        %or3A_840 = arith.ori %gt3A, %and3A : vector<16xi1>
        %convert_element_type3A_841 = arith.extui %or3A_840 : vector<16xi1> to vector<16xi32>
        %add3A_842 = arith.addi %broadcast_in_dim3A_5, %convert_element_type3A_841 : vector<16xi32>
        %get3A_843 = arith.constant 16 : index
        %get3A_844 = tpu.vector_load %arg14[%get3A_843] {strides = array<i32>} : memref<128xf32, #tpu.memory_space<vmem>>, vector<16xf32>,
        %get3A_845 = arith.constant 16 : index
        %get3A_846 = tpu.vector_load %arg15[%get3A_845] {strides = array<i32>} : memref<128xi32, #tpu.memory_space<vmem>>, vector<16xi32>,
        %gt3A_847 = arith.cmpf ogt, %get3A_844, %gather3A : vector<16xf32>
        %eq3A_848 = arith.cmpf oeq, %get3A_844, %gather3A : vector<16xf32>
        %lt3A_849 = arith.cmpi slt, %get3A_846, %gather3A_833 : vector<16xi32>
        %and3A_850 = arith.andi %eq3A_848, %lt3A_849 : vector<16xi1>
        %or3A_851 = arith.ori %gt3A_847, %and3A_850 : vector<16xi1>
        %convert_element_type3A_852 = arith.extui %or3A_851 : vector<16xi1> to vector<16xi32>
        %add3A_853 = arith.addi %add3A_842, %convert_element_type3A_852 : vector<16xi32>
        %get3A_854 = arith.constant 32 : index
        %get3A_855 = tpu.vector_load %arg14[%get3A_854] {strides = array<i32>} : memref<128xf32, #tpu.memory_space<vmem>>, vector<16xf32>,
        %get3A_856 = arith.constant 32 : index
        %get3A_857 = tpu.vector_load %arg15[%get3A_856] {strides = array<i32>} : memref<128xi32, #tpu.memory_space<vmem>>, vector<16xi32>,
        %gt3A_858 = arith.cmpf ogt, %get3A_855, %gather3A : vector<16xf32>
        %eq3A_859 = arith.cmpf oeq, %get3A_855, %gather3A : vector<16xf32>
        %lt3A_860 = arith.cmpi slt, %get3A_857, %gather3A_833 : vector<16xi32>
        %and3A_861 = arith.andi %eq3A_859, %lt3A_860 : vector<16xi1>
        %or3A_862 = arith.ori %gt3A_858, %and3A_861 : vector<16xi1>
        %convert_element_type3A_863 = arith.extui %or3A_862 : vector<16xi1> to vector<16xi32>
        %add3A_864 = arith.addi %add3A_853, %convert_element_type3A_863 : vector<16xi32>
        %get3A_865 = arith.constant 48 : index
        %get3A_866 = tpu.vector_load %arg14[%get3A_865] {strides = array<i32>} : memref<128xf32, #tpu.memory_space<vmem>>, vector<16xf32>,
        %get3A_867 = arith.constant 48 : index
        %get3A_868 = tpu.vector_load %arg15[%get3A_867] {strides = array<i32>} : memref<128xi32, #tpu.memory_space<vmem>>, vector<16xi32>,
        %gt3A_869 = arith.cmpf ogt, %get3A_866, %gather3A : vector<16xf32>
        %eq3A_870 = arith.cmpf oeq, %get3A_866, %gather3A : vector<16xf32>
        %lt3A_871 = arith.cmpi slt, %get3A_868, %gather3A_833 : vector<16xi32>
        %and3A_872 = arith.andi %eq3A_870, %lt3A_871 : vector<16xi1>
        %or3A_873 = arith.ori %gt3A_869, %and3A_872 : vector<16xi1>
        %convert_element_type3A_874 = arith.extui %or3A_873 : vector<16xi1> to vector<16xi32>
        %add3A_875 = arith.addi %add3A_864, %convert_element_type3A_874 : vector<16xi32>
        %get3A_876 = arith.constant 64 : index
        %get3A_877 = tpu.vector_load %arg14[%get3A_876] {strides = array<i32>} : memref<128xf32, #tpu.memory_space<vmem>>, vector<16xf32>,
        %get3A_878 = arith.constant 64 : index
        %get3A_879 = tpu.vector_load %arg15[%get3A_878] {strides = array<i32>} : memref<128xi32, #tpu.memory_space<vmem>>, vector<16xi32>,
        %gt3A_880 = arith.cmpf ogt, %get3A_877, %gather3A : vector<16xf32>
        %eq3A_881 = arith.cmpf oeq, %get3A_877, %gather3A : vector<16xf32>
        %lt3A_882 = arith.cmpi slt, %get3A_879, %gather3A_833 : vector<16xi32>
        %and3A_883 = arith.andi %eq3A_881, %lt3A_882 : vector<16xi1>
        %or3A_884 = arith.ori %gt3A_880, %and3A_883 : vector<16xi1>
        %convert_element_type3A_885 = arith.extui %or3A_884 : vector<16xi1> to vector<16xi32>
        %add3A_886 = arith.addi %add3A_875, %convert_element_type3A_885 : vector<16xi32>
        %get3A_887 = arith.constant 80 : index
        %get3A_888 = tpu.vector_load %arg14[%get3A_887] {strides = array<i32>} : memref<128xf32, #tpu.memory_space<vmem>>, vector<16xf32>,
        %get3A_889 = arith.constant 80 : index
        %get3A_890 = tpu.vector_load %arg15[%get3A_889] {strides = array<i32>} : memref<128xi32, #tpu.memory_space<vmem>>, vector<16xi32>,
        %gt3A_891 = arith.cmpf ogt, %get3A_888, %gather3A : vector<16xf32>
        %eq3A_892 = arith.cmpf oeq, %get3A_888, %gather3A : vector<16xf32>
        %lt3A_893 = arith.cmpi slt, %get3A_890, %gather3A_833 : vector<16xi32>
        %and3A_894 = arith.andi %eq3A_892, %lt3A_893 : vector<16xi1>
        %or3A_895 = arith.ori %gt3A_891, %and3A_894 : vector<16xi1>
        %convert_element_type3A_896 = arith.extui %or3A_895 : vector<16xi1> to vector<16xi32>
        %add3A_897 = arith.addi %add3A_886, %convert_element_type3A_896 : vector<16xi32>
        %get3A_898 = arith.constant 96 : index
        %get3A_899 = tpu.vector_load %arg14[%get3A_898] {strides = array<i32>} : memref<128xf32, #tpu.memory_space<vmem>>, vector<16xf32>,
        %get3A_900 = arith.constant 96 : index
        %get3A_901 = tpu.vector_load %arg15[%get3A_900] {strides = array<i32>} : memref<128xi32, #tpu.memory_space<vmem>>, vector<16xi32>,
        %gt3A_902 = arith.cmpf ogt, %get3A_899, %gather3A : vector<16xf32>
        %eq3A_903 = arith.cmpf oeq, %get3A_899, %gather3A : vector<16xf32>
        %lt3A_904 = arith.cmpi slt, %get3A_901, %gather3A_833 : vector<16xi32>
        %and3A_905 = arith.andi %eq3A_903, %lt3A_904 : vector<16xi1>
        %or3A_906 = arith.ori %gt3A_902, %and3A_905 : vector<16xi1>
        %convert_element_type3A_907 = arith.extui %or3A_906 : vector<16xi1> to vector<16xi32>
        %add3A_908 = arith.addi %add3A_897, %convert_element_type3A_907 : vector<16xi32>
        %get3A_909 = arith.constant 112 : index
        %get3A_910 = tpu.vector_load %arg14[%get3A_909] {strides = array<i32>} : memref<128xf32, #tpu.memory_space<vmem>>, vector<16xf32>,
        %get3A_911 = arith.constant 112 : index
        %get3A_912 = tpu.vector_load %arg15[%get3A_911] {strides = array<i32>} : memref<128xi32, #tpu.memory_space<vmem>>, vector<16xi32>,
        %gt3A_913 = arith.cmpf ogt, %get3A_910, %gather3A : vector<16xf32>
        %eq3A_914 = arith.cmpf oeq, %get3A_910, %gather3A : vector<16xf32>
        %lt3A_915 = arith.cmpi slt, %get3A_912, %gather3A_833 : vector<16xi32>
        %and3A_916 = arith.andi %eq3A_914, %lt3A_915 : vector<16xi1>
        %or3A_917 = arith.ori %gt3A_913, %and3A_916 : vector<16xi1>
        %convert_element_type3A_918 = arith.extui %or3A_917 : vector<16xi1> to vector<16xi32>
        %add3A_919 = arith.addi %add3A_908, %convert_element_type3A_918 : vector<16xi32>
        %reduce_sum3A_920 = arith.constant true
        %reduce_sum3A_921 = vector.broadcast %reduce_sum3A_920 : i1 to vector<16xi1>
        %reduce_sum3A_922 = tpu.scan <sum>, %add3A_919 masked %reduce_sum3A_921 : vector<16xi32>, vector<16xi1> -> vector<16xi32>
        %reduce_sum3A_923 = vector.extract %reduce_sum3A_922[15] : i32 from vector<16xi32>
        %min3A_924 = arith.constant 127 : i32
        %min3A_925 = arith.minsi %reduce_sum3A_923, %min3A_924 : i32
        %broadcast_in_dim3A_926 = arith.constant 0 : i32
        %broadcast_in_dim3A_927 = vector.broadcast %broadcast_in_dim3A_926 : i32 to vector<16xi32>
        %add3A_928 = vector.broadcast %min3A_925 : i32 to vector<16xi32>
        %add3A_929 = arith.addi %broadcast_in_dim3A_927, %add3A_928 : vector<16xi32>
        tpu.vector_store_idx %arg16[%add3A_929], %gather3A masked %eq3A_573 : memref<128xf32, #tpu.memory_space<vmem>>[vector<16xi32>], vector<16xf32>, vector<16xi1>
        tpu.vector_store_idx %arg17[%add3A_929], %gather3A_833 masked %eq3A_573 : memref<128xi32, #tpu.memory_space<vmem>>[vector<16xi32>], vector<16xi32>, vector<16xi1>
        %scan3A_930 = arith.constant 0 : i32
        scf.yield %scan3A_930 : i32
      }
      %scan3A_580 = arith.constant 128 : i32
      %get3A_581 = arith.constant 0 : index
      %get3A_582 = tpu.vector_load %arg16[%get3A_581] {strides = array<i32>} : memref<128xf32, #tpu.memory_space<vmem>>, vector<16xf32>,
      %neg3A = arith.constant 0.000000e+00 : f32
      %neg3A_583 = vector.broadcast %neg3A : f32 to vector<16xf32>
      %neg3A_584 = arith.subf %neg3A_583, %get3A_582 : vector<16xf32>
      %exp3A = math.exp %neg3A_584 : vector<16xf32>
      %add3A_585 = arith.constant 1.000000e+00 : f32
      %add3A_586 = vector.broadcast %add3A_585 : f32 to vector<16xf32>
      %add3A_587 = arith.addf %add3A_586, %exp3A : vector<16xf32>
      %div3A = arith.constant 1.000000e+00 : f32
      %div3A_588 = vector.broadcast %div3A : f32 to vector<16xf32>
      %div3A_589 = arith.divf %div3A_588, %add3A_587 : vector<16xf32>
      %swap3A_590 = arith.constant 0 : index
      %swap3A_591 = tpu.vector_load %arg20[%swap3A_590] {strides = array<i32>} : memref<128xf32, #tpu.memory_space<vmem>>, vector<16xf32>,
      tpu.vector_store %arg20[%swap3A_590], %div3A_589 {strides = array<i32>} : memref<128xf32, #tpu.memory_space<vmem>>, vector<16xf32>,
      %get3A_592 = arith.constant 0 : index
      %get3A_593 = tpu.vector_load %arg17[%get3A_592] {strides = array<i32>} : memref<128xi32, #tpu.memory_space<vmem>>, vector<16xi32>,
      %rem3A = arith.constant 80 : i32
      %rem3A_594 = vector.broadcast %rem3A : i32 to vector<16xi32>
      %rem3A_595 = arith.remsi %get3A_593, %rem3A_594 : vector<16xi32>
      %swap3A_596 = arith.constant 0 : index
      %swap3A_597 = tpu.vector_load %arg21[%swap3A_596] {strides = array<i32>} : memref<128xi32, #tpu.memory_space<vmem>>, vector<16xi32>,
      tpu.vector_store %arg21[%swap3A_596], %rem3A_595 {strides = array<i32>} : memref<128xi32, #tpu.memory_space<vmem>>, vector<16xi32>,
      %div3A_598 = arith.constant 80 : i32
      %div3A_599 = vector.broadcast %div3A_598 : i32 to vector<16xi32>
      %div3A_600 = arith.divsi %get3A_593, %div3A_599 : vector<16xi32>
      %min3A_601 = arith.constant 19999 : i32
      %min3A_602 = vector.broadcast %min3A_601 : i32 to vector<16xi32>
      %min3A_603 = arith.minsi %div3A_600, %min3A_602 : vector<16xi32>
      %swap3A_604 = arith.constant 0 : index
      %swap3A_605 = tpu.vector_load %arg18[%swap3A_604] {strides = array<i32>} : memref<144xi32, #tpu.memory_space<vmem>>, vector<16xi32>,
      tpu.vector_store %arg18[%swap3A_604], %min3A_603 {strides = array<i32>} : memref<144xi32, #tpu.memory_space<vmem>>, vector<16xi32>,
      %get3A_606 = arith.constant 16 : index
      %get3A_607 = tpu.vector_load %arg16[%get3A_606] {strides = array<i32>} : memref<128xf32, #tpu.memory_space<vmem>>, vector<16xf32>,
      %neg3A_608 = arith.constant 0.000000e+00 : f32
      %neg3A_609 = vector.broadcast %neg3A_608 : f32 to vector<16xf32>
      %neg3A_610 = arith.subf %neg3A_609, %get3A_607 : vector<16xf32>
      %exp3A_611 = math.exp %neg3A_610 : vector<16xf32>
      %add3A_612 = arith.constant 1.000000e+00 : f32
      %add3A_613 = vector.broadcast %add3A_612 : f32 to vector<16xf32>
      %add3A_614 = arith.addf %add3A_613, %exp3A_611 : vector<16xf32>
      %div3A_615 = arith.constant 1.000000e+00 : f32
      %div3A_616 = vector.broadcast %div3A_615 : f32 to vector<16xf32>
      %div3A_617 = arith.divf %div3A_616, %add3A_614 : vector<16xf32>
      %swap3A_618 = arith.constant 16 : index
      %swap3A_619 = tpu.vector_load %arg20[%swap3A_618] {strides = array<i32>} : memref<128xf32, #tpu.memory_space<vmem>>, vector<16xf32>,
      tpu.vector_store %arg20[%swap3A_618], %div3A_617 {strides = array<i32>} : memref<128xf32, #tpu.memory_space<vmem>>, vector<16xf32>,
      %get3A_620 = arith.constant 16 : index
      %get3A_621 = tpu.vector_load %arg17[%get3A_620] {strides = array<i32>} : memref<128xi32, #tpu.memory_space<vmem>>, vector<16xi32>,
      %rem3A_622 = arith.constant 80 : i32
      %rem3A_623 = vector.broadcast %rem3A_622 : i32 to vector<16xi32>
      %rem3A_624 = arith.remsi %get3A_621, %rem3A_623 : vector<16xi32>
      %swap3A_625 = arith.constant 16 : index
      %swap3A_626 = tpu.vector_load %arg21[%swap3A_625] {strides = array<i32>} : memref<128xi32, #tpu.memory_space<vmem>>, vector<16xi32>,
      tpu.vector_store %arg21[%swap3A_625], %rem3A_624 {strides = array<i32>} : memref<128xi32, #tpu.memory_space<vmem>>, vector<16xi32>,
      %div3A_627 = arith.constant 80 : i32
      %div3A_628 = vector.broadcast %div3A_627 : i32 to vector<16xi32>
      %div3A_629 = arith.divsi %get3A_621, %div3A_628 : vector<16xi32>
      %min3A_630 = arith.constant 19999 : i32
      %min3A_631 = vector.broadcast %min3A_630 : i32 to vector<16xi32>
      %min3A_632 = arith.minsi %div3A_629, %min3A_631 : vector<16xi32>
      %swap3A_633 = arith.constant 16 : index
      %swap3A_634 = tpu.vector_load %arg18[%swap3A_633] {strides = array<i32>} : memref<144xi32, #tpu.memory_space<vmem>>, vector<16xi32>,
      tpu.vector_store %arg18[%swap3A_633], %min3A_632 {strides = array<i32>} : memref<144xi32, #tpu.memory_space<vmem>>, vector<16xi32>,
      %get3A_635 = arith.constant 32 : index
      %get3A_636 = tpu.vector_load %arg16[%get3A_635] {strides = array<i32>} : memref<128xf32, #tpu.memory_space<vmem>>, vector<16xf32>,
      %neg3A_637 = arith.constant 0.000000e+00 : f32
      %neg3A_638 = vector.broadcast %neg3A_637 : f32 to vector<16xf32>
      %neg3A_639 = arith.subf %neg3A_638, %get3A_636 : vector<16xf32>
      %exp3A_640 = math.exp %neg3A_639 : vector<16xf32>
      %add3A_641 = arith.constant 1.000000e+00 : f32
      %add3A_642 = vector.broadcast %add3A_641 : f32 to vector<16xf32>
      %add3A_643 = arith.addf %add3A_642, %exp3A_640 : vector<16xf32>
      %div3A_644 = arith.constant 1.000000e+00 : f32
      %div3A_645 = vector.broadcast %div3A_644 : f32 to vector<16xf32>
      %div3A_646 = arith.divf %div3A_645, %add3A_643 : vector<16xf32>
      %swap3A_647 = arith.constant 32 : index
      %swap3A_648 = tpu.vector_load %arg20[%swap3A_647] {strides = array<i32>} : memref<128xf32, #tpu.memory_space<vmem>>, vector<16xf32>,
      tpu.vector_store %arg20[%swap3A_647], %div3A_646 {strides = array<i32>} : memref<128xf32, #tpu.memory_space<vmem>>, vector<16xf32>,
      %get3A_649 = arith.constant 32 : index
      %get3A_650 = tpu.vector_load %arg17[%get3A_649] {strides = array<i32>} : memref<128xi32, #tpu.memory_space<vmem>>, vector<16xi32>,
      %rem3A_651 = arith.constant 80 : i32
      %rem3A_652 = vector.broadcast %rem3A_651 : i32 to vector<16xi32>
      %rem3A_653 = arith.remsi %get3A_650, %rem3A_652 : vector<16xi32>
      %swap3A_654 = arith.constant 32 : index
      %swap3A_655 = tpu.vector_load %arg21[%swap3A_654] {strides = array<i32>} : memref<128xi32, #tpu.memory_space<vmem>>, vector<16xi32>,
      tpu.vector_store %arg21[%swap3A_654], %rem3A_653 {strides = array<i32>} : memref<128xi32, #tpu.memory_space<vmem>>, vector<16xi32>,
      %div3A_656 = arith.constant 80 : i32
      %div3A_657 = vector.broadcast %div3A_656 : i32 to vector<16xi32>
      %div3A_658 = arith.divsi %get3A_650, %div3A_657 : vector<16xi32>
      %min3A_659 = arith.constant 19999 : i32
      %min3A_660 = vector.broadcast %min3A_659 : i32 to vector<16xi32>
      %min3A_661 = arith.minsi %div3A_658, %min3A_660 : vector<16xi32>
      %swap3A_662 = arith.constant 32 : index
      %swap3A_663 = tpu.vector_load %arg18[%swap3A_662] {strides = array<i32>} : memref<144xi32, #tpu.memory_space<vmem>>, vector<16xi32>,
      tpu.vector_store %arg18[%swap3A_662], %min3A_661 {strides = array<i32>} : memref<144xi32, #tpu.memory_space<vmem>>, vector<16xi32>,
      %get3A_664 = arith.constant 48 : index
      %get3A_665 = tpu.vector_load %arg16[%get3A_664] {strides = array<i32>} : memref<128xf32, #tpu.memory_space<vmem>>, vector<16xf32>,
      %neg3A_666 = arith.constant 0.000000e+00 : f32
      %neg3A_667 = vector.broadcast %neg3A_666 : f32 to vector<16xf32>
      %neg3A_668 = arith.subf %neg3A_667, %get3A_665 : vector<16xf32>
      %exp3A_669 = math.exp %neg3A_668 : vector<16xf32>
      %add3A_670 = arith.constant 1.000000e+00 : f32
      %add3A_671 = vector.broadcast %add3A_670 : f32 to vector<16xf32>
      %add3A_672 = arith.addf %add3A_671, %exp3A_669 : vector<16xf32>
      %div3A_673 = arith.constant 1.000000e+00 : f32
      %div3A_674 = vector.broadcast %div3A_673 : f32 to vector<16xf32>
      %div3A_675 = arith.divf %div3A_674, %add3A_672 : vector<16xf32>
      %swap3A_676 = arith.constant 48 : index
      %swap3A_677 = tpu.vector_load %arg20[%swap3A_676] {strides = array<i32>} : memref<128xf32, #tpu.memory_space<vmem>>, vector<16xf32>,
      tpu.vector_store %arg20[%swap3A_676], %div3A_675 {strides = array<i32>} : memref<128xf32, #tpu.memory_space<vmem>>, vector<16xf32>,
      %get3A_678 = arith.constant 48 : index
      %get3A_679 = tpu.vector_load %arg17[%get3A_678] {strides = array<i32>} : memref<128xi32, #tpu.memory_space<vmem>>, vector<16xi32>,
      %rem3A_680 = arith.constant 80 : i32
      %rem3A_681 = vector.broadcast %rem3A_680 : i32 to vector<16xi32>
      %rem3A_682 = arith.remsi %get3A_679, %rem3A_681 : vector<16xi32>
      %swap3A_683 = arith.constant 48 : index
      %swap3A_684 = tpu.vector_load %arg21[%swap3A_683] {strides = array<i32>} : memref<128xi32, #tpu.memory_space<vmem>>, vector<16xi32>,
      tpu.vector_store %arg21[%swap3A_683], %rem3A_682 {strides = array<i32>} : memref<128xi32, #tpu.memory_space<vmem>>, vector<16xi32>,
      %div3A_685 = arith.constant 80 : i32
      %div3A_686 = vector.broadcast %div3A_685 : i32 to vector<16xi32>
      %div3A_687 = arith.divsi %get3A_679, %div3A_686 : vector<16xi32>
      %min3A_688 = arith.constant 19999 : i32
      %min3A_689 = vector.broadcast %min3A_688 : i32 to vector<16xi32>
      %min3A_690 = arith.minsi %div3A_687, %min3A_689 : vector<16xi32>
      %swap3A_691 = arith.constant 48 : index
      %swap3A_692 = tpu.vector_load %arg18[%swap3A_691] {strides = array<i32>} : memref<144xi32, #tpu.memory_space<vmem>>, vector<16xi32>,
      tpu.vector_store %arg18[%swap3A_691], %min3A_690 {strides = array<i32>} : memref<144xi32, #tpu.memory_space<vmem>>, vector<16xi32>,
      %get3A_693 = arith.constant 64 : index
      %get3A_694 = tpu.vector_load %arg16[%get3A_693] {strides = array<i32>} : memref<128xf32, #tpu.memory_space<vmem>>, vector<16xf32>,
      %neg3A_695 = arith.constant 0.000000e+00 : f32
      %neg3A_696 = vector.broadcast %neg3A_695 : f32 to vector<16xf32>
      %neg3A_697 = arith.subf %neg3A_696, %get3A_694 : vector<16xf32>
      %exp3A_698 = math.exp %neg3A_697 : vector<16xf32>
      %add3A_699 = arith.constant 1.000000e+00 : f32
      %add3A_700 = vector.broadcast %add3A_699 : f32 to vector<16xf32>
      %add3A_701 = arith.addf %add3A_700, %exp3A_698 : vector<16xf32>
      %div3A_702 = arith.constant 1.000000e+00 : f32
      %div3A_703 = vector.broadcast %div3A_702 : f32 to vector<16xf32>
      %div3A_704 = arith.divf %div3A_703, %add3A_701 : vector<16xf32>
      %swap3A_705 = arith.constant 64 : index
      %swap3A_706 = tpu.vector_load %arg20[%swap3A_705] {strides = array<i32>} : memref<128xf32, #tpu.memory_space<vmem>>, vector<16xf32>,
      tpu.vector_store %arg20[%swap3A_705], %div3A_704 {strides = array<i32>} : memref<128xf32, #tpu.memory_space<vmem>>, vector<16xf32>,
      %get3A_707 = arith.constant 64 : index
      %get3A_708 = tpu.vector_load %arg17[%get3A_707] {strides = array<i32>} : memref<128xi32, #tpu.memory_space<vmem>>, vector<16xi32>,
      %rem3A_709 = arith.constant 80 : i32
      %rem3A_710 = vector.broadcast %rem3A_709 : i32 to vector<16xi32>
      %rem3A_711 = arith.remsi %get3A_708, %rem3A_710 : vector<16xi32>
      %swap3A_712 = arith.constant 64 : index
      %swap3A_713 = tpu.vector_load %arg21[%swap3A_712] {strides = array<i32>} : memref<128xi32, #tpu.memory_space<vmem>>, vector<16xi32>,
      tpu.vector_store %arg21[%swap3A_712], %rem3A_711 {strides = array<i32>} : memref<128xi32, #tpu.memory_space<vmem>>, vector<16xi32>,
      %div3A_714 = arith.constant 80 : i32
      %div3A_715 = vector.broadcast %div3A_714 : i32 to vector<16xi32>
      %div3A_716 = arith.divsi %get3A_708, %div3A_715 : vector<16xi32>
      %min3A_717 = arith.constant 19999 : i32
      %min3A_718 = vector.broadcast %min3A_717 : i32 to vector<16xi32>
      %min3A_719 = arith.minsi %div3A_716, %min3A_718 : vector<16xi32>
      %swap3A_720 = arith.constant 64 : index
      %swap3A_721 = tpu.vector_load %arg18[%swap3A_720] {strides = array<i32>} : memref<144xi32, #tpu.memory_space<vmem>>, vector<16xi32>,
      tpu.vector_store %arg18[%swap3A_720], %min3A_719 {strides = array<i32>} : memref<144xi32, #tpu.memory_space<vmem>>, vector<16xi32>,
      %get3A_722 = arith.constant 80 : index
      %get3A_723 = tpu.vector_load %arg16[%get3A_722] {strides = array<i32>} : memref<128xf32, #tpu.memory_space<vmem>>, vector<16xf32>,
      %neg3A_724 = arith.constant 0.000000e+00 : f32
      %neg3A_725 = vector.broadcast %neg3A_724 : f32 to vector<16xf32>
      %neg3A_726 = arith.subf %neg3A_725, %get3A_723 : vector<16xf32>
      %exp3A_727 = math.exp %neg3A_726 : vector<16xf32>
      %add3A_728 = arith.constant 1.000000e+00 : f32
      %add3A_729 = vector.broadcast %add3A_728 : f32 to vector<16xf32>
      %add3A_730 = arith.addf %add3A_729, %exp3A_727 : vector<16xf32>
      %div3A_731 = arith.constant 1.000000e+00 : f32
      %div3A_732 = vector.broadcast %div3A_731 : f32 to vector<16xf32>
      %div3A_733 = arith.divf %div3A_732, %add3A_730 : vector<16xf32>
      %swap3A_734 = arith.constant 80 : index
      %swap3A_735 = tpu.vector_load %arg20[%swap3A_734] {strides = array<i32>} : memref<128xf32, #tpu.memory_space<vmem>>, vector<16xf32>,
      tpu.vector_store %arg20[%swap3A_734], %div3A_733 {strides = array<i32>} : memref<128xf32, #tpu.memory_space<vmem>>, vector<16xf32>,
      %get3A_736 = arith.constant 80 : index
      %get3A_737 = tpu.vector_load %arg17[%get3A_736] {strides = array<i32>} : memref<128xi32, #tpu.memory_space<vmem>>, vector<16xi32>,
      %rem3A_738 = arith.constant 80 : i32
      %rem3A_739 = vector.broadcast %rem3A_738 : i32 to vector<16xi32>
      %rem3A_740 = arith.remsi %get3A_737, %rem3A_739 : vector<16xi32>
      %swap3A_741 = arith.constant 80 : index
      %swap3A_742 = tpu.vector_load %arg21[%swap3A_741] {strides = array<i32>} : memref<128xi32, #tpu.memory_space<vmem>>, vector<16xi32>,
      tpu.vector_store %arg21[%swap3A_741], %rem3A_740 {strides = array<i32>} : memref<128xi32, #tpu.memory_space<vmem>>, vector<16xi32>,
      %div3A_743 = arith.constant 80 : i32
      %div3A_744 = vector.broadcast %div3A_743 : i32 to vector<16xi32>
      %div3A_745 = arith.divsi %get3A_737, %div3A_744 : vector<16xi32>
      %min3A_746 = arith.constant 19999 : i32
      %min3A_747 = vector.broadcast %min3A_746 : i32 to vector<16xi32>
      %min3A_748 = arith.minsi %div3A_745, %min3A_747 : vector<16xi32>
      %swap3A_749 = arith.constant 80 : index
      %swap3A_750 = tpu.vector_load %arg18[%swap3A_749] {strides = array<i32>} : memref<144xi32, #tpu.memory_space<vmem>>, vector<16xi32>,
      tpu.vector_store %arg18[%swap3A_749], %min3A_748 {strides = array<i32>} : memref<144xi32, #tpu.memory_space<vmem>>, vector<16xi32>,
      %get3A_751 = arith.constant 96 : index
      %get3A_752 = tpu.vector_load %arg16[%get3A_751] {strides = array<i32>} : memref<128xf32, #tpu.memory_space<vmem>>, vector<16xf32>,
      %neg3A_753 = arith.constant 0.000000e+00 : f32
      %neg3A_754 = vector.broadcast %neg3A_753 : f32 to vector<16xf32>
      %neg3A_755 = arith.subf %neg3A_754, %get3A_752 : vector<16xf32>
      %exp3A_756 = math.exp %neg3A_755 : vector<16xf32>
      %add3A_757 = arith.constant 1.000000e+00 : f32
      %add3A_758 = vector.broadcast %add3A_757 : f32 to vector<16xf32>
      %add3A_759 = arith.addf %add3A_758, %exp3A_756 : vector<16xf32>
      %div3A_760 = arith.constant 1.000000e+00 : f32
      %div3A_761 = vector.broadcast %div3A_760 : f32 to vector<16xf32>
      %div3A_762 = arith.divf %div3A_761, %add3A_759 : vector<16xf32>
      %swap3A_763 = arith.constant 96 : index
      %swap3A_764 = tpu.vector_load %arg20[%swap3A_763] {strides = array<i32>} : memref<128xf32, #tpu.memory_space<vmem>>, vector<16xf32>,
      tpu.vector_store %arg20[%swap3A_763], %div3A_762 {strides = array<i32>} : memref<128xf32, #tpu.memory_space<vmem>>, vector<16xf32>,
      %get3A_765 = arith.constant 96 : index
      %get3A_766 = tpu.vector_load %arg17[%get3A_765] {strides = array<i32>} : memref<128xi32, #tpu.memory_space<vmem>>, vector<16xi32>,
      %rem3A_767 = arith.constant 80 : i32
      %rem3A_768 = vector.broadcast %rem3A_767 : i32 to vector<16xi32>
      %rem3A_769 = arith.remsi %get3A_766, %rem3A_768 : vector<16xi32>
      %swap3A_770 = arith.constant 96 : index
      %swap3A_771 = tpu.vector_load %arg21[%swap3A_770] {strides = array<i32>} : memref<128xi32, #tpu.memory_space<vmem>>, vector<16xi32>,
      tpu.vector_store %arg21[%swap3A_770], %rem3A_769 {strides = array<i32>} : memref<128xi32, #tpu.memory_space<vmem>>, vector<16xi32>,
      %div3A_772 = arith.constant 80 : i32
      %div3A_773 = vector.broadcast %div3A_772 : i32 to vector<16xi32>
      %div3A_774 = arith.divsi %get3A_766, %div3A_773 : vector<16xi32>
      %min3A_775 = arith.constant 19999 : i32
      %min3A_776 = vector.broadcast %min3A_775 : i32 to vector<16xi32>
      %min3A_777 = arith.minsi %div3A_774, %min3A_776 : vector<16xi32>
      %swap3A_778 = arith.constant 96 : index
      %swap3A_779 = tpu.vector_load %arg18[%swap3A_778] {strides = array<i32>} : memref<144xi32, #tpu.memory_space<vmem>>, vector<16xi32>,
      tpu.vector_store %arg18[%swap3A_778], %min3A_777 {strides = array<i32>} : memref<144xi32, #tpu.memory_space<vmem>>, vector<16xi32>,
      %get3A_780 = arith.constant 112 : index
      %get3A_781 = tpu.vector_load %arg16[%get3A_780] {strides = array<i32>} : memref<128xf32, #tpu.memory_space<vmem>>, vector<16xf32>,
      %neg3A_782 = arith.constant 0.000000e+00 : f32
      %neg3A_783 = vector.broadcast %neg3A_782 : f32 to vector<16xf32>
      %neg3A_784 = arith.subf %neg3A_783, %get3A_781 : vector<16xf32>
      %exp3A_785 = math.exp %neg3A_784 : vector<16xf32>
      %add3A_786 = arith.constant 1.000000e+00 : f32
      %add3A_787 = vector.broadcast %add3A_786 : f32 to vector<16xf32>
      %add3A_788 = arith.addf %add3A_787, %exp3A_785 : vector<16xf32>
      %div3A_789 = arith.constant 1.000000e+00 : f32
      %div3A_790 = vector.broadcast %div3A_789 : f32 to vector<16xf32>
      %div3A_791 = arith.divf %div3A_790, %add3A_788 : vector<16xf32>
      %swap3A_792 = arith.constant 112 : index
      %swap3A_793 = tpu.vector_load %arg20[%swap3A_792] {strides = array<i32>} : memref<128xf32, #tpu.memory_space<vmem>>, vector<16xf32>,
      tpu.vector_store %arg20[%swap3A_792], %div3A_791 {strides = array<i32>} : memref<128xf32, #tpu.memory_space<vmem>>, vector<16xf32>,
      %get3A_794 = arith.constant 112 : index
      %get3A_795 = tpu.vector_load %arg17[%get3A_794] {strides = array<i32>} : memref<128xi32, #tpu.memory_space<vmem>>, vector<16xi32>,
      %rem3A_796 = arith.constant 80 : i32
      %rem3A_797 = vector.broadcast %rem3A_796 : i32 to vector<16xi32>
      %rem3A_798 = arith.remsi %get3A_795, %rem3A_797 : vector<16xi32>
      %swap3A_799 = arith.constant 112 : index
      %swap3A_800 = tpu.vector_load %arg21[%swap3A_799] {strides = array<i32>} : memref<128xi32, #tpu.memory_space<vmem>>, vector<16xi32>,
      tpu.vector_store %arg21[%swap3A_799], %rem3A_798 {strides = array<i32>} : memref<128xi32, #tpu.memory_space<vmem>>, vector<16xi32>,
      %div3A_801 = arith.constant 80 : i32
      %div3A_802 = vector.broadcast %div3A_801 : i32 to vector<16xi32>
      %div3A_803 = arith.divsi %get3A_795, %div3A_802 : vector<16xi32>
      %min3A_804 = arith.constant 19999 : i32
      %min3A_805 = vector.broadcast %min3A_804 : i32 to vector<16xi32>
      %min3A_806 = arith.minsi %div3A_803, %min3A_805 : vector<16xi32>
      %swap3A_807 = arith.constant 112 : index
      %swap3A_808 = tpu.vector_load %arg18[%swap3A_807] {strides = array<i32>} : memref<144xi32, #tpu.memory_space<vmem>>, vector<16xi32>,
      tpu.vector_store %arg18[%swap3A_807], %min3A_806 {strides = array<i32>} : memref<144xi32, #tpu.memory_space<vmem>>, vector<16xi32>,
      %scan3A_809 = arith.constant 0 : i32
      %scan3A_810 = arith.constant 0 : i32
      %scan3A_811 = arith.constant 128 : i32
      %scan3A_812 = arith.addi %scan3A_810, %scan3A_811 : i32
      %scan3A_813 = arith.constant 1 : i32
      %scan3A_814 = scf.for %scan3A_823 = %scan3A_810 to %scan3A_812 step %scan3A_813 iter_args(%scan3A_824 = %scan3A_809) -> (i32)  : i32 {
        %get3A_825 = arith.index_cast %scan3A_823 : i32 to index
        %get3A_826 = tpu.vector_load %arg18[%get3A_825] {strides = array<i32>} : memref<144xi32, #tpu.memory_space<vmem>>, vector<16xi32>,
        %slice3A = vector.extract_strided_slice %get3A_826 {offsets = [0], sizes = [1], strides = [1]} : vector<16xi32> to vector<1xi32>
        %squeeze3A = vector.extract %slice3A[0] : i32 from vector<1xi32>
        %dma_start3A = arith.constant 0 : i32
        %dma_start3A_827 = tpu.memref_slice %arg19[%scan3A_823, %dma_start3A] : memref<128x4xf32, #tpu.memory_space<vmem>> -> memref<1x4xf32, #tpu.memory_space<vmem>>
        %dma_start3A_828 = arith.constant 0 : i32
        %dma_start3A_829 = tpu.memref_slice %arg4[%add3A, %squeeze3A, %dma_start3A_828] : memref<16x20000x4xf32, #tpu.memory_space<hbm>> -> memref<1x1x4xf32, #tpu.memory_space<hbm>>
        %dma_start3A_830 = tpu.memref_squeeze %dma_start3A_829 : memref<1x1x4xf32, #tpu.memory_space<hbm>> -> memref<1x4xf32, #tpu.memory_space<hbm>>
        %dma_start3A_831 = arith.constant 0 : i32
        %dma_start3A_832 = tpu.memref_slice %arg19[%scan3A_823, %dma_start3A_831] : memref<128x4xf32, #tpu.memory_space<vmem>> -> memref<1x4xf32, #tpu.memory_space<vmem>>
        %dma_start3A_833 = arith.constant 0 : i32
        %dma_start3A_834 = tpu.memref_slice %arg4[%add3A, %squeeze3A, %dma_start3A_833] : memref<16x20000x4xf32, #tpu.memory_space<hbm>> -> memref<1x1x4xf32, #tpu.memory_space<hbm>>
        %dma_start3A_835 = tpu.memref_squeeze %dma_start3A_834 : memref<1x1x4xf32, #tpu.memory_space<hbm>> -> memref<1x4xf32, #tpu.memory_space<hbm>>
        tpu.enqueue_dma source(%dma_start3A_835 : memref<1x4xf32, #tpu.memory_space<hbm>>) target(%dma_start3A_832 : memref<1x4xf32, #tpu.memory_space<vmem>>) target_semaphore(%arg23 : memref<!tpu.dma_semaphore, #tpu.memory_space<semaphore_mem>>)
        %scan3A_836 = arith.constant 0 : i32
        scf.yield %scan3A_836 : i32
      }
      %scan3A_815 = arith.constant 128 : i32
      %scan3A_816 = arith.constant 0 : i32
      %scan3A_817 = arith.constant 0 : i32
      %scan3A_818 = arith.constant 128 : i32
      %scan3A_819 = arith.addi %scan3A_817, %scan3A_818 : i32
      %scan3A_820 = arith.constant 1 : i32
      %scan3A_821 = scf.for %scan3A_823 = %scan3A_817 to %scan3A_819 step %scan3A_820 iter_args(%scan3A_824 = %scan3A_816) -> (i32)  : i32 {
        %dma_wait3A = arith.constant 0 : i32
        %dma_wait3A_825 = tpu.memref_slice %arg19[%scan3A_823, %dma_wait3A] : memref<128x4xf32, #tpu.memory_space<vmem>> -> memref<1x4xf32, #tpu.memory_space<vmem>>
        %dma_wait3A_826 = arith.constant 0 : i32
        %dma_wait3A_827 = arith.constant 0 : i32
        %dma_wait3A_828 = tpu.memref_slice %arg4[%add3A, %dma_wait3A_826, %dma_wait3A_827] : memref<16x20000x4xf32, #tpu.memory_space<hbm>> -> memref<1x1x4xf32, #tpu.memory_space<hbm>>
        %dma_wait3A_829 = tpu.memref_squeeze %dma_wait3A_828 : memref<1x1x4xf32, #tpu.memory_space<hbm>> -> memref<1x4xf32, #tpu.memory_space<hbm>>
        %dma_wait3A_830 = arith.constant 0 : i32
        %dma_wait3A_831 = tpu.memref_slice %arg19[%scan3A_823, %dma_wait3A_830] : memref<128x4xf32, #tpu.memory_space<vmem>> -> memref<1x4xf32, #tpu.memory_space<vmem>>
        %dma_wait3A_832 = arith.constant 0 : i32
        %dma_wait3A_833 = arith.constant 0 : i32
        %dma_wait3A_834 = tpu.memref_slice %arg4[%add3A, %dma_wait3A_832, %dma_wait3A_833] : memref<16x20000x4xf32, #tpu.memory_space<hbm>> -> memref<1x1x4xf32, #tpu.memory_space<hbm>>
        %dma_wait3A_835 = tpu.memref_squeeze %dma_wait3A_834 : memref<1x1x4xf32, #tpu.memory_space<hbm>> -> memref<1x4xf32, #tpu.memory_space<hbm>>
        tpu.wait_dma2 semaphore(%arg23 : memref<!tpu.dma_semaphore, #tpu.memory_space<semaphore_mem>>) src(%dma_wait3A_835 : memref<1x4xf32, #tpu.memory_space<hbm>>) dst(%dma_wait3A_831 : memref<1x4xf32, #tpu.memory_space<vmem>>)
        %scan3A_836 = arith.constant 0 : i32
        scf.yield %scan3A_836 : i32
      }
      %scan3A_822 = arith.constant 128 : i32
      "tpu.region"() ({
        %run_scoped3A = tpu.sem_alloc : memref<!tpu.dma_semaphore, #tpu.memory_space<semaphore_mem>>
        %dma_start3A = arith.constant 0 : i32
        %dma_start3A_823 = tpu.memref_slice %arg5[%add3A, %dma_start3A] : memref<16x128xf32, #tpu.memory_space<hbm>> -> memref<1x128xf32, #tpu.memory_space<hbm>>
        %dma_start3A_824 = tpu.memref_squeeze %dma_start3A_823 : memref<1x128xf32, #tpu.memory_space<hbm>> -> memref<128xf32, #tpu.memory_space<hbm>>
        %dma_start3A_825 = arith.constant 0 : i32
        %dma_start3A_826 = tpu.memref_slice %arg5[%add3A, %dma_start3A_825] : memref<16x128xf32, #tpu.memory_space<hbm>> -> memref<1x128xf32, #tpu.memory_space<hbm>>
        %dma_start3A_827 = tpu.memref_squeeze %dma_start3A_826 : memref<1x128xf32, #tpu.memory_space<hbm>> -> memref<128xf32, #tpu.memory_space<hbm>>
        tpu.enqueue_dma source(%arg20 : memref<128xf32, #tpu.memory_space<vmem>>) target(%dma_start3A_827 : memref<128xf32, #tpu.memory_space<hbm>>) target_semaphore(%run_scoped3A : memref<!tpu.dma_semaphore, #tpu.memory_space<semaphore_mem>>)
        %dma_wait3A = arith.constant 0 : i32
        %dma_wait3A_828 = tpu.memref_slice %arg5[%add3A, %dma_wait3A] : memref<16x128xf32, #tpu.memory_space<hbm>> -> memref<1x128xf32, #tpu.memory_space<hbm>>
        %dma_wait3A_829 = tpu.memref_squeeze %dma_wait3A_828 : memref<1x128xf32, #tpu.memory_space<hbm>> -> memref<128xf32, #tpu.memory_space<hbm>>
        %dma_wait3A_830 = arith.constant 0 : i32
        %dma_wait3A_831 = tpu.memref_slice %arg5[%add3A, %dma_wait3A_830] : memref<16x128xf32, #tpu.memory_space<hbm>> -> memref<1x128xf32, #tpu.memory_space<hbm>>
        %dma_wait3A_832 = tpu.memref_squeeze %dma_wait3A_831 : memref<1x128xf32, #tpu.memory_space<hbm>> -> memref<128xf32, #tpu.memory_space<hbm>>
        tpu.wait_dma2 semaphore(%run_scoped3A : memref<!tpu.dma_semaphore, #tpu.memory_space<semaphore_mem>>) src(%arg20 : memref<128xf32, #tpu.memory_space<vmem>>) dst(%dma_wait3A_832 : memref<128xf32, #tpu.memory_space<hbm>>)
        tpu.yield
      }) : () -> ()
      "tpu.region"() ({
        %run_scoped3A = tpu.sem_alloc : memref<!tpu.dma_semaphore, #tpu.memory_space<semaphore_mem>>
        %dma_start3A = arith.constant 0 : i32
        %dma_start3A_823 = tpu.memref_slice %arg6[%add3A, %dma_start3A] : memref<16x128xi32, #tpu.memory_space<hbm>> -> memref<1x128xi32, #tpu.memory_space<hbm>>
        %dma_start3A_824 = tpu.memref_squeeze %dma_start3A_823 : memref<1x128xi32, #tpu.memory_space<hbm>> -> memref<128xi32, #tpu.memory_space<hbm>>
        %dma_start3A_825 = arith.constant 0 : i32
        %dma_start3A_826 = tpu.memref_slice %arg6[%add3A, %dma_start3A_825] : memref<16x128xi32, #tpu.memory_space<hbm>> -> memref<1x128xi32, #tpu.memory_space<hbm>>
        %dma_start3A_827 = tpu.memref_squeeze %dma_start3A_826 : memref<1x128xi32, #tpu.memory_space<hbm>> -> memref<128xi32, #tpu.memory_space<hbm>>
        tpu.enqueue_dma source(%arg21 : memref<128xi32, #tpu.memory_space<vmem>>) target(%dma_start3A_827 : memref<128xi32, #tpu.memory_space<hbm>>) target_semaphore(%run_scoped3A : memref<!tpu.dma_semaphore, #tpu.memory_space<semaphore_mem>>)
        %dma_wait3A = arith.constant 0 : i32
        %dma_wait3A_828 = tpu.memref_slice %arg6[%add3A, %dma_wait3A] : memref<16x128xi32, #tpu.memory_space<hbm>> -> memref<1x128xi32, #tpu.memory_space<hbm>>
        %dma_wait3A_829 = tpu.memref_squeeze %dma_wait3A_828 : memref<1x128xi32, #tpu.memory_space<hbm>> -> memref<128xi32, #tpu.memory_space<hbm>>
        %dma_wait3A_830 = arith.constant 0 : i32
        %dma_wait3A_831 = tpu.memref_slice %arg6[%add3A, %dma_wait3A_830] : memref<16x128xi32, #tpu.memory_space<hbm>> -> memref<1x128xi32, #tpu.memory_space<hbm>>
        %dma_wait3A_832 = tpu.memref_squeeze %dma_wait3A_831 : memref<1x128xi32, #tpu.memory_space<hbm>> -> memref<128xi32, #tpu.memory_space<hbm>>
        tpu.wait_dma2 semaphore(%run_scoped3A : memref<!tpu.dma_semaphore, #tpu.memory_space<semaphore_mem>>) src(%arg21 : memref<128xi32, #tpu.memory_space<vmem>>) dst(%dma_wait3A_832 : memref<128xi32, #tpu.memory_space<hbm>>)
        tpu.yield
      }) : () -> ()
      "tpu.region"() ({
        %run_scoped3A = tpu.sem_alloc : memref<!tpu.dma_semaphore, #tpu.memory_space<semaphore_mem>>
        %dma_start3A = arith.constant 0 : i32
        %dma_start3A_823 = arith.constant 0 : i32
        %dma_start3A_824 = tpu.memref_slice %arg7[%add3A, %dma_start3A, %dma_start3A_823] : memref<16x128x4xf32, #tpu.memory_space<hbm>> -> memref<1x128x4xf32, #tpu.memory_space<hbm>>
        %dma_start3A_825 = tpu.memref_squeeze %dma_start3A_824 : memref<1x128x4xf32, #tpu.memory_space<hbm>> -> memref<128x4xf32, #tpu.memory_space<hbm>>
        %dma_start3A_826 = arith.constant 0 : i32
        %dma_start3A_827 = arith.constant 0 : i32
        %dma_start3A_828 = tpu.memref_slice %arg7[%add3A, %dma_start3A_826, %dma_start3A_827] : memref<16x128x4xf32, #tpu.memory_space<hbm>> -> memref<1x128x4xf32, #tpu.memory_space<hbm>>
        %dma_start3A_829 = tpu.memref_squeeze %dma_start3A_828 : memref<1x128x4xf32, #tpu.memory_space<hbm>> -> memref<128x4xf32, #tpu.memory_space<hbm>>
        tpu.enqueue_dma source(%arg19 : memref<128x4xf32, #tpu.memory_space<vmem>>) target(%dma_start3A_829 : memref<128x4xf32, #tpu.memory_space<hbm>>) target_semaphore(%run_scoped3A : memref<!tpu.dma_semaphore, #tpu.memory_space<semaphore_mem>>)
        %dma_wait3A = arith.constant 0 : i32
        %dma_wait3A_830 = arith.constant 0 : i32
        %dma_wait3A_831 = tpu.memref_slice %arg7[%add3A, %dma_wait3A, %dma_wait3A_830] : memref<16x128x4xf32, #tpu.memory_space<hbm>> -> memref<1x128x4xf32, #tpu.memory_space<hbm>>
        %dma_wait3A_832 = tpu.memref_squeeze %dma_wait3A_831 : memref<1x128x4xf32, #tpu.memory_space<hbm>> -> memref<128x4xf32, #tpu.memory_space<hbm>>
        %dma_wait3A_833 = arith.constant 0 : i32
        %dma_wait3A_834 = arith.constant 0 : i32
        %dma_wait3A_835 = tpu.memref_slice %arg7[%add3A, %dma_wait3A_833, %dma_wait3A_834] : memref<16x128x4xf32, #tpu.memory_space<hbm>> -> memref<1x128x4xf32, #tpu.memory_space<hbm>>
        %dma_wait3A_836 = tpu.memref_squeeze %dma_wait3A_835 : memref<1x128x4xf32, #tpu.memory_space<hbm>> -> memref<128x4xf32, #tpu.memory_space<hbm>>
        tpu.wait_dma2 semaphore(%run_scoped3A : memref<!tpu.dma_semaphore, #tpu.memory_space<semaphore_mem>>) src(%arg19 : memref<128x4xf32, #tpu.memory_space<vmem>>) dst(%dma_wait3A_836 : memref<128x4xf32, #tpu.memory_space<hbm>>)
        tpu.yield
      }) : () -> ()
    } else {
    }
    return
  }
}

</mosaic_0001>

<sc_bundles>
// kernel: kernel.4.cloned.1.call-start
scs
__scs_entry_jumppad:
0x0: {  	(pc) =	sbr.rel $0x88, $3  }
0x1: {  	(tag) =	ssettag $0x0;
	lr =	simm.s32 $0x1  }
0x2: {  	[smem:$0x3F9E] =	sst lr;
	_ =	strace $0xD0000000  }
0x3: {  	_ = 	snop  }
0x4: {  	_ = 	snop  }
0x5: {  	_ = 	snop  }
0x6: {  	_ = 	snop  }
0x7: {  	_ = 	snop  }
__scs_overlays_trampoline_lowered:
0x8: {  	[smem:$0x3FAD] =	sst s0  }
0x9: {  	[smem:$0x3FAE] =	sst s1  }
0xa: {  	[smem:$0x3FAF] =	sst s2  }
0xb: {  	[smem:$0x3FB0] =	sst s3  }
0xc: {  	[smem:$0x3FB1] =	sst s4  }
0xd: {  	[smem:$0x3FB2] =	sst s5  }
0xe: {  	[smem:$0x3FB3] =	sst s6  }
0xf: {  	[smem:$0x3FB4] =	sst s7  }
0x10: {  	[smem:$0x3FB5] =	sst s8  }
0x11: {  	[smem:$0x3FB6] =	sst s9;
	s0 =	simm.s32 @!p0 $0x0  }
0x12: {  	s1 =	sld [smem:$0x3F9C];
	s0 =	simm.s32 @p0 $0x1  }
0x13: {  	[smem:$0x3FB7] =	sst s0;
	s0 =	simm.s32 @!p1 $0x0  }
0x14: {  	s2 =	sld [smem:$0x3F9B];
	s0 =	simm.s32 @p1 $0x1  }
0x15: {  	[smem:$0x3FB8] =	sst s0;
	s0 =	simm.s32 @!p2 $0x0  }
0x16: {  	s3 =	sld [smem:$0x3FDB];
	s0 =	simm.s32 @p2 $0x1  }
0x17: {  	s4 =	simm.s32 $0x1BF5;
	[smem:$0x3FBA] =	sst s0  }
0x18: {  	s0 =	sld [smem:$0x3F9D];
	_ =	swait.ge [sflag:s4], $0x0  }
0x19: {  	s7 =	sld [smem:$0x3F9E]  }
0x1a: {  	s8 =	sadd.s32 $0xFFFFE003, lr  }
0x1b: {  	s9 =	sadd.s32 $0xFFFFFEF7, lr;
	s5 =	simm.s32 $0xFFFFFFFF;
	p2 =	slt.u32 s8, $0xFFFFF086  }
0x1c: {  	p1 =	slt.u32 s9, $0xF7A;
	s5 =	simm.s32 @!p2 $0x0  }
0x1d: {  	s5 =	simm.s32 @p1 $0x1;
	p0 =	seq.s32 s7, s2  }
0x1e: {  	s7 =	smul.u32 @!p0 $0xF7A, s2;
	p2 =	seq.s32 @!p0 s5, $0x0  }
0x1f: {  	s9 =	smul.u32 $0xF7A, s1;
	s8 =	simm.s32 @!p0 $0x1BF5;
	p2 =	por !p2, p0  }
0x20: {  	[sflag:s8] =	ssyncset.s32 @!p0 $0xFFFFF086;
	s6 =	sadd.s32 @!p0 s3, s7;
	s7 =	simm.s32 @!p0 $0x108  }
0x21: {  	s3 =	sadd.s32 s3, s9;
	s6 =	sadd.s32 @!p0 $0x88, s6;
	s7 =	simm.s32 @p2 $0x1082  }
0x22: {  	[simem:s7], [sflag:s8] =	dma.local @!p0 [hbm:s6], $0xF7A  }
0x23: {  	s9 =	sor.u32 $0xD0000000, s2;
	s6 =	simm.s32 $0x108;
	_ =	swait.ge @!p0 [sflag:s8], $0x0  }
0x24: {  	s3 =	sadd.s32 $0x88, s3;
	s6 =	simm.s32 @!p1 $0x1082;
	[sflag:s4] =	ssyncset.s32 $0xFFFFF086  }
0x25: {  	[simem:s6], [sflag:s4] =	dma.local [hbm:s3], $0xF7A  }
0x26: {  	[smem:$0x3F9E] =	sst s1;
	(tag) =	ssettag s2;
	_ =	strace s9  }
0x27: {  	s1 =	sld [smem:$0x3FAE]  }
0x28: {  	s2 =	sld [smem:$0x3FAF]  }
0x29: {  	s4 =	sld [smem:$0x3FB1]  }
0x2a: {  	p0 =	seq.s32 s5, $0x0;
	s5 =	sld [smem:$0x3FB2]  }
0x2b: {  	s6 =	sld [smem:$0x3FB3]  }
0x2c: {  	s7 =	sld [smem:$0x3FB4]  }
0x2d: {  	s3 =	simm.s32 $0x108;
	s8 =	sld [smem:$0x3FB5]  }
0x2e: {  	s3 =	simm.s32 @!p0 $0x1082;
	s9 =	sld [smem:$0x3FB6]  }
0x2f: {  	lr =	sadd.s32 s0, s3;
	s0 =	sld [smem:$0x3FAD]  }
0x30: {  	s3 =	sld [smem:$0x3FB0]  }
0x31: {  	[smem:$0x3FB9] =	sst s10  }
0x32: {  	s10 =	sld [smem:$0x3FB7];
	_ =	sdelay $0x3  }
0x33: {  	p0 =	seq.s32 s10, $0x1;
	s10 =	sld [smem:$0x3FB9];
	_ =	sdelay $0x3  }
0x34: {  	[smem:$0x3FB9] =	sst s10  }
0x35: {  	s10 =	sld [smem:$0x3FB8];
	_ =	sdelay $0x3  }
0x36: {  	p1 =	seq.s32 s10, $0x1;
	s10 =	sld [smem:$0x3FB9];
	_ =	sdelay $0x3  }
0x37: {  	[smem:$0x3FB9] =	sst s10  }
0x38: {  	s10 =	sld [smem:$0x3FBA]  }
0x39: {  	_ = 	snop;
	(pc) =	sbr.ind lr, $3  }
0x3a: {  	_ = 	snop  }
0x3b: {  	_ = 	snop  }
0x3c: {  	p2 =	seq.s32 s10, $0x1;
	s10 =	sld [smem:$0x3FB9]  }
0x3d: {  	_ =	shalt  }
0x3e: {  	_ =	shalt  }
0x3f: {  	_ =	shalt  }
0x40: {  	_ =	shalt  }
0x41: {  	_ =	shalt  }
0x42: {  	_ =	shalt  }
0x43: {  	_ =	shalt  }
0x44: {  	_ =	shalt  }
0x45: {  	_ =	shalt  }
0x46: {  	_ =	shalt  }
0x47: {  	_ =	shalt  }
0x48: {  	_ =	shalt  }
0x49: {  	_ =	shalt  }
0x4a: {  	_ =	shalt  }
0x4b: {  	_ =	shalt  }
0x4c: {  	_ =	shalt  }
0x4d: {  	_ =	shalt  }
0x4e: {  	_ =	shalt  }
0x4f: {  	_ =	shalt  }
0x50: {  	_ =	shalt  }
0x51: {  	_ =	shalt  }
0x52: {  	_ =	shalt  }
0x53: {  	_ =	shalt  }
0x54: {  	_ =	shalt  }
0x55: {  	_ =	shalt  }
0x56: {  	_ =	shalt  }
0x57: {  	_ =	shalt  }
0x58: {  	_ =	shalt  }
0x59: {  	_ =	shalt  }
0x5a: {  	_ =	shalt  }
0x5b: {  	_ =	shalt  }
0x5c: {  	_ =	shalt  }
0x5d: {  	_ =	shalt  }
0x5e: {  	_ =	shalt  }
0x5f: {  	_ =	shalt  }
0x60: {  	_ =	shalt  }
0x61: {  	_ =	shalt  }
0x62: {  	_ =	shalt  }
0x63: {  	_ =	shalt  }
0x64: {  	_ =	shalt  }
0x65: {  	_ =	shalt  }
0x66: {  	_ =	shalt  }
0x67: {  	_ =	shalt  }
0x68: {  	_ =	shalt  }
0x69: {  	_ =	shalt  }
0x6a: {  	_ =	shalt  }
0x6b: {  	_ =	shalt  }
0x6c: {  	_ =	shalt  }
0x6d: {  	_ =	shalt  }
0x6e: {  	_ =	shalt  }
0x6f: {  	_ =	shalt  }
0x70: {  	_ =	shalt  }
0x71: {  	_ =	shalt  }
0x72: {  	_ =	shalt  }
0x73: {  	_ =	shalt  }
0x74: {  	_ =	shalt  }
0x75: {  	_ =	shalt  }
0x76: {  	_ =	shalt  }
0x77: {  	_ =	shalt  }
0x78: {  	_ =	shalt  }
0x79: {  	_ =	shalt  }
0x7a: {  	_ =	shalt  }
0x7b: {  	_ =	shalt  }
0x7c: {  	_ =	shalt  }
0x7d: {  	_ =	shalt  }
0x7e: {  	_ =	shalt  }
0x7f: {  	_ =	shalt  }
0x80: {  	_ =	shalt  }
0x81: {  	_ =	shalt  }
0x82: {  	_ =	shalt  }
0x83: {  	_ =	shalt  }
0x84: {  	_ =	shalt  }
0x85: {  	_ =	shalt  }
0x86: {  	_ =	shalt  }
0x87: {  	_ =	shalt  }
.Lfunc_end0:
.L_simem_size_0:
called_computation_lowered:
.L_overlay_start_0:
0x88: {  	s2 =	sld [smem:$0x3FD9]  }
0x89: {  	s3 =	sld [smem:$0x3FFE];
	_ =	sdelay $0x1  }
0x8a: {  	s1 =	srdreg.scid  }
0x8b: {  	s0 =	sand.u32 $0x1, s1  }
0x8c: {  	s16 =	sshll.u32 s0, $0xA;
	s2 =	sadd.s32 s3, s2  }
0x8d: {  	s2 =	sadd.s32 s2, s16  }
0x8e: {  	[smem:$0x3FC5] =	sst s2  }
0x8f: {  	_ = 	snop  }
0x90: {  	(tm) =	ssettm $0x1  }
0x91: {  	s17 =	sld [smem:$0x3FFB];
	_ =	sdelay $0x3  }
0x92: {  	_ =	strace s17  }
0x93: {  	s2 =	sld [smem:$0x3FFC];
	_ =	sdelay $0x3  }
0x94: {  	_ =	strace s2  }
0x95: {  	s2 =	sld [smem:$0x3FFD];
	_ =	sdelay $0x3  }
0x96: {  	_ =	strace s2  }
0x97: {  	_ =	strace $0x8FFFFFFF  }
0x98: {  	s18 =	sld [smem:$0x3FDB];
	_ =	sdelay $0x1  }
0x99: {  	s19 =	simm.s32 $_scs_section_size  }
0x9a: {  	s4 =	simm.s32 $_size__tile_overlayer_lowered;
	s5 =	simm.s32 $_tile_overlayer_lowered  }
0x9b: {  	s22 =	simm.s32 $0x1BFF;
	s21 =	sshll.u32 s5, $0x1;
	s2 =	sadd.s32 s19, s18  }
0x9c: {  	s6 =	simm.s32 $0x0;
	s20 =	sshll.u32 s4, $0x1;
	s4 =	sadd.s32 s21, s2  }
0x9d: {  	[timem:s6], [sflag:s22] =	dma.local [hbm:s4], s20  }
0x9e: {  	_ =	swait.ge [sflag:s22], s20  }
0x9f: {  	s3 =	ssub.s32 $0x0, s20;
	[sflag:s22] =	ssyncset.done $0x0  }
0xa0: {  	[sflag:s22] =	ssyncadd.s32 s3;
	_ =	sdelay $0x1  }
0xa1: {  	s23 =	simm.s32 $0x1B8B  }
0xa2: {  	_ =	swait.ge [sflag:s23], $0x1  }
0xa3: {  	[sflag:s23] =	ssyncset.done $0x0  }
0xa4: {  	s25 =	simm.s32 $0x1B8E;
	s24 =	sld [smem:$0x3FFE];
	[sflag:s23] =	ssyncadd.s32 $0xFFFFFFFF  }
0xa5: {  	s26 =	simm.s32 $execute0_lowered;
	[smem:$0x3FD2] =	sst s25  }
0xa6: {  	s4 =	sshll.u32 s26, $0x1;
	_ =	strace $0x80000046;
	[dreg:$0x1] =	wrdreg $0xFFFFFFFF  }
0xa7: {  	s28 =	simm.s32 $_size_execute0_lowered;
	s2 =	sadd.s32 s2, s4;
	[dreg:$0x0] =	wrdreg $0x0  }
0xa8: {  	s4 =	sshll.u32 s28, $0x1;
	[dreg:$0x2] =	wrdreg s2  }
0xa9: {  	[dreg:$0x3] =	wrdreg s4  }
0xaa: {  	[dreg:$0x4] =	wrdreg $0xC0  }
0xab: {  	_ =	task [dreg:s6], $0x5FFFF  }
0xac: {  	[dreg:$0x1] =	wrdreg $0xFFFFFFFF  }
0xad: {  	[dreg:$0x0] =	wrdreg $0x60  }
0xae: {  	[dreg:$0x2] =	wrdreg s24  }
0xaf: {  	[dreg:$0x3] =	wrdreg $0x9  }
0xb0: {  	_ =	task.clear_ibuf [dreg:s6], $0x4FFFF;
	_ =	strace $0x90000046  }
0xb1: {  	s29 =	simm.s32 $0x9;
	_ =	strace $0x80000048  }
0xb2: {  	_ =	swait.ge [sflag:s29], $0x1  }
0xb3: {  	[sflag:s29] =	ssyncadd.s32 $0xFFFFFFFF  }
0xb4: {  	_ =	strace $0x90000048  }
0xb5: {  	_ =	sfence  }
0xb6: {  	s30 =	sld [smem:$0x0];
	_ =	sdelay $0x2  }
0xb7: {  	s31 =	sshll.u32 s1, $0xD;
	s1 =	sshrl.u32 s1, $0x2  }
0xb8: {  	s3 =	sand.u32 $0x4000, s31;
	s1 =	sadd.s32 s1, s30  }
0xb9: {  	s0 =	sor.u32 s3, s0;
	s1 =	sshll.u32 s1, $0x11  }
0xba: {  	s0 =	sor.u32 s1, s0  }
0xbb: {  	s0 =	sadd.s32 $0x8F2B, s0  }
0xbc: {  	[sflag:s0] =	ssyncadd.remote.s32 $0x1  }
0xbd: {  	_ =	sfence.sel $0xFFFF  }
0xbe: {  	[dreg:$0x0] =	wrdreg $0xFFFFFFFF;
	(pc) =	sbr.abs _section_cstart, $3  }
0xbf: {  	[dreg:$0x1] =	wrdreg $0xFFFFFFFF  }
0xc0: {  	_ =	task.clear_ibuf [dreg:s6], $0x2FFFF;
	_ =	strace $0x9FFFFFFF  }
0xc1: {  	(tm) =	ssettm $0x7FFFFFFF  }
tec
execute0_lowered:
.L_overlay_start_1:
0x0: {  	(tag) =	ssettag $0x1  }
0x1: {  	s1 =	srdreg.scid;
	s0 =	stileid.u32  }
0x2: {  	s7 =	rddreg [dreg:$0x0];
	s4 =	simm.s32 $0x1;
	s2 =	simm.s32 $0x0  }
0x3: {  	s3 =	simm.s32 $0x2710;
	s5 =	sand.u32 $0x1, s1;
	s30 =	sshll.u32 s0, $0x1  }
0x4: {  	s13 =	simm.s32 $0x3;
	s14 =	simm.s32 $0xC800;
	s6 =	sor.u32 s5, s30  }
0x5: {  	s15 =	simm.s32 $0x1B780;
	p0 =	seq.s32 s5, $0x1;
	p1 =	seq.s32 s6, $0x0  }
0x6: {  	s16 =	simm.s32 $0x2;
	s1 =	rddreg [dreg:$0x1];
	p1 =	por !p1, !p0  }
0x7: {  	s17 =	simm.s32 $0x0;
	[smem:$0x7FF] =	sst s2;
	p1 =	por !p1, !p1  }
0x8: {  	_ =	strace $0x80000047;
	s8 =	ssub.s32 $0x2, s5;
	s4 =	simm.s32 @!p1 $0x0  }
0x9: {  	s5 =	sadd.s32 $0xAC00, s7;
	s6 =	smul.u32 $0x4E2, s6;
	s4 =	ssub.s32 s0, s4  }
0xa: {  	s3 =	simm.s32 @!p0 $0x0;
	s10 =	sshrl.u32 s8, $0x1;
	s4 =	smul.u32 $0x271000, s4  }
0xb: {  	s9 =	sshll.u32 s3, $0x7;
	s12 =	ssub.s32 s8, s10;
	s11 =	sadd.s32 s6, s7  }
0xc: {  	s6 =	simm.s32 $0x1;
	s7 =	sadd.s32 $0xE00, s11;
	s9 =	sadd.s32 s9, s4  }
0xd: {  	s10 =	sadd.s32 $0x4ECC00, s11;
	s11 =	smax.u32 s12, $0x1;
	s31 =	sshrl.u32 s9, $0x3  }
0xe: {  	s12 =	simm.s32 $0x19000;
	s9 =	sadd.s32 $0x320, s3;
	s8 =	sadd.s32 s5, s31  }
.LBB2_1:
0xf: {  	[tilespmem:s12], [sflag:$0x3] =	stream.linear.gather [hbm4b:s7+s2], $0x2710, $0x38;
	[tilespmem:$0x1DF00] =	vst v63  }
0x10: {  	_ =	swait.ge [sflag:s13], $0x2710  }
0x11: {  	s18 =	simm.s32 $0x190;
	[sflag:s13] =	ssyncset.done $0x0  }
0x12: {  	s19 =	simm.s32 $0x0;
	s20 =	simm.s32 $0x0;
	[sflag:s13] =	ssyncadd.s32 $0xFFFFD8F0  }
0x13: {  	[tilespmem:s2], [sflag:$0x1] =	stream.linear.gather [hbm4b:s8+s2], $0xC800, $0x38;
	[tilespmem:$0x1DF00] =	vst v63  }
.LBB2_2:
0x14: {  	s21 =	smul.u32 $0x320, s20;
	_ =	sdelay $0x1  }
0x15: {  	s22 =	sadd.s32 s3, s21  }
0x16: {  	s22 =	sshll.u32 s22, $0x7  }
0x17: {  	s22 =	sadd.s32 s4, s22  }
0x18: {  	_ =	swait.ge [sflag:s6], $0xC800;
	s22 =	sadd.s32 $0xC800, s22  }
0x19: {  	[sflag:s6] =	ssyncset.done $0x0;
	s22 =	sshrl.u32 s22, $0x3  }
0x1a: {  	[sflag:s6] =	ssyncadd.s32 $0xFFFF3800;
	s23 =	sadd.s32 s5, s22;
	s22 =	simm.s32 $0x0  }
0x1b: {  	[tilespmem:s14], [sflag:$0x2] =	stream.linear.gather [hbm4b:s23+s22], $0xC800, $0x38;
	[tilespmem:$0x1DF00] =	vst v63  }
0x1c: {  	s23 =	simm.s32 $0x20  }
0x1d: {  	v0 =	vld [tilespmem:s23+$0xFFFFFFF0]  }
0x1e: {  	v1 =	vld [tilespmem:s23+$0xFFFFFFE0]  }
0x1f: {  	v2 =	vld [tilespmem:s23+$0x0]  }
0x20: {  	s24 =	simm.s32 $0x1;
	v3 =	vld [tilespmem:s23+$0x10]  }
.LBB2_3:
0x21: {  	p0 =	sne.s32 s24, $0x18F  }
0x22: {  	v4 =	vld [tilespmem:s23+$0x20];
	_ =	sdelay $0x2  }
0x23: {  	v0 =	vmax.f32 v1, v0;
	v1 =	vmax.f32 v2, v3  }
0x24: {  	v0 =	vmax.f32 v0, v1  }
0x25: {  	v0 =	vmax.f32 v0, v4  }
0x26: {  	(xrf0) =	vmax.scan.msk.f32 $0xffff, v0;
	_ =	sdelay $0x4  }
0x27: {  	s25 =	sadd.s32 s22, s19;
	s22 =	smov.u32 s24  }
0x28: {  	v0 =	vmov s25;
	v1, _, _ =	vpop (xrf0)  }
0x29: {  	v1 =	vadd.f32 $0.0e+00, v1;
	_ =	sdelay $0x1  }
0x2a: {  	v1 =	vbroadcast v1, $0xF;
	_ =	sdelay $0x1  }
.Ltmp0:
0x2b: {  	s23 =	sadd.s32 $0x80, s23;
	[tilespmem:v0+s15+$0x0] =	vst.idx.msk $0x1, v1;
	(pc) =	sbr.rel @p0 .LBB2_3-.Ltmp0, $4  }
0x2c: {  	v0 =	vld [tilespmem:s23+$0xFFFFFFF0]  }
0x2d: {  	v1 =	vld [tilespmem:s23+$0xFFFFFFE0]  }
0x2e: {  	v2 =	vld [tilespmem:s23+$0x0]  }
0x2f: {  	s24 =	sadd.s32 $0x1, s24;
	v3 =	vld [tilespmem:s23+$0x10]  }
0x30: {  	_ = 	snop  }
0x31: {  	v4 =	vld [tilespmem:s23+$0x20];
	_ =	sdelay $0x2  }
0x32: {  	v0 =	vmax.f32 v1, v0;
	v1 =	vmax.f32 v2, v3  }
0x33: {  	v0 =	vmax.f32 v0, v1  }
0x34: {  	v0 =	vmax.f32 v0, v4  }
0x35: {  	(xrf0) =	vmax.scan.msk.f32 $0xffff, v0;
	_ =	sdelay $0x4  }
0x36: {  	s22 =	sadd.s32 s22, s19  }
0x37: {  	v0 =	vmov s22;
	v1, _, _ =	vpop (xrf0)  }
0x38: {  	v1 =	vadd.f32 $0.0e+00, v1;
	_ =	sdelay $0x1  }
0x39: {  	s21 =	sadd.s32 s21, s9;
	v1 =	vbroadcast v1, $0xF  }
0x3a: {  	s21 =	sshll.u32 s21, $0x7  }
0x3b: {  	s21 =	sadd.s32 s4, s21;
	[tilespmem:v0+s15+$0x0] =	vst.idx.msk $0x1, v1  }
0x3c: {  	s21 =	sshrl.u32 s21, $0x3;
	_ =	swait.ge [sflag:s16], $0xC800  }
0x3d: {  	s31 =	sadd.s32 s5, s21;
	[sflag:s16] =	ssyncset.done $0x0  }
0x3e: {  	s21 =	simm.s32 $0x0;
	s22 =	simm.s32 $0xC820;
	[sflag:s16] =	ssyncadd.s32 $0xFFFF3800  }
0x3f: {  	[tilespmem:s21], [sflag:$0x1] =	stream.linear.gather [hbm4b:s31+s21], $0xC800, $0x38;
	[tilespmem:$0x1DF00] =	vst v63  }
0x40: {  	v0 =	vld [tilespmem:s22+$0xFFFFFFF0]  }
0x41: {  	v1 =	vld [tilespmem:s22+$0xFFFFFFE0]  }
0x42: {  	v2 =	vld [tilespmem:s22+$0x0]  }
0x43: {  	s23 =	simm.s32 $0x1;
	v3 =	vld [tilespmem:s22+$0x10]  }
.LBB2_5:
0x44: {  	p0 =	sne.s32 s23, $0x18F  }
0x45: {  	v4 =	vld [tilespmem:s22+$0x20];
	_ =	sdelay $0x2  }
0x46: {  	v0 =	vmax.f32 v1, v0;
	v1 =	vmax.f32 v2, v3  }
0x47: {  	v0 =	vmax.f32 v0, v1  }
0x48: {  	v0 =	vmax.f32 v0, v4  }
0x49: {  	(xrf0) =	vmax.scan.msk.f32 $0xffff, v0;
	_ =	sdelay $0x4  }
0x4a: {  	s24 =	sadd.s32 s21, s18;
	s21 =	smov.u32 s23  }
0x4b: {  	v0 =	vmov s24;
	v1, _, _ =	vpop (xrf0)  }
0x4c: {  	v1 =	vadd.f32 $0.0e+00, v1;
	_ =	sdelay $0x1  }
0x4d: {  	v1 =	vbroadcast v1, $0xF;
	_ =	sdelay $0x1  }
.Ltmp1:
0x4e: {  	s22 =	sadd.s32 $0x80, s22;
	[tilespmem:v0+s15+$0x0] =	vst.idx.msk $0x1, v1;
	(pc) =	sbr.rel @p0 .LBB2_5-.Ltmp1, $4  }
0x4f: {  	v0 =	vld [tilespmem:s22+$0xFFFFFFF0]  }
0x50: {  	v1 =	vld [tilespmem:s22+$0xFFFFFFE0]  }
0x51: {  	v2 =	vld [tilespmem:s22+$0x0]  }
0x52: {  	s23 =	sadd.s32 $0x1, s23;
	v3 =	vld [tilespmem:s22+$0x10]  }
0x53: {  	_ = 	snop  }
0x54: {  	v4 =	vld [tilespmem:s22+$0x20];
	_ =	sdelay $0x2  }
0x55: {  	v0 =	vmax.f32 v1, v0;
	v61 =	vmax.f32 v2, v3  }
0x56: {  	v0 =	vmax.f32 v0, v61  }
0x57: {  	v0 =	vmax.f32 v0, v4  }
0x58: {  	(xrf0) =	vmax.scan.msk.f32 $0xffff, v0;
	_ =	sdelay $0x4  }
0x59: {  	s21 =	sadd.s32 s21, s18;
	s20 =	sadd.s32 $0x1, s20  }
0x5a: {  	v62 =	vmov s21;
	p0 =	sne.s32 s20, $0xC;
	v63, _, _ =	vpop (xrf0)  }
.Ltmp2:
0x5b: {  	v1 =	vadd.f32 $0.0e+00, v63;
	(pc) =	sbr.rel @p0 .LBB2_2-.Ltmp2, $3  }
0x5c: {  	_ = 	snop  }
0x5d: {  	v1 =	vbroadcast v1, $0xF;
	_ =	sdelay $0x1  }
0x5e: {  	s19 =	sadd.s32 $0x320, s19;
	s18 =	sadd.s32 $0x320, s18;
	[tilespmem:v62+s15+$0x0] =	vst.idx.msk $0x1, v1  }
0x5f: {  	_ =	swait.ge [sflag:s6], $0xC800  }
0x60: {  	[sflag:s6] =	ssyncset.done $0x0  }
0x61: {  	s19 =	simm.s32 $0x20;
	[sflag:s6] =	ssyncadd.s32 $0xFFFF3800  }
0x62: {  	v0 =	vld [tilespmem:s19+$0xFFFFFFF0]  }
0x63: {  	v1 =	vld [tilespmem:s19+$0xFFFFFFE0]  }
0x64: {  	v2 =	vld [tilespmem:s19+$0x0]  }
0x65: {  	s18 =	simm.s32 $0x2580;
	s20 =	simm.s32 $0x2581;
	v3 =	vld [tilespmem:s19+$0x10]  }
.LBB2_8:
0x66: {  	p0 =	sne.s32 s20, $0x270F  }
0x67: {  	v4 =	vld [tilespmem:s19+$0x20];
	_ =	sdelay $0x2  }
0x68: {  	v0 =	vmax.f32 v1, v0;
	v1 =	vmax.f32 v2, v3  }
0x69: {  	v0 =	vmax.f32 v0, v1  }
0x6a: {  	v0 =	vmax.f32 v0, v4  }
0x6b: {  	(xrf0) =	vmax.scan.msk.f32 $0xffff, v0;
	_ =	sdelay $0x5  }
0x6c: {  	v0 =	vmov s18;
	s18 =	smov.u32 s20;
	v1, _, _ =	vpop (xrf0)  }
0x6d: {  	v1 =	vadd.f32 $0.0e+00, v1;
	_ =	sdelay $0x1  }
0x6e: {  	v1 =	vbroadcast v1, $0xF;
	_ =	sdelay $0x1  }
.Ltmp3:
0x6f: {  	s19 =	sadd.s32 $0x80, s19;
	[tilespmem:v0+s15+$0x0] =	vst.idx.msk $0x1, v1;
	(pc) =	sbr.rel @p0 .LBB2_8-.Ltmp3, $4  }
0x70: {  	v0 =	vld [tilespmem:s19+$0xFFFFFFF0]  }
0x71: {  	v1 =	vld [tilespmem:s19+$0xFFFFFFE0]  }
0x72: {  	v2 =	vld [tilespmem:s19+$0x0]  }
0x73: {  	s20 =	sadd.s32 $0x1, s20;
	v3 =	vld [tilespmem:s19+$0x10]  }
0x74: {  	_ = 	snop  }
0x75: {  	v4 =	vld [tilespmem:s19+$0x20];
	_ =	sdelay $0x2  }
0x76: {  	v0 =	vmax.f32 v1, v0;
	v1 =	vmax.f32 v2, v3  }
0x77: {  	v0 =	vmax.f32 v0, v1  }
0x78: {  	v0 =	vmax.f32 v0, v4  }
0x79: {  	(xrf0) =	vmax.scan.msk.f32 $0xffff, v0;
	_ =	sdelay $0x5  }
0x7a: {  	v0 =	vmov s18;
	v1, _, _ =	vpop (xrf0)  }
0x7b: {  	v1 =	vadd.f32 $0.0e+00, v1;
	_ =	sdelay $0x1  }
0x7c: {  	v1 =	vbroadcast v1, $0xF;
	_ =	sdelay $0x1  }
0x7d: {  	s18 =	simm.s32 $0x0;
	[tilespmem:v0+s15+$0x0] =	vst.idx.msk $0x1, v1  }
0x7e: {  	v0 =	vld [tilespmem:s18+$0x19000]  }
0x7f: {  	v1 =	vld [tilespmem:s18+$0x1B780];
	_ =	sdelay $0x3  }
0x80: {  	vm0 =	veq.s32 v0, $0x0  }
0x81: {  	s20 =	simm.s32 $0x10;
	s19 =	simm.s32 $0x80;
	v0 =	vnsel vm0, $0xFF61B1E6, v1  }
.LBB2_10:
0x82: {  	p0 =	sne.s32 s19, $0x9C00;
	v1 =	vld [tilespmem:s20+$0x19000];
	[tilespmem:s18+$0x1B780] =	vst v0;
	s18 =	smov.u32 s20  }
0x83: {  	v0 =	vld [tilespmem:s18+$0x1B780]  }
.Ltmp4:
0x84: {  	(pc) =	sbr.rel @p0 .LBB2_10-.Ltmp4, $3  }
0x85: {  	_ =	sdelay $0x1  }
0x86: {  	vm0 =	veq.s32 v1, $0x0  }
0x87: {  	s20 =	sshra.s32 s19, $0x2;
	s19 =	sadd.s32 $0x40, s19;
	v0 =	vnsel vm0, $0xFF61B1E6, v0  }
0x88: {  	v1 =	vld [tilespmem:s20+$0x19000];
	[tilespmem:s18+$0x1B780] =	vst v0  }
0x89: {  	v0 =	vld [tilespmem:s20+$0x1B780];
	_ =	sdelay $0x3  }
0x8a: {  	s17 =	sadd.s32 $0x1, s17;
	vm0 =	veq.s32 v1, $0x0  }
0x8b: {  	p0 =	sne.s32 s17, s11;
	v0 =	vnsel vm0, $0xFF61B1E6, v0  }
.Ltmp5:
0x8c: {  	[tilespmem:s20+$0x1B780] =	vst v0;
	(pc) =	sbr.rel @p0 .LBB2_1-.Ltmp5, $4  }
0x8d: {  	[hbm4b:s10+s2] =	stream.linear.scatter [tilespmem:s15], [sflag:$0x3], $0x2710, $0x38;
	[tilespmem:$0x1DF00] =	vst v63  }
0x8e: {  	_ =	swait.ge [sflag:s13], $0x2710  }
0x8f: {  	[sflag:s13] =	ssyncset.done $0x0  }
0x90: {  	[sflag:s13] =	ssyncadd.s32 $0xFFFFD8F0  }
0x91: {  	_ =	sfence.sel $0x180000  }
0x92: {  	[bflag:$0x0] =	sbarrier.arrive $0xFFFF  }
0x93: {  	p0 =	sne.s32 s0, $0x0;
	_ =	strace $0x90000047  }
0x94: {  	s0 =	sadd.s32 @!p0 $0x100000, s1;
	[bflag:$0x2] =	sbarrier.arrive $0xFFFF  }
0x95: {  	[sflag:s0] =	ssyncadd.tile.s32 @!p0 $0x1;
	_ =	shalt  }
.Lfunc_end2:
_tile_overlayer_lowered:
.L_overlay_start_2:
0x96: {  	(tag) =	ssettag $0x2  }
0x97: {  	s0 =	rddreg [dreg:$0x0];
	s2 =	stileid.u32  }
0x98: {  	s1 =	rddreg [dreg:$0x1];
	p0 =	sne.s32 s2, $0x0  }
0x99: {  	s3 =	rddreg [dreg:$0x2];
	[bflag:$0x3] =	sbarrier.arrive $0xFFFF;
	s2 =	simm.s32 @!p0 $0x1C03  }
0x9a: {  	[timem:s3], [sflag:s2] =	dma.local @!p0 [hbm:s0], s1  }
0x9b: {  	s0 =	simm.s32 @!p0 $0x3  }
0x9c: {  	_ =	swait.ge @!p0 [sflag:s0], s1  }
0x9d: {  	s1 =	ssub.s32 @!p0 $0x0, s1;
	[sflag:s0] =	ssyncset.done @!p0 $0x0  }
0x9e: {  	[sflag:s0] =	ssyncadd.s32 @!p0 s1  }
0x9f: {  	[bflag:$0x3] =	sbarrier.arrive $0xFFFF  }
0xa0: {  	_ =	shalt  }

// kernel: kernel.7.cloned.1.call-start
scs
__scs_entry_jumppad:
0x0: {  	(pc) =	sbr.rel $0x88, $3  }
0x1: {  	(tag) =	ssettag $0x0;
	lr =	simm.s32 $0x1  }
0x2: {  	[smem:$0x3F9E] =	sst lr;
	_ =	strace $0xD0000000  }
0x3: {  	_ = 	snop  }
0x4: {  	_ = 	snop  }
0x5: {  	_ = 	snop  }
0x6: {  	_ = 	snop  }
0x7: {  	_ = 	snop  }
__scs_overlays_trampoline_lowered:
0x8: {  	[smem:$0x3FAD] =	sst s0  }
0x9: {  	[smem:$0x3FAE] =	sst s1  }
0xa: {  	[smem:$0x3FAF] =	sst s2  }
0xb: {  	[smem:$0x3FB0] =	sst s3  }
0xc: {  	[smem:$0x3FB1] =	sst s4  }
0xd: {  	[smem:$0x3FB2] =	sst s5  }
0xe: {  	[smem:$0x3FB3] =	sst s6  }
0xf: {  	[smem:$0x3FB4] =	sst s7  }
0x10: {  	[smem:$0x3FB5] =	sst s8  }
0x11: {  	[smem:$0x3FB6] =	sst s9;
	s0 =	simm.s32 @!p0 $0x0  }
0x12: {  	s1 =	sld [smem:$0x3F9C];
	s0 =	simm.s32 @p0 $0x1  }
0x13: {  	[smem:$0x3FB7] =	sst s0;
	s0 =	simm.s32 @!p1 $0x0  }
0x14: {  	s2 =	sld [smem:$0x3F9B];
	s0 =	simm.s32 @p1 $0x1  }
0x15: {  	[smem:$0x3FB8] =	sst s0;
	s0 =	simm.s32 @!p2 $0x0  }
0x16: {  	s3 =	sld [smem:$0x3FDB];
	s0 =	simm.s32 @p2 $0x1  }
0x17: {  	s4 =	simm.s32 $0x1BF5;
	[smem:$0x3FBA] =	sst s0  }
0x18: {  	s0 =	sld [smem:$0x3F9D];
	_ =	swait.ge [sflag:s4], $0x0  }
0x19: {  	s7 =	sld [smem:$0x3F9E]  }
0x1a: {  	s8 =	sadd.s32 $0xFFFFE003, lr  }
0x1b: {  	s9 =	sadd.s32 $0xFFFFFEF7, lr;
	s5 =	simm.s32 $0xFFFFFFFF;
	p2 =	slt.u32 s8, $0xFFFFF086  }
0x1c: {  	p1 =	slt.u32 s9, $0xF7A;
	s5 =	simm.s32 @!p2 $0x0  }
0x1d: {  	s5 =	simm.s32 @p1 $0x1;
	p0 =	seq.s32 s7, s2  }
0x1e: {  	s7 =	smul.u32 @!p0 $0xF7A, s2;
	p2 =	seq.s32 @!p0 s5, $0x0  }
0x1f: {  	s9 =	smul.u32 $0xF7A, s1;
	s8 =	simm.s32 @!p0 $0x1BF5;
	p2 =	por !p2, p0  }
0x20: {  	[sflag:s8] =	ssyncset.s32 @!p0 $0xFFFFF086;
	s6 =	sadd.s32 @!p0 s3, s7;
	s7 =	simm.s32 @!p0 $0x108  }
0x21: {  	s3 =	sadd.s32 s3, s9;
	s6 =	sadd.s32 @!p0 $0x88, s6;
	s7 =	simm.s32 @p2 $0x1082  }
0x22: {  	[simem:s7], [sflag:s8] =	dma.local @!p0 [hbm:s6], $0xF7A  }
0x23: {  	s9 =	sor.u32 $0xD0000000, s2;
	s6 =	simm.s32 $0x108;
	_ =	swait.ge @!p0 [sflag:s8], $0x0  }
0x24: {  	s3 =	sadd.s32 $0x88, s3;
	s6 =	simm.s32 @!p1 $0x1082;
	[sflag:s4] =	ssyncset.s32 $0xFFFFF086  }
0x25: {  	[simem:s6], [sflag:s4] =	dma.local [hbm:s3], $0xF7A  }
0x26: {  	[smem:$0x3F9E] =	sst s1;
	(tag) =	ssettag s2;
	_ =	strace s9  }
0x27: {  	s1 =	sld [smem:$0x3FAE]  }
0x28: {  	s2 =	sld [smem:$0x3FAF]  }
0x29: {  	s4 =	sld [smem:$0x3FB1]  }
0x2a: {  	p0 =	seq.s32 s5, $0x0;
	s5 =	sld [smem:$0x3FB2]  }
0x2b: {  	s6 =	sld [smem:$0x3FB3]  }
0x2c: {  	s7 =	sld [smem:$0x3FB4]  }
0x2d: {  	s3 =	simm.s32 $0x108;
	s8 =	sld [smem:$0x3FB5]  }
0x2e: {  	s3 =	simm.s32 @!p0 $0x1082;
	s9 =	sld [smem:$0x3FB6]  }
0x2f: {  	lr =	sadd.s32 s0, s3;
	s0 =	sld [smem:$0x3FAD]  }
0x30: {  	s3 =	sld [smem:$0x3FB0]  }
0x31: {  	[smem:$0x3FB9] =	sst s10  }
0x32: {  	s10 =	sld [smem:$0x3FB7];
	_ =	sdelay $0x3  }
0x33: {  	p0 =	seq.s32 s10, $0x1;
	s10 =	sld [smem:$0x3FB9];
	_ =	sdelay $0x3  }
0x34: {  	[smem:$0x3FB9] =	sst s10  }
0x35: {  	s10 =	sld [smem:$0x3FB8];
	_ =	sdelay $0x3  }
0x36: {  	p1 =	seq.s32 s10, $0x1;
	s10 =	sld [smem:$0x3FB9];
	_ =	sdelay $0x3  }
0x37: {  	[smem:$0x3FB9] =	sst s10  }
0x38: {  	s10 =	sld [smem:$0x3FBA]  }
0x39: {  	_ = 	snop;
	(pc) =	sbr.ind lr, $3  }
0x3a: {  	_ = 	snop  }
0x3b: {  	_ = 	snop  }
0x3c: {  	p2 =	seq.s32 s10, $0x1;
	s10 =	sld [smem:$0x3FB9]  }
0x3d: {  	_ =	shalt  }
0x3e: {  	_ =	shalt  }
0x3f: {  	_ =	shalt  }
0x40: {  	_ =	shalt  }
0x41: {  	_ =	shalt  }
0x42: {  	_ =	shalt  }
0x43: {  	_ =	shalt  }
0x44: {  	_ =	shalt  }
0x45: {  	_ =	shalt  }
0x46: {  	_ =	shalt  }
0x47: {  	_ =	shalt  }
0x48: {  	_ =	shalt  }
0x49: {  	_ =	shalt  }
0x4a: {  	_ =	shalt  }
0x4b: {  	_ =	shalt  }
0x4c: {  	_ =	shalt  }
0x4d: {  	_ =	shalt  }
0x4e: {  	_ =	shalt  }
0x4f: {  	_ =	shalt  }
0x50: {  	_ =	shalt  }
0x51: {  	_ =	shalt  }
0x52: {  	_ =	shalt  }
0x53: {  	_ =	shalt  }
0x54: {  	_ =	shalt  }
0x55: {  	_ =	shalt  }
0x56: {  	_ =	shalt  }
0x57: {  	_ =	shalt  }
0x58: {  	_ =	shalt  }
0x59: {  	_ =	shalt  }
0x5a: {  	_ =	shalt  }
0x5b: {  	_ =	shalt  }
0x5c: {  	_ =	shalt  }
0x5d: {  	_ =	shalt  }
0x5e: {  	_ =	shalt  }
0x5f: {  	_ =	shalt  }
0x60: {  	_ =	shalt  }
0x61: {  	_ =	shalt  }
0x62: {  	_ =	shalt  }
0x63: {  	_ =	shalt  }
0x64: {  	_ =	shalt  }
0x65: {  	_ =	shalt  }
0x66: {  	_ =	shalt  }
0x67: {  	_ =	shalt  }
0x68: {  	_ =	shalt  }
0x69: {  	_ =	shalt  }
0x6a: {  	_ =	shalt  }
0x6b: {  	_ =	shalt  }
0x6c: {  	_ =	shalt  }
0x6d: {  	_ =	shalt  }
0x6e: {  	_ =	shalt  }
0x6f: {  	_ =	shalt  }
0x70: {  	_ =	shalt  }
0x71: {  	_ =	shalt  }
0x72: {  	_ =	shalt  }
0x73: {  	_ =	shalt  }
0x74: {  	_ =	shalt  }
0x75: {  	_ =	shalt  }
0x76: {  	_ =	shalt  }
0x77: {  	_ =	shalt  }
0x78: {  	_ =	shalt  }
0x79: {  	_ =	shalt  }
0x7a: {  	_ =	shalt  }
0x7b: {  	_ =	shalt  }
0x7c: {  	_ =	shalt  }
0x7d: {  	_ =	shalt  }
0x7e: {  	_ =	shalt  }
0x7f: {  	_ =	shalt  }
0x80: {  	_ =	shalt  }
0x81: {  	_ =	shalt  }
0x82: {  	_ =	shalt  }
0x83: {  	_ =	shalt  }
0x84: {  	_ =	shalt  }
0x85: {  	_ =	shalt  }
0x86: {  	_ =	shalt  }
0x87: {  	_ =	shalt  }
.Lfunc_end0:
.L_simem_size_0:
called_computation.1_lowered:
.L_overlay_start_0:
0x88: {  	s2 =	sld [smem:$0x3FD9]  }
0x89: {  	s3 =	sld [smem:$0x3FFE];
	_ =	sdelay $0x1  }
0x8a: {  	s1 =	srdreg.scid  }
0x8b: {  	s0 =	sand.u32 $0x1, s1  }
0x8c: {  	s14 =	sshll.u32 s0, $0xA;
	s2 =	sadd.s32 s3, s2  }
0x8d: {  	s2 =	sadd.s32 s2, s14  }
0x8e: {  	[smem:$0x3FC5] =	sst s2  }
0x8f: {  	_ = 	snop  }
0x90: {  	s2 =	sld [smem:$0x3FD0];
	_ =	sdelay $0x2  }
0x91: {  	s15 =	simm.s32 $0xA;
	s4 =	simm.s32 $0x10  }
0x92: {  	[smem:s4], [sflag:s15] =	dma.local [hbm:s2], $0x1  }
0x93: {  	_ =	swait.eq [sflag:s15], $0x1  }
0x94: {  	[sflag:s15] =	ssyncset.done $0x0  }
0x95: {  	s16 =	sld [smem:$0x10];
	[sflag:s15] =	ssyncadd.s32 $0xFFFFFFFF  }
0x96: {  	s17 =	sld [smem:$0x11];
	(tm) =	ssettm $0x1  }
0x97: {  	s18 =	sld [smem:$0x3FFB];
	_ =	sdelay $0x3  }
0x98: {  	_ =	strace s18  }
0x99: {  	s4 =	sld [smem:$0x3FFC];
	_ =	sdelay $0x3  }
0x9a: {  	_ =	strace s4  }
0x9b: {  	s4 =	sld [smem:$0x3FFD];
	_ =	sdelay $0x3  }
0x9c: {  	_ =	strace s4  }
0x9d: {  	_ =	strace $0x8FFFFFFF  }
0x9e: {  	s19 =	sld [smem:$0x3FDB];
	_ =	sdelay $0x1  }
0x9f: {  	s5 =	simm.s32 $_scs_section_size  }
0xa0: {  	s6 =	simm.s32 $_size__tile_overlayer_lowered;
	s7 =	simm.s32 $_tile_overlayer_lowered  }
0xa1: {  	s22 =	simm.s32 $0x1BFF;
	s21 =	sshll.u32 s7, $0x1;
	s4 =	sadd.s32 s5, s19  }
0xa2: {  	s8 =	simm.s32 $0x0;
	s20 =	sshll.u32 s6, $0x1;
	s6 =	sadd.s32 s21, s4  }
0xa3: {  	[timem:s8], [sflag:s22] =	dma.local [hbm:s6], s20  }
0xa4: {  	_ =	swait.ge [sflag:s22], s20  }
0xa5: {  	s5 =	ssub.s32 $0x0, s20;
	[sflag:s22] =	ssyncset.done $0x0  }
0xa6: {  	[sflag:s22] =	ssyncadd.s32 s5;
	_ =	sdelay $0x1  }
0xa7: {  	s23 =	simm.s32 $0x1B8B  }
0xa8: {  	_ =	swait.ge [sflag:s23], $0x1  }
0xa9: {  	[sflag:s23] =	ssyncset.done $0x0  }
0xaa: {  	s25 =	simm.s32 $0x1B8E;
	s24 =	sld [smem:$0x3FFE];
	[sflag:s23] =	ssyncadd.s32 $0xFFFFFFFF  }
0xab: {  	s26 =	simm.s32 $execute0_lowered;
	[smem:$0x3FD2] =	sst s25  }
0xac: {  	s6 =	sshll.u32 s26, $0x1;
	_ =	strace $0x80000049;
	[dreg:$0x1] =	wrdreg $0xFFFFFFFF  }
0xad: {  	s28 =	simm.s32 $_size_execute0_lowered;
	s4 =	sadd.s32 s4, s6;
	[dreg:$0x0] =	wrdreg $0x0  }
0xae: {  	s6 =	sshll.u32 s28, $0x1;
	[dreg:$0x2] =	wrdreg s4  }
0xaf: {  	[dreg:$0x3] =	wrdreg s6  }
0xb0: {  	[dreg:$0x4] =	wrdreg $0xC0  }
0xb1: {  	_ =	task [dreg:s8], $0x5FFFF  }
0xb2: {  	[dreg:$0x1] =	wrdreg $0xFFFFFFFF  }
0xb3: {  	[dreg:$0x0] =	wrdreg $0x60  }
0xb4: {  	[dreg:$0x2] =	wrdreg s24  }
0xb5: {  	[dreg:$0x3] =	wrdreg s16  }
0xb6: {  	[dreg:$0x4] =	wrdreg s17  }
0xb7: {  	[dreg:$0x5] =	wrdreg $0x9  }
0xb8: {  	_ =	task.clear_ibuf [dreg:s8], $0x6FFFF;
	_ =	strace $0x90000049  }
0xb9: {  	s29 =	simm.s32 $0x9;
	_ =	strace $0x8000004B  }
0xba: {  	_ =	swait.ge [sflag:s29], $0x1  }
0xbb: {  	[sflag:s29] =	ssyncadd.s32 $0xFFFFFFFF  }
0xbc: {  	_ =	strace $0x9000004B  }
0xbd: {  	_ =	sfence  }
0xbe: {  	s30 =	sld [smem:$0x0];
	_ =	sdelay $0x2  }
0xbf: {  	s31 =	sshll.u32 s1, $0xD;
	s1 =	sshrl.u32 s1, $0x2  }
0xc0: {  	s3 =	sand.u32 $0x4000, s31;
	s1 =	sadd.s32 s1, s30  }
0xc1: {  	s0 =	sor.u32 s3, s0;
	s1 =	sshll.u32 s1, $0x11  }
0xc2: {  	s0 =	sor.u32 s1, s0  }
0xc3: {  	s0 =	sadd.s32 $0x8F2B, s0  }
0xc4: {  	[sflag:s0] =	ssyncadd.remote.s32 $0x1  }
0xc5: {  	_ =	sfence.sel $0xFFFF  }
0xc6: {  	[dreg:$0x0] =	wrdreg $0xFFFFFFFF;
	(pc) =	sbr.abs _section_cstart, $3  }
0xc7: {  	[dreg:$0x1] =	wrdreg $0xFFFFFFFF  }
0xc8: {  	_ =	task.clear_ibuf [dreg:s8], $0x2FFFF;
	_ =	strace $0x9FFFFFFF  }
0xc9: {  	(tm) =	ssettm $0x7FFFFFFF  }
tec
execute0_lowered:
.L_overlay_start_1:
0x0: {  	(tag) =	ssettag $0x1  }
0x1: {  	s3 =	stileid.u32  }
0x2: {  	p0 =	sgt.u32 s3, $0x7  }
.Ltmp0:
0x3: {  	_ = 	snop;
	(pc) =	sbr.rel @p0 .LBB2_83-.Ltmp0, $4  }
0x4: {  	s5 =	rddreg [dreg:$0x0]  }
0x5: {  	s1 =	rddreg [dreg:$0x1];
	s2 =	simm.s32 $0x0  }
0x6: {  	[smem:$0x7FF] =	sst s2  }
0x7: {  	s0 =	rddreg [dreg:$0x2];
	_ =	strace $0x8000004A  }
0x8: {  	s3 =	srdreg.scid;
	s26 =	stileid.u32;
	s8 =	sadd.s32 $0x4ECC00, s5  }
0x9: {  	s4 =	sadd.s32 $0x4F6A00, s5;
	s11 =	simm.s32 $0x4E80;
	s13 =	simm.s32 $0x1  }
0xa: {  	s14 =	simm.s32 $0x6E80;
	s15 =	simm.s32 $0xD780;
	s16 =	simm.s32 $0xD800  }
0xb: {  	s17 =	simm.s32 $0xD880;
	s6 =	sand.u32 $0x1, s3;
	s3 =	sshll.u32 s26, $0x1  }
0xc: {  	s7 =	sor.u32 s6, s3;
	s3 =	sadd.s32 $0xAC00, s5;
	s6 =	ssub.s32 $0x2, s6  }
0xd: {  	v0 =	vimm.s32 $0x0;
	s9 =	sshll.u32 s7, $0xB;
	s10 =	sshll.u32 s7, $0x4;
	s28 =	sshrl.u32 s6, $0x1  }
0xe: {  	v1 =	vimm.s32 $0x80000000;
	v2 =	vlaneseq.u32;
	v3 =	vimm.s32 $0x1;
	s9 =	sadd.s32 s9, s5;
	s5 =	smul.u32 $0x271000, s7;
	s1 =	sadd.s32 s1, s10  }
0xf: {  	v13 =	vimm.s32 $0xECA86420;
	v12 =	vimm.f32 $0.0e+00;
	vm0 =	vmxor vm0, vm0;
	s7 =	smul.u32 $0x9C4, s7;
	s0 =	sadd.s32 s0, s10;
	[dreg:$0x4] =	wrdreg s1  }
0x10: {  	v14 =	vimm.s32 $0x10000000;
	v4 =	vor.u32 $0x10, v2;
	v6 =	vor.u32 $0x30, v2;
	s30 =	ssub.s32 s6, s28;
	[dreg:$0x5] =	wrdreg s0;
	s29 =	sadd.s32 $0xE00, s9  }
0x11: {  	s18 =	simm.s32 $0xD900;
	v7 =	vor.u32 $0x40, v2;
	v8 =	vor.u32 $0x50, v2;
	v15 =	vunpack.c.l.s4.s8 v13;
	s0 =	smax.u32 s30, $0x1;
	[dreg:$0x6] =	wrdreg s29  }
0x12: {  	s19 =	simm.s32 $0x2;
	v9 =	vor.u32 $0x60, v2;
	v10 =	vor.u32 $0x70, v2;
	[tilespmem:$0x1FFE0] =	vst v4;
	v4 =	vor.u32 $0x20, v2;
	s31 =	sadd.s32 s8, s7;
	[dreg:$0x8] =	wrdreg s0  }
0x13: {  	v11 =	vor.u32 $0x80, v2;
	v13 =	vimm.f32 $-3.000000010e+38;
	[tilespmem:$0x1FFF0] =	vst v4;
	v15 =	vunpack.c.0.s8.s32 v15;
	s6 =	simm.s32 $0x3;
	s1 =	simm.s32 $0x0;
	[dreg:$0x7] =	wrdreg s31  }
.LBB2_2:
0x14: {  	[dreg:$0x9] =	wrdreg s1  }
0x15: {  	s0 =	simm.s32 $0x0;
	s31 =	rddreg [dreg:$0x7]  }
0x16: {  	[tilespmem:s0], [sflag:$0x3] =	stream.linear.gather [hbm4b:s31+s0], $0x4E20, $0x38;
	[tilespmem:$0x11B80] =	vst v63  }
0x17: {  	_ =	swait.ge [sflag:s6], $0x4E20  }
0x18: {  	[sflag:s6] =	ssyncset.done $0x0  }
0x19: {  	s1 =	simm.s32 $0x40;
	[sflag:s6] =	ssyncadd.s32 $0xFFFFB1E0;
	s6 =	simm.s32 $0x0  }
.LBB2_3:
0x1a: {  	p0 =	sne.s32 s1, $0x3FC0;
	[tilespmem:s6+$0x4E80] =	vst v0;
	s6 =	smov.u32 s1;
	s1 =	sadd.s32 $0x40, s1  }
.Ltmp1:
0x1b: {  	(pc) =	sbr.rel @p0 .LBB2_3-.Ltmp1, $2  }
0x1c: {  	_ =	sdelay $0x2  }
0x1d: {  	s6 =	sshra.s32 s6, $0x2  }
0x1e: {  	[tilespmem:s6+$0x4E80] =	vst v0  }
.LBB2_5:
0x1f: {  	s1 =	sshra.s32 s0, $0x2  }
0x20: {  	v16 =	vld [tilespmem:s1+$0x0];
	_ =	sdelay $0x4  }
0x21: {  	vm9 =	vlt.f32 v16, $0.0e+00  }
0x22: {  	v17 =	vsel vm9, $0xFF000000, v1  }
0x23: {  	v16 =	vxor.u32 v16, v17  }
0x24: {  	v16 =	vshrl.u32 v16, $0x14  }
0x25: {  	v16 =	vand.u32 $0xFF0, v16  }
0x26: {  	p0 =	sne.s32 s0, $0x13840;
	v16 =	vor.u32 v2, v16  }
.Ltmp2:
0x27: {  	_ = 	snop;
	(pc) =	sbr.rel @p0 .LBB2_5-.Ltmp2, $2  }
0x28: {  	_ =	sdelay $0x2  }
0x29: {  	s0 =	sadd.s32 $0x40, s0;
	[tilespmem:v16+s11+$0x0] =	vst.idx.add.s32.msk $0xffff, v3  }
0x2a: {  	s1 =	simm.s32 $0xFF0  }
0x2b: {  	v16 =	vimm.s32 $0x0;
	s0 =	simm.s32 $0x3F80;
	v17 =	vld [tilespmem:s1+$0x4E80]  }
.LBB2_7:
0x2c: {  	p0 =	sne.s32 s0, $0x0  }
.Ltmp3:
0x2d: {  	_ = 	snop;
	(pc) =	sbr.rel @p0 .LBB2_7-.Ltmp3, $3  }
0x2e: {  	_ =	sdelay $0x1  }
0x2f: {  	s6 =	sshra.s32 s0, $0x2;
	s0 =	sadd.s32 $0xFFFFFFC0, s0;
	v16 =	vadd.s32 v16, v17  }
0x30: {  	v17 =	vld [tilespmem:s6+$0x4E80];
	[tilespmem:s1+$0x5E80] =	vst v16;
	s1 =	smov.u32 s6  }
0x31: {  	_ =	sdelay $0x3  }
0x32: {  	s0 =	simm.s32 $0x0;
	v16 =	vadd.s32 v16, v17  }
0x33: {  	s6 =	simm.s32 $0x100;
	s7 =	simm.s32 $0x100;
	[tilespmem:s1+$0x5E80] =	vst v16;
	s1 =	simm.s32 $0x7  }
.LBB2_9:
0x34: {  	s8 =	smov.u32 s6  }
0x35: {  	p0 =	sne.s32 s1, $0x1;
	s6 =	sand.u32 $0x1, s7  }
0x36: {  	p1 =	slt.s32 s7, $0x1;
	p2 =	seq.s32 s6, $0x1  }
0x37: {  	s6 =	sshrl.u32 s7, $0x1F;
	p1 =	por !p1, !p2  }
0x38: {  	s6 =	sadd.s32 s6, s7;
	s7 =	simm.s32 $0x1;
	p1 =	por !p1, !p1  }
0x39: {  	s6 =	sshra.s32 s6, $0x1;
	s7 =	simm.s32 @!p1 $0x0  }
0x3a: {  	s6 =	ssub.s32 s6, s7  }
0x3b: {  	s7 =	sshll.u32 s6, $0x6  }
0x3c: {  	s7 =	sshra.s32 s7, $0x2  }
0x3d: {  	v16 =	vld [tilespmem:s7+$0x5E80];
	_ =	sdelay $0x4  }
0x3e: {  	(xrf0) =	vadd.scan.msk.s32 $0xffff, v16;
	_ =	sdelay $0x5  }
0x3f: {  	v16, _, _ =	vpop (xrf0)  }
0x40: {  	(v2sf) =	vpush v16, $0xF;
	_ =	sdelay $0xd  }
.Ltmp4:
0x41: {  	(pc) =	sbr.rel @p0 .LBB2_9-.Ltmp4, $4  }
0x42: {  	s7 =	spop (v2sf)  }
0x43: {  	p1 =	sgt.s32 s7, $0x63  }
0x44: {  	s0 =	smov.u32 @p1 s6;
	s6 =	smov.u32 @p1 s8  }
0x45: {  	s1 =	sadd.s32 $0xFFFFFFFF, s1;
	s7 =	sadd.s32 s0, s6  }
0x46: {  	s1 =	sand.u32 $0x1, s7  }
0x47: {  	p0 =	slt.s32 s7, $0x1;
	p1 =	seq.s32 s1, $0x1  }
0x48: {  	s30 =	sshrl.u32 s7, $0x1F;
	p0 =	por !p0, !p1  }
0x49: {  	s6 =	simm.s32 $0x1;
	s1 =	sadd.s32 s30, s7;
	p0 =	por !p0, !p0  }
0x4a: {  	s1 =	sshra.s32 s1, $0x1;
	s6 =	simm.s32 @!p0 $0x0  }
0x4b: {  	s1 =	ssub.s32 s1, s6  }
0x4c: {  	s6 =	sshll.u32 s1, $0x6  }
0x4d: {  	s6 =	sshra.s32 s6, $0x2  }
0x4e: {  	v16 =	vld [tilespmem:s6+$0x5E80];
	_ =	sdelay $0x4  }
0x4f: {  	(xrf0) =	vadd.scan.msk.s32 $0xffff, v16;
	_ =	sdelay $0x5  }
0x50: {  	v16, _, _ =	vpop (xrf0)  }
0x51: {  	(v2sf) =	vpush v16, $0xF;
	_ =	sdelay $0xe  }
0x52: {  	s31 =	spop (v2sf)  }
0x53: {  	p0 =	sgt.s32 s31, $0x63  }
0x54: {  	s0 =	smov.u32 @p0 s1  }
0x55: {  	p0 =	slt.s32 s0, $0xFE;
	s1 =	smov.u32 s0  }
0x56: {  	s1 =	simm.s32 @!p0 $0xFE  }
0x57: {  	s1 =	sshll.u32 s1, $0x6  }
0x58: {  	s1 =	sshra.s32 s1, $0x2  }
0x59: {  	s6 =	simm.s32 $0x0;
	v16 =	vld [tilespmem:s1+$0x5E90];
	s1 =	simm.s32 $0x40  }
.LBB2_11:
0x5a: {  	p0 =	seq.s32 s1, $0x3FC0;
	[tilespmem:s6+$0x4E80] =	vst v0;
	s6 =	smov.u32 s1;
	s1 =	sadd.s32 $0x40, s1  }
.Ltmp5:
0x5b: {  	(pc) =	sbr.rel @!p0 .LBB2_11-.Ltmp5, $2  }
0x5c: {  	_ =	sdelay $0x2  }
0x5d: {  	s6 =	sshra.s32 s6, $0x2  }
0x5e: {  	s1 =	sand.u32 $0xFF, s0  }
0x5f: {  	[tilespmem:s6+$0x4E80] =	vst v0;
	v17 =	vmov s1;
	s1 =	simm.s32 $0x0  }
.LBB2_13:
0x60: {  	s6 =	sshra.s32 s1, $0x2  }
0x61: {  	v18 =	vld [tilespmem:s6+$0x0];
	_ =	sdelay $0x4  }
0x62: {  	vm9 =	vlt.f32 v18, $0.0e+00  }
0x63: {  	v19 =	vsel vm9, $0xFFFFFFFF, v1  }
0x64: {  	v18 =	vxor.u32 v18, v19  }
0x65: {  	v19 =	vshrl.u32 v18, $0xC;
	v18 =	vshrl.u32 v18, $0x18  }
0x66: {  	vm15 =	veq.s32 v18, v17;
	v18 =	vand.u32 $0xFF0, v19  }
0x67: {  	p0 =	sne.s32 s1, $0x13840;
	v18 =	vor.u32 v2, v18  }
.Ltmp6:
0x68: {  	_ = 	snop;
	(pc) =	sbr.rel @p0 .LBB2_13-.Ltmp6, $2  }
0x69: {  	_ =	sdelay $0x2  }
0x6a: {  	s1 =	sadd.s32 $0x40, s1;
	[tilespmem:v18+s11+$0x0] =	vst.idx.add.s32.msk vm15, v3  }
0x6b: {  	s6 =	simm.s32 $0xFF0  }
0x6c: {  	v17 =	vimm.s32 $0x0;
	s1 =	simm.s32 $0x3F80;
	v18 =	vld [tilespmem:s6+$0x4E80]  }
.LBB2_15:
0x6d: {  	p0 =	sne.s32 s1, $0x0  }
.Ltmp7:
0x6e: {  	_ = 	snop;
	(pc) =	sbr.rel @p0 .LBB2_15-.Ltmp7, $3  }
0x6f: {  	_ =	sdelay $0x1  }
0x70: {  	s7 =	sshra.s32 s1, $0x2;
	s1 =	sadd.s32 $0xFFFFFFC0, s1;
	v17 =	vadd.s32 v17, v18  }
0x71: {  	v18 =	vld [tilespmem:s7+$0x4E80];
	[tilespmem:s6+$0x5E80] =	vst v17;
	s6 =	smov.u32 s7  }
0x72: {  	(xrf0) =	vadd.scan.msk.s32 $0xffff, v16;
	_ =	sdelay $0x5  }
0x73: {  	v16, _, _ =	vpop (xrf0)  }
0x74: {  	(v2sf) =	vpush v16, $0xF;
	_ =	sdelay $0xe  }
0x75: {  	p0 =	sgt.s32 s0, $0xFE;
	s1 =	spop (v2sf)  }
0x76: {  	s8 =	simm.s32 $0x0;
	s9 =	simm.s32 $0x100;
	v16 =	vadd.s32 v17, v18;
	s1 =	ssub.s32 $0x64, s1  }
0x77: {  	s7 =	simm.s32 $0x7;
	[tilespmem:s6+$0x5E80] =	vst v16;
	s6 =	simm.s32 $0x100;
	s1 =	simm.s32 @p0 $0x64  }
.LBB2_17:
0x78: {  	s10 =	smov.u32 s8  }
0x79: {  	p0 =	sne.s32 s7, $0x1;
	s8 =	sand.u32 $0x1, s9  }
0x7a: {  	p1 =	slt.s32 s9, $0x1;
	p2 =	seq.s32 s8, $0x1  }
0x7b: {  	s8 =	sshrl.u32 s9, $0x1F;
	p1 =	por !p1, !p2  }
0x7c: {  	s8 =	sadd.s32 s8, s9;
	s9 =	simm.s32 $0x1;
	p1 =	por !p1, !p1  }
0x7d: {  	s8 =	sshra.s32 s8, $0x1;
	s9 =	simm.s32 @!p1 $0x0  }
0x7e: {  	s9 =	ssub.s32 s8, s9  }
0x7f: {  	s8 =	sshll.u32 s9, $0x6  }
0x80: {  	s8 =	sshra.s32 s8, $0x2  }
0x81: {  	v16 =	vld [tilespmem:s8+$0x5E80];
	_ =	sdelay $0x4  }
0x82: {  	(xrf0) =	vadd.scan.msk.s32 $0xffff, v16;
	_ =	sdelay $0x5  }
0x83: {  	v16, _, _ =	vpop (xrf0)  }
0x84: {  	(v2sf) =	vpush v16, $0xF;
	_ =	sdelay $0xd  }
.Ltmp8:
0x85: {  	(pc) =	sbr.rel @p0 .LBB2_17-.Ltmp8, $4  }
0x86: {  	s8 =	spop (v2sf)  }
0x87: {  	p1 =	slt.s32 s8, s1;
	s8 =	smov.u32 s9  }
0x88: {  	s8 =	smov.u32 @p1 s10;
	s6 =	smov.u32 @p1 s9  }
0x89: {  	s7 =	sadd.s32 $0xFFFFFFFF, s7;
	s9 =	sadd.s32 s8, s6  }
0x8a: {  	s6 =	sand.u32 $0x1, s9  }
0x8b: {  	p0 =	slt.s32 s9, $0x1;
	p1 =	seq.s32 s6, $0x1  }
0x8c: {  	s30 =	sshrl.u32 s9, $0x1F;
	p0 =	por !p0, !p1  }
0x8d: {  	s7 =	simm.s32 $0x1;
	s6 =	sadd.s32 s30, s9;
	p0 =	por !p0, !p0  }
0x8e: {  	s6 =	sshra.s32 s6, $0x1;
	s7 =	simm.s32 @!p0 $0x0  }
0x8f: {  	s6 =	ssub.s32 s6, s7  }
0x90: {  	s7 =	sshll.u32 s6, $0x6  }
0x91: {  	s7 =	sshra.s32 s7, $0x2  }
0x92: {  	v16 =	vld [tilespmem:s7+$0x5E80];
	_ =	sdelay $0x4  }
0x93: {  	(xrf0) =	vadd.scan.msk.s32 $0xffff, v16;
	_ =	sdelay $0x5  }
0x94: {  	v16, _, _ =	vpop (xrf0)  }
0x95: {  	(v2sf) =	vpush v16, $0xF;
	_ =	sdelay $0xe  }
0x96: {  	s31 =	spop (v2sf)  }
0x97: {  	p0 =	slt.s32 s31, s1  }
0x98: {  	s6 =	smov.u32 @p0 s8  }
0x99: {  	p0 =	slt.s32 s6, $0xFE;
	s7 =	smov.u32 s6  }
0x9a: {  	s7 =	simm.s32 @!p0 $0xFE  }
0x9b: {  	s7 =	sshll.u32 s7, $0x6  }
0x9c: {  	s7 =	sshra.s32 s7, $0x2  }
0x9d: {  	s8 =	simm.s32 $0x0;
	v16 =	vld [tilespmem:s7+$0x5E90];
	s7 =	simm.s32 $0x40  }
.LBB2_19:
0x9e: {  	p0 =	seq.s32 s7, $0x3FC0;
	[tilespmem:s8+$0x4E80] =	vst v0;
	s8 =	smov.u32 s7;
	s7 =	sadd.s32 $0x40, s7  }
.Ltmp9:
0x9f: {  	(pc) =	sbr.rel @!p0 .LBB2_19-.Ltmp9, $2  }
0xa0: {  	_ =	sdelay $0x2  }
0xa1: {  	s8 =	sshra.s32 s8, $0x2  }
0xa2: {  	s0 =	sshll.u32 s0, $0x18;
	s7 =	sshll.u32 s6, $0x10  }
0xa3: {  	s0 =	sor.u32 s0, s7  }
0xa4: {  	s7 =	sshrl.u32 s0, $0x10  }
0xa5: {  	[tilespmem:s8+$0x4E80] =	vst v0;
	v17 =	vmov s7;
	s7 =	simm.s32 $0x0  }
.LBB2_21:
0xa6: {  	s8 =	sshra.s32 s7, $0x2  }
0xa7: {  	v18 =	vld [tilespmem:s8+$0x0];
	_ =	sdelay $0x4  }
0xa8: {  	vm9 =	vlt.f32 v18, $0.0e+00  }
0xa9: {  	v19 =	vsel vm9, $0xFFFFFFFF, v1  }
0xaa: {  	v18 =	vxor.u32 v18, v19  }
0xab: {  	v19 =	vshrl.u32 v18, $0x4;
	v18 =	vshrl.u32 v18, $0x10  }
0xac: {  	vm15 =	veq.s32 v18, v17;
	v18 =	vand.u32 $0xFF0, v19  }
0xad: {  	p0 =	sne.s32 s7, $0x13840;
	v18 =	vor.u32 v2, v18  }
.Ltmp10:
0xae: {  	_ = 	snop;
	(pc) =	sbr.rel @p0 .LBB2_21-.Ltmp10, $2  }
0xaf: {  	_ =	sdelay $0x2  }
0xb0: {  	s7 =	sadd.s32 $0x40, s7;
	[tilespmem:v18+s11+$0x0] =	vst.idx.add.s32.msk vm15, v3  }
0xb1: {  	s7 =	simm.s32 $0xFF0  }
0xb2: {  	v17 =	vimm.s32 $0x0;
	s8 =	simm.s32 $0x3F80;
	v18 =	vld [tilespmem:s7+$0x4E80]  }
.LBB2_23:
0xb3: {  	p0 =	sne.s32 s8, $0x0  }
.Ltmp11:
0xb4: {  	_ = 	snop;
	(pc) =	sbr.rel @p0 .LBB2_23-.Ltmp11, $3  }
0xb5: {  	_ =	sdelay $0x1  }
0xb6: {  	s9 =	sshra.s32 s8, $0x2;
	s8 =	sadd.s32 $0xFFFFFFC0, s8;
	v17 =	vadd.s32 v17, v18  }
0xb7: {  	v18 =	vld [tilespmem:s9+$0x4E80];
	[tilespmem:s7+$0x5E80] =	vst v17;
	s7 =	smov.u32 s9  }
0xb8: {  	(xrf0) =	vadd.scan.msk.s32 $0xffff, v16;
	_ =	sdelay $0x5  }
0xb9: {  	v16, _, _ =	vpop (xrf0)  }
0xba: {  	(v2sf) =	vpush v16, $0xF;
	_ =	sdelay $0xe  }
0xbb: {  	p0 =	sgt.s32 s6, $0xFE;
	s6 =	spop (v2sf)  }
0xbc: {  	s8 =	simm.s32 $0x0;
	s9 =	simm.s32 $0x100;
	v16 =	vadd.s32 v17, v18;
	s6 =	simm.s32 @p0 $0x0  }
0xbd: {  	[tilespmem:s7+$0x5E80] =	vst v16;
	s7 =	simm.s32 $0x7;
	s1 =	ssub.s32 s1, s6;
	s6 =	simm.s32 $0x100  }
.LBB2_25:
0xbe: {  	s10 =	smov.u32 s8  }
0xbf: {  	p0 =	sne.s32 s7, $0x1;
	s8 =	sand.u32 $0x1, s9  }
0xc0: {  	p1 =	slt.s32 s9, $0x1;
	p2 =	seq.s32 s8, $0x1  }
0xc1: {  	s8 =	sshrl.u32 s9, $0x1F;
	p1 =	por !p1, !p2  }
0xc2: {  	s8 =	sadd.s32 s8, s9;
	s9 =	simm.s32 $0x1;
	p1 =	por !p1, !p1  }
0xc3: {  	s8 =	sshra.s32 s8, $0x1;
	s9 =	simm.s32 @!p1 $0x0  }
0xc4: {  	s9 =	ssub.s32 s8, s9  }
0xc5: {  	s8 =	sshll.u32 s9, $0x6  }
0xc6: {  	s8 =	sshra.s32 s8, $0x2  }
0xc7: {  	v16 =	vld [tilespmem:s8+$0x5E80];
	_ =	sdelay $0x4  }
0xc8: {  	(xrf0) =	vadd.scan.msk.s32 $0xffff, v16;
	_ =	sdelay $0x5  }
0xc9: {  	v16, _, _ =	vpop (xrf0)  }
0xca: {  	(v2sf) =	vpush v16, $0xF;
	_ =	sdelay $0xd  }
.Ltmp12:
0xcb: {  	(pc) =	sbr.rel @p0 .LBB2_25-.Ltmp12, $4  }
0xcc: {  	s8 =	spop (v2sf)  }
0xcd: {  	p1 =	slt.s32 s8, s1;
	s8 =	smov.u32 s9  }
0xce: {  	s8 =	smov.u32 @p1 s10;
	s6 =	smov.u32 @p1 s9  }
0xcf: {  	s7 =	sadd.s32 $0xFFFFFFFF, s7;
	s9 =	sadd.s32 s8, s6  }
0xd0: {  	s6 =	sand.u32 $0x1, s9  }
0xd1: {  	p0 =	slt.s32 s9, $0x1;
	p1 =	seq.s32 s6, $0x1  }
0xd2: {  	s30 =	sshrl.u32 s9, $0x1F;
	p0 =	por !p0, !p1  }
0xd3: {  	s7 =	simm.s32 $0x1;
	s6 =	sadd.s32 s30, s9;
	p0 =	por !p0, !p0  }
0xd4: {  	s6 =	sshra.s32 s6, $0x1;
	s7 =	simm.s32 @!p0 $0x0  }
0xd5: {  	s6 =	ssub.s32 s6, s7  }
0xd6: {  	s7 =	sshll.u32 s6, $0x6  }
0xd7: {  	s7 =	sshra.s32 s7, $0x2  }
0xd8: {  	v16 =	vld [tilespmem:s7+$0x5E80];
	_ =	sdelay $0x4  }
0xd9: {  	(xrf0) =	vadd.scan.msk.s32 $0xffff, v16;
	_ =	sdelay $0x5  }
0xda: {  	v16, _, _ =	vpop (xrf0)  }
0xdb: {  	(v2sf) =	vpush v16, $0xF;
	_ =	sdelay $0xe  }
0xdc: {  	s31 =	spop (v2sf)  }
0xdd: {  	p0 =	slt.s32 s31, s1  }
0xde: {  	s6 =	smov.u32 @p0 s8  }
0xdf: {  	p0 =	slt.s32 s6, $0xFE;
	s7 =	smov.u32 s6  }
0xe0: {  	s7 =	simm.s32 @!p0 $0xFE  }
0xe1: {  	s7 =	sshll.u32 s7, $0x6  }
0xe2: {  	s7 =	sshra.s32 s7, $0x2  }
0xe3: {  	s8 =	simm.s32 $0x0;
	v16 =	vld [tilespmem:s7+$0x5E90];
	s7 =	simm.s32 $0x40  }
.LBB2_27:
0xe4: {  	p0 =	seq.s32 s7, $0x3FC0;
	[tilespmem:s8+$0x4E80] =	vst v0;
	s8 =	smov.u32 s7;
	s7 =	sadd.s32 $0x40, s7  }
.Ltmp13:
0xe5: {  	(pc) =	sbr.rel @!p0 .LBB2_27-.Ltmp13, $2  }
0xe6: {  	_ =	sdelay $0x2  }
0xe7: {  	s8 =	sshra.s32 s8, $0x2  }
0xe8: {  	s7 =	sshll.u32 s6, $0x8  }
0xe9: {  	s0 =	sor.u32 s0, s7  }
0xea: {  	s7 =	sshrl.u32 s0, $0x8  }
0xeb: {  	[tilespmem:s8+$0x4E80] =	vst v0;
	v17 =	vmov s7;
	s7 =	simm.s32 $0x0  }
.LBB2_29:
0xec: {  	s8 =	sshra.s32 s7, $0x2  }
0xed: {  	v18 =	vld [tilespmem:s8+$0x0];
	_ =	sdelay $0x4  }
0xee: {  	vm9 =	vlt.f32 v18, $0.0e+00  }
0xef: {  	v19 =	vsel vm9, $0xFFFFFFFF, v1  }
0xf0: {  	v18 =	vxor.u32 v18, v19  }
0xf1: {  	v19 =	vshll.u32 v18, $0x4;
	v18 =	vshrl.u32 v18, $0x8  }
0xf2: {  	v19 =	vor.u32 v2, v19;
	vm15 =	veq.s32 v18, v17  }
0xf3: {  	p0 =	sne.s32 s7, $0x13840;
	v18 =	vand.u32 $0xFFF, v19  }
.Ltmp14:
0xf4: {  	_ = 	snop;
	(pc) =	sbr.rel @p0 .LBB2_29-.Ltmp14, $2  }
0xf5: {  	_ =	sdelay $0x2  }
0xf6: {  	s7 =	sadd.s32 $0x40, s7;
	[tilespmem:v18+s11+$0x0] =	vst.idx.add.s32.msk vm15, v3  }
0xf7: {  	s7 =	simm.s32 $0xFF0  }
0xf8: {  	v17 =	vimm.s32 $0x0;
	s8 =	simm.s32 $0x3F80;
	v18 =	vld [tilespmem:s7+$0x4E80]  }
.LBB2_31:
0xf9: {  	p0 =	sne.s32 s8, $0x0  }
.Ltmp15:
0xfa: {  	_ = 	snop;
	(pc) =	sbr.rel @p0 .LBB2_31-.Ltmp15, $3  }
0xfb: {  	_ =	sdelay $0x1  }
0xfc: {  	s9 =	sshra.s32 s8, $0x2;
	s8 =	sadd.s32 $0xFFFFFFC0, s8;
	v17 =	vadd.s32 v17, v18  }
0xfd: {  	v18 =	vld [tilespmem:s9+$0x4E80];
	[tilespmem:s7+$0x5E80] =	vst v17;
	s7 =	smov.u32 s9  }
0xfe: {  	(xrf0) =	vadd.scan.msk.s32 $0xffff, v16;
	_ =	sdelay $0x5  }
0xff: {  	v16, _, _ =	vpop (xrf0)  }
0x100: {  	(v2sf) =	vpush v16, $0xF;
	_ =	sdelay $0xe  }
0x101: {  	p0 =	sgt.s32 s6, $0xFE;
	s6 =	spop (v2sf)  }
0x102: {  	s8 =	simm.s32 $0x0;
	s9 =	simm.s32 $0x100;
	v16 =	vadd.s32 v17, v18;
	s6 =	simm.s32 @p0 $0x0  }
0x103: {  	[tilespmem:s7+$0x5E80] =	vst v16;
	s7 =	simm.s32 $0x7;
	s1 =	ssub.s32 s1, s6;
	s6 =	simm.s32 $0x100  }
.LBB2_33:
0x104: {  	s10 =	smov.u32 s8  }
0x105: {  	p0 =	sne.s32 s7, $0x1;
	s8 =	sand.u32 $0x1, s9  }
0x106: {  	p1 =	slt.s32 s9, $0x1;
	p2 =	seq.s32 s8, $0x1  }
0x107: {  	s8 =	sshrl.u32 s9, $0x1F;
	p1 =	por !p1, !p2  }
0x108: {  	s8 =	sadd.s32 s8, s9;
	s9 =	simm.s32 $0x1;
	p1 =	por !p1, !p1  }
0x109: {  	s8 =	sshra.s32 s8, $0x1;
	s9 =	simm.s32 @!p1 $0x0  }
0x10a: {  	s9 =	ssub.s32 s8, s9  }
0x10b: {  	s8 =	sshll.u32 s9, $0x6  }
0x10c: {  	s8 =	sshra.s32 s8, $0x2  }
0x10d: {  	v16 =	vld [tilespmem:s8+$0x5E80];
	_ =	sdelay $0x4  }
0x10e: {  	(xrf0) =	vadd.scan.msk.s32 $0xffff, v16;
	_ =	sdelay $0x5  }
0x10f: {  	v16, _, _ =	vpop (xrf0)  }
0x110: {  	(v2sf) =	vpush v16, $0xF;
	_ =	sdelay $0xd  }
.Ltmp16:
0x111: {  	(pc) =	sbr.rel @p0 .LBB2_33-.Ltmp16, $4  }
0x112: {  	s8 =	spop (v2sf)  }
0x113: {  	p1 =	slt.s32 s8, s1;
	s8 =	smov.u32 s9  }
0x114: {  	s8 =	smov.u32 @p1 s10;
	s6 =	smov.u32 @p1 s9  }
0x115: {  	s7 =	sadd.s32 $0xFFFFFFFF, s7;
	s9 =	sadd.s32 s8, s6  }
0x116: {  	s6 =	sand.u32 $0x1, s9  }
0x117: {  	p0 =	slt.s32 s9, $0x1;
	p1 =	seq.s32 s6, $0x1  }
0x118: {  	s30 =	sshrl.u32 s9, $0x1F;
	p0 =	por !p0, !p1  }
0x119: {  	s7 =	simm.s32 $0x1;
	s6 =	sadd.s32 s30, s9;
	p0 =	por !p0, !p0  }
0x11a: {  	s6 =	sshra.s32 s6, $0x1;
	s7 =	simm.s32 @!p0 $0x0  }
0x11b: {  	s6 =	ssub.s32 s6, s7  }
0x11c: {  	s7 =	sshll.u32 s6, $0x6  }
0x11d: {  	s7 =	sshra.s32 s7, $0x2  }
0x11e: {  	v16 =	vld [tilespmem:s7+$0x5E80];
	_ =	sdelay $0x4  }
0x11f: {  	(xrf0) =	vadd.scan.msk.s32 $0xffff, v16;
	_ =	sdelay $0x5  }
0x120: {  	v16, _, _ =	vpop (xrf0)  }
0x121: {  	(v2sf) =	vpush v16, $0xF;
	_ =	sdelay $0x6  }
0x122: {  	v4 =	vld [tilespmem:$0x1FFE0];
	_ =	sdelay $0x3  }
0x123: {  	[tilespmem:$0x6E80] =	vst v2  }
0x124: {  	[tilespmem:$0x6E90] =	vst v4  }
0x125: {  	[tilespmem:$0x6EB0] =	vst v6  }
0x126: {  	v4 =	vld [tilespmem:$0x1FFF0];
	[tilespmem:$0x6EC0] =	vst v7  }
0x127: {  	[tilespmem:$0x6ED0] =	vst v8;
	s31 =	spop (v2sf)  }
0x128: {  	[tilespmem:$0x6EE0] =	vst v9;
	p0 =	slt.s32 s31, s1  }
0x129: {  	[tilespmem:$0x6EF0] =	vst v10;
	s6 =	smov.u32 @p0 s8  }
0x12a: {  	[tilespmem:$0x6F00] =	vst v11;
	s0 =	sor.u32 s0, s6  }
0x12b: {  	[tilespmem:$0x6EA0] =	vst v4;
	v16 =	vimm.s32 $0x0;
	s1 =	simm.s32 $0x0;
	v17 =	vmov s0;
	s0 =	simm.s32 $0x0  }
.LBB2_35:
0x12c: {  	v18 =	vld [tilespmem:s0+$0x0];
	_ =	sdelay $0x4  }
0x12d: {  	vm9 =	vlt.f32 v18, $0.0e+00  }
0x12e: {  	v19 =	vsel vm9, $0xFFFFFFFF, v1  }
0x12f: {  	v19 =	vxor.u32 v18, v19  }
0x130: {  	vm10 =	vgt.f32 v18, $-3.000000010e+38;
	vm15 =	vge.u32 v19, v17  }
0x131: {  	vm9 =	vmand vm10, vm15  }
0x132: {  	v18 =	vsel vm9, $0x3F800000, v12  }
0x133: {  	(xrf0) =	vmax.scan.msk.f32 $0xffff, v18;
	_ =	sdelay $0x5  }
0x134: {  	v18, _, _ =	vpop (xrf0)  }
0x135: {  	(v2sf) =	vpush v18, $0xF;
	_ =	sdelay $0xe  }
0x136: {  	s6 =	spop (v2sf)  }
0x137: {  	p0 =	sgt.f32 s6, $0.0e+00;
	_ =	sdelay $0x1  }
0x138: {  	v18 =	vimm.s32 @p0 $0x0  }
0x139: {  	v18 =	vsel @p0 vm9, $0x1, v18  }
0x13a: {  	(xrf0) =	vadd.scan.msk.s32 @p0 $0xffff, v18;
	_ =	sdelay $0x5  }
0x13b: {  	v18, _, _ =	vpop @p0 (xrf0)  }
0x13c: {  	v18 =	vadd.s32 @p0 v18, v16  }
0x13d: {  	v19 =	vlaneseq.u32 @p0;
	v18 =	vadd.s32 @p0 $0xFFFFFFFF, v18  }
0x13e: {  	v19 =	vor.u32 @p0 s1, v19;
	s1 =	sadd.s32 $0x10, s1;
	vm10 =	vlt.s32 @p0 v18, $0x7F  }
0x13f: {  	p1 =	sne.s32 s1, $0x4E20;
	v18 =	vnsel @p0 vm10, $0x7F, v18  }
.Ltmp17:
0x140: {  	_ = 	snop;
	(pc) =	sbr.rel @p1 .LBB2_35-.Ltmp17, $4  }
0x141: {  	_ = 	snop  }
0x142: {  	v20 =	vmpcnt.ones.xlane vm9  }
0x143: {  	s6 =	simm.s32 @p0 $0x6E80  }
0x144: {  	s0 =	sadd.s32 $0x10, s0;
	v16 =	vadd.s32 v16, v20;
	[tilespmem:v18+s6+$0x0] =	vst.idx.msk @p0 vm9, v19  }
0x145: {  	s0 =	simm.s32 $0x0  }
0x146: {  	v17 =	vld [tilespmem:s0+$0x6E80];
	_ =	sdelay $0x4  }
0x147: {  	(v2sf) =	vpush v17, $0x0;
	_ =	sdelay $0xe  }
0x148: {  	s30 =	spop (v2sf)  }
0x149: {  	s0 =	sshll.u32 s30, $0x7  }
0x14a: {  	s1 =	sand.u32 $0xFFFFFC00, s0  }
0x14b: {  	s0 =	sand.u32 $0x380, s0;
	s1 =	sadd.s32 s5, s1  }
0x14c: {  	s0 =	sor.u32 s0, s1  }
0x14d: {  	s1 =	sshrl.u32 s0, $0x3  }
0x14e: {  	s31 =	simm.s32 $0x1;
	s0 =	simm.s32 $0x6F80;
	s1 =	sadd.s32 s3, s1  }
0x14f: {  	[tilespmem:s0], [sflag:$0x1] =	stream.linear.gather [hbm4b:s1+s2], $0x80, $0x38;
	[tilespmem:$0x11B80] =	vst v63  }
0x150: {  	s1 =	simm.s32 $0x8;
	v17 =	vld [tilespmem:s31+$0x6E80]  }
.LBB2_37:
0x151: {  	p0 =	sne.s32 s1, $0x1FC;
	_ =	sdelay $0x3  }
0x152: {  	(v2sf) =	vpush v17, $0x0;
	_ =	sdelay $0xe  }
0x153: {  	s6 =	spop (v2sf)  }
0x154: {  	s6 =	sshll.u32 s6, $0x7  }
0x155: {  	s7 =	sand.u32 $0xFFFFFC00, s6  }
0x156: {  	s6 =	sand.u32 $0x380, s6;
	s7 =	sadd.s32 s5, s7  }
.Ltmp18:
0x157: {  	s6 =	sor.u32 s6, s7;
	(pc) =	sbr.rel @p0 .LBB2_37-.Ltmp18, $4  }
0x158: {  	s6 =	sshrl.u32 s6, $0x3  }
0x159: {  	s0 =	sadd.s32 $0x80, s0;
	s7 =	sshra.s32 s1, $0x2;
	s6 =	sadd.s32 s3, s6  }
0x15a: {  	[tilespmem:s0], [sflag:$0x1] =	stream.linear.gather [hbm4b:s6+s2], $0x80, $0x38;
	[tilespmem:$0x11B80] =	vst v63  }
0x15b: {  	s1 =	sadd.s32 $0x4, s1;
	v17 =	vld [tilespmem:s7+$0x6E80]  }
0x15c: {  	_ =	sdelay $0x3  }
0x15d: {  	(v2sf) =	vpush v17, $0x0;
	_ =	sdelay $0xe  }
0x15e: {  	s1 =	spop (v2sf)  }
0x15f: {  	s1 =	sshll.u32 s1, $0x7  }
0x160: {  	s6 =	sand.u32 $0xFFFFFC00, s1  }
0x161: {  	s1 =	sand.u32 $0x380, s1;
	s6 =	sadd.s32 s5, s6  }
0x162: {  	s1 =	sor.u32 s1, s6  }
0x163: {  	s1 =	sshrl.u32 s1, $0x3  }
0x164: {  	s0 =	sadd.s32 $0x80, s0;
	s1 =	sadd.s32 s3, s1  }
0x165: {  	[tilespmem:s0], [sflag:$0x1] =	stream.linear.gather [hbm4b:s1+s2], $0x80, $0x38;
	[tilespmem:$0x11B80] =	vst v63  }
0x166: {  	_ =	swait.ge [sflag:s13], $0x80  }
0x167: {  	s0 =	simm.s32 $0x7F;
	[sflag:s13] =	ssyncset.done $0x0  }
.LBB2_39:
0x168: {  	p0 =	sne.s32 s0, $0x1;
	s0 =	sadd.s32 $0xFFFFFFFF, s0;
	[sflag:s13] =	ssyncadd.s32 $0xFFFFFF80  }
.Ltmp19:
0x169: {  	(pc) =	sbr.rel @p0 .LBB2_39-.Ltmp19, $3  }
0x16a: {  	_ =	sdelay $0x1  }
0x16b: {  	_ =	swait.ge [sflag:s13], $0x80  }
0x16c: {  	[sflag:s13] =	ssyncset.done $0x0  }
0x16d: {  	v16 =	vxor.u32 $0x80000000, v16  }
0x16e: {  	(xrf0) =	vmax.scan.msk.u32 $0xffff, v16;
	_ =	sdelay $0x5  }
0x16f: {  	s0 =	simm.s32 $0x0;
	v16, _, _ =	vpop (xrf0)  }
0x170: {  	(v2sf) =	vpush v16, $0xF;
	v16 =	vmov s0;
	_ =	sdelay $0x3  }
0x171: {  	[sflag:s13] =	ssyncadd.s32 $0xFFFFFF80  }
0x172: {  	v16 =	vld.idx.msk [tilespmem:v16+s14+$0x0], $0xffff;
	_ =	sdelay $0x7  }
0x173: {  	v16 =	vld.idx.msk [tilespmem:v16+s0+$0x0], $0xffff  }
0x174: {  	s1 =	simm.s32 $0x6FA0  }
0x175: {  	v17 =	vld [tilespmem:s1+$0xFFFFFFE0];
	s6 =	spop (v2sf)  }
0x176: {  	s6 =	sxor.u32 $0x80000000, s6  }
0x177: {  	vm9 =	vmmov vm0;
	p0 =	sgt.s32 s6, $0x0  }
0x178: {  	vm10 =	vgt.f32 v16, $-3.000000010e+38;
	vm9 =	vmneg @p0 vm9  }
0x179: {  	vm9 =	vmand vm9, vm10  }
0x17a: {  	s7 =	simm.s32 $0xAFA0;
	v16 =	vnsel vm9, $0xFF61B1E6, v17  }
0x17b: {  	[tilespmem:s7+$0xFFFFFFE0] =	vst v16  }
0x17c: {  	v16 =	vld [tilespmem:s1+$0xFFFFFFF0];
	_ =	sdelay $0x4  }
0x17d: {  	v16 =	vnsel vm9, $0xFF61B1E6, v16  }
0x17e: {  	[tilespmem:s7+$0xFFFFFFF0] =	vst v16  }
0x17f: {  	v16 =	vld [tilespmem:s1+$0x0];
	_ =	sdelay $0x4  }
0x180: {  	v16 =	vnsel vm9, $0xFF61B1E6, v16  }
0x181: {  	[tilespmem:s7+$0x0] =	vst v16  }
0x182: {  	v16 =	vld [tilespmem:s1+$0x10];
	_ =	sdelay $0x4  }
0x183: {  	v16 =	vnsel vm9, $0xFF61B1E6, v16  }
0x184: {  	[tilespmem:s7+$0x10] =	vst v16  }
0x185: {  	v17 =	vld [tilespmem:s1+$0x20]  }
0x186: {  	s8 =	simm.s32 $0x1  }
0x187: {  	s9 =	simm.s32 $0x2;
	v16 =	vmov s8  }
.LBB2_41:
0x188: {  	p0 =	sne.s32 s9, $0x7F;
	_ =	sdelay $0x1  }
0x189: {  	v17 =	vnsel vm9, $0xFF61B1E6, v17  }
0x18a: {  	[tilespmem:s7+$0x20] =	vst v17  }
0x18b: {  	s1 =	sadd.s32 $0x80, s1;
	v16 =	vld.idx.msk [tilespmem:v16+s14+$0x0], $0xffff  }
0x18c: {  	v17 =	vld [tilespmem:s1+$0xFFFFFFE0];
	_ =	sdelay $0x6  }
0x18d: {  	v16 =	vld.idx.msk [tilespmem:v16+s0+$0x0], $0xffff;
	_ =	sdelay $0x4  }
0x18e: {  	p1 =	sgt.s32 s6, s8;
	s8 =	smov.u32 s9;
	vm10 =	vmmov vm0  }
0x18f: {  	vm10 =	vmneg @p1 vm10;
	vm9 =	vgt.f32 v16, $-3.000000010e+38  }
0x190: {  	vm9 =	vmand vm10, vm9  }
0x191: {  	s7 =	sadd.s32 $0x50, s7;
	v16 =	vnsel vm9, $0xFF61B1E6, v17  }
0x192: {  	[tilespmem:s7+$0xFFFFFFE0] =	vst v16  }
0x193: {  	v16 =	vld [tilespmem:s1+$0xFFFFFFF0];
	_ =	sdelay $0x4  }
0x194: {  	v16 =	vnsel vm9, $0xFF61B1E6, v16  }
0x195: {  	[tilespmem:s7+$0xFFFFFFF0] =	vst v16  }
0x196: {  	v16 =	vld [tilespmem:s1+$0x0];
	_ =	sdelay $0x4  }
0x197: {  	v16 =	vnsel vm9, $0xFF61B1E6, v16  }
0x198: {  	[tilespmem:s7+$0x0] =	vst v16  }
0x199: {  	v16 =	vld [tilespmem:s1+$0x10];
	_ =	sdelay $0x4  }
.Ltmp20:
0x19a: {  	v16 =	vnsel vm9, $0xFF61B1E6, v16;
	(pc) =	sbr.rel @p0 .LBB2_41-.Ltmp20, $3  }
0x19b: {  	[tilespmem:s7+$0x10] =	vst v16  }
0x19c: {  	v17 =	vld [tilespmem:s1+$0x20];
	_ =	sdelay $0x1  }
0x19d: {  	s9 =	sadd.s32 $0x1, s9;
	v16 =	vmov s8  }
0x19e: {  	_ =	sdelay $0x1  }
0x19f: {  	v17 =	vnsel vm9, $0xFF61B1E6, v17  }
0x1a0: {  	[tilespmem:s7+$0x20] =	vst v17  }
0x1a1: {  	v16 =	vld.idx.msk [tilespmem:v16+s14+$0x0], $0xffff;
	_ =	sdelay $0x7  }
0x1a2: {  	v16 =	vld.idx.msk [tilespmem:v16+s0+$0x0], $0xffff  }
0x1a3: {  	s1 =	sadd.s32 $0x80, s1  }
0x1a4: {  	v17 =	vld [tilespmem:s1+$0xFFFFFFE0];
	_ =	sdelay $0x1  }
0x1a5: {  	p0 =	sgt.s32 s6, s8;
	vm9 =	vmmov vm0  }
0x1a6: {  	vm9 =	vmneg @p0 vm9;
	vm10 =	vgt.f32 v16, $-3.000000010e+38  }
0x1a7: {  	vm9 =	vmand vm9, vm10  }
0x1a8: {  	s31 =	sadd.s32 $0x50, s7;
	v16 =	vnsel vm9, $0xFF61B1E6, v17  }
0x1a9: {  	[tilespmem:s31+$0xFFFFFFE0] =	vst v16  }
0x1aa: {  	v16 =	vld [tilespmem:s1+$0xFFFFFFF0];
	_ =	sdelay $0x4  }
0x1ab: {  	v16 =	vnsel vm9, $0xFF61B1E6, v16  }
0x1ac: {  	[tilespmem:s31+$0xFFFFFFF0] =	vst v16  }
0x1ad: {  	v16 =	vld [tilespmem:s1+$0x0];
	_ =	sdelay $0x4  }
0x1ae: {  	v16 =	vnsel vm9, $0xFF61B1E6, v16  }
0x1af: {  	[tilespmem:s31+$0x0] =	vst v16  }
0x1b0: {  	v16 =	vld [tilespmem:s1+$0x10];
	_ =	sdelay $0x4  }
0x1b1: {  	v16 =	vnsel vm9, $0xFF61B1E6, v16  }
0x1b2: {  	[tilespmem:s31+$0x10] =	vst v16  }
0x1b3: {  	v16 =	vld [tilespmem:s1+$0x20];
	_ =	sdelay $0x4  }
0x1b4: {  	v16 =	vnsel vm9, $0xFF61B1E6, v16  }
0x1b5: {  	[tilespmem:s31+$0x20] =	vst v16  }
.LBB2_43:
0x1b6: {  	p0 =	sne.s32 s0, $0x3FC0  }
.Ltmp21:
0x1b7: {  	_ = 	snop;
	(pc) =	sbr.rel @p0 .LBB2_43-.Ltmp21, $3  }
0x1b8: {  	_ =	sdelay $0x1  }
0x1b9: {  	s1 =	sshra.s32 s0, $0x2  }
0x1ba: {  	s0 =	sadd.s32 $0x40, s0;
	[tilespmem:s1+$0x4E80] =	vst v0  }
0x1bb: {  	s0 =	simm.s32 $0x0  }
.LBB2_45:
0x1bc: {  	s1 =	sshra.s32 s0, $0x2  }
0x1bd: {  	v16 =	vld [tilespmem:s1+$0xAF80];
	_ =	sdelay $0x4  }
0x1be: {  	vm9 =	vlt.f32 v16, $0.0e+00  }
0x1bf: {  	v17 =	vsel vm9, $0xFF000000, v1  }
0x1c0: {  	v16 =	vxor.u32 v16, v17  }
0x1c1: {  	v16 =	vshrl.u32 v16, $0x14  }
0x1c2: {  	v16 =	vand.u32 $0xFF0, v16  }
0x1c3: {  	p0 =	sne.s32 s0, $0x9FC0;
	v16 =	vor.u32 v2, v16  }
.Ltmp22:
0x1c4: {  	_ = 	snop;
	(pc) =	sbr.rel @p0 .LBB2_45-.Ltmp22, $2  }
0x1c5: {  	_ =	sdelay $0x2  }
0x1c6: {  	s0 =	sadd.s32 $0x40, s0;
	[tilespmem:v16+s11+$0x0] =	vst.idx.add.s32.msk $0xffff, v3  }
0x1c7: {  	s1 =	simm.s32 $0xFF0  }
0x1c8: {  	v16 =	vimm.s32 $0x0;
	s0 =	simm.s32 $0x3F80;
	v17 =	vld [tilespmem:s1+$0x4E80]  }
.LBB2_47:
0x1c9: {  	p0 =	sne.s32 s0, $0x0  }
.Ltmp23:
0x1ca: {  	_ = 	snop;
	(pc) =	sbr.rel @p0 .LBB2_47-.Ltmp23, $3  }
0x1cb: {  	_ =	sdelay $0x1  }
0x1cc: {  	s6 =	sshra.s32 s0, $0x2;
	s0 =	sadd.s32 $0xFFFFFFC0, s0;
	v16 =	vadd.s32 v16, v17  }
0x1cd: {  	v17 =	vld [tilespmem:s6+$0x4E80];
	[tilespmem:s1+$0x5E80] =	vst v16;
	s1 =	smov.u32 s6  }
0x1ce: {  	_ =	sdelay $0x3  }
0x1cf: {  	s0 =	simm.s32 $0x0;
	v16 =	vadd.s32 v16, v17  }
0x1d0: {  	s6 =	simm.s32 $0x100;
	s7 =	simm.s32 $0x100;
	[tilespmem:s1+$0x5E80] =	vst v16;
	s1 =	simm.s32 $0x7  }
.LBB2_49:
0x1d1: {  	s8 =	smov.u32 s6  }
0x1d2: {  	p0 =	sne.s32 s1, $0x1;
	s6 =	sand.u32 $0x1, s7  }
0x1d3: {  	p1 =	slt.s32 s7, $0x1;
	p2 =	seq.s32 s6, $0x1  }
0x1d4: {  	s6 =	sshrl.u32 s7, $0x1F;
	p1 =	por !p1, !p2  }
0x1d5: {  	s6 =	sadd.s32 s6, s7;
	s7 =	simm.s32 $0x1;
	p1 =	por !p1, !p1  }
0x1d6: {  	s6 =	sshra.s32 s6, $0x1;
	s7 =	simm.s32 @!p1 $0x0  }
0x1d7: {  	s6 =	ssub.s32 s6, s7  }
0x1d8: {  	s7 =	sshll.u32 s6, $0x6  }
0x1d9: {  	s7 =	sshra.s32 s7, $0x2  }
0x1da: {  	v16 =	vld [tilespmem:s7+$0x5E80];
	_ =	sdelay $0x4  }
0x1db: {  	(xrf0) =	vadd.scan.msk.s32 $0xffff, v16;
	_ =	sdelay $0x5  }
0x1dc: {  	v16, _, _ =	vpop (xrf0)  }
0x1dd: {  	(v2sf) =	vpush v16, $0xF;
	_ =	sdelay $0xd  }
.Ltmp24:
0x1de: {  	(pc) =	sbr.rel @p0 .LBB2_49-.Ltmp24, $4  }
0x1df: {  	s7 =	spop (v2sf)  }
0x1e0: {  	p1 =	sgt.s32 s7, $0x63  }
0x1e1: {  	s0 =	smov.u32 @p1 s6;
	s6 =	smov.u32 @p1 s8  }
0x1e2: {  	s1 =	sadd.s32 $0xFFFFFFFF, s1;
	s7 =	sadd.s32 s0, s6  }
0x1e3: {  	s1 =	sand.u32 $0x1, s7  }
0x1e4: {  	p0 =	slt.s32 s7, $0x1;
	p1 =	seq.s32 s1, $0x1  }
0x1e5: {  	s30 =	sshrl.u32 s7, $0x1F;
	p0 =	por !p0, !p1  }
0x1e6: {  	s6 =	simm.s32 $0x1;
	s1 =	sadd.s32 s30, s7;
	p0 =	por !p0, !p0  }
0x1e7: {  	s1 =	sshra.s32 s1, $0x1;
	s6 =	simm.s32 @!p0 $0x0  }
0x1e8: {  	s1 =	ssub.s32 s1, s6  }
0x1e9: {  	s6 =	sshll.u32 s1, $0x6  }
0x1ea: {  	s6 =	sshra.s32 s6, $0x2  }
0x1eb: {  	v16 =	vld [tilespmem:s6+$0x5E80];
	_ =	sdelay $0x4  }
0x1ec: {  	(xrf0) =	vadd.scan.msk.s32 $0xffff, v16;
	_ =	sdelay $0x5  }
0x1ed: {  	v16, _, _ =	vpop (xrf0)  }
0x1ee: {  	(v2sf) =	vpush v16, $0xF;
	_ =	sdelay $0xe  }
0x1ef: {  	s31 =	spop (v2sf)  }
0x1f0: {  	p0 =	sgt.s32 s31, $0x63  }
0x1f1: {  	s0 =	smov.u32 @p0 s1  }
0x1f2: {  	p0 =	slt.s32 s0, $0xFE;
	s1 =	smov.u32 s0  }
0x1f3: {  	s1 =	simm.s32 @!p0 $0xFE  }
0x1f4: {  	s1 =	sshll.u32 s1, $0x6  }
0x1f5: {  	s1 =	sshra.s32 s1, $0x2  }
0x1f6: {  	s6 =	simm.s32 $0x0;
	v16 =	vld [tilespmem:s1+$0x5E90];
	s1 =	simm.s32 $0x40  }
.LBB2_51:
0x1f7: {  	p0 =	seq.s32 s1, $0x3FC0;
	[tilespmem:s6+$0x4E80] =	vst v0;
	s6 =	smov.u32 s1;
	s1 =	sadd.s32 $0x40, s1  }
.Ltmp25:
0x1f8: {  	(pc) =	sbr.rel @!p0 .LBB2_51-.Ltmp25, $2  }
0x1f9: {  	_ =	sdelay $0x2  }
0x1fa: {  	s6 =	sshra.s32 s6, $0x2  }
0x1fb: {  	s1 =	sand.u32 $0xFF, s0  }
0x1fc: {  	[tilespmem:s6+$0x4E80] =	vst v0;
	v17 =	vmov s1;
	s1 =	simm.s32 $0x0  }
.LBB2_53:
0x1fd: {  	s6 =	sshra.s32 s1, $0x2  }
0x1fe: {  	v18 =	vld [tilespmem:s6+$0xAF80];
	_ =	sdelay $0x4  }
0x1ff: {  	vm9 =	vlt.f32 v18, $0.0e+00  }
0x200: {  	v19 =	vsel vm9, $0xFFFFFFFF, v1  }
0x201: {  	v18 =	vxor.u32 v18, v19  }
0x202: {  	v19 =	vshrl.u32 v18, $0xC;
	v18 =	vshrl.u32 v18, $0x18  }
0x203: {  	vm15 =	veq.s32 v18, v17;
	v18 =	vand.u32 $0xFF0, v19  }
0x204: {  	p0 =	sne.s32 s1, $0x9FC0;
	v18 =	vor.u32 v2, v18  }
.Ltmp26:
0x205: {  	_ = 	snop;
	(pc) =	sbr.rel @p0 .LBB2_53-.Ltmp26, $2  }
0x206: {  	_ =	sdelay $0x2  }
0x207: {  	s1 =	sadd.s32 $0x40, s1;
	[tilespmem:v18+s11+$0x0] =	vst.idx.add.s32.msk vm15, v3  }
0x208: {  	s6 =	simm.s32 $0xFF0  }
0x209: {  	v17 =	vimm.s32 $0x0;
	s1 =	simm.s32 $0x3F80;
	v18 =	vld [tilespmem:s6+$0x4E80]  }
.LBB2_55:
0x20a: {  	p0 =	sne.s32 s1, $0x0  }
.Ltmp27:
0x20b: {  	_ = 	snop;
	(pc) =	sbr.rel @p0 .LBB2_55-.Ltmp27, $3  }
0x20c: {  	_ =	sdelay $0x1  }
0x20d: {  	s7 =	sshra.s32 s1, $0x2;
	s1 =	sadd.s32 $0xFFFFFFC0, s1;
	v17 =	vadd.s32 v17, v18  }
0x20e: {  	v18 =	vld [tilespmem:s7+$0x4E80];
	[tilespmem:s6+$0x5E80] =	vst v17;
	s6 =	smov.u32 s7  }
0x20f: {  	(xrf0) =	vadd.scan.msk.s32 $0xffff, v16;
	_ =	sdelay $0x5  }
0x210: {  	v16, _, _ =	vpop (xrf0)  }
0x211: {  	(v2sf) =	vpush v16, $0xF;
	_ =	sdelay $0xe  }
0x212: {  	p0 =	sgt.s32 s0, $0xFE;
	s1 =	spop (v2sf)  }
0x213: {  	s8 =	simm.s32 $0x0;
	s9 =	simm.s32 $0x100;
	v16 =	vadd.s32 v17, v18;
	s1 =	ssub.s32 $0x64, s1  }
0x214: {  	s7 =	simm.s32 $0x7;
	[tilespmem:s6+$0x5E80] =	vst v16;
	s6 =	simm.s32 $0x100;
	s1 =	simm.s32 @p0 $0x64  }
.LBB2_57:
0x215: {  	s10 =	smov.u32 s8  }
0x216: {  	p0 =	sne.s32 s7, $0x1;
	s8 =	sand.u32 $0x1, s9  }
0x217: {  	p1 =	slt.s32 s9, $0x1;
	p2 =	seq.s32 s8, $0x1  }
0x218: {  	s8 =	sshrl.u32 s9, $0x1F;
	p1 =	por !p1, !p2  }
0x219: {  	s8 =	sadd.s32 s8, s9;
	s9 =	simm.s32 $0x1;
	p1 =	por !p1, !p1  }
0x21a: {  	s8 =	sshra.s32 s8, $0x1;
	s9 =	simm.s32 @!p1 $0x0  }
0x21b: {  	s9 =	ssub.s32 s8, s9  }
0x21c: {  	s8 =	sshll.u32 s9, $0x6  }
0x21d: {  	s8 =	sshra.s32 s8, $0x2  }
0x21e: {  	v16 =	vld [tilespmem:s8+$0x5E80];
	_ =	sdelay $0x4  }
0x21f: {  	(xrf0) =	vadd.scan.msk.s32 $0xffff, v16;
	_ =	sdelay $0x5  }
0x220: {  	v16, _, _ =	vpop (xrf0)  }
0x221: {  	(v2sf) =	vpush v16, $0xF;
	_ =	sdelay $0xd  }
.Ltmp28:
0x222: {  	(pc) =	sbr.rel @p0 .LBB2_57-.Ltmp28, $4  }
0x223: {  	s8 =	spop (v2sf)  }
0x224: {  	p1 =	slt.s32 s8, s1;
	s8 =	smov.u32 s9  }
0x225: {  	s8 =	smov.u32 @p1 s10;
	s6 =	smov.u32 @p1 s9  }
0x226: {  	s7 =	sadd.s32 $0xFFFFFFFF, s7;
	s9 =	sadd.s32 s8, s6  }
0x227: {  	s6 =	sand.u32 $0x1, s9  }
0x228: {  	p0 =	slt.s32 s9, $0x1;
	p1 =	seq.s32 s6, $0x1  }
0x229: {  	s30 =	sshrl.u32 s9, $0x1F;
	p0 =	por !p0, !p1  }
0x22a: {  	s7 =	simm.s32 $0x1;
	s6 =	sadd.s32 s30, s9;
	p0 =	por !p0, !p0  }
0x22b: {  	s6 =	sshra.s32 s6, $0x1;
	s7 =	simm.s32 @!p0 $0x0  }
0x22c: {  	s6 =	ssub.s32 s6, s7  }
0x22d: {  	s7 =	sshll.u32 s6, $0x6  }
0x22e: {  	s7 =	sshra.s32 s7, $0x2  }
0x22f: {  	v16 =	vld [tilespmem:s7+$0x5E80];
	_ =	sdelay $0x4  }
0x230: {  	(xrf0) =	vadd.scan.msk.s32 $0xffff, v16;
	_ =	sdelay $0x5  }
0x231: {  	v16, _, _ =	vpop (xrf0)  }
0x232: {  	(v2sf) =	vpush v16, $0xF;
	_ =	sdelay $0xe  }
0x233: {  	s31 =	spop (v2sf)  }
0x234: {  	p0 =	slt.s32 s31, s1  }
0x235: {  	s6 =	smov.u32 @p0 s8  }
0x236: {  	p0 =	slt.s32 s6, $0xFE;
	s7 =	smov.u32 s6  }
0x237: {  	s7 =	simm.s32 @!p0 $0xFE  }
0x238: {  	s7 =	sshll.u32 s7, $0x6  }
0x239: {  	s7 =	sshra.s32 s7, $0x2  }
0x23a: {  	s8 =	simm.s32 $0x0;
	v16 =	vld [tilespmem:s7+$0x5E90];
	s7 =	simm.s32 $0x40  }
.LBB2_59:
0x23b: {  	p0 =	seq.s32 s7, $0x3FC0;
	[tilespmem:s8+$0x4E80] =	vst v0;
	s8 =	smov.u32 s7;
	s7 =	sadd.s32 $0x40, s7  }
.Ltmp29:
0x23c: {  	(pc) =	sbr.rel @!p0 .LBB2_59-.Ltmp29, $2  }
0x23d: {  	_ =	sdelay $0x2  }
0x23e: {  	s8 =	sshra.s32 s8, $0x2  }
0x23f: {  	s0 =	sshll.u32 s0, $0x18;
	s7 =	sshll.u32 s6, $0x10  }
0x240: {  	s0 =	sor.u32 s0, s7  }
0x241: {  	s7 =	sshrl.u32 s0, $0x10  }
0x242: {  	[tilespmem:s8+$0x4E80] =	vst v0;
	v17 =	vmov s7;
	s7 =	simm.s32 $0x0  }
.LBB2_61:
0x243: {  	s8 =	sshra.s32 s7, $0x2  }
0x244: {  	v18 =	vld [tilespmem:s8+$0xAF80];
	_ =	sdelay $0x4  }
0x245: {  	vm9 =	vlt.f32 v18, $0.0e+00  }
0x246: {  	v19 =	vsel vm9, $0xFFFFFFFF, v1  }
0x247: {  	v18 =	vxor.u32 v18, v19  }
0x248: {  	v19 =	vshrl.u32 v18, $0x4;
	v18 =	vshrl.u32 v18, $0x10  }
0x249: {  	vm15 =	veq.s32 v18, v17;
	v18 =	vand.u32 $0xFF0, v19  }
0x24a: {  	p0 =	sne.s32 s7, $0x9FC0;
	v18 =	vor.u32 v2, v18  }
.Ltmp30:
0x24b: {  	_ = 	snop;
	(pc) =	sbr.rel @p0 .LBB2_61-.Ltmp30, $2  }
0x24c: {  	_ =	sdelay $0x2  }
0x24d: {  	s7 =	sadd.s32 $0x40, s7;
	[tilespmem:v18+s11+$0x0] =	vst.idx.add.s32.msk vm15, v3  }
0x24e: {  	s7 =	simm.s32 $0xFF0  }
0x24f: {  	v17 =	vimm.s32 $0x0;
	s8 =	simm.s32 $0x3F80;
	v18 =	vld [tilespmem:s7+$0x4E80]  }
.LBB2_63:
0x250: {  	p0 =	sne.s32 s8, $0x0  }
.Ltmp31:
0x251: {  	_ = 	snop;
	(pc) =	sbr.rel @p0 .LBB2_63-.Ltmp31, $3  }
0x252: {  	_ =	sdelay $0x1  }
0x253: {  	s9 =	sshra.s32 s8, $0x2;
	s8 =	sadd.s32 $0xFFFFFFC0, s8;
	v17 =	vadd.s32 v17, v18  }
0x254: {  	v18 =	vld [tilespmem:s9+$0x4E80];
	[tilespmem:s7+$0x5E80] =	vst v17;
	s7 =	smov.u32 s9  }
0x255: {  	(xrf0) =	vadd.scan.msk.s32 $0xffff, v16;
	_ =	sdelay $0x5  }
0x256: {  	v16, _, _ =	vpop (xrf0)  }
0x257: {  	(v2sf) =	vpush v16, $0xF;
	_ =	sdelay $0xe  }
0x258: {  	p0 =	sgt.s32 s6, $0xFE;
	s6 =	spop (v2sf)  }
0x259: {  	s8 =	simm.s32 $0x0;
	s9 =	simm.s32 $0x100;
	v16 =	vadd.s32 v17, v18;
	s6 =	simm.s32 @p0 $0x0  }
0x25a: {  	[tilespmem:s7+$0x5E80] =	vst v16;
	s7 =	simm.s32 $0x7;
	s1 =	ssub.s32 s1, s6;
	s6 =	simm.s32 $0x100  }
.LBB2_65:
0x25b: {  	s10 =	smov.u32 s8  }
0x25c: {  	p0 =	sne.s32 s7, $0x1;
	s8 =	sand.u32 $0x1, s9  }
0x25d: {  	p1 =	slt.s32 s9, $0x1;
	p2 =	seq.s32 s8, $0x1  }
0x25e: {  	s8 =	sshrl.u32 s9, $0x1F;
	p1 =	por !p1, !p2  }
0x25f: {  	s8 =	sadd.s32 s8, s9;
	s9 =	simm.s32 $0x1;
	p1 =	por !p1, !p1  }
0x260: {  	s8 =	sshra.s32 s8, $0x1;
	s9 =	simm.s32 @!p1 $0x0  }
0x261: {  	s9 =	ssub.s32 s8, s9  }
0x262: {  	s8 =	sshll.u32 s9, $0x6  }
0x263: {  	s8 =	sshra.s32 s8, $0x2  }
0x264: {  	v16 =	vld [tilespmem:s8+$0x5E80];
	_ =	sdelay $0x4  }
0x265: {  	(xrf0) =	vadd.scan.msk.s32 $0xffff, v16;
	_ =	sdelay $0x5  }
0x266: {  	v16, _, _ =	vpop (xrf0)  }
0x267: {  	(v2sf) =	vpush v16, $0xF;
	_ =	sdelay $0xd  }
.Ltmp32:
0x268: {  	(pc) =	sbr.rel @p0 .LBB2_65-.Ltmp32, $4  }
0x269: {  	s8 =	spop (v2sf)  }
0x26a: {  	p1 =	slt.s32 s8, s1;
	s8 =	smov.u32 s9  }
0x26b: {  	s8 =	smov.u32 @p1 s10;
	s6 =	smov.u32 @p1 s9  }
0x26c: {  	s7 =	sadd.s32 $0xFFFFFFFF, s7;
	s9 =	sadd.s32 s8, s6  }
0x26d: {  	s6 =	sand.u32 $0x1, s9  }
0x26e: {  	p0 =	slt.s32 s9, $0x1;
	p1 =	seq.s32 s6, $0x1  }
0x26f: {  	s30 =	sshrl.u32 s9, $0x1F;
	p0 =	por !p0, !p1  }
0x270: {  	s7 =	simm.s32 $0x1;
	s6 =	sadd.s32 s30, s9;
	p0 =	por !p0, !p0  }
0x271: {  	s6 =	sshra.s32 s6, $0x1;
	s7 =	simm.s32 @!p0 $0x0  }
0x272: {  	s6 =	ssub.s32 s6, s7  }
0x273: {  	s7 =	sshll.u32 s6, $0x6  }
0x274: {  	s7 =	sshra.s32 s7, $0x2  }
0x275: {  	v16 =	vld [tilespmem:s7+$0x5E80];
	_ =	sdelay $0x4  }
0x276: {  	(xrf0) =	vadd.scan.msk.s32 $0xffff, v16;
	_ =	sdelay $0x5  }
0x277: {  	v16, _, _ =	vpop (xrf0)  }
0x278: {  	(v2sf) =	vpush v16, $0xF;
	_ =	sdelay $0xe  }
0x279: {  	s31 =	spop (v2sf)  }
0x27a: {  	p0 =	slt.s32 s31, s1  }
0x27b: {  	s6 =	smov.u32 @p0 s8  }
0x27c: {  	p0 =	slt.s32 s6, $0xFE;
	s7 =	smov.u32 s6  }
0x27d: {  	s7 =	simm.s32 @!p0 $0xFE  }
0x27e: {  	s7 =	sshll.u32 s7, $0x6  }
0x27f: {  	s7 =	sshra.s32 s7, $0x2  }
0x280: {  	s8 =	simm.s32 $0x0;
	v16 =	vld [tilespmem:s7+$0x5E90];
	s7 =	simm.s32 $0x40  }
.LBB2_67:
0x281: {  	p0 =	seq.s32 s7, $0x3FC0;
	[tilespmem:s8+$0x4E80] =	vst v0;
	s8 =	smov.u32 s7;
	s7 =	sadd.s32 $0x40, s7  }
.Ltmp33:
0x282: {  	(pc) =	sbr.rel @!p0 .LBB2_67-.Ltmp33, $2  }
0x283: {  	_ =	sdelay $0x2  }
0x284: {  	s8 =	sshra.s32 s8, $0x2  }
0x285: {  	s7 =	sshll.u32 s6, $0x8  }
0x286: {  	s0 =	sor.u32 s0, s7  }
0x287: {  	s7 =	sshrl.u32 s0, $0x8  }
0x288: {  	[tilespmem:s8+$0x4E80] =	vst v0;
	v17 =	vmov s7;
	s7 =	simm.s32 $0x0  }
.LBB2_69:
0x289: {  	s8 =	sshra.s32 s7, $0x2  }
0x28a: {  	v18 =	vld [tilespmem:s8+$0xAF80];
	_ =	sdelay $0x4  }
0x28b: {  	vm9 =	vlt.f32 v18, $0.0e+00  }
0x28c: {  	v19 =	vsel vm9, $0xFFFFFFFF, v1  }
0x28d: {  	v18 =	vxor.u32 v18, v19  }
0x28e: {  	v19 =	vshll.u32 v18, $0x4;
	v18 =	vshrl.u32 v18, $0x8  }
0x28f: {  	v19 =	vor.u32 v2, v19;
	vm15 =	veq.s32 v18, v17  }
0x290: {  	p0 =	sne.s32 s7, $0x9FC0;
	v18 =	vand.u32 $0xFFF, v19  }
.Ltmp34:
0x291: {  	_ = 	snop;
	(pc) =	sbr.rel @p0 .LBB2_69-.Ltmp34, $2  }
0x292: {  	_ =	sdelay $0x2  }
0x293: {  	s7 =	sadd.s32 $0x40, s7;
	[tilespmem:v18+s11+$0x0] =	vst.idx.add.s32.msk vm15, v3  }
0x294: {  	s7 =	simm.s32 $0xFF0  }
0x295: {  	v17 =	vimm.s32 $0x0;
	s8 =	simm.s32 $0x3F80;
	v18 =	vld [tilespmem:s7+$0x4E80]  }
.LBB2_71:
0x296: {  	p0 =	sne.s32 s8, $0x0  }
.Ltmp35:
0x297: {  	_ = 	snop;
	(pc) =	sbr.rel @p0 .LBB2_71-.Ltmp35, $3  }
0x298: {  	_ =	sdelay $0x1  }
0x299: {  	s9 =	sshra.s32 s8, $0x2;
	s8 =	sadd.s32 $0xFFFFFFC0, s8;
	v17 =	vadd.s32 v17, v18  }
0x29a: {  	v18 =	vld [tilespmem:s9+$0x4E80];
	[tilespmem:s7+$0x5E80] =	vst v17;
	s7 =	smov.u32 s9  }
0x29b: {  	(xrf0) =	vadd.scan.msk.s32 $0xffff, v16;
	_ =	sdelay $0x5  }
0x29c: {  	v16, _, _ =	vpop (xrf0)  }
0x29d: {  	(v2sf) =	vpush v16, $0xF;
	_ =	sdelay $0xe  }
0x29e: {  	p0 =	sgt.s32 s6, $0xFE;
	s6 =	spop (v2sf)  }
0x29f: {  	s8 =	simm.s32 $0x0;
	s9 =	simm.s32 $0x100;
	v16 =	vadd.s32 v17, v18;
	s6 =	simm.s32 @p0 $0x0  }
0x2a0: {  	[tilespmem:s7+$0x5E80] =	vst v16;
	s7 =	simm.s32 $0x7;
	s1 =	ssub.s32 s1, s6;
	s6 =	simm.s32 $0x100  }
.LBB2_73:
0x2a1: {  	s10 =	smov.u32 s8  }
0x2a2: {  	p0 =	sne.s32 s7, $0x1;
	s8 =	sand.u32 $0x1, s9  }
0x2a3: {  	p1 =	slt.s32 s9, $0x1;
	p2 =	seq.s32 s8, $0x1  }
0x2a4: {  	s8 =	sshrl.u32 s9, $0x1F;
	p1 =	por !p1, !p2  }
0x2a5: {  	s8 =	sadd.s32 s8, s9;
	s9 =	simm.s32 $0x1;
	p1 =	por !p1, !p1  }
0x2a6: {  	s8 =	sshra.s32 s8, $0x1;
	s9 =	simm.s32 @!p1 $0x0  }
0x2a7: {  	s9 =	ssub.s32 s8, s9  }
0x2a8: {  	s8 =	sshll.u32 s9, $0x6  }
0x2a9: {  	s8 =	sshra.s32 s8, $0x2  }
0x2aa: {  	v16 =	vld [tilespmem:s8+$0x5E80];
	_ =	sdelay $0x4  }
0x2ab: {  	(xrf0) =	vadd.scan.msk.s32 $0xffff, v16;
	_ =	sdelay $0x5  }
0x2ac: {  	v16, _, _ =	vpop (xrf0)  }
0x2ad: {  	(v2sf) =	vpush v16, $0xF;
	_ =	sdelay $0xd  }
.Ltmp36:
0x2ae: {  	(pc) =	sbr.rel @p0 .LBB2_73-.Ltmp36, $4  }
0x2af: {  	s8 =	spop (v2sf)  }
0x2b0: {  	p1 =	slt.s32 s8, s1;
	s8 =	smov.u32 s9  }
0x2b1: {  	s8 =	smov.u32 @p1 s10;
	s6 =	smov.u32 @p1 s9  }
0x2b2: {  	s7 =	sadd.s32 $0xFFFFFFFF, s7;
	s9 =	sadd.s32 s8, s6  }
0x2b3: {  	s6 =	sand.u32 $0x1, s9  }
0x2b4: {  	p0 =	slt.s32 s9, $0x1;
	p1 =	seq.s32 s6, $0x1  }
0x2b5: {  	s30 =	sshrl.u32 s9, $0x1F;
	p0 =	por !p0, !p1  }
0x2b6: {  	s7 =	simm.s32 $0x1;
	s6 =	sadd.s32 s30, s9;
	p0 =	por !p0, !p0  }
0x2b7: {  	s6 =	sshra.s32 s6, $0x1;
	s7 =	simm.s32 @!p0 $0x0  }
0x2b8: {  	s6 =	ssub.s32 s6, s7  }
0x2b9: {  	s7 =	sshll.u32 s6, $0x6  }
0x2ba: {  	s7 =	sshra.s32 s7, $0x2  }
0x2bb: {  	v16 =	vld [tilespmem:s7+$0x5E80];
	_ =	sdelay $0x4  }
0x2bc: {  	(xrf0) =	vadd.scan.msk.s32 $0xffff, v16;
	_ =	sdelay $0x5  }
0x2bd: {  	v16, _, _ =	vpop (xrf0)  }
0x2be: {  	(v2sf) =	vpush v16, $0xF;
	_ =	sdelay $0x3  }
0x2bf: {  	[tilespmem:$0xD780] =	vst v13  }
0x2c0: {  	[tilespmem:$0xD800] =	vst v14  }
0x2c1: {  	[tilespmem:$0xD790] =	vst v13  }
0x2c2: {  	[tilespmem:$0xD810] =	vst v14  }
0x2c3: {  	[tilespmem:$0xD7A0] =	vst v13  }
0x2c4: {  	[tilespmem:$0xD820] =	vst v14  }
0x2c5: {  	[tilespmem:$0xD7B0] =	vst v13  }
0x2c6: {  	[tilespmem:$0xD830] =	vst v14  }
0x2c7: {  	[tilespmem:$0xD7C0] =	vst v13  }
0x2c8: {  	[tilespmem:$0xD840] =	vst v14  }
0x2c9: {  	[tilespmem:$0xD7D0] =	vst v13  }
0x2ca: {  	[tilespmem:$0xD850] =	vst v14;
	s31 =	spop (v2sf)  }
0x2cb: {  	[tilespmem:$0xD7E0] =	vst v13;
	p0 =	slt.s32 s31, s1  }
0x2cc: {  	[tilespmem:$0xD860] =	vst v14;
	s6 =	smov.u32 @p0 s8  }
0x2cd: {  	[tilespmem:$0xD7F0] =	vst v13;
	s0 =	sor.u32 s0, s6  }
0x2ce: {  	v17 =	vimm.s32 $0x0;
	[tilespmem:$0xD870] =	vst v14;
	s1 =	simm.s32 $0xAFA0;
	v16 =	vmov s0;
	s0 =	simm.s32 $0x0  }
.LBB2_75:
0x2cf: {  	v18 =	vld [tilespmem:s1+$0xFFFFFFE0];
	_ =	sdelay $0x4  }
0x2d0: {  	vm9 =	vlt.f32 v18, $0.0e+00  }
0x2d1: {  	v19 =	vsel vm9, $0xFFFFFFFF, v1  }
0x2d2: {  	v19 =	vxor.u32 v18, v19  }
0x2d3: {  	vm10 =	vge.u32 v19, v16  }
0x2d4: {  	v20 =	vsel vm10, $0x3F800000, v12  }
0x2d5: {  	(xrf0) =	vmax.scan.msk.f32 $0xffff, v20;
	_ =	sdelay $0x5  }
0x2d6: {  	v20, _, _ =	vpop (xrf0)  }
0x2d7: {  	(v2sf) =	vpush v20, $0xF;
	_ =	sdelay $0xe  }
0x2d8: {  	s6 =	spop (v2sf)  }
0x2d9: {  	p0 =	sgt.f32 s6, $0.0e+00;
	_ =	sdelay $0x1  }
0x2da: {  	vm9 =	vge.u32 @p0 v19, v16;
	v19 =	vimm.s32 @p0 $0x0  }
0x2db: {  	v19 =	vsel @p0 vm9, $0x1, v19  }
0x2dc: {  	(xrf0) =	vadd.scan.msk.s32 @p0 $0xffff, v19;
	_ =	sdelay $0x2  }
0x2dd: {  	v19 =	vmov s0;
	_ =	sdelay $0x2  }
0x2de: {  	v20, _, _ =	vpop @p0 (xrf0)  }
0x2df: {  	v20 =	vadd.s32 @p0 v20, v17  }
0x2e0: {  	v19 =	vld.idx.msk [tilespmem:v19+s14+$0x0], $0xffff;
	v20 =	vadd.s32 @p0 $0xFFFFFFFF, v20  }
0x2e1: {  	vm11 =	vlt.s32 @p0 v20, $0x7F  }
0x2e2: {  	v20 =	vnsel @p0 vm11, $0x7F, v20;
	_ =	sdelay $0x2  }
0x2e3: {  	v21 =	vmul.u32 @p0 $0x50, v19  }
0x2e4: {  	s6 =	simm.s32 @p0 $0xD780;
	v22 =	vlaneseq.u32 @p0  }
0x2e5: {  	[tilespmem:v20+s6+$0x0] =	vst.idx.msk @p0 vm9, v18;
	v18 =	vor.u32 @p0 v22, v21;
	s6 =	simm.s32 @p0 $0xD800  }
0x2e6: {  	[tilespmem:v20+s6+$0x0] =	vst.idx.msk @p0 vm9, v18  }
0x2e7: {  	v18 =	vld [tilespmem:s1+$0xFFFFFFF0];
	_ =	sdelay $0x4  }
0x2e8: {  	vm4 =	vlt.f32 v18, $0.0e+00  }
0x2e9: {  	v51 =	vsel vm4, $0xFFFFFFFF, v1  }
0x2ea: {  	v20 =	vxor.u32 v18, v51  }
0x2eb: {  	vm5 =	vge.u32 v20, v16  }
0x2ec: {  	v52 =	vsel vm5, $0x3F800000, v12  }
0x2ed: {  	(xrf0) =	vmax.scan.msk.f32 $0xffff, v52;
	_ =	sdelay $0x5  }
0x2ee: {  	v21, _, _ =	vpop (xrf0)  }
0x2ef: {  	(v2sf) =	vpush v21, $0xF;
	_ =	sdelay $0xe  }
0x2f0: {  	s28 =	spop (v2sf)  }
0x2f1: {  	p0 =	sgt.f32 s28, $0.0e+00;
	_ =	sdelay $0x1  }
0x2f2: {  	vm11 =	vge.u32 @p0 v20, v16;
	v20 =	vimm.s32 @p0 $0x0  }
0x2f3: {  	v20 =	vsel @p0 vm11, $0x1, v20  }
0x2f4: {  	(xrf0) =	vadd.scan.msk.s32 @p0 $0xffff, v20;
	_ =	sdelay $0x3  }
0x2f5: {  	v53 =	vmpcnt.ones.xlane vm10;
	_ =	sdelay $0x1  }
0x2f6: {  	v17 =	vadd.s32 v17, v53;
	v20, _, _ =	vpop @p0 (xrf0)  }
0x2f7: {  	v20 =	vadd.s32 @p0 v20, v17  }
0x2f8: {  	v20 =	vadd.s32 @p0 $0xFFFFFFFF, v20  }
0x2f9: {  	vm10 =	vlt.s32 @p0 v20, $0x7F  }
0x2fa: {  	v20 =	vnsel @p0 vm10, $0x7F, v20;
	_ =	sdelay $0x2  }
0x2fb: {  	v21 =	vmul.u32 @p0 $0x50, v19;
	v22 =	vlaneseq.u32 @p0  }
0x2fc: {  	s6 =	simm.s32 @p0 $0xD780;
	v22 =	vor.u32 @p0 $0x10, v22  }
0x2fd: {  	[tilespmem:v20+s6+$0x0] =	vst.idx.msk @p0 vm11, v18;
	v18 =	vadd.s32 @p0 v22, v21;
	s6 =	simm.s32 @p0 $0xD800  }
0x2fe: {  	[tilespmem:v20+s6+$0x0] =	vst.idx.msk @p0 vm11, v18  }
0x2ff: {  	v18 =	vld [tilespmem:s1+$0x0];
	_ =	sdelay $0x4  }
0x300: {  	vm6 =	vlt.f32 v18, $0.0e+00  }
0x301: {  	v54 =	vsel vm6, $0xFFFFFFFF, v1  }
0x302: {  	v20 =	vxor.u32 v18, v54  }
0x303: {  	vm7 =	vge.u32 v20, v16  }
0x304: {  	v55 =	vsel vm7, $0x3F800000, v12  }
0x305: {  	(xrf0) =	vmax.scan.msk.f32 $0xffff, v55;
	_ =	sdelay $0x5  }
0x306: {  	v21, _, _ =	vpop (xrf0)  }
0x307: {  	(v2sf) =	vpush v21, $0xF;
	_ =	sdelay $0xe  }
0x308: {  	s29 =	spop (v2sf)  }
0x309: {  	p0 =	sgt.f32 s29, $0.0e+00;
	_ =	sdelay $0x1  }
0x30a: {  	vm11 =	vge.u32 @p0 v20, v16;
	v20 =	vimm.s32 @p0 $0x0  }
0x30b: {  	v20 =	vsel @p0 vm11, $0x1, v20  }
0x30c: {  	(xrf0) =	vadd.scan.msk.s32 @p0 $0xffff, v20;
	_ =	sdelay $0x3  }
0x30d: {  	v56 =	vmpcnt.ones.xlane vm5;
	_ =	sdelay $0x1  }
0x30e: {  	v17 =	vadd.s32 v17, v56;
	v20, _, _ =	vpop @p0 (xrf0)  }
0x30f: {  	v20 =	vadd.s32 @p0 v20, v17  }
0x310: {  	v20 =	vadd.s32 @p0 $0xFFFFFFFF, v20  }
0x311: {  	vm9 =	vlt.s32 @p0 v20, $0x7F  }
0x312: {  	v20 =	vnsel @p0 vm9, $0x7F, v20;
	_ =	sdelay $0x2  }
0x313: {  	v21 =	vmul.u32 @p0 $0x50, v19;
	v22 =	vlaneseq.u32 @p0  }
0x314: {  	s6 =	simm.s32 @p0 $0xD780;
	v22 =	vor.u32 @p0 $0x20, v22  }
0x315: {  	[tilespmem:v20+s6+$0x0] =	vst.idx.msk @p0 vm11, v18;
	v18 =	vadd.s32 @p0 v22, v21;
	s6 =	simm.s32 @p0 $0xD800  }
0x316: {  	[tilespmem:v20+s6+$0x0] =	vst.idx.msk @p0 vm11, v18  }
0x317: {  	v18 =	vld [tilespmem:s1+$0x10];
	_ =	sdelay $0x4  }
0x318: {  	vm12 =	vlt.f32 v18, $0.0e+00  }
0x319: {  	v57 =	vsel vm12, $0xFFFFFFFF, v1  }
0x31a: {  	v20 =	vxor.u32 v18, v57  }
0x31b: {  	vm13 =	vge.u32 v20, v16  }
0x31c: {  	v58 =	vsel vm13, $0x3F800000, v12  }
0x31d: {  	(xrf0) =	vmax.scan.msk.f32 $0xffff, v58;
	_ =	sdelay $0x5  }
0x31e: {  	v21, _, _ =	vpop (xrf0)  }
0x31f: {  	(v2sf) =	vpush v21, $0xF;
	_ =	sdelay $0xe  }
0x320: {  	s30 =	spop (v2sf)  }
0x321: {  	p0 =	sgt.f32 s30, $0.0e+00;
	_ =	sdelay $0x1  }
0x322: {  	vm11 =	vge.u32 @p0 v20, v16;
	v20 =	vimm.s32 @p0 $0x0  }
0x323: {  	v20 =	vsel @p0 vm11, $0x1, v20  }
0x324: {  	(xrf0) =	vadd.scan.msk.s32 @p0 $0xffff, v20;
	_ =	sdelay $0x3  }
0x325: {  	v59 =	vmpcnt.ones.xlane vm7;
	_ =	sdelay $0x1  }
0x326: {  	v17 =	vadd.s32 v17, v59;
	v20, _, _ =	vpop @p0 (xrf0)  }
0x327: {  	v20 =	vadd.s32 @p0 v20, v17  }
0x328: {  	v20 =	vadd.s32 @p0 $0xFFFFFFFF, v20  }
0x329: {  	vm10 =	vlt.s32 @p0 v20, $0x7F  }
0x32a: {  	v20 =	vnsel @p0 vm10, $0x7F, v20;
	_ =	sdelay $0x2  }
0x32b: {  	v21 =	vmul.u32 @p0 $0x50, v19;
	v22 =	vlaneseq.u32 @p0  }
0x32c: {  	s6 =	simm.s32 @p0 $0xD780;
	v22 =	vor.u32 @p0 $0x30, v22  }
0x32d: {  	[tilespmem:v20+s6+$0x0] =	vst.idx.msk @p0 vm11, v18;
	v18 =	vadd.s32 @p0 v22, v21;
	s6 =	simm.s32 @p0 $0xD800  }
0x32e: {  	[tilespmem:v20+s6+$0x0] =	vst.idx.msk @p0 vm11, v18  }
0x32f: {  	v18 =	vld [tilespmem:s1+$0x20];
	_ =	sdelay $0x4  }
0x330: {  	vm14 =	vlt.f32 v18, $0.0e+00  }
0x331: {  	v60 =	vsel vm14, $0xFFFFFFFF, v1  }
0x332: {  	v20 =	vxor.u32 v18, v60  }
0x333: {  	vm15 =	vge.u32 v20, v16  }
0x334: {  	v61 =	vsel vm15, $0x3F800000, v12  }
0x335: {  	(xrf0) =	vmax.scan.msk.f32 $0xffff, v61;
	_ =	sdelay $0x5  }
0x336: {  	v21, _, _ =	vpop (xrf0)  }
0x337: {  	(v2sf) =	vpush v21, $0xF;
	_ =	sdelay $0xe  }
0x338: {  	s31 =	spop (v2sf)  }
0x339: {  	p0 =	sgt.f32 s31, $0.0e+00;
	_ =	sdelay $0x1  }
0x33a: {  	vm11 =	vge.u32 @p0 v20, v16;
	v20 =	vimm.s32 @p0 $0x0  }
0x33b: {  	v20 =	vsel @p0 vm11, $0x1, v20  }
0x33c: {  	(xrf0) =	vadd.scan.msk.s32 @p0 $0xffff, v20;
	_ =	sdelay $0x3  }
0x33d: {  	v62 =	vmpcnt.ones.xlane vm13;
	_ =	sdelay $0x1  }
0x33e: {  	v17 =	vadd.s32 v17, v62;
	v20, _, _ =	vpop @p0 (xrf0)  }
0x33f: {  	v20 =	vadd.s32 @p0 v20, v17  }
0x340: {  	v20 =	vadd.s32 @p0 $0xFFFFFFFF, v20  }
0x341: {  	vm9 =	vlt.s32 @p0 v20, $0x7F  }
0x342: {  	s0 =	sadd.s32 $0x1, s0;
	v20 =	vnsel @p0 vm9, $0x7F, v20  }
0x343: {  	p1 =	sne.s32 s0, $0x80  }
.Ltmp37:
0x344: {  	_ = 	snop;
	(pc) =	sbr.rel @p1 .LBB2_75-.Ltmp37, $4  }
0x345: {  	v19 =	vmul.u32 @p0 $0x50, v19;
	v21 =	vlaneseq.u32 @p0  }
0x346: {  	v63 =	vmpcnt.ones.xlane vm15;
	s6 =	simm.s32 @p0 $0xD780;
	v21 =	vor.u32 @p0 $0x40, v21  }
0x347: {  	[tilespmem:v20+s6+$0x0] =	vst.idx.msk @p0 vm11, v18;
	v18 =	vadd.s32 @p0 v21, v19;
	s6 =	simm.s32 @p0 $0xD800  }
0x348: {  	s1 =	sadd.s32 $0x50, s1;
	v17 =	vadd.s32 v17, v63;
	[tilespmem:v20+s6+$0x0] =	vst.idx.msk @p0 vm11, v18  }
0x349: {  	[tilespmem:$0xD880] =	vst v13  }
0x34a: {  	[tilespmem:$0xD900] =	vst v0  }
0x34b: {  	[tilespmem:$0xD890] =	vst v13  }
0x34c: {  	[tilespmem:$0xD910] =	vst v0  }
0x34d: {  	[tilespmem:$0xD8A0] =	vst v13  }
0x34e: {  	[tilespmem:$0xD920] =	vst v0  }
0x34f: {  	[tilespmem:$0xD8B0] =	vst v13  }
0x350: {  	[tilespmem:$0xD930] =	vst v0  }
0x351: {  	[tilespmem:$0xD8C0] =	vst v13  }
0x352: {  	[tilespmem:$0xD940] =	vst v0;
	v18 =	vld [tilespmem:$0xD860]  }
0x353: {  	[tilespmem:$0xD8D0] =	vst v13;
	s0 =	simm.s32 $0x0;
	v19 =	vld [tilespmem:$0xD800]  }
0x354: {  	[tilespmem:$0xD950] =	vst v0;
	v20 =	vld [tilespmem:$0xD780];
	v17 =	vmov s0  }
0x355: {  	[tilespmem:$0xD8E0] =	vst v13;
	v21 =	vld [tilespmem:$0xD790]  }
0x356: {  	[tilespmem:$0xD960] =	vst v0;
	v22 =	vld [tilespmem:$0xD810]  }
0x357: {  	[tilespmem:$0xD8F0] =	vst v13;
	v24 =	vld [tilespmem:$0xD7F0]  }
0x358: {  	[tilespmem:$0xD970] =	vst v0;
	v25 =	vld [tilespmem:$0xD7B0]  }
0x359: {  	v16 =	vld.idx.msk [tilespmem:v17+s15+$0x0], $0xffff  }
0x35a: {  	v17 =	vld.idx.msk [tilespmem:v17+s16+$0x0], $0xffff  }
0x35b: {  	v26 =	vld [tilespmem:$0xD7C0]  }
0x35c: {  	v27 =	vld [tilespmem:$0xD830]  }
0x35d: {  	v29 =	vld [tilespmem:$0xD7A0]  }
0x35e: {  	v23 =	vld [tilespmem:$0xD7E0];
	vm10 =	veq.f32 v20, v16  }
0x35f: {  	v28 =	vld [tilespmem:$0xD820];
	vm11 =	vgt.f32 v21, v16;
	vm9 =	vgt.f32 v24, v16;
	vm12 =	vlt.s32 v19, v17  }
0x360: {  	vm13 =	veq.f32 v21, v16;
	vm14 =	veq.f32 v25, v16;
	vm15 =	veq.f32 v26, v16  }
0x361: {  	vm4 =	vlt.s32 v22, v17;
	vm5 =	vgt.f32 v20, v16;
	vm6 =	vlt.s32 v18, v17  }
0x362: {  	vm7 =	vlt.s32 v27, v17;
	vm8 =	veq.f32 v29, v16;
	vm1 =	vgt.f32 v29, v16  }
0x363: {  	v19 =	vld [tilespmem:$0xD840];
	vm2 =	vgt.f32 v26, v16;
	vm3 =	veq.f32 v23, v16;
	vm12 =	vmand vm10, vm12  }
0x364: {  	v57 =	vld [tilespmem:$0xD7D0];
	vm10 =	vgt.f32 v23, v16;
	vm4 =	vmand vm13, vm4;
	vm13 =	vlt.s32 v28, v17  }
0x365: {  	v58 =	vld [tilespmem:$0xD850];
	vm7 =	vmand vm14, vm7;
	vm8 =	vmand vm8, vm13;
	vm4 =	vmor vm11, vm4  }
0x366: {  	vm5 =	vmor vm5, vm12;
	vm1 =	vmor vm1, vm8;
	v60 =	vsel vm4, $0x1, v0  }
0x367: {  	v62 =	vsel vm5, $0x1, v0;
	v18 =	vsel vm1, $0x1, v0;
	vm1 =	vgt.f32 v25, v16  }
0x368: {  	v21 =	vadd.s32 v62, v60;
	vm13 =	vlt.s32 v19, v17;
	v19 =	vld [tilespmem:$0xD870];
	vm1 =	vmor vm1, vm7  }
0x369: {  	v18 =	vadd.s32 v18, v21;
	vm8 =	vmand vm15, vm13;
	vm13 =	veq.f32 v57, v16  }
0x36a: {  	vm15 =	vlt.s32 v58, v17;
	v61 =	vsel vm1, $0x1, v0;
	vm2 =	vmor vm2, vm8  }
0x36b: {  	vm1 =	vgt.f32 v57, v16;
	v59 =	vsel vm2, $0x1, v0;
	vm2 =	vmand vm13, vm15  }
0x36c: {  	vm3 =	vmand vm3, vm6;
	v18 =	vadd.s32 v61, v18;
	vm1 =	vmor vm1, vm2  }
0x36d: {  	vm2 =	vmor vm10, vm3;
	vm3 =	veq.f32 v24, v16;
	vm15 =	vlt.s32 v19, v17  }
0x36e: {  	v18 =	vadd.s32 v59, v18;
	v19 =	vsel vm1, $0x1, v0;
	vm3 =	vmand vm3, vm15  }
0x36f: {  	v63 =	vsel vm2, $0x1, v0;
	v18 =	vadd.s32 v19, v18;
	vm1 =	vmor vm9, vm3  }
0x370: {  	v18 =	vadd.s32 v63, v18;
	v19 =	vsel vm1, $0x1, v0  }
0x371: {  	v18 =	vadd.s32 v19, v18  }
0x372: {  	(xrf0) =	vadd.scan.msk.s32 $0xffff, v18;
	_ =	sdelay $0x5  }
0x373: {  	v18, _, _ =	vpop (xrf0)  }
0x374: {  	s0 =	simm.s32 $0x1;
	(v2sf) =	vpush v18, $0xF  }
.LBB2_77:
0x375: {  	_ =	sdelay $0xc  }
0x376: {  	p0 =	sne.s32 s0, $0x7F;
	s1 =	smov.u32 s0;
	s0 =	sadd.s32 $0x1, s0  }
0x377: {  	s6 =	spop (v2sf)  }
0x378: {  	p1 =	slt.s32 s6, $0x7F  }
0x379: {  	s6 =	simm.s32 @!p1 $0x7F  }
0x37a: {  	v18 =	vmov s6;
	_ =	sdelay $0x4  }
0x37b: {  	[tilespmem:v18+s17+$0x0] =	vst.idx.msk $0x1, v16  }
0x37c: {  	[tilespmem:v18+s18+$0x0] =	vst.idx.msk $0x1, v17  }
0x37d: {  	v18 =	vld [tilespmem:$0xD860]  }
0x37e: {  	v17 =	vmov s1;
	v19 =	vld [tilespmem:$0xD800]  }
0x37f: {  	v20 =	vld [tilespmem:$0xD780]  }
0x380: {  	v21 =	vld [tilespmem:$0xD790]  }
0x381: {  	v22 =	vld [tilespmem:$0xD810]  }
0x382: {  	v23 =	vld [tilespmem:$0xD7E0]  }
0x383: {  	v24 =	vld [tilespmem:$0xD7F0]  }
0x384: {  	v16 =	vld.idx.msk [tilespmem:v17+s15+$0x0], $0xffff  }
0x385: {  	v17 =	vld.idx.msk [tilespmem:v17+s16+$0x0], $0xffff  }
0x386: {  	v25 =	vld [tilespmem:$0xD7B0]  }
0x387: {  	v26 =	vld [tilespmem:$0xD7C0]  }
0x388: {  	v27 =	vld [tilespmem:$0xD830]  }
0x389: {  	v28 =	vld [tilespmem:$0xD820]  }
0x38a: {  	vm1 =	veq.f32 v20, v16;
	vm11 =	vgt.f32 v21, v16;
	vm9 =	vgt.f32 v24, v16;
	v29 =	vld [tilespmem:$0xD7A0]  }
0x38b: {  	vm3 =	veq.f32 v21, v16;
	vm2 =	vlt.s32 v19, v17;
	vm13 =	veq.f32 v25, v16;
	v19 =	vld [tilespmem:$0xD840]  }
0x38c: {  	vm10 =	vgt.f32 v23, v16;
	vm1 =	vmand vm1, vm2;
	vm2 =	veq.f32 v26, v16;
	v21 =	vld [tilespmem:$0xD7D0]  }
0x38d: {  	vm4 =	vgt.f32 v20, v16;
	vm5 =	vlt.s32 v22, v17;
	vm12 =	vlt.s32 v18, v17;
	v20 =	vld [tilespmem:$0xD850]  }
0x38e: {  	vm3 =	vmand vm3, vm5;
	vm6 =	vlt.s32 v27, v17;
	vm5 =	vlt.s32 v28, v17  }
0x38f: {  	vm14 =	vgt.f32 v26, v16;
	vm7 =	vgt.f32 v29, v16;
	vm8 =	veq.f32 v29, v16  }
0x390: {  	vm15 =	veq.f32 v23, v16;
	vm5 =	vmand vm8, vm5;
	vm8 =	vlt.s32 v19, v17  }
0x391: {  	vm5 =	vmor vm7, vm5;
	vm2 =	vmand vm2, vm8;
	vm7 =	veq.f32 v21, v16  }
0x392: {  	v18 =	vsel vm5, $0x1, v0;
	vm5 =	vgt.f32 v25, v16;
	vm8 =	vlt.s32 v20, v17  }
0x393: {  	vm1 =	vmor vm4, vm1;
	vm4 =	vmand vm13, vm6;
	vm2 =	vmor vm14, vm2;
	v19 =	vld [tilespmem:$0xD870]  }
0x394: {  	vm3 =	vmor vm11, vm3;
	vm4 =	vmor vm5, vm4;
	v20 =	vsel vm2, $0x1, v0  }
0x395: {  	v22 =	vsel vm3, $0x1, v0;
	vm2 =	vgt.f32 v21, v16;
	v23 =	vsel vm4, $0x1, v0  }
0x396: {  	vm3 =	vmand vm15, vm12;
	v21 =	vsel vm1, $0x1, v0;
	vm1 =	vmand vm7, vm8  }
0x397: {  	v21 =	vadd.s32 v21, v22;
	vm1 =	vmor vm2, vm1;
	vm2 =	vmor vm10, vm3  }
0x398: {  	vm3 =	veq.f32 v24, v16;
	v18 =	vadd.s32 v18, v21;
	vm4 =	vlt.s32 v19, v17  }
0x399: {  	v18 =	vadd.s32 v23, v18;
	v19 =	vsel vm2, $0x1, v0;
	vm2 =	vmand vm3, vm4  }
0x39a: {  	v18 =	vadd.s32 v20, v18;
	v20 =	vsel vm1, $0x1, v0;
	vm1 =	vmor vm9, vm2  }
0x39b: {  	v18 =	vadd.s32 v20, v18  }
0x39c: {  	v18 =	vadd.s32 v19, v18;
	v19 =	vsel vm1, $0x1, v0  }
0x39d: {  	v18 =	vadd.s32 v19, v18  }
0x39e: {  	(xrf0) =	vadd.scan.msk.s32 $0xffff, v18;
	_ =	sdelay $0x2  }
.Ltmp38:
0x39f: {  	(pc) =	sbr.rel @p0 .LBB2_77-.Ltmp38, $3  }
0x3a0: {  	_ =	sdelay $0x1  }
0x3a1: {  	v18, _, _ =	vpop (xrf0)  }
0x3a2: {  	(v2sf) =	vpush v18, $0xF  }
0x3a3: {  	_ =	sdelay $0xd  }
0x3a4: {  	s0 =	spop (v2sf)  }
0x3a5: {  	p0 =	slt.s32 s0, $0x7F  }
0x3a6: {  	s0 =	simm.s32 @!p0 $0x7F  }
0x3a7: {  	v18 =	vmov s0;
	_ =	sdelay $0x4  }
0x3a8: {  	[tilespmem:v18+s17+$0x0] =	vst.idx.msk $0x1, v16  }
0x3a9: {  	[tilespmem:v18+s18+$0x0] =	vst.idx.msk $0x1, v17  }
0x3aa: {  	v19 =	vld [tilespmem:$0xD900];
	_ =	sdelay $0x4  }
0x3ab: {  	(v2sf) =	vpush v19, $0xD;
	_ =	sdelay $0x1  }
0x3ac: {  	(v2sf) =	vpush v19, $0xC;
	_ =	sdelay $0x1  }
0x3ad: {  	(v2sf) =	vpush v19, $0xE;
	_ =	sdelay $0x1  }
0x3ae: {  	(v2sf) =	vpush v19, $0xF  }
0x3af: {  	(v2sf) =	vpush v19, $0x9;
	_ =	sdelay $0x2  }
0x3b0: {  	(v2sf) =	vpush v19, $0x8;
	_ =	sdelay $0x1  }
0x3b1: {  	(v2sf) =	vpush v19, $0xA  }
0x3b2: {  	(v2sf) =	vpush v19, $0xB;
	_ =	sdelay $0x1  }
0x3b3: {  	s31 =	spop (v2sf)  }
0x3b4: {  	(v2sf) =	vpush v19, $0x0;
	s1 =	smulhi.u32 $0x66666667, s31;
	s0 =	sshra.s32 s31, $0x1F  }
0x3b5: {  	s6 =	spop (v2sf);
	s23 =	smul.u32 $0x66666667, s0  }
0x3b6: {  	s22 =	smulhi.u32 $0x66666667, s6;
	s0 =	sshra.s32 s6, $0x1F  }
0x3b7: {  	(v2sf) =	vpush v19, $0x1;
	s7 =	spop (v2sf);
	s25 =	smul.u32 $0x66666667, s0  }
0x3b8: {  	s24 =	smulhi.u32 $0x66666667, s7;
	s0 =	sshra.s32 s7, $0x1F  }
0x3b9: {  	(v2sf) =	vpush v19, $0x2;
	s8 =	spop (v2sf);
	s28 =	smul.u32 $0x66666667, s0  }
0x3ba: {  	(v2sf) =	vpush v19, $0x3;
	s26 =	smulhi.u32 $0x66666667, s8;
	s0 =	sshra.s32 s8, $0x1F;
	s9 =	spop (v2sf)  }
0x3bb: {  	s31 =	smul.u32 $0x66666667, s0;
	s0 =	sshra.s32 s9, $0x1F  }
0x3bc: {  	(v2sf) =	vpush v19, $0x4;
	s0 =	smul.u32 $0x66666667, s0  }
0x3bd: {  	s29 =	smulhi.u32 $0x66666667, s9;
	s10 =	spop (v2sf)  }
0x3be: {  	(v2sf) =	vpush v19, $0x5;
	s30 =	smulhi.u32 $0x66666667, s10;
	[smem:$0x721] =	sst s0;
	s0 =	sshra.s32 s10, $0x1F  }
0x3bf: {  	s11 =	spop (v2sf);
	s0 =	smul.u32 $0x66666667, s0  }
0x3c0: {  	v17 =	vld [tilespmem:$0xD910];
	(v2sf) =	vpush v19, $0x6;
	s12 =	smulhi.u32 $0x66666667, s11;
	s20 =	spop (v2sf)  }
0x3c1: {  	s21 =	smulhi.u32 $0x66666667, s20;
	[smem:$0x722] =	sst s0;
	s0 =	sshra.s32 s11, $0x1F  }
0x3c2: {  	[smem:$0x720] =	sst s1;
	(v2sf) =	vpush v19, $0x7;
	s0 =	smul.u32 $0x66666667, s0  }
0x3c3: {  	s6 =	spop (v2sf);
	[smem:$0x723] =	sst s12  }
0x3c4: {  	s7 =	smulhi.u32 $0x66666667, s6;
	[smem:$0x724] =	sst s0;
	s0 =	sshra.s32 s20, $0x1F  }
0x3c5: {  	(v2sf) =	vpush v17, $0xD;
	[smem:$0x725] =	sst s21;
	s0 =	smul.u32 $0x66666667, s0  }
0x3c6: {  	[smem:$0x727] =	sst s7;
	s8 =	spop (v2sf)  }
0x3c7: {  	[smem:$0x726] =	sst s0;
	s0 =	sshra.s32 s6, $0x1F;
	s9 =	smulhi.u32 $0x66666667, s8  }
0x3c8: {  	s10 =	spop (v2sf);
	s7 =	smul.u32 $0x66666667, s0  }
0x3c9: {  	(v2sf) =	vpush v17, $0xC;
	s0 =	sshra.s32 s8, $0x1F;
	s6 =	smulhi.u32 $0x66666667, s10;
	s11 =	spop (v2sf)  }
0x3ca: {  	[smem:$0x728] =	sst s9;
	s1 =	smul.u32 $0x66666667, s0  }
0x3cb: {  	s0 =	sshra.s32 s10, $0x1F;
	s8 =	smulhi.u32 $0x66666667, s11;
	s12 =	spop (v2sf)  }
0x3cc: {  	[smem:$0x729] =	sst s6;
	s6 =	smul.u32 $0x66666667, s0  }
0x3cd: {  	(v2sf) =	vpush v17, $0xE;
	s0 =	sshra.s32 s11, $0x1F;
	s20 =	smulhi.u32 $0x66666667, s12;
	s21 =	spop (v2sf)  }
0x3ce: {  	[smem:$0x72A] =	sst s8;
	s9 =	smul.u32 $0x66666667, s0  }
0x3cf: {  	s0 =	sshra.s32 s12, $0x1F;
	s10 =	smulhi.u32 $0x66666667, s21;
	s11 =	spop (v2sf)  }
0x3d0: {  	[smem:$0x72B] =	sst s20;
	s20 =	smul.u32 $0x66666667, s0;
	s0 =	sshra.s32 s21, $0x1F  }
0x3d1: {  	(v2sf) =	vpush v17, $0xF;
	s12 =	spop (v2sf);
	s8 =	smul.u32 $0x66666667, s0  }
0x3d2: {  	[smem:$0x72C] =	sst s10;
	s10 =	smulhi.u32 $0x66666667, s11  }
0x3d3: {  	s0 =	sshra.s32 s11, $0x1F;
	s21 =	smulhi.u32 $0x66666667, s12  }
0x3d4: {  	s11 =	smul.u32 $0x66666667, s0;
	s0 =	sshra.s32 s12, $0x1F;
	s12 =	spop (v2sf)  }
0x3d5: {  	(v2sf) =	vpush v17, $0x9;
	[smem:$0x72D] =	sst s10;
	s10 =	smul.u32 $0x66666667, s0;
	s0 =	sshra.s32 s12, $0x1F  }
0x3d6: {  	s0 =	smul.u32 $0x66666667, s0  }
0x3d7: {  	[smem:$0x72E] =	sst s21;
	s21 =	smulhi.u32 $0x66666667, s12  }
0x3d8: {  	[smem:$0x730] =	sst s0;
	s0 =	spop (v2sf)  }
0x3d9: {  	(v2sf) =	vpush v17, $0x8;
	s12 =	smulhi.u32 $0x66666667, s0;
	s0 =	sshra.s32 s0, $0x1F  }
0x3da: {  	s0 =	smul.u32 $0x66666667, s0;
	_ =	sdelay $0x1  }
0x3db: {  	[smem:$0x732] =	sst s0;
	s0 =	spop (v2sf)  }
0x3dc: {  	(v2sf) =	vpush v17, $0xA;
	[smem:$0x731] =	sst s12;
	s12 =	smulhi.u32 $0x66666667, s0;
	s0 =	sshra.s32 s0, $0x1F  }
0x3dd: {  	s0 =	smul.u32 $0x66666667, s0;
	_ =	sdelay $0x1  }
0x3de: {  	[smem:$0x734] =	sst s0;
	s0 =	spop (v2sf)  }
0x3df: {  	(v2sf) =	vpush v17, $0xB;
	[smem:$0x733] =	sst s12;
	s12 =	smulhi.u32 $0x66666667, s0;
	s0 =	sshra.s32 s0, $0x1F  }
0x3e0: {  	s0 =	smul.u32 $0x66666667, s0;
	_ =	sdelay $0x1  }
0x3e1: {  	[smem:$0x736] =	sst s0;
	s0 =	spop (v2sf)  }
0x3e2: {  	(v2sf) =	vpush v17, $0x0;
	[smem:$0x735] =	sst s12;
	s12 =	smulhi.u32 $0x66666667, s0;
	s0 =	sshra.s32 s0, $0x1F  }
0x3e3: {  	s0 =	smul.u32 $0x66666667, s0  }
0x3e4: {  	(v2sf) =	vpush v17, $0x1  }
0x3e5: {  	[smem:$0x738] =	sst s0;
	s0 =	spop (v2sf)  }
0x3e6: {  	[smem:$0x737] =	sst s12;
	s12 =	smulhi.u32 $0x66666667, s0;
	s0 =	sshra.s32 s0, $0x1F  }
0x3e7: {  	s0 =	smul.u32 $0x66666667, s0  }
0x3e8: {  	(v2sf) =	vpush v17, $0x2  }
0x3e9: {  	[smem:$0x73A] =	sst s0;
	s0 =	spop (v2sf)  }
0x3ea: {  	[smem:$0x739] =	sst s12;
	s12 =	smulhi.u32 $0x66666667, s0;
	s0 =	sshra.s32 s0, $0x1F  }
0x3eb: {  	s0 =	smul.u32 $0x66666667, s0  }
0x3ec: {  	(v2sf) =	vpush v17, $0x3  }
0x3ed: {  	[smem:$0x73C] =	sst s0;
	s0 =	spop (v2sf)  }
0x3ee: {  	[smem:$0x73B] =	sst s12;
	s12 =	smulhi.u32 $0x66666667, s0;
	s0 =	sshra.s32 s0, $0x1F  }
0x3ef: {  	s0 =	smul.u32 $0x66666667, s0  }
0x3f0: {  	(v2sf) =	vpush v17, $0x4  }
0x3f1: {  	[smem:$0x73E] =	sst s0;
	s0 =	spop (v2sf)  }
0x3f2: {  	[smem:$0x73D] =	sst s12;
	s12 =	smulhi.u32 $0x66666667, s0  }
0x3f3: {  	[smem:$0x72F] =	sst s21;
	s21 =	spop (v2sf)  }
0x3f4: {  	(v2sf) =	vpush v17, $0x5;
	[smem:$0x73F] =	sst s12;
	s12 =	smulhi.u32 $0x66666667, s21;
	s21 =	sshra.s32 s21, $0x1F  }
0x3f5: {  	s21 =	smul.u32 $0x66666667, s21;
	_ =	sdelay $0x1  }
0x3f6: {  	[smem:$0x741] =	sst s21;
	s21 =	spop (v2sf)  }
0x3f7: {  	(v2sf) =	vpush v17, $0x6;
	[smem:$0x740] =	sst s12;
	s12 =	smulhi.u32 $0x66666667, s21;
	s21 =	sshra.s32 s21, $0x1F  }
0x3f8: {  	s21 =	smul.u32 $0x66666667, s21;
	_ =	sdelay $0x1  }
0x3f9: {  	v16 =	vld [tilespmem:$0xD920];
	[smem:$0x743] =	sst s21;
	s21 =	spop (v2sf)  }
0x3fa: {  	(v2sf) =	vpush v17, $0x7;
	[smem:$0x742] =	sst s12;
	s12 =	smulhi.u32 $0x66666667, s21;
	s21 =	sshra.s32 s21, $0x1F  }
0x3fb: {  	s21 =	smul.u32 $0x66666667, s21;
	_ =	sdelay $0x1  }
0x3fc: {  	[smem:$0x745] =	sst s21;
	s21 =	spop (v2sf)  }
0x3fd: {  	(v2sf) =	vpush v16, $0xD;
	[smem:$0x744] =	sst s12;
	s12 =	smulhi.u32 $0x66666667, s21;
	s21 =	sshra.s32 s21, $0x1F  }
0x3fe: {  	s21 =	smul.u32 $0x66666667, s21;
	_ =	sdelay $0x1  }
0x3ff: {  	[smem:$0x747] =	sst s21;
	s21 =	spop (v2sf)  }
0x400: {  	(v2sf) =	vpush v16, $0xC;
	[smem:$0x746] =	sst s12;
	s12 =	smulhi.u32 $0x66666667, s21;
	s21 =	sshra.s32 s21, $0x1F  }
0x401: {  	s21 =	smul.u32 $0x66666667, s21;
	_ =	sdelay $0x1  }
0x402: {  	[smem:$0x749] =	sst s21;
	s21 =	spop (v2sf)  }
0x403: {  	(v2sf) =	vpush v16, $0xE;
	[smem:$0x748] =	sst s12;
	s12 =	smulhi.u32 $0x66666667, s21;
	s21 =	sshra.s32 s21, $0x1F  }
0x404: {  	s21 =	smul.u32 $0x66666667, s21;
	_ =	sdelay $0x1  }
0x405: {  	[smem:$0x74B] =	sst s21;
	s21 =	spop (v2sf)  }
0x406: {  	(v2sf) =	vpush v16, $0xF;
	[smem:$0x74A] =	sst s12;
	s12 =	smulhi.u32 $0x66666667, s21;
	s21 =	sshra.s32 s21, $0x1F  }
0x407: {  	s21 =	smul.u32 $0x66666667, s21;
	_ =	sdelay $0x1  }
0x408: {  	[smem:$0x74D] =	sst s21;
	s21 =	spop (v2sf)  }
0x409: {  	(v2sf) =	vpush v16, $0x9;
	[smem:$0x74C] =	sst s12;
	s12 =	smulhi.u32 $0x66666667, s21;
	s21 =	sshra.s32 s21, $0x1F  }
0x40a: {  	s21 =	smul.u32 $0x66666667, s21;
	_ =	sdelay $0x1  }
0x40b: {  	[smem:$0x74F] =	sst s21;
	s21 =	spop (v2sf)  }
0x40c: {  	(v2sf) =	vpush v16, $0x8;
	[smem:$0x74E] =	sst s12;
	s12 =	smulhi.u32 $0x66666667, s21;
	s21 =	sshra.s32 s21, $0x1F  }
0x40d: {  	s21 =	smul.u32 $0x66666667, s21;
	_ =	sdelay $0x1  }
0x40e: {  	[smem:$0x751] =	sst s21;
	s21 =	spop (v2sf)  }
0x40f: {  	(v2sf) =	vpush v16, $0xA;
	[smem:$0x750] =	sst s12;
	s12 =	smulhi.u32 $0x66666667, s21;
	s21 =	sshra.s32 s21, $0x1F  }
0x410: {  	s21 =	smul.u32 $0x66666667, s21;
	_ =	sdelay $0x1  }
0x411: {  	[smem:$0x753] =	sst s21;
	s21 =	spop (v2sf)  }
0x412: {  	(v2sf) =	vpush v16, $0xB;
	[smem:$0x752] =	sst s12;
	s12 =	smulhi.u32 $0x66666667, s21;
	s21 =	sshra.s32 s21, $0x1F  }
0x413: {  	s21 =	smul.u32 $0x66666667, s21;
	_ =	sdelay $0x1  }
0x414: {  	[smem:$0x755] =	sst s21;
	s21 =	spop (v2sf)  }
0x415: {  	(v2sf) =	vpush v16, $0x0;
	[smem:$0x754] =	sst s12;
	s12 =	smulhi.u32 $0x66666667, s21;
	s21 =	sshra.s32 s21, $0x1F  }
0x416: {  	s21 =	smul.u32 $0x66666667, s21;
	_ =	sdelay $0x1  }
0x417: {  	[smem:$0x757] =	sst s21;
	s21 =	spop (v2sf)  }
0x418: {  	(v2sf) =	vpush v16, $0x1;
	[smem:$0x756] =	sst s12;
	s12 =	smulhi.u32 $0x66666667, s21;
	s21 =	sshra.s32 s21, $0x1F  }
0x419: {  	s21 =	smul.u32 $0x66666667, s21;
	_ =	sdelay $0x1  }
0x41a: {  	[smem:$0x759] =	sst s21;
	s21 =	spop (v2sf)  }
0x41b: {  	(v2sf) =	vpush v16, $0x2;
	[smem:$0x758] =	sst s12;
	s12 =	smulhi.u32 $0x66666667, s21;
	s21 =	sshra.s32 s21, $0x1F  }
0x41c: {  	s21 =	smul.u32 $0x66666667, s21;
	_ =	sdelay $0x1  }
0x41d: {  	[smem:$0x75B] =	sst s21;
	s21 =	spop (v2sf)  }
0x41e: {  	(v2sf) =	vpush v16, $0x3;
	[smem:$0x75A] =	sst s12;
	s12 =	smulhi.u32 $0x66666667, s21;
	s21 =	sshra.s32 s21, $0x1F  }
0x41f: {  	s21 =	smul.u32 $0x66666667, s21;
	_ =	sdelay $0x1  }
0x420: {  	[smem:$0x75D] =	sst s21;
	s21 =	spop (v2sf)  }
0x421: {  	(v2sf) =	vpush v16, $0x4;
	[smem:$0x75C] =	sst s12;
	s12 =	smulhi.u32 $0x66666667, s21;
	s21 =	sshra.s32 s21, $0x1F  }
0x422: {  	s21 =	smul.u32 $0x66666667, s21;
	_ =	sdelay $0x1  }
0x423: {  	[smem:$0x75F] =	sst s21;
	s21 =	spop (v2sf)  }
0x424: {  	(v2sf) =	vpush v16, $0x5;
	[smem:$0x75E] =	sst s12;
	s12 =	smulhi.u32 $0x66666667, s21;
	s21 =	sshra.s32 s21, $0x1F  }
0x425: {  	s21 =	smul.u32 $0x66666667, s21;
	_ =	sdelay $0x1  }
0x426: {  	[smem:$0x761] =	sst s21;
	s21 =	spop (v2sf)  }
0x427: {  	(v2sf) =	vpush v16, $0x6;
	[smem:$0x760] =	sst s12;
	s12 =	smulhi.u32 $0x66666667, s21;
	s21 =	sshra.s32 s21, $0x1F  }
0x428: {  	s21 =	smul.u32 $0x66666667, s21;
	_ =	sdelay $0x1  }
0x429: {  	v18 =	vld [tilespmem:$0xD930];
	[smem:$0x763] =	sst s21;
	s21 =	spop (v2sf)  }
0x42a: {  	(v2sf) =	vpush v16, $0x7;
	[smem:$0x762] =	sst s12;
	s12 =	smulhi.u32 $0x66666667, s21;
	s21 =	sshra.s32 s21, $0x1F  }
0x42b: {  	s21 =	smul.u32 $0x66666667, s21;
	_ =	sdelay $0x1  }
0x42c: {  	[smem:$0x765] =	sst s21;
	s21 =	spop (v2sf)  }
0x42d: {  	(v2sf) =	vpush v18, $0xD;
	[smem:$0x764] =	sst s12;
	s12 =	smulhi.u32 $0x66666667, s21;
	s21 =	sshra.s32 s21, $0x1F  }
0x42e: {  	s21 =	smul.u32 $0x66666667, s21;
	_ =	sdelay $0x1  }
0x42f: {  	[smem:$0x767] =	sst s21;
	s21 =	spop (v2sf)  }
0x430: {  	(v2sf) =	vpush v18, $0xC;
	[smem:$0x766] =	sst s12;
	s12 =	smulhi.u32 $0x66666667, s21;
	s21 =	sshra.s32 s21, $0x1F  }
0x431: {  	s21 =	smul.u32 $0x66666667, s21;
	_ =	sdelay $0x1  }
0x432: {  	[smem:$0x769] =	sst s21;
	s21 =	spop (v2sf)  }
0x433: {  	(v2sf) =	vpush v18, $0xE;
	[smem:$0x768] =	sst s12;
	s12 =	smulhi.u32 $0x66666667, s21;
	s21 =	sshra.s32 s21, $0x1F  }
0x434: {  	s21 =	smul.u32 $0x66666667, s21;
	_ =	sdelay $0x1  }
0x435: {  	[smem:$0x76B] =	sst s21;
	s21 =	spop (v2sf)  }
0x436: {  	(v2sf) =	vpush v18, $0xF;
	[smem:$0x76A] =	sst s12;
	s12 =	smulhi.u32 $0x66666667, s21;
	s21 =	sshra.s32 s21, $0x1F  }
0x437: {  	s21 =	smul.u32 $0x66666667, s21;
	_ =	sdelay $0x1  }
0x438: {  	[smem:$0x76D] =	sst s21;
	s21 =	spop (v2sf)  }
0x439: {  	[smem:$0x76C] =	sst s12;
	s12 =	smulhi.u32 $0x66666667, s21;
	s21 =	sshra.s32 s21, $0x1F  }
0x43a: {  	s21 =	smul.u32 $0x66666667, s21;
	_ =	sdelay $0x1  }
0x43b: {  	[smem:$0x76F] =	sst s21;
	s21 =	spop (v2sf)  }
0x43c: {  	[smem:$0x76E] =	sst s12;
	s12 =	smulhi.u32 $0x66666667, s21;
	s21 =	sshra.s32 s21, $0x1F  }
0x43d: {  	(v2sf) =	vpush v18, $0x9;
	s21 =	smul.u32 $0x66666667, s21  }
0x43e: {  	(v2sf) =	vpush v18, $0x8  }
0x43f: {  	[smem:$0x771] =	sst s21;
	s21 =	spop (v2sf)  }
0x440: {  	[smem:$0x770] =	sst s12;
	s12 =	smulhi.u32 $0x66666667, s21;
	s21 =	sshra.s32 s21, $0x1F  }
0x441: {  	s25 =	sadd.s32 s25, s22;
	(v2sf) =	vpush v18, $0xA;
	s21 =	smul.u32 $0x66666667, s21  }
0x442: {  	[smem:$0x7A4] =	sst s25  }
0x443: {  	[smem:$0x773] =	sst s21;
	s21 =	spop (v2sf)  }
0x444: {  	s28 =	sadd.s32 s28, s24;
	[smem:$0x772] =	sst s12;
	s12 =	smulhi.u32 $0x66666667, s21  }
0x445: {  	[smem:$0x7A6] =	sst s28;
	(v2sf) =	vpush v18, $0xB  }
0x446: {  	[smem:$0x774] =	sst s12  }
0x447: {  	s28 =	sadd.s32 s31, s26;
	s12 =	sld [smem:$0x720]  }
0x448: {  	[smem:$0x7A7] =	sst s28  }
0x449: {  	s31 =	sld [smem:$0x721]  }
0x44a: {  	s28 =	sld [smem:$0x722];
	s21 =	sshra.s32 s21, $0x1F;
	s12 =	sadd.s32 s23, s12  }
0x44b: {  	s23 =	smul.u32 $0x66666667, s21;
	[smem:$0x7A2] =	sst s12  }
0x44c: {  	s21 =	spop (v2sf);
	s12 =	sadd.s32 s31, s29;
	s29 =	sld [smem:$0x723]  }
0x44d: {  	s22 =	spop (v2sf);
	[smem:$0x775] =	sst s23  }
0x44e: {  	(v2sf) =	vpush v18, $0x0;
	s23 =	smulhi.u32 $0x66666667, s21;
	s21 =	sshra.s32 s21, $0x1F;
	[smem:$0x7AA] =	sst s12  }
0x44f: {  	s25 =	smulhi.u32 $0x66666667, s22;
	s12 =	sadd.s32 s28, s30;
	s30 =	sld [smem:$0x724]  }
0x450: {  	s24 =	smul.u32 $0x66666667, s21;
	s21 =	sshra.s32 s22, $0x1F;
	s22 =	spop (v2sf)  }
0x451: {  	(v2sf) =	vpush v18, $0x1;
	[smem:$0x7AB] =	sst s12;
	s26 =	smul.u32 $0x66666667, s21  }
0x452: {  	s28 =	smulhi.u32 $0x66666667, s22;
	s21 =	sshra.s32 s22, $0x1F;
	s22 =	sld [smem:$0x725]  }
0x453: {  	s12 =	sadd.s32 s30, s29;
	s30 =	sld [smem:$0x726]  }
0x454: {  	s31 =	spop (v2sf)  }
0x455: {  	s29 =	smul.u32 $0x66666667, s21;
	s21 =	sshra.s32 s31, $0x1F;
	[smem:$0x7AE] =	sst s12  }
0x456: {  	s12 =	sadd.s32 s30, s22;
	s30 =	smulhi.u32 $0x66666667, s31;
	s31 =	sld [smem:$0x727]  }
0x457: {  	(v2sf) =	vpush v18, $0x2;
	_ =	sdelay $0x1  }
0x458: {  	s7 =	sadd.s32 s7, s31;
	s31 =	sld [smem:$0x728];
	_ =	sdelay $0x2  }
0x459: {  	s1 =	sadd.s32 s1, s31;
	s31 =	sld [smem:$0x729]  }
0x45a: {  	(v2sf) =	vpush v18, $0x3;
	s22 =	spop (v2sf);
	[smem:$0x7B1] =	sst s12  }
0x45b: {  	s12 =	smulhi.u32 $0x66666667, s22;
	s22 =	sshra.s32 s22, $0x1F;
	[smem:$0x7A5] =	sst s7  }
0x45c: {  	s6 =	sadd.s32 s6, s31;
	s31 =	smul.u32 $0x66666667, s22;
	s22 =	sld [smem:$0x72A]  }
0x45d: {  	s7 =	spop (v2sf);
	[smem:$0x7A8] =	sst s1  }
0x45e: {  	s1 =	sshra.s32 s7, $0x1F;
	[smem:$0x7A9] =	sst s6  }
0x45f: {  	s6 =	sadd.s32 s9, s22;
	s9 =	smulhi.u32 $0x66666667, s7;
	s7 =	sld [smem:$0x72B]  }
0x460: {  	_ = 	snop  }
0x461: {  	[smem:$0x7AC] =	sst s6  }
0x462: {  	s6 =	sadd.s32 s20, s7;
	s7 =	sld [smem:$0x72C]  }
0x463: {  	(v2sf) =	vpush v18, $0x4;
	s22 =	spop (v2sf)  }
0x464: {  	s20 =	smul.u32 $0x66666667, s1;
	s1 =	sshra.s32 s22, $0x1F;
	[smem:$0x7AD] =	sst s6  }
0x465: {  	s6 =	sadd.s32 s8, s7;
	s8 =	smulhi.u32 $0x66666667, s22;
	s22 =	sld [smem:$0x72D]  }
0x466: {  	_ = 	snop  }
0x467: {  	[smem:$0x7AF] =	sst s6  }
0x468: {  	s6 =	sadd.s32 s11, s22;
	s22 =	sld [smem:$0x72E]  }
0x469: {  	s7 =	spop (v2sf)  }
0x46a: {  	s11 =	smul.u32 $0x66666667, s1;
	s1 =	sshra.s32 s7, $0x1F;
	[smem:$0x7B0] =	sst s6  }
0x46b: {  	s6 =	sadd.s32 s10, s22;
	s10 =	smulhi.u32 $0x66666667, s7;
	s7 =	sld [smem:$0x72F]  }
0x46c: {  	s22 =	sld [smem:$0x730]  }
0x46d: {  	(v2sf) =	vpush v18, $0x5  }
0x46e: {  	[smem:$0x7A3] =	sst s6  }
0x46f: {  	s6 =	sadd.s32 s22, s7;
	s7 =	sld [smem:$0x731]  }
0x470: {  	s1 =	smul.u32 $0x66666667, s1;
	s22 =	sld [smem:$0x732]  }
0x471: {  	_ = 	snop  }
0x472: {  	[smem:$0x776] =	sst s1;
	s1 =	spop (v2sf)  }
0x473: {  	[smem:$0x7B2] =	sst s6;
	s6 =	sadd.s32 s22, s7;
	s22 =	smulhi.u32 $0x66666667, s1  }
0x474: {  	s7 =	sld [smem:$0x733]  }
0x475: {  	[smem:$0x777] =	sst s22  }
0x476: {  	s22 =	sld [smem:$0x734]  }
0x477: {  	(v2sf) =	vpush v18, $0x6  }
0x478: {  	[smem:$0x7B3] =	sst s6  }
0x479: {  	s1 =	sshra.s32 s1, $0x1F;
	s6 =	sadd.s32 s22, s7;
	s7 =	sld [smem:$0x735]  }
0x47a: {  	s1 =	smul.u32 $0x66666667, s1;
	s22 =	sld [smem:$0x736]  }
0x47b: {  	_ = 	snop  }
0x47c: {  	[smem:$0x778] =	sst s1;
	s1 =	spop (v2sf)  }
0x47d: {  	[smem:$0x7B4] =	sst s6;
	s6 =	sadd.s32 s22, s7;
	s22 =	smulhi.u32 $0x66666667, s1  }
0x47e: {  	s7 =	sld [smem:$0x737]  }
0x47f: {  	[smem:$0x779] =	sst s22  }
0x480: {  	s22 =	sld [smem:$0x738];
	_ =	sdelay $0x1  }
0x481: {  	v20 =	vld [tilespmem:$0xD940];
	[smem:$0x7B5] =	sst s6  }
0x482: {  	(v2sf) =	vpush v18, $0x7;
	s1 =	sshra.s32 s1, $0x1F;
	s6 =	sadd.s32 s22, s7;
	s7 =	sld [smem:$0x739]  }
0x483: {  	s1 =	smul.u32 $0x66666667, s1;
	s22 =	sld [smem:$0x73A]  }
0x484: {  	_ = 	snop  }
0x485: {  	[smem:$0x77A] =	sst s1;
	s1 =	spop (v2sf)  }
0x486: {  	(v2sf) =	vpush v20, $0xD;
	[smem:$0x7B8] =	sst s6;
	s6 =	sadd.s32 s22, s7;
	s22 =	smulhi.u32 $0x66666667, s1  }
0x487: {  	s7 =	sld [smem:$0x73B]  }
0x488: {  	[smem:$0x77B] =	sst s22  }
0x489: {  	s22 =	sld [smem:$0x73C];
	_ =	sdelay $0x1  }
0x48a: {  	s1 =	sshra.s32 s1, $0x1F;
	[smem:$0x7B9] =	sst s6  }
0x48b: {  	s1 =	smul.u32 $0x66666667, s1;
	s6 =	sadd.s32 s22, s7;
	s7 =	sld [smem:$0x73D]  }
0x48c: {  	s22 =	sld [smem:$0x73E]  }
0x48d: {  	[smem:$0x77C] =	sst s1  }
0x48e: {  	s0 =	sshra.s32 s0, $0x1F;
	[smem:$0x7BC] =	sst s6  }
0x48f: {  	s0 =	smul.u32 $0x66666667, s0;
	(v2sf) =	vpush v20, $0xC;
	s6 =	sadd.s32 s22, s7;
	s22 =	sld [smem:$0x73F]  }
0x490: {  	s1 =	spop (v2sf);
	[smem:$0x7BF] =	sst s6  }
0x491: {  	s7 =	smulhi.u32 $0x66666667, s1;
	s6 =	sld [smem:$0x740]  }
0x492: {  	s1 =	sshra.s32 s1, $0x1F;
	s0 =	sadd.s32 s0, s22;
	s22 =	sld [smem:$0x741]  }
0x493: {  	s1 =	smul.u32 $0x66666667, s1  }
0x494: {  	[smem:$0x7B7] =	sst s0;
	s0 =	spop (v2sf)  }
0x495: {  	[smem:$0x77D] =	sst s1;
	s1 =	sadd.s32 s22, s6;
	s22 =	smulhi.u32 $0x66666667, s0  }
0x496: {  	s6 =	sld [smem:$0x742]  }
0x497: {  	[smem:$0x77E] =	sst s22  }
0x498: {  	s22 =	sld [smem:$0x743]  }
0x499: {  	(v2sf) =	vpush v20, $0xE  }
0x49a: {  	[smem:$0x7BA] =	sst s1  }
0x49b: {  	s0 =	sshra.s32 s0, $0x1F;
	s1 =	sadd.s32 s22, s6;
	s6 =	sld [smem:$0x744]  }
0x49c: {  	s0 =	smul.u32 $0x66666667, s0;
	s22 =	sld [smem:$0x745]  }
0x49d: {  	_ = 	snop  }
0x49e: {  	[smem:$0x77F] =	sst s0;
	s0 =	spop (v2sf)  }
0x49f: {  	[smem:$0x7BB] =	sst s1;
	s1 =	sadd.s32 s22, s6;
	s22 =	smulhi.u32 $0x66666667, s0  }
0x4a0: {  	s6 =	sld [smem:$0x746]  }
0x4a1: {  	(v2sf) =	vpush v20, $0xF;
	[smem:$0x780] =	sst s22  }
0x4a2: {  	s22 =	sld [smem:$0x747];
	_ =	sdelay $0x1  }
0x4a3: {  	[smem:$0x7BD] =	sst s1  }
0x4a4: {  	s0 =	sshra.s32 s0, $0x1F;
	s1 =	sadd.s32 s22, s6;
	s6 =	sld [smem:$0x748]  }
0x4a5: {  	s0 =	smul.u32 $0x66666667, s0;
	s22 =	sld [smem:$0x749]  }
0x4a6: {  	_ = 	snop  }
0x4a7: {  	[smem:$0x781] =	sst s0;
	s0 =	spop (v2sf)  }
0x4a8: {  	[smem:$0x7BE] =	sst s1;
	s1 =	sadd.s32 s22, s6;
	s22 =	smulhi.u32 $0x66666667, s0  }
0x4a9: {  	(v2sf) =	vpush v20, $0x9;
	s6 =	sld [smem:$0x74A]  }
0x4aa: {  	(v2sf) =	vpush v20, $0x8;
	s0 =	sshra.s32 s0, $0x1F;
	[smem:$0x782] =	sst s22  }
0x4ab: {  	(v2sf) =	vpush v20, $0xA;
	s0 =	smul.u32 $0x66666667, s0;
	s22 =	sld [smem:$0x74B]  }
0x4ac: {  	(v2sf) =	vpush v20, $0xB;
	[smem:$0x7C0] =	sst s1  }
0x4ad: {  	(v2sf) =	vpush v20, $0x0;
	[smem:$0x783] =	sst s0  }
0x4ae: {  	(v2sf) =	vpush v20, $0x1;
	s1 =	sadd.s32 s22, s6;
	s6 =	sld [smem:$0x74C]  }
0x4af: {  	(v2sf) =	vpush v20, $0x2;
	s0 =	spop (v2sf);
	[smem:$0x7C1] =	sst s1  }
0x4b0: {  	s22 =	sld [smem:$0x74D];
	_ =	sdelay $0x2  }
0x4b1: {  	s1 =	sadd.s32 s22, s6;
	s22 =	smulhi.u32 $0x66666667, s0  }
0x4b2: {  	s6 =	sld [smem:$0x74E]  }
0x4b3: {  	[smem:$0x784] =	sst s22  }
0x4b4: {  	s22 =	sld [smem:$0x74F];
	_ =	sdelay $0x1  }
0x4b5: {  	[smem:$0x7B6] =	sst s1  }
0x4b6: {  	s0 =	sshra.s32 s0, $0x1F;
	s1 =	sadd.s32 s22, s6;
	s6 =	sld [smem:$0x750]  }
0x4b7: {  	s0 =	smul.u32 $0x66666667, s0;
	s22 =	sld [smem:$0x751]  }
0x4b8: {  	_ = 	snop  }
0x4b9: {  	[smem:$0x785] =	sst s0;
	s0 =	spop (v2sf)  }
0x4ba: {  	[smem:$0x7C3] =	sst s1;
	s1 =	sadd.s32 s22, s6;
	s22 =	smulhi.u32 $0x66666667, s0  }
0x4bb: {  	s6 =	sld [smem:$0x752]  }
0x4bc: {  	[smem:$0x786] =	sst s22  }
0x4bd: {  	s22 =	sld [smem:$0x753];
	_ =	sdelay $0x1  }
0x4be: {  	[smem:$0x7C2] =	sst s1  }
0x4bf: {  	s0 =	sshra.s32 s0, $0x1F;
	s1 =	sadd.s32 s22, s6;
	s6 =	sld [smem:$0x754]  }
0x4c0: {  	s0 =	smul.u32 $0x66666667, s0;
	s22 =	sld [smem:$0x755]  }
0x4c1: {  	_ = 	snop  }
0x4c2: {  	[smem:$0x787] =	sst s0;
	s0 =	spop (v2sf)  }
0x4c3: {  	[smem:$0x7C5] =	sst s1;
	s1 =	sadd.s32 s22, s6;
	s22 =	smulhi.u32 $0x66666667, s0  }
0x4c4: {  	s6 =	sld [smem:$0x756]  }
0x4c5: {  	[smem:$0x788] =	sst s22  }
0x4c6: {  	s22 =	sld [smem:$0x757];
	_ =	sdelay $0x1  }
0x4c7: {  	[smem:$0x7C7] =	sst s1  }
0x4c8: {  	s0 =	sshra.s32 s0, $0x1F;
	s1 =	sadd.s32 s22, s6;
	s6 =	sld [smem:$0x758]  }
0x4c9: {  	s0 =	smul.u32 $0x66666667, s0;
	s22 =	sld [smem:$0x759]  }
0x4ca: {  	_ = 	snop  }
0x4cb: {  	[smem:$0x789] =	sst s0;
	s0 =	spop (v2sf)  }
0x4cc: {  	[smem:$0x7CA] =	sst s1;
	s1 =	sadd.s32 s22, s6;
	s22 =	smulhi.u32 $0x66666667, s0  }
0x4cd: {  	s6 =	sld [smem:$0x75A]  }
0x4ce: {  	[smem:$0x78A] =	sst s22  }
0x4cf: {  	s22 =	sld [smem:$0x75B];
	_ =	sdelay $0x1  }
0x4d0: {  	[smem:$0x7C8] =	sst s1  }
0x4d1: {  	s0 =	sshra.s32 s0, $0x1F;
	s1 =	sadd.s32 s22, s6;
	s6 =	sld [smem:$0x75C]  }
0x4d2: {  	s0 =	smul.u32 $0x66666667, s0;
	s22 =	sld [smem:$0x75D]  }
0x4d3: {  	_ = 	snop  }
0x4d4: {  	[smem:$0x78B] =	sst s0;
	s0 =	spop (v2sf)  }
0x4d5: {  	[smem:$0x7CC] =	sst s1;
	s1 =	sadd.s32 s22, s6;
	s22 =	smulhi.u32 $0x66666667, s0  }
0x4d6: {  	s6 =	sld [smem:$0x75E]  }
0x4d7: {  	[smem:$0x78C] =	sst s22  }
0x4d8: {  	s22 =	sld [smem:$0x75F];
	_ =	sdelay $0x1  }
0x4d9: {  	[smem:$0x7CE] =	sst s1  }
0x4da: {  	s0 =	sshra.s32 s0, $0x1F;
	s1 =	sadd.s32 s22, s6;
	s6 =	sld [smem:$0x760]  }
0x4db: {  	s0 =	smul.u32 $0x66666667, s0;
	s22 =	sld [smem:$0x761]  }
0x4dc: {  	_ = 	snop  }
0x4dd: {  	[smem:$0x78D] =	sst s0;
	s0 =	spop (v2sf)  }
0x4de: {  	[smem:$0x7C6] =	sst s1;
	s1 =	sadd.s32 s22, s6;
	s22 =	smulhi.u32 $0x66666667, s0  }
0x4df: {  	s6 =	sld [smem:$0x762]  }
0x4e0: {  	[smem:$0x78E] =	sst s22  }
0x4e1: {  	s22 =	sld [smem:$0x763];
	_ =	sdelay $0x1  }
0x4e2: {  	[smem:$0x7C9] =	sst s1  }
0x4e3: {  	s0 =	sshra.s32 s0, $0x1F;
	s1 =	sadd.s32 s22, s6;
	s6 =	sld [smem:$0x764]  }
0x4e4: {  	s0 =	smul.u32 $0x66666667, s0;
	s22 =	sld [smem:$0x765]  }
0x4e5: {  	_ = 	snop  }
0x4e6: {  	[smem:$0x78F] =	sst s0;
	s0 =	spop (v2sf)  }
0x4e7: {  	[smem:$0x7CB] =	sst s1;
	s1 =	sadd.s32 s22, s6;
	s22 =	smulhi.u32 $0x66666667, s0  }
0x4e8: {  	s6 =	sld [smem:$0x766]  }
0x4e9: {  	[smem:$0x790] =	sst s22  }
0x4ea: {  	s23 =	sadd.s32 s24, s23;
	s22 =	sld [smem:$0x767]  }
0x4eb: {  	(v2sf) =	vpush v20, $0x3;
	[smem:$0x7D9] =	sst s23  }
0x4ec: {  	[smem:$0x7CD] =	sst s1  }
0x4ed: {  	s0 =	sshra.s32 s0, $0x1F;
	s1 =	sadd.s32 s22, s6;
	s6 =	sld [smem:$0x768]  }
0x4ee: {  	s26 =	sadd.s32 s26, s25;
	s0 =	smul.u32 $0x66666667, s0;
	s22 =	sld [smem:$0x769]  }
0x4ef: {  	[smem:$0x7D7] =	sst s26  }
0x4f0: {  	[smem:$0x791] =	sst s0;
	s0 =	spop (v2sf)  }
0x4f1: {  	[smem:$0x7CF] =	sst s1;
	s1 =	sadd.s32 s22, s6;
	s22 =	smulhi.u32 $0x66666667, s0  }
0x4f2: {  	s6 =	sld [smem:$0x76A]  }
0x4f3: {  	[smem:$0x792] =	sst s22  }
0x4f4: {  	s29 =	sadd.s32 s29, s28;
	s22 =	sld [smem:$0x76B]  }
0x4f5: {  	[smem:$0x7DB] =	sst s29;
	(v2sf) =	vpush v20, $0x4  }
0x4f6: {  	[smem:$0x7D0] =	sst s1  }
0x4f7: {  	s0 =	sshra.s32 s0, $0x1F;
	s1 =	sadd.s32 s22, s6;
	s6 =	sld [smem:$0x76C]  }
0x4f8: {  	s23 =	sadd.s32 s31, s12;
	s0 =	smul.u32 $0x66666667, s0;
	s22 =	sld [smem:$0x76D]  }
0x4f9: {  	[smem:$0x7D6] =	sst s23  }
0x4fa: {  	[smem:$0x793] =	sst s0;
	s0 =	spop (v2sf)  }
0x4fb: {  	[smem:$0x7D1] =	sst s1;
	s1 =	sadd.s32 s22, s6;
	s22 =	smulhi.u32 $0x66666667, s0  }
0x4fc: {  	s6 =	sld [smem:$0x76E]  }
0x4fd: {  	[smem:$0x794] =	sst s22  }
0x4fe: {  	s31 =	sadd.s32 s11, s8;
	s22 =	sld [smem:$0x76F]  }
0x4ff: {  	[smem:$0x7DD] =	sst s31  }
0x500: {  	[smem:$0x7C4] =	sst s1  }
0x501: {  	(v2sf) =	vpush v20, $0x5;
	s0 =	sshra.s32 s0, $0x1F;
	s1 =	sadd.s32 s22, s6;
	s6 =	sld [smem:$0x770]  }
0x502: {  	s0 =	smul.u32 $0x66666667, s0;
	s22 =	sld [smem:$0x771]  }
0x503: {  	s8 =	sld [smem:$0x776];
	(v2sf) =	vpush v20, $0x6  }
0x504: {  	v21 =	vld [tilespmem:$0xD950];
	[smem:$0x795] =	sst s0;
	s0 =	spop (v2sf)  }
0x505: {  	[smem:$0x7D3] =	sst s1;
	s1 =	sadd.s32 s22, s6;
	s22 =	smulhi.u32 $0x66666667, s0  }
0x506: {  	s6 =	sld [smem:$0x772]  }
0x507: {  	(v2sf) =	vpush v20, $0x7;
	[smem:$0x796] =	sst s22  }
0x508: {  	s22 =	sld [smem:$0x773]  }
0x509: {  	s11 =	sld [smem:$0x778];
	(v2sf) =	vpush v21, $0xD  }
0x50a: {  	[smem:$0x7D2] =	sst s1  }
0x50b: {  	s0 =	sshra.s32 s0, $0x1F;
	s1 =	sadd.s32 s22, s6;
	s6 =	sld [smem:$0x774]  }
0x50c: {  	(v2sf) =	vpush v21, $0xC;
	s0 =	smul.u32 $0x66666667, s0;
	s22 =	sld [smem:$0x775]  }
0x50d: {  	s23 =	sld [smem:$0x77B]  }
0x50e: {  	[smem:$0x797] =	sst s0  }
0x50f: {  	s21 =	smul.u32 $0x66666667, s21;
	[smem:$0x7D4] =	sst s1;
	s1 =	sadd.s32 s22, s6  }
0x510: {  	(v2sf) =	vpush v21, $0xE;
	s0 =	spop (v2sf);
	[smem:$0x7D5] =	sst s1  }
0x511: {  	s22 =	smulhi.u32 $0x66666667, s0;
	s1 =	sadd.s32 s8, s10;
	s10 =	sld [smem:$0x777]  }
0x512: {  	s24 =	spop (v2sf);
	s8 =	sld [smem:$0x77E]  }
0x513: {  	s25 =	smulhi.u32 $0x66666667, s24;
	s0 =	sshra.s32 s0, $0x1F;
	[smem:$0x798] =	sst s22  }
0x514: {  	s0 =	smul.u32 $0x66666667, s0;
	[smem:$0x7DE] =	sst s1  }
0x515: {  	s22 =	sadd.s32 s21, s30;
	s30 =	sadd.s32 s20, s9;
	s20 =	sld [smem:$0x779]  }
0x516: {  	(v2sf) =	vpush v21, $0xF;
	s6 =	spop (v2sf);
	s21 =	sld [smem:$0x77A]  }
0x517: {  	(v2sf) =	vpush v21, $0x9;
	s28 =	smulhi.u32 $0x66666667, s6;
	[smem:$0x799] =	sst s0  }
0x518: {  	s0 =	sshra.s32 s24, $0x1F;
	[smem:$0x7DC] =	sst s22;
	s24 =	spop (v2sf)  }
0x519: {  	[smem:$0x7DA] =	sst s30;
	s26 =	smul.u32 $0x66666667, s0  }
0x51a: {  	s30 =	smulhi.u32 $0x66666667, s24;
	s1 =	sadd.s32 s11, s10;
	s11 =	sld [smem:$0x780]  }
0x51b: {  	s0 =	sshra.s32 s6, $0x1F;
	s6 =	spop (v2sf);
	[smem:$0x7DF] =	sst s1  }
0x51c: {  	s29 =	smul.u32 $0x66666667, s0;
	s0 =	sshra.s32 s24, $0x1F;
	s24 =	sld [smem:$0x77C]  }
0x51d: {  	s9 =	smulhi.u32 $0x66666667, s6;
	s1 =	sadd.s32 s21, s20;
	s21 =	sld [smem:$0x782]  }
0x51e: {  	[smem:$0x7E0] =	sst s1  }
0x51f: {  	s12 =	spop (v2sf);
	[smem:$0x79B] =	sst s9  }
0x520: {  	s0 =	smul.u32 $0x66666667, s0;
	s25 =	sadd.s32 s26, s25;
	s9 =	sld [smem:$0x77F]  }
0x521: {  	s22 =	smulhi.u32 $0x66666667, s12;
	[dreg:$0x1f] =	wrdreg s25  }
0x522: {  	[smem:$0x79A] =	sst s0  }
0x523: {  	[smem:$0x79D] =	sst s22  }
0x524: {  	s0 =	sshra.s32 s6, $0x1F;
	s6 =	sld [smem:$0x77D]  }
0x525: {  	s31 =	spop (v2sf);
	s28 =	sadd.s32 s29, s28;
	s22 =	sld [smem:$0x783]  }
0x526: {  	s10 =	spop (v2sf);
	s1 =	sadd.s32 s24, s23;
	[smem:$0x7EA] =	sst s28  }
0x527: {  	s20 =	smulhi.u32 $0x66666667, s10;
	[smem:$0x7E1] =	sst s1  }
0x528: {  	s29 =	sld [smem:$0x79A]  }
0x529: {  	s0 =	smul.u32 $0x66666667, s0;
	[smem:$0x7A1] =	sst s20  }
0x52a: {  	s20 =	sld [smem:$0x78A]  }
0x52b: {  	[smem:$0x79C] =	sst s0  }
0x52c: {  	s0 =	sshra.s32 s12, $0x1F;
	s12 =	sld [smem:$0x781]  }
0x52d: {  	s1 =	sadd.s32 s6, s7;
	s6 =	sld [smem:$0x784]  }
0x52e: {  	(v2sf) =	vpush v21, $0x8;
	[smem:$0x7D8] =	sst s1  }
0x52f: {  	s1 =	sadd.s32 s9, s8;
	s8 =	sld [smem:$0x786]  }
0x530: {  	(v2sf) =	vpush v21, $0xA;
	s7 =	smulhi.u32 $0x66666667, s31;
	s9 =	sld [smem:$0x787]  }
0x531: {  	s25 =	sadd.s32 s29, s30;
	s30 =	sld [smem:$0x79C]  }
0x532: {  	[smem:$0x79F] =	sst s7  }
0x533: {  	(v2sf) =	vpush v21, $0xB;
	[smem:$0x7E2] =	sst s1  }
0x534: {  	s0 =	smul.u32 $0x66666667, s0;
	s7 =	sld [smem:$0x785]  }
0x535: {  	[dreg:$0x1b] =	wrdreg s25  }
0x536: {  	[smem:$0x79E] =	sst s0  }
0x537: {  	s1 =	sadd.s32 s12, s11;
	s11 =	sld [smem:$0x788]  }
0x538: {  	s12 =	sld [smem:$0x789]  }
0x539: {  	[smem:$0x7E3] =	sst s1  }
0x53a: {  	s0 =	sshra.s32 s31, $0x1F;
	s1 =	sadd.s32 s22, s21;
	s22 =	sld [smem:$0x78B]  }
0x53b: {  	s0 =	smul.u32 $0x66666667, s0;
	[smem:$0x7E5] =	sst s1  }
0x53c: {  	s1 =	sadd.s32 s7, s6;
	s6 =	sld [smem:$0x790]  }
0x53d: {  	s23 =	spop (v2sf);
	[smem:$0x7A0] =	sst s0  }
0x53e: {  	s24 =	smulhi.u32 $0x66666667, s23;
	s0 =	sshra.s32 s10, $0x1F;
	[smem:$0x7E6] =	sst s1  }
0x53f: {  	s1 =	sadd.s32 s9, s8;
	s10 =	spop (v2sf);
	s8 =	sld [smem:$0x78C]  }
0x540: {  	(v2sf) =	vpush v21, $0x0;
	s9 =	sld [smem:$0x78D];
	s31 =	smul.u32 $0x66666667, s0  }
0x541: {  	s0 =	sshra.s32 s23, $0x1F;
	[smem:$0x7E7] =	sst s1;
	s23 =	smulhi.u32 $0x66666667, s10  }
0x542: {  	(v2sf) =	vpush v21, $0x1;
	s1 =	sadd.s32 s12, s11;
	s7 =	spop (v2sf);
	s12 =	sld [smem:$0x78F]  }
0x543: {  	s21 =	smul.u32 $0x66666667, s0;
	[dreg:$0x1e] =	wrdreg s1  }
0x544: {  	s0 =	sshra.s32 s10, $0x1F;
	s1 =	sadd.s32 s22, s20;
	s10 =	sld [smem:$0x78E]  }
0x545: {  	s20 =	smulhi.u32 $0x66666667, s7;
	[dreg:$0x1d] =	wrdreg s1  }
0x546: {  	s11 =	smul.u32 $0x66666667, s0;
	s0 =	sshra.s32 s7, $0x1F;
	s7 =	sld [smem:$0x791]  }
0x547: {  	s1 =	sadd.s32 s9, s8;
	s8 =	sld [smem:$0x792]  }
0x548: {  	(v2sf) =	vpush v21, $0x2;
	[dreg:$0x1c] =	wrdreg s1  }
0x549: {  	(v2sf) =	vpush v21, $0x3;
	s21 =	sadd.s32 s21, s24;
	s1 =	sadd.s32 s12, s10;
	s12 =	sld [smem:$0x793]  }
0x54a: {  	[dreg:$0x15] =	wrdreg s21  }
0x54b: {  	[smem:$0x7E4] =	sst s1  }
0x54c: {  	s1 =	sadd.s32 s7, s6;
	s6 =	sld [smem:$0x794]  }
0x54d: {  	s9 =	smul.u32 $0x66666667, s0;
	s11 =	sadd.s32 s11, s23;
	s7 =	sld [smem:$0x795]  }
0x54e: {  	(v2sf) =	vpush v21, $0x4;
	[dreg:$0x16] =	wrdreg s11  }
0x54f: {  	s22 =	spop (v2sf);
	s9 =	sadd.s32 s9, s20;
	[smem:$0x7E8] =	sst s1  }
0x550: {  	s0 =	sshra.s32 s22, $0x1F;
	s10 =	smulhi.u32 $0x66666667, s22;
	[dreg:$0x14] =	wrdreg s9  }
0x551: {  	s22 =	spop (v2sf);
	s1 =	sadd.s32 s12, s8;
	s12 =	sld [smem:$0x796]  }
0x552: {  	s8 =	smul.u32 $0x66666667, s0;
	s0 =	sshra.s32 s22, $0x1F;
	[smem:$0x7E9] =	sst s1  }
0x553: {  	s1 =	sadd.s32 s7, s6;
	s7 =	smulhi.u32 $0x66666667, s22;
	s22 =	sld [smem:$0x797]  }
0x554: {  	s9 =	sld [smem:$0x7A2]  }
0x555: {  	[smem:$0x7EB] =	sst s1  }
0x556: {  	s6 =	smul.u32 $0x66666667, s0;
	s1 =	sadd.s32 s22, s12;
	s12 =	sld [smem:$0x798]  }
0x557: {  	(v2sf) =	vpush v21, $0x5;
	s0 =	spop (v2sf);
	s8 =	sadd.s32 s8, s10;
	s22 =	sld [smem:$0x799]  }
0x558: {  	s26 =	spop (v2sf);
	[dreg:$0x13] =	wrdreg s8  }
0x559: {  	s28 =	smulhi.u32 $0x66666667, s26;
	s6 =	sadd.s32 s6, s7;
	[smem:$0x7EC] =	sst s1  }
0x55a: {  	(v2sf) =	vpush v21, $0x6;
	s1 =	sadd.s32 s22, s12;
	s12 =	sshra.s32 s26, $0x1F;
	s26 =	sld [smem:$0x79B]  }
0x55b: {  	(v2sf) =	vpush v21, $0x7;
	[dreg:$0x12] =	wrdreg s6  }
0x55c: {  	[smem:$0x7ED] =	sst s1  }
0x55d: {  	s22 =	spop (v2sf);
	s25 =	sadd.s32 s30, s26;
	s26 =	sld [smem:$0x79D]  }
0x55e: {  	s12 =	smul.u32 $0x66666667, s12;
	[dreg:$0x1a] =	wrdreg s25  }
0x55f: {  	s29 =	sshra.s32 s22, $0x1F;
	s25 =	smulhi.u32 $0x66666667, s22;
	s22 =	sld [smem:$0x79E]  }
0x560: {  	s1 =	smulhi.u32 $0x66666667, s0;
	s0 =	sshra.s32 s0, $0x1F;
	s30 =	sld [smem:$0x79F]  }
0x561: {  	s0 =	smul.u32 $0x66666667, s0;
	s28 =	sadd.s32 s12, s28;
	s12 =	sld [smem:$0x7A7]  }
0x562: {  	s26 =	sadd.s32 s22, s26;
	s22 =	sld [smem:$0x7A0]  }
0x563: {  	s0 =	sadd.s32 s0, s1;
	[dreg:$0x10] =	wrdreg s28  }
0x564: {  	s29 =	smul.u32 $0x66666667, s29;
	[dreg:$0x11] =	wrdreg s0  }
0x565: {  	s20 =	sshrl.u32 s12, $0x1F;
	s30 =	sadd.s32 s22, s30;
	s22 =	sld [smem:$0x7A1]  }
0x566: {  	s6 =	sshra.s32 s12, $0x5;
	[dreg:$0x19] =	wrdreg s26;
	s26 =	spop (v2sf)  }
0x567: {  	[dreg:$0x18] =	wrdreg s30;
	s30 =	smulhi.u32 $0x66666667, s26;
	s26 =	sshra.s32 s26, $0x1F  }
0x568: {  	s12 =	sld [smem:$0x7AB];
	s26 =	smul.u32 $0x66666667, s26;
	s31 =	sadd.s32 s31, s22  }
0x569: {  	s22 =	spop (v2sf);
	[dreg:$0x17] =	wrdreg s31  }
0x56a: {  	s21 =	smulhi.u32 $0x66666667, s22;
	s22 =	sshra.s32 s22, $0x1F;
	s31 =	spop (v2sf)  }
0x56b: {  	s1 =	sadd.s32 s26, s30;
	s26 =	sld [smem:$0x7A5];
	s11 =	smul.u32 $0x66666667, s22  }
0x56c: {  	s30 =	sld [smem:$0x7A6];
	s22 =	smulhi.u32 $0x66666667, s31  }
0x56d: {  	s23 =	sshra.s32 s31, $0x1F;
	s31 =	sadd.s32 s29, s25;
	[dreg:$0xb] =	wrdreg s1  }
0x56e: {  	s10 =	sshrl.u32 s9, $0x1F;
	s24 =	smul.u32 $0x66666667, s23;
	[dreg:$0xd] =	wrdreg s31  }
0x56f: {  	s0 =	sshra.s32 s9, $0x5;
	s7 =	sadd.s32 s11, s21;
	s21 =	sld [smem:$0x7A8]  }
0x570: {  	s28 =	sshra.s32 s26, $0x5;
	s8 =	sadd.s32 s24, s22;
	s22 =	sld [smem:$0x7A3]  }
0x571: {  	s29 =	sshrl.u32 s26, $0x1F;
	s9 =	sshra.s32 s26, $0x1F;
	s26 =	sld [smem:$0x7A9]  }
0x572: {  	s31 =	sshrl.u32 s30, $0x1F;
	s24 =	sld [smem:$0x7A4]  }
0x573: {  	vm5 =	vcmask $0x300;
	vm11 =	vcmask $0x704;
	vm2 =	vcmask $0xB08;
	s1 =	sshra.s32 s30, $0x5;
	s30 =	sld [smem:$0x7AA];
	s23 =	sshra.s32 s22, $0x1F  }
0x574: {  	vm3 =	vcmask $0x1310;
	[dreg:$0xa] =	wrdreg s7;
	v24 =	vmov s29;
	v22 =	vmov s23  }
0x575: {  	vm12 =	vcmask $0xF0C;
	v24 =	vnsel vm5, $0x0, v24;
	s25 =	sshrl.u32 s24, $0x1F;
	s7 =	sshra.s32 s24, $0x5;
	s24 =	sshrl.u32 s21, $0x1F;
	v22 =	vsel vm5, s28, v22  }
0x576: {  	v23 =	vmov s25;
	s23 =	sshra.s32 s21, $0x5;
	v24 =	vsel vm2, s24, v24;
	s24 =	sld [smem:$0x7AC];
	v22 =	vsel vm11, s9, v22  }
0x577: {  	vm4 =	vcmask $0x1B18;
	[dreg:$0xf] =	wrdreg s8;
	s29 =	sshra.s32 s26, $0x5;
	s25 =	sshra.s32 s21, $0x1F;
	v23 =	vsel vm2, s10, v23;
	v22 =	vsel vm2, s23, v22  }
0x578: {  	vm13 =	vcmask $0x1714;
	s11 =	sshra.s32 s26, $0x1F;
	s21 =	sld [smem:$0x7AD];
	s28 =	sshrl.u32 s26, $0x1F;
	v23 =	vsel vm3, s31, v23;
	v25 =	vsel vm12, s25, v22  }
0x579: {  	v56 =	vsel vm3, s28, v24;
	s31 =	sshrl.u32 s30, $0x1F;
	v32 =	vsel vm4, s20, v23;
	s28 =	sshra.s32 s24, $0x5;
	s20 =	sld [smem:$0x7AE];
	v57 =	vsel vm3, s29, v25  }
0x57a: {  	vm6 =	vcmask $0x2320;
	vm7 =	vcmask $0x2B28;
	s25 =	sshrl.u32 s24, $0x1F;
	s29 =	sshra.s32 s24, $0x1F;
	s24 =	sld [smem:$0x7AF];
	v24 =	vsel vm13, s11, v57  }
0x57b: {  	vm14 =	vcmask $0x1F1C;
	s23 =	sshrl.u32 s12, $0x1F;
	s26 =	sshrl.u32 s21, $0x1F;
	v23 =	vsel vm4, s25, v56;
	s25 =	sld [smem:$0x7B0];
	v24 =	vsel vm4, s28, v24  }
0x57c: {  	s9 =	sshra.s32 s30, $0x5;
	v58 =	vmov s23;
	v23 =	vsel vm6, s26, v23;
	s26 =	sshra.s32 s21, $0x5;
	v24 =	vsel vm14, s29, v24;
	s29 =	sld [smem:$0x7B1]  }
0x57d: {  	vm15 =	vcmask $0x2724;
	v25 =	vsel vm2, s31, v58;
	s30 =	sshrl.u32 s20, $0x1F;
	s28 =	sshra.s32 s21, $0x1F;
	s31 =	sshrl.u32 s24, $0x1F;
	v24 =	vsel vm6, s26, v24  }
0x57e: {  	vm8 =	vcmask $0x3330;
	s23 =	sshrl.u32 s25, $0x1F;
	v23 =	vsel vm7, s31, v23;
	s31 =	sshrl.u32 s22, $0x1F;
	v59 =	vsel vm15, s28, v24;
	s28 =	sshra.s32 s24, $0x5  }
0x57f: {  	v25 =	vsel vm3, s30, v25;
	v23 =	vsel vm8, s23, v23;
	s23 =	sshra.s32 s22, $0x5;
	s22 =	sld [smem:$0x7B6];
	s30 =	sshrl.u32 s29, $0x1F  }
0x580: {  	vm10 =	vcmask $0x3B38;
	s11 =	sshra.s32 s29, $0x5;
	s29 =	sshra.s32 s24, $0x1F;
	s24 =	sld [smem:$0x7B2]  }
0x581: {  	vm9 =	vcmask $0x2F2C;
	v30 =	vsel vm10, s31, v23;
	v23 =	vsel vm7, s28, v59;
	s28 =	sld [smem:$0x7B4]  }
0x582: {  	v22 =	vld [tilespmem:$0xD960];
	s31 =	sshra.s32 s25, $0x1F;
	v40 =	vsel vm4, s30, v25;
	s30 =	sshra.s32 s25, $0x5;
	v23 =	vsel vm9, s29, v23;
	s25 =	sld [smem:$0x7B3]  }
0x583: {  	vm1 =	vcmask $0x3734;
	s8 =	sshra.s32 s12, $0x5;
	v60 =	vmov s7;
	s20 =	sshra.s32 s20, $0x5;
	s29 =	sld [smem:$0x7B5];
	v23 =	vsel vm8, s30, v23  }
0x584: {  	v24 =	vsel vm2, s0, v60;
	s30 =	sshra.s32 s22, $0x1F;
	s21 =	sshrl.u32 s24, $0x1F;
	v23 =	vsel vm1, s31, v23;
	s31 =	sld [smem:$0x7B7]  }
0x585: {  	v24 =	vsel vm3, s1, v24;
	s12 =	sshrl.u32 s28, $0x1F;
	s1 =	sshra.s32 s28, $0x5;
	s28 =	sld [smem:$0x7B9]  }
0x586: {  	s26 =	sshrl.u32 s25, $0x1F;
	s7 =	sshra.s32 s25, $0x5;
	s25 =	sld [smem:$0x7B8]  }
0x587: {  	v61 =	vmov s8;
	(v2sf) =	vpush v22, $0xD;
	v34 =	vsel vm4, s6, v24;
	s10 =	sshrl.u32 s29, $0x1F;
	s6 =	sshra.s32 s29, $0x5;
	s29 =	sld [smem:$0x7BA]  }
0x588: {  	(v2sf) =	vpush v22, $0xC;
	v25 =	vsel vm2, s9, v61;
	s0 =	sshra.s32 s24, $0x5;
	v33 =	vsel vm10, s23, v23;
	s23 =	sshrl.u32 s31, $0x1F;
	s24 =	sshra.s32 s31, $0x5  }
0x589: {  	v62 =	vsel vm3, s20, v25;
	s8 =	sshrl.u32 s25, $0x1F;
	s9 =	sshra.s32 s25, $0x5;
	s25 =	sld [smem:$0x7BB]  }
0x58a: {  	v36 =	vsel vm4, s11, v62;
	v63 =	vmov s30;
	v28 =	vmov s26;
	s26 =	sshra.s32 s31, $0x1F;
	s11 =	sshrl.u32 s28, $0x1F;
	s30 =	sshrl.u32 s29, $0x1F  }
0x58b: {  	v24 =	vsel vm2, s21, v28;
	v23 =	vsel vm5, s24, v63;
	s31 =	sshra.s32 s29, $0x5;
	s24 =	sshra.s32 s29, $0x1F;
	s29 =	sld [smem:$0x7BC]  }
0x58c: {  	v29 =	vmov s23;
	v24 =	vsel vm3, s12, v24;
	s12 =	sshra.s32 s28, $0x5;
	v23 =	vsel vm11, s26, v23;
	s26 =	sld [smem:$0x7BD];
	s28 =	sshrl.u32 s25, $0x1F  }
0x58d: {  	v25 =	vnsel vm5, $0x0, v29;
	v26 =	vsel vm2, s31, v23;
	s31 =	sshra.s32 s25, $0x5;
	s23 =	sshra.s32 s25, $0x1F;
	s25 =	sld [smem:$0x7BE]  }
0x58e: {  	s20 =	sld [smem:$0x7C5];
	v25 =	vsel vm2, s30, v25;
	v35 =	vsel vm12, s24, v26  }
0x58f: {  	s21 =	sshra.s32 s22, $0x5;
	v31 =	vsel vm3, s28, v25;
	s30 =	sshrl.u32 s26, $0x1F;
	v25 =	vsel vm3, s31, v35;
	s28 =	sld [smem:$0x7BF]  }
0x590: {  	v23 =	vsel vm4, s10, v24;
	s10 =	sshrl.u32 s29, $0x1F;
	v24 =	vsel vm4, s30, v31;
	v25 =	vsel vm13, s23, v25;
	s23 =	sld [smem:$0x7C1];
	s24 =	sshrl.u32 s25, $0x1F  }
0x591: {  	v37 =	vmov s11;
	v28 =	vmov s12;
	s11 =	sshra.s32 s29, $0x5;
	s31 =	sshra.s32 s26, $0x5;
	v24 =	vsel vm6, s24, v24;
	s24 =	sld [smem:$0x7C0]  }
0x592: {  	v28 =	vsel vm2, s9, v28;
	v26 =	vsel vm2, s8, v37;
	s26 =	sshra.s32 s26, $0x1F;
	v27 =	vsel vm4, s31, v25;
	s31 =	sshrl.u32 s22, $0x1F;
	s22 =	sld [smem:$0x7C2]  }
0x593: {  	v26 =	vsel vm3, s10, v26;
	v28 =	vsel vm3, s11, v28;
	s29 =	sshrl.u32 s28, $0x1F;
	s10 =	sshra.s32 s28, $0x5;
	s28 =	sshrl.u32 s23, $0x1F  }
0x594: {  	v38 =	vsel vm14, s26, v27;
	v25 =	vsel vm4, s29, v26;
	s29 =	sshra.s32 s25, $0x5;
	v31 =	vsel vm4, s10, v28;
	s10 =	sld [smem:$0x7C7];
	s30 =	sshrl.u32 s24, $0x1F  }
0x595: {  	v26 =	vsel vm6, s29, v38;
	s26 =	sshra.s32 s24, $0x1F;
	v24 =	vsel vm7, s30, v24;
	s30 =	sshra.s32 s25, $0x1F;
	s25 =	sshra.s32 s24, $0x5  }
0x596: {  	v39 =	vmov s7;
	s24 =	sld [smem:$0x7C4];
	v24 =	vsel vm8, s28, v24;
	s28 =	spop (v2sf);
	v26 =	vsel vm15, s30, v26;
	s30 =	sshra.s32 s23, $0x5  }
0x597: {  	v27 =	vsel vm2, s0, v39;
	s0 =	smulhi.u32 $0x66666667, s28;
	s29 =	sshra.s32 s28, $0x1F;
	v26 =	vsel vm7, s25, v26;
	s12 =	spop (v2sf)  }
0x598: {  	v26 =	vsel vm9, s26, v26;
	s11 =	smulhi.u32 $0x66666667, s12;
	s8 =	sshra.s32 s12, $0x1F;
	s12 =	sld [smem:$0x7C3]  }
0x599: {  	s7 =	smul.u32 $0x66666667, s29;
	v26 =	vsel vm8, s30, v26;
	s30 =	sld [smem:$0x7C6]  }
0x59a: {  	v24 =	vsel vm10, s31, v24;
	s31 =	sshra.s32 s23, $0x1F;
	s25 =	sshrl.u32 s22, $0x1F;
	s28 =	sshra.s32 s24, $0x1F  }
0x59b: {  	s0 =	sadd.s32 s7, s0;
	s7 =	sld [smem:$0x7CA];
	s26 =	sshrl.u32 s12, $0x1F  }
0x59c: {  	v41 =	vmov s25;
	v26 =	vsel vm1, s31, v26;
	[dreg:$0xc] =	wrdreg s0;
	s31 =	sshrl.u32 s30, $0x1F;
	s23 =	sshra.s32 s30, $0x5  }
0x59d: {  	v35 =	vmov s28;
	v28 =	vsel vm2, s26, v41;
	s25 =	sshra.s32 s30, $0x1F;
	s26 =	smul.u32 $0x66666667, s8;
	s30 =	sld [smem:$0x7C9]  }
0x59e: {  	s29 =	sshrl.u32 s20, $0x1F;
	v29 =	vsel vm10, s21, v26;
	s21 =	sld [smem:$0x7C8];
	v43 =	vsel vm5, s23, v35  }
0x59f: {  	v42 =	vsel vm3, s29, v28;
	v44 =	vmov s31;
	v28 =	vsel vm11, s25, v43;
	s8 =	sadd.s32 s26, s11;
	s25 =	sld [smem:$0x7CB]  }
0x5a0: {  	v27 =	vsel vm3, s1, v27;
	v35 =	vnsel vm5, $0x0, v44;
	[dreg:$0xe] =	wrdreg s8;
	s9 =	sshrl.u32 s30, $0x1F  }
0x5a1: {  	v27 =	vsel vm4, s6, v27;
	s6 =	sshra.s32 s10, $0x5;
	s31 =	sshra.s32 s30, $0x5;
	v35 =	vsel vm2, s9, v35;
	s9 =	sld [smem:$0x7CC]  }
0x5a2: {  	s28 =	sshrl.u32 s10, $0x1F;
	s29 =	sshrl.u32 s21, $0x1F;
	v28 =	vsel vm2, s31, v28;
	s31 =	sld [smem:$0x7CD]  }
0x5a3: {  	s23 =	sshrl.u32 s7, $0x1F;
	v37 =	vmov s29;
	s11 =	sshra.s32 s30, $0x1F;
	s8 =	sld [smem:$0x7CE]  }
0x5a4: {  	v26 =	vsel vm4, s28, v42;
	v37 =	vsel vm2, s23, v37;
	s23 =	sld [smem:$0x7CF];
	v28 =	vsel vm12, s11, v28;
	s26 =	sshrl.u32 s25, $0x1F;
	s28 =	sshra.s32 s25, $0x5  }
0x5a5: {  	s29 =	sshra.s32 s25, $0x1F;
	v28 =	vsel vm3, s28, v28;
	s30 =	sshrl.u32 s9, $0x1F;
	s25 =	sshrl.u32 s31, $0x1F  }
0x5a6: {  	v35 =	vsel vm3, s26, v35;
	v28 =	vsel vm13, s29, v28;
	s29 =	sshra.s32 s31, $0x5;
	v37 =	vsel vm3, s30, v37;
	s30 =	sshra.s32 s22, $0x5;
	s22 =	sld [smem:$0x7D0]  }
0x5a7: {  	(v2sf) =	vpush v22, $0xE;
	s10 =	sshra.s32 s21, $0x5;
	s28 =	sshrl.u32 s23, $0x1F;
	s31 =	sshra.s32 s31, $0x1F;
	v38 =	vsel vm4, s25, v35;
	v28 =	vsel vm4, s29, v28  }
0x5a8: {  	v48 =	vmov s10;
	s10 =	sld [smem:$0x7D3];
	s26 =	sshrl.u32 s8, $0x1F;
	v45 =	vsel vm6, s28, v38;
	v28 =	vsel vm14, s31, v28;
	s28 =	sshra.s32 s23, $0x5  }
0x5a9: {  	s25 =	sshra.s32 s12, $0x5;
	v41 =	vsel vm6, s28, v28;
	s28 =	sld [smem:$0x7D2];
	s11 =	sshrl.u32 s22, $0x1F  }
0x5aa: {  	s29 =	sshra.s32 s20, $0x5;
	v35 =	vsel vm4, s26, v37;
	v39 =	vmov s30;
	s30 =	sshra.s32 s23, $0x1F;
	v37 =	vsel vm7, s11, v45;
	s11 =	sld [smem:$0x7D1]  }
0x5ab: {  	v41 =	vsel vm15, s30, v41;
	s12 =	sshra.s32 s22, $0x5;
	s23 =	sshra.s32 s22, $0x1F;
	s22 =	sld [smem:$0x7D6]  }
0x5ac: {  	s20 =	sshra.s32 s7, $0x5;
	s31 =	sshrl.u32 s24, $0x1F;
	v39 =	vsel vm2, s25, v39;
	v41 =	vsel vm7, s12, v41;
	s12 =	sld [smem:$0x7D4]  }
0x5ad: {  	v47 =	vsel vm3, s29, v39;
	v41 =	vsel vm9, s23, v41;
	s29 =	sshrl.u32 s28, $0x1F;
	s23 =	sld [smem:$0x7D8];
	s26 =	sshrl.u32 s11, $0x1F  }
0x5ae: {  	v42 =	vmov s29;
	s29 =	sshra.s32 s22, $0x1F;
	s30 =	sshra.s32 s11, $0x1F;
	v37 =	vsel vm8, s26, v37;
	s26 =	sshra.s32 s11, $0x5  }
0x5af: {  	v46 =	vld [tilespmem:$0xD880];
	s11 =	sshrl.u32 s10, $0x1F;
	v28 =	vsel vm10, s31, v37;
	v37 =	vsel vm2, s20, v48;
	s31 =	sshra.s32 s24, $0x5;
	s20 =	sshrl.u32 s12, $0x1F  }
0x5b0: {  	v41 =	vsel vm8, s26, v41;
	v43 =	vsel vm2, s11, v42;
	s24 =	sshrl.u32 s22, $0x1F;
	s26 =	sshra.s32 s22, $0x5;
	s22 =	sld [smem:$0x7D9]  }
0x5b1: {  	s21 =	sshra.s32 s9, $0x5;
	v49 =	vsel vm3, s20, v43;
	s20 =	sld [smem:$0x7D5]  }
0x5b2: {  	s7 =	sshra.s32 s28, $0x5;
	s28 =	sshra.s32 s23, $0x1F;
	v50 =	vmov s24;
	s24 =	sld [smem:$0x7DA]  }
0x5b3: {  	s25 =	sshra.s32 s8, $0x5;
	v44 =	vmov s28;
	s28 =	sld [smem:$0x7DD];
	v37 =	vsel vm3, s21, v37  }
0x5b4: {  	v38 =	vsub.f32 $0.0e+00, v46;
	s0 =	sshra.s32 s12, $0x5;
	s12 =	sld [smem:$0x7DB];
	v41 =	vsel vm1, s30, v41;
	v42 =	vsel vm4, s25, v37;
	s21 =	sshrl.u32 s20, $0x1F  }
0x5b5: {  	v37 =	vsel vm10, s31, v41;
	v41 =	vnsel vm5, $0x0, v50;
	s31 =	sshrl.u32 s24, $0x1F;
	v43 =	vsel vm4, s21, v49;
	s21 =	sld [smem:$0x7D7]  }
0x5b6: {  	s1 =	sshra.s32 s10, $0x5;
	s11 =	sld [smem:$0x7DC];
	v44 =	vsel vm5, s26, v44;
	s26 =	sshrl.u32 s28, $0x1F;
	v41 =	vsel vm2, s31, v41  }
0x5b7: {  	v38 =	vmul.f32 $1.442695020e+00, v38;
	s30 =	sshrl.u32 s22, $0x1F;
	s31 =	spop (v2sf);
	v41 =	vsel vm3, s26, v41;
	s26 =	sld [smem:$0x7DE]  }
0x5b8: {  	s9 =	smulhi.u32 $0x66666667, s31;
	s31 =	sshra.s32 s31, $0x1F;
	s25 =	sshrl.u32 s21, $0x1F  }
0x5b9: {  	v39 =	vsel vm4, s6, v47;
	(erf) = vpow2.f32 v38;
	s10 =	sshrl.u32 s12, $0x1F;
	s6 =	smul.u32 $0x66666667, s31;
	s21 =	sshra.s32 s21, $0x5;
	v51 =	vmov s25  }
0x5ba: {  	v44 =	vsel vm11, s29, v44;
	s25 =	sshrl.u32 s11, $0x1F;
	s29 =	sshrl.u32 s26, $0x1F;
	v56 =	vmov s21;
	s21 =	sld [smem:$0x7E8];
	v38 =	vsel vm2, s30, v51  }
0x5bb: {  	s30 =	sshra.s32 s24, $0x5;
	v52 =	vsel vm4, s29, v41;
	s29 =	sshra.s32 s24, $0x1F;
	s24 =	sld [smem:$0x7E0];
	v38 =	vsel vm3, s10, v38  }
0x5bc: {  	s31 =	sshra.s32 s20, $0x5;
	s20 =	sadd.s32 s6, s9;
	v53 =	vsel vm2, s30, v44;
	v46 =	vsel vm4, s25, v38;
	s25 =	sld [smem:$0x7DF]  }
0x5bd: {  	[smem:$0x7F6] =	sst s20;
	s10 =	sshra.s32 s28, $0x5;
	v41 =	vsel vm12, s29, v53  }
0x5be: {  	v54 =	vmov s7;
	s7 =	sshrl.u32 s23, $0x1F;
	s29 =	sshra.s32 s28, $0x1F;
	v41 =	vsel vm3, s10, v41;
	s10 =	sld [smem:$0x7E1]  }
0x5bf: {  	v45 =	vld [tilespmem:$0xD890];
	v41 =	vsel vm13, s29, v41;
	s29 =	sshra.s32 s22, $0x5;
	s22 =	sld [smem:$0x7E2];
	s30 =	sshrl.u32 s25, $0x1F  }
0x5c0: {  	s20 =	sshra.s32 s23, $0x5;
	s28 =	sshra.s32 s26, $0x1F;
	s8 =	sshrl.u32 s24, $0x1F;
	v38 =	vsel vm6, s30, v52  }
0x5c1: {  	v44 =	vsel vm2, s1, v54;
	s9 =	sshra.s32 s24, $0x5;
	s30 =	sshrl.u32 s10, $0x1F;
	v38 =	vsel vm7, s8, v38;
	s8 =	sshra.s32 s26, $0x5  }
0x5c2: {  	v47 =	vsel vm3, s0, v44;
	s23 =	sshrl.u32 s22, $0x1F;
	s6 =	sshra.s32 s22, $0x5;
	s22 =	sld [smem:$0x7E4];
	v38 =	vsel vm8, s30, v38;
	v55 =	vsel vm4, s8, v41  }
0x5c3: {  	v48 =	vsel vm4, s31, v47;
	s31 =	sshra.s32 s25, $0x5;
	s30 =	sshra.s32 s12, $0x5;
	v44 =	vsel vm10, s7, v38;
	v38 =	vsel vm14, s28, v55;
	s28 =	sld [smem:$0x7E5]  }
0x5c4: {  	v45 =	vsub.f32 $0.0e+00, v45;
	v57 =	vpop (erf);
	v41 =	vsel vm2, s29, v56;
	s7 =	sshra.s32 s11, $0x5;
	s11 =	sshra.s32 s24, $0x1F;
	s24 =	sld [smem:$0x7E3]  }
0x5c5: {  	v47 =	vadd.f32 $1.000000000e+00, v57;
	s8 =	sshra.s32 s25, $0x1F;
	v41 =	vsel vm3, s30, v41;
	s30 =	sld [smem:$0x7E6];
	v38 =	vsel vm6, s31, v38  }
0x5c6: {  	v38 =	vsel vm15, s8, v38;
	s29 =	sshrl.u32 s28, $0x1F;
	s1 =	sshra.s32 s28, $0x5;
	s28 =	sld [smem:$0x7E9]  }
0x5c7: {  	v45 =	vmul.f32 $1.442695020e+00, v45;
	(erf) = vrcp.f32 v47;
	v38 =	vsel vm7, s9, v38;
	s25 =	sshrl.u32 s24, $0x1F;
	s9 =	rddreg [dreg:$0x19]  }
0x5c8: {  	s12 =	sshra.s32 s10, $0x5;
	v50 =	vsel vm4, s7, v41;
	s26 =	sshrl.u32 s22, $0x1F;
	v38 =	vsel vm9, s11, v38;
	v58 =	vmov s25;
	s25 =	rddreg [dreg:$0x1e]  }
0x5c9: {  	s10 =	sshra.s32 s10, $0x1F;
	v59 =	vmov s26;
	s8 =	sshra.s32 s24, $0x5;
	v38 =	vsel vm8, s12, v38;
	v41 =	vsel vm2, s23, v58;
	s23 =	sld [smem:$0x7EB]  }
0x5ca: {  	(erf) = vpow2.f32 v45;
	s31 =	sshrl.u32 s30, $0x1F;
	v45 =	vnsel vm5, $0x0, v59;
	s24 =	sshrl.u32 s21, $0x1F;
	v38 =	vsel vm1, s10, v38;
	s10 =	sld [smem:$0x7E7]  }
0x5cb: {  	s0 =	sshra.s32 s30, $0x5;
	v60 =	vsel vm2, s24, v45;
	v59 =	vmov s8;
	v41 =	vsel vm3, s29, v41;
	s30 =	sshrl.u32 s28, $0x1F;
	s29 =	sld [smem:$0x7EA]  }
0x5cc: {  	s24 =	sld [smem:$0x7EC];
	v47 =	vsel vm10, s20, v38;
	v38 =	vsel vm3, s30, v60;
	v60 =	vsel vm2, s6, v59;
	s6 =	sshra.s32 s9, $0x5  }
0x5cd: {  	s26 =	sshrl.u32 s25, $0x1F;
	s11 =	sshrl.u32 s23, $0x1F;
	[smem:$0x7EF] =	sst s6  }
0x5ce: {  	v49 =	vsel vm4, s31, v41;
	s6 =	rddreg [dreg:$0x17];
	s12 =	sshrl.u32 s10, $0x1F;
	s31 =	sshra.s32 s29, $0x1F  }
0x5cf: {  	s7 =	sshra.s32 s10, $0x5;
	v38 =	vsel vm4, s11, v38;
	s10 =	sshra.s32 s25, $0x5;
	s25 =	sshrl.u32 s24, $0x1F  }
0x5d0: {  	v61 =	vmov s26;
	s20 =	sshra.s32 s22, $0x5;
	s22 =	sshra.s32 s22, $0x1F;
	v62 =	vmov s31;
	v38 =	vsel vm6, s25, v38;
	s25 =	sld [smem:$0x7ED]  }
0x5d1: {  	v41 =	vsel vm2, s12, v61;
	s31 =	sshra.s32 s21, $0x5;
	s12 =	sshra.s32 s21, $0x1F;
	s21 =	rddreg [dreg:$0x1c];
	v45 =	vsel vm5, s20, v62  }
0x5d2: {  	v45 =	vsel vm11, s22, v45;
	s22 =	rddreg [dreg:$0x1d]  }
0x5d3: {  	s20 =	sshra.s32 s28, $0x5;
	s26 =	sshrl.u32 s22, $0x1F;
	s30 =	sshrl.u32 s25, $0x1F;
	v45 =	vsel vm2, s31, v45  }
0x5d4: {  	s11 =	sshra.s32 s22, $0x5;
	v41 =	vsel vm3, s26, v41;
	v38 =	vsel vm7, s30, v38;
	s30 =	sshrl.u32 s21, $0x1F;
	s26 =	rddreg [dreg:$0x1f];
	v45 =	vsel vm12, s12, v45  }
0x5d5: {  	s22 =	sshra.s32 s28, $0x1F;
	s31 =	sshrl.u32 s26, $0x1F;
	v52 =	vsel vm4, s30, v41;
	v45 =	vsel vm3, s20, v45;
	s30 =	smov.u32 s23  }
0x5d6: {  	s23 =	sshra.s32 s23, $0x5;
	v57 =	vsel vm13, s22, v45;
	s22 =	rddreg [dreg:$0x1b];
	v45 =	vsel vm3, s1, v60;
	s1 =	sshra.s32 s6, $0x5  }
0x5d7: {  	v51 =	vld [tilespmem:$0xD8A0];
	v63 =	vsel vm8, s31, v38;
	s31 =	sshra.s32 s30, $0x1F;
	s30 =	sshra.s32 s22, $0x5;
	[smem:$0x7F2] =	sst s1  }
0x5d8: {  	v61 =	vmov s10;
	s10 =	sshrl.u32 s9, $0x1F;
	v41 =	vsel vm4, s23, v57;
	[smem:$0x7EE] =	sst s30  }
0x5d9: {  	(v2sf) =	vpush v22, $0xF;
	s28 =	sshrl.u32 s29, $0x1F;
	s12 =	sshra.s32 s24, $0x5;
	v38 =	vpop (erf);
	v41 =	vsel vm14, s31, v41;
	s31 =	rddreg [dreg:$0x1a]  }
0x5da: {  	s8 =	sshra.s32 s25, $0x5;
	s21 =	sshra.s32 s21, $0x5;
	v53 =	vpop (erf);
	v41 =	vsel vm6, s12, v41;
	s12 =	rddreg [dreg:$0x18]  }
0x5db: {  	(v2sf) =	vpush v22, $0x9;
	s24 =	sshra.s32 s24, $0x1F;
	v58 =	vadd.f32 $1.000000000e+00, v53;
	v53 =	vsel vm2, s7, v61;
	s7 =	sshrl.u32 s6, $0x1F;
	s6 =	rddreg [dreg:$0x12]  }
0x5dc: {  	v54 =	vsub.f32 $0.0e+00, v51;
	v51 =	vsel vm10, s28, v63;
	s28 =	sshra.s32 s29, $0x5;
	s30 =	sshrl.u32 s31, $0x1F;
	v62 =	vsel vm3, s11, v53;
	s11 =	rddreg [dreg:$0x16]  }
0x5dd: {  	(v2sf) =	vpush v22, $0x8;
	s29 =	sshrl.u32 s22, $0x1F;
	s22 =	sshra.s32 s12, $0x5;
	v63 =	vmov s30;
	s30 =	rddreg [dreg:$0x13]  }
0x5de: {  	s23 =	sshra.s32 s25, $0x1F;
	s25 =	sshra.s32 s26, $0x5;
	v41 =	vsel vm15, s24, v41;
	[smem:$0x7F0] =	sst s22  }
0x5df: {  	s26 =	sshra.s32 s26, $0x1F;
	s20 =	sshra.s32 s31, $0x5;
	v41 =	vsel vm7, s8, v41;
	s8 =	rddreg [dreg:$0x15]  }
0x5e0: {  	s31 =	sshrl.u32 s12, $0x1F;
	s12 =	sshra.s32 s11, $0x5;
	s22 =	rddreg [dreg:$0x14]  }
0x5e1: {  	v56 =	vsel vm4, s21, v62;
	v60 =	vsel vm2, s29, v63;
	s29 =	sshra.s32 s30, $0x1F;
	s21 =	sshra.s32 s6, $0x1F;
	[smem:$0x7F3] =	sst s12  }
0x5e2: {  	v54 =	vmul.f32 $1.442695020e+00, v54;
	v55 =	vsel vm4, s0, v45;
	s9 =	sshrl.u32 s8, $0x1F;
	s0 =	sshra.s32 s8, $0x5;
	v61 =	vsel vm3, s10, v60;
	s10 =	rddreg [dreg:$0x11]  }
0x5e3: {  	(erf) = vrcp.f32 v58;
	v41 =	vsel vm9, s23, v41;
	s1 =	sshra.s32 s22, $0x5;
	s8 =	sshrl.u32 s6, $0x1F;
	s12 =	rddreg [dreg:$0x10]  }
0x5e4: {  	(v2sf) =	vpush v22, $0xA;
	(erf) = vpow2.f32 v54;
	[smem:$0x7F1] =	sst s0;
	s0 =	sshrl.u32 s11, $0x1F;
	v41 =	vsel vm8, s25, v41;
	s25 =	sshrl.u32 s22, $0x1F  }
0x5e5: {  	[smem:$0x7F4] =	sst s1;
	s1 =	sshrl.u32 s30, $0x1F;
	s11 =	sshra.s32 s6, $0x5  }
0x5e6: {  	v54 =	vsel vm4, s31, v61;
	v62 =	vmov s9;
	s23 =	sshra.s32 s10, $0x5;
	s31 =	sshra.s32 s10, $0x1F;
	s9 =	sshra.s32 s12, $0x5  }
0x5e7: {  	s22 =	smov.u32 s12;
	s6 =	rddreg [dreg:$0xf];
	v41 =	vsel vm1, s26, v41;
	s26 =	sshra.s32 s30, $0x5  }
0x5e8: {  	v57 =	vld [tilespmem:$0xD8B0];
	v58 =	vmov s1;
	s30 =	spop (v2sf);
	v53 =	vsel vm10, s28, v41;
	s28 =	sshrl.u32 s10, $0x1F;
	v41 =	vsel vm2, s7, v62;
	s7 =	sshrl.u32 s12, $0x1F  }
0x5e9: {  	v58 =	vnsel vm5, $0x0, v58;
	s10 =	sshra.s32 s22, $0x1F;
	s12 =	smulhi.u32 $0x66666667, s30;
	s22 =	sshra.s32 s30, $0x1F  }
0x5ea: {  	(v2sf) =	vpush v22, $0xB;
	s30 =	rddreg [dreg:$0xd];
	s1 =	spop (v2sf);
	v58 =	vsel vm2, s8, v58;
	s8 =	sshra.s32 s6, $0x1F  }
0x5eb: {  	(v2sf) =	vpush v22, $0x0;
	s24 =	sshrl.u32 s30, $0x1F;
	s22 =	smul.u32 $0x66666667, s22;
	v60 =	vmov s8;
	v58 =	vsel vm3, s28, v58;
	s28 =	sshra.s32 s1, $0x1F  }
0x5ec: {  	(v2sf) =	vpush v22, $0x1;
	v41 =	vsel vm3, s0, v41;
	s0 =	spop (v2sf);
	s8 =	sshra.s32 s30, $0x5;
	v60 =	vsel vm5, s26, v60;
	s28 =	smul.u32 $0x66666667, s28;
	v45 =	vpop (erf)  }
0x5ed: {  	v57 =	vsub.f32 $0.0e+00, v57;
	s26 =	sshra.s32 s30, $0x1F;
	s30 =	rddreg [dreg:$0xb];
	v58 =	vsel vm4, s7, v58;
	v60 =	vsel vm11, s29, v60;
	s29 =	smulhi.u32 $0x66666667, s1;
	v59 =	vpop (erf)  }
0x5ee: {  	s1 =	sshrl.u32 s30, $0x1F;
	s7 =	sshra.s32 s30, $0x5;
	v58 =	vsel vm6, s24, v58;
	v63 =	vsel vm2, s11, v60;
	s11 =	sshra.s32 s30, $0x1F;
	v59 =	vadd.f32 $1.000000000e+00, v59  }
0x5ef: {  	v57 =	vmul.f32 $1.442695020e+00, v57;
	s30 =	rddreg [dreg:$0xa];
	v60 =	vsel vm7, s1, v58;
	s1 =	smulhi.u32 $0x66666667, s0;
	s0 =	sshra.s32 s0, $0x1F  }
0x5f0: {  	s24 =	sshra.s32 s30, $0x5;
	s29 =	sadd.s32 s28, s29;
	s28 =	sld [smem:$0x7F1];
	(erf) = vrcp.f32 v59;
	v59 =	vsel vm12, s21, v63  }
0x5f1: {  	(v2sf) =	vpush v22, $0x2;
	[smem:$0x7F8] =	sst s29;
	s21 =	sshrl.u32 s30, $0x1F;
	s30 =	smov.u32 s30;
	(erf) = vpow2.f32 v57;
	v61 =	vsel vm3, s23, v59  }
0x5f2: {  	v57 =	vsel vm4, s25, v41;
	s23 =	sshra.s32 s30, $0x1F;
	v59 =	vsel vm8, s21, v60;
	s21 =	smul.u32 $0x66666667, s0;
	s30 =	rddreg [dreg:$0xc];
	v41 =	vsel vm13, s31, v61  }
0x5f3: {  	s25 =	spop (v2sf);
	s0 =	sshra.s32 s6, $0x5;
	v61 =	vsel vm4, s9, v41;
	s9 =	sld [smem:$0x7EE]  }
0x5f4: {  	(v2sf) =	vpush v22, $0x3;
	v58 =	vmov s20;
	s31 =	sshrl.u32 s6, $0x1F;
	s20 =	smulhi.u32 $0x66666667, s25;
	s6 =	sld [smem:$0x7EF]  }
0x5f5: {  	(v2sf) =	vpush v22, $0x4;
	s1 =	sadd.s32 s21, s1;
	v61 =	vsel vm14, s10, v61;
	s10 =	sshra.s32 s25, $0x1F;
	s25 =	sld [smem:$0x7F6]  }
0x5f6: {  	[smem:$0x7F9] =	sst s1;
	v58 =	vsel vm2, s9, v58  }
0x5f7: {  	v62 =	vsel vm3, s6, v58;
	s6 =	sadd.s32 s22, s12;
	s22 =	sld [smem:$0x7F0]  }
0x5f8: {  	(v2sf) =	vpush v22, $0x5;
	s10 =	smul.u32 $0x66666667, s10;
	s9 =	rddreg [dreg:$0xe]  }
0x5f9: {  	v34 =	vcombine.low v36, v34;
	(v2sf) =	vpush v22, $0x6;
	v60 =	vld [tilespmem:$0xD8C0];
	s30 =	sshrl.u32 s30, $0x1F;
	v61 =	vsel vm6, s8, v61;
	s12 =	spop (v2sf);
	[smem:$0x7F7] =	sst s6  }
0x5fa: {  	v41 =	vld [tilespmem:$0xD970];
	v58 =	vsel vm10, s31, v59;
	s31 =	spop (v2sf);
	v59 =	vsel vm4, s22, v62;
	v62 =	vsel vm15, s26, v61;
	s26 =	smulhi.u32 $0x66666667, s12;
	s12 =	sshra.s32 s12, $0x1F  }
0x5fb: {  	(v2sf) =	vpush v22, $0x7;
	s8 =	sshrl.u32 s6, $0x1F;
	s22 =	sld [smem:$0x7F2];
	s6 =	smul.u32 $0x66666667, s12  }
0x5fc: {  	v32 =	vcombine.low v40, v32;
	v34 =	vperm.xlane v34, v15;
	v61 =	vsel vm7, s7, v62;
	s7 =	sshrl.u32 s29, $0x1F;
	s29 =	smulhi.u32 $0x66666667, s31;
	s12 =	sshra.s32 s31, $0x1F  }
0x5fd: {  	v46 =	vcombine.low v46, v43;
	v52 =	vcombine.low v52, v49;
	s1 =	sshrl.u32 s1, $0x1F;
	s31 =	spop (v2sf);
	s12 =	smul.u32 $0x66666667, s12  }
0x5fe: {  	vm11 =	vmmov vm1;
	v4 =	vmov s28;
	s9 =	sshrl.u32 s9, $0x1F;
	v61 =	vsel vm9, s11, v61;
	[smem:$0x7F5] =	sst s7;
	s11 =	smulhi.u32 $0x66666667, s31  }
0x5ff: {  	vm13 =	vmmov vm9;
	v60 =	vsub.f32 $0.0e+00, v60;
	(v2sf) =	vpush v41, $0xD;
	v40 =	vpop (erf);
	s21 =	sshra.s32 s31, $0x1F;
	s7 =	sadd.s32 s10, s20;
	s31 =	sld [smem:$0x7F3]  }
0x600: {  	(v2sf) =	vpush v41, $0xC;
	v63 =	vpop (erf);
	v62 =	vperm.xlane v32, v15;
	v4 =	vsel vm2, s22, v4;
	[smem:$0x7FA] =	sst s7;
	s10 =	smul.u32 $0x66666667, s21;
	s22 =	sadd.s32 s6, s26  }
0x601: {  	s25 =	sshrl.u32 s25, $0x1F;
	v32 =	vmul.u32 $0x2, v2;
	v63 =	vadd.f32 $1.000000000e+00, v63;
	v61 =	vsel vm8, s24, v61;
	s24 =	spop (v2sf);
	[smem:$0x7FB] =	sst s22  }
0x602: {  	v5 =	vmov s1;
	v60 =	vmul.f32 $1.442695020e+00, v60;
	vm9 =	vmmov $0xff;
	s6 =	smulhi.u32 $0x66666667, s24;
	s20 =	sshra.s32 s24, $0x1F;
	s21 =	sadd.s32 s12, s29  }
0x603: {  	v30 =	vperm.xlane v30, v32;
	(erf) = vrcp.f32 v63;
	(v2sf) =	vpush v41, $0xE;
	s29 =	spop (v2sf);
	s12 =	smul.u32 $0x66666667, s20;
	s26 =	sshrl.u32 s21, $0x1F  }
0x604: {  	v33 =	vperm.xlane v33, v32;
	(v2sf) =	vpush v41, $0xF;
	v36 =	vsel vm1, s23, v61;
	s28 =	smulhi.u32 $0x66666667, s29;
	s20 =	sshra.s32 s29, $0x1F;
	s23 =	spop (v2sf)  }
0x605: {  	(erf) = vpow2.f32 v60;
	(v2sf) =	vpush v41, $0x9;
	v4 =	vsel vm3, s31, v4;
	s24 =	sadd.s32 s10, s11;
	s31 =	sld [smem:$0x7F4];
	s10 =	smul.u32 $0x66666667, s20  }
0x606: {  	v63 =	vmov s9;
	v30 =	vsel vm9, v30, v62;
	(v2sf) =	vpush v41, $0x8;
	s20 =	sshrl.u32 s24, $0x1F;
	s29 =	smulhi.u32 $0x66666667, s23;
	s11 =	sshra.s32 s23, $0x1F  }
0x607: {  	v62 =	vld [tilespmem:$0xD8D0];
	v60 =	vsel vm10, s0, v36;
	v36 =	vmov s26;
	(v2sf) =	vpush v41, $0xA;
	s23 =	sadd.s32 s12, s6;
	s6 =	smul.u32 $0x66666667, s11;
	s12 =	spop (v2sf)  }
0x608: {  	v61 =	vsel vm4, s31, v4;
	v4 =	vsel vm9, v33, v34;
	v33 =	vsel vm2, s30, v63;
	s11 =	smulhi.u32 $0x66666667, s12;
	s30 =	sshra.s32 s12, $0x1F;
	s31 =	spop (v2sf)  }
0x609: {  	(v2sf) =	vpush v41, $0xB;
	v34 =	vnsel vm5, $0x0, v36;
	s12 =	sshrl.u32 s23, $0x1F;
	s0 =	sadd.s32 s10, s28;
	v33 =	vsel vm3, s25, v33;
	s25 =	smul.u32 $0x66666667, s30  }
0x60a: {  	(v2sf) =	vpush v41, $0x0;
	s26 =	spop (v2sf);
	v63 =	vsel vm2, s20, v34;
	v34 =	vadd.s32 v30, v4;
	s20 =	smulhi.u32 $0x66666667, s31;
	s9 =	sshra.s32 s31, $0x1F  }
0x60b: {  	s31 =	sadd.s32 s6, s29;
	s30 =	sshrl.u32 s0, $0x1F;
	(v2sf) =	vpush v41, $0x1;
	v36 =	vsel vm4, s8, v33;
	v4 =	vsel vm3, s12, v63;
	s9 =	smul.u32 $0x66666667, s9  }
0x60c: {  	v33 =	vmul.u32 $0xFFFFFFB0, v34;
	v62 =	vsub.f32 $0.0e+00, v62;
	s10 =	sshrl.u32 s31, $0x1F;
	s12 =	smulhi.u32 $0x66666667, s26;
	s28 =	sshra.s32 s26, $0x1F;
	(v2sf) =	vpush v41, $0x2  }
0x60d: {  	v24 =	vperm.xlane v24, v32;
	v29 =	vperm.xlane v29, v32;
	vm1 =	vcmask $0x704;
	s26 =	sld [smem:$0x7F5];
	s11 =	sadd.s32 s25, s11;
	s29 =	smul.u32 $0x66666667, s28;
	v30 =	vpop (erf)  }
0x60e: {  	v4 =	vsel vm4, s30, v4;
	s28 =	sshrl.u32 s7, $0x1F;
	v33 =	vadd.s32 v19, v33;
	v19 =	vmul.f32 $1.442695020e+00, v62;
	s25 =	sshrl.u32 s11, $0x1F;
	s30 =	sadd.s32 s9, s20;
	v63 =	vpop (erf)  }
0x60f: {  	v4 =	vsel vm6, s10, v4;
	s1 =	spop (v2sf);
	(v2sf) =	vpush v41, $0x3;
	s9 =	sshrl.u32 s30, $0x1F;
	s29 =	sadd.s32 s29, s12;
	v63 =	vadd.f32 $1.000000000e+00, v63  }
0x610: {  	v5 =	vsel vm2, s26, v5;
	v4 =	vsel vm7, s25, v4;
	s12 =	sshrl.u32 s22, $0x1F;
	s22 =	rddreg [dreg:$0xe];
	s6 =	spop (v2sf);
	(v2sf) =	vpush v41, $0x4  }
0x611: {  	s10 =	sshra.s32 s21, $0x5;
	s26 =	rddreg [dreg:$0xc];
	v5 =	vsel vm3, s28, v5;
	v4 =	vsel vm8, s9, v4;
	(erf) = vrcp.f32 v63  }
0x612: {  	s20 =	sshrl.u32 s29, $0x1F;
	s25 =	sshra.s32 s22, $0x5;
	(erf) = vpow2.f32 v19;
	v19 =	vcombine.low v25, v23;
	v25 =	vsel vm4, s12, v5;
	s12 =	sshra.s32 s29, $0x1F  }
0x613: {  	s28 =	sshra.s32 s26, $0x5;
	s22 =	sshra.s32 s21, $0x1F;
	(v2sf) =	vpush v41, $0x5;
	v23 =	vsel vm10, s20, v4;
	s7 =	spop (v2sf);
	v62 =	vmov s12  }
0x614: {  	v4 =	vmov s25;
	v5 =	vcombine.low v31, v27;
	s25 =	sshra.s32 s24, $0x5;
	s20 =	sld [smem:$0x7F6];
	s8 =	spop (v2sf);
	v27 =	vsel vm5, s10, v62  }
0x615: {  	v28 =	vperm.xlane v28, v32;
	v4 =	vsel vm2, s28, v4;
	s9 =	spop (v2sf);
	v27 =	vsel vm1, s22, v27;
	s22 =	sshra.s32 s24, $0x1F;
	s24 =	sld [smem:$0x7F7]  }
0x616: {  	v25 =	vcombine.low v25, v36;
	v23 =	vperm.xlane v23, v32;
	s26 =	spop (v2sf);
	v27 =	vsel vm2, s25, v27  }
0x617: {  	v19 =	vperm.xlane v19, v15;
	v5 =	vperm.xlane v5, v15;
	s21 =	sshra.s32 s20, $0x5;
	s28 =	spop (v2sf);
	v63 =	vsel vm12, s22, v27;
	s22 =	sshra.s32 s23, $0x5  }
0x618: {  	vm1 =	vcmask $0x1714;
	v25 =	vperm.xlane v25, v15;
	v4 =	vsel vm3, s21, v4;
	s12 =	spop (v2sf);
	s10 =	sshra.s32 s24, $0x5;
	s24 =	sld [smem:$0x7F8]  }
0x619: {  	s21 =	sshra.s32 s23, $0x1F;
	s25 =	spop (v2sf);
	v27 =	vsel vm4, s10, v4;
	v4 =	vsel vm9, v29, v5;
	v5 =	vsel vm3, s22, v63  }
0x61a: {  	v37 =	vperm.xlane v37, v32;
	v51 =	vperm.xlane v51, v32;
	v62 =	vld [tilespmem:$0xD8E0];
	s10 =	sshra.s32 s0, $0x5;
	s20 =	spop (v2sf);
	v5 =	vsel vm1, s21, v5;
	s21 =	sld [smem:$0x7F9]  }
0x61b: {  	v24 =	vsel vm9, v24, v19;
	v23 =	vsel vm9, v23, v25;
	vm12 =	vcmask $0x704;
	s0 =	sshra.s32 s0, $0x1F;
	s23 =	spop (v2sf);
	s22 =	sshra.s32 s24, $0x5  }
0x61c: {  	v63 =	vcombine.low v42, v39;
	v39 =	vcombine.low v50, v48;
	v19 =	vpop (erf);
	v5 =	vsel vm4, s10, v5;
	[smem:$0x7FC] =	sst s23;
	s23 =	smulhi.u32 $0x66666667, s1;
	s1 =	sshra.s32 s1, $0x1F  }
0x61d: {  	v24 =	vadd.s32 v24, v4;
	v4 =	vcombine.low v35, v26;
	v35 =	vpop (erf);
	s24 =	sshra.s32 s31, $0x5;
	v5 =	vsel vm14, s0, v5;
	s21 =	sshra.s32 s21, $0x5;
	s10 =	smul.u32 $0x66666667, s1  }
0x61e: {  	v26 =	vadd.f32 $1.000000000e+00, v35;
	v5 =	vsel vm6, s24, v5;
	v48 =	vmov s21;
	s21 =	sshra.s32 s31, $0x1F;
	s31 =	smulhi.u32 $0x66666667, s6;
	s6 =	sshra.s32 s6, $0x1F  }
0x61f: {  	(v2sf) =	vpush v41, $0x6;
	v29 =	vsub.f32 $0.0e+00, v62;
	s24 =	spop (v2sf);
	s1 =	sshra.s32 s11, $0x5;
	v5 =	vsel vm15, s21, v5;
	s6 =	smul.u32 $0x66666667, s6  }
0x620: {  	(erf) = vrcp.f32 v26;
	v26 =	vsel vm2, s22, v48;
	s22 =	sld [smem:$0x7FA];
	v5 =	vsel vm7, s1, v5;
	s1 =	smulhi.u32 $0x66666667, s7;
	s7 =	sshra.s32 s7, $0x1F  }
0x621: {  	v50 =	vmul.u32 $0xFFFFFFB0, v24;
	v31 =	vperm.xlane v63, v15;
	v29 =	vmul.f32 $1.442695020e+00, v29;
	s11 =	sshra.s32 s11, $0x1F;
	s21 =	spop (v2sf);
	s7 =	smul.u32 $0x66666667, s7  }
0x622: {  	v63 =	vperm.xlane v46, v15;
	v46 =	vperm.xlane v44, v32;
	v5 =	vsel vm13, s11, v5;
	s11 =	spop (v2sf);
	s31 =	sadd.s32 s6, s31;
	s6 =	smulhi.u32 $0x66666667, s9  }
0x623: {  	vm1 =	vlt.s32 v34, $0x4E1F;
	v39 =	vperm.xlane v39, v15;
	v4 =	vperm.xlane v4, v15;
	s9 =	sshra.s32 s9, $0x1F;
	s0 =	sshra.s32 s22, $0x5;
	s22 =	smulhi.u32 $0x66666667, s8  }
0x624: {  	v17 =	vadd.s32 v17, v50;
	(v2sf) =	vpush v41, $0x7;
	s8 =	sshra.s32 s8, $0x1F;
	s9 =	smul.u32 $0x66666667, s9;
	v26 =	vsel vm3, s0, v26;
	s0 =	sshra.s32 s30, $0x5  }
0x625: {  	v62 =	vsel vm9, v37, v31;
	v50 =	vperm.xlane v47, v32;
	s8 =	smul.u32 $0x66666667, s8;
	s30 =	sshra.s32 s30, $0x1F;
	v5 =	vsel vm8, s0, v5;
	s0 =	sld [smem:$0x7FB]  }
0x626: {  	v4 =	vsel vm9, v28, v4;
	v28 =	vperm.xlane v52, v15;
	[smem:$0x7FD] =	sst s31;
	v5 =	vsel vm11, s30, v5;
	s30 =	smulhi.u32 $0x66666667, s26;
	s26 =	sshra.s32 s26, $0x1F  }
0x627: {  	v31 =	vsel vm9, v46, v63;
	v52 =	vperm.xlane v53, v32;
	v53 =	vcombine.low v57, v54;
	s22 =	sadd.s32 s8, s22;
	s8 =	sadd.s32 s9, s6;
	s6 =	smulhi.u32 $0x66666667, s25  }
0x628: {  	(erf) = vpow2.f32 v29;
	v48 =	vcombine.low v56, v55;
	v39 =	vsel vm9, v50, v39;
	s25 =	sshra.s32 s25, $0x1F;
	s26 =	smul.u32 $0x66666667, s26;
	s0 =	sshra.s32 s0, $0x5  }
0x629: {  	v4 =	vadd.s32 v4, v62;
	v56 =	vcombine.low v61, v59;
	s25 =	smul.u32 $0x66666667, s25;
	v42 =	vsel vm4, s0, v26;
	s0 =	sshrl.u32 s31, $0x1F;
	s31 =	sadd.s32 s10, s23  }
0x62a: {  	v54 =	vld [tilespmem:$0xD8F0];
	v61 =	vperm.xlane v58, v32;
	v29 =	vadd.s32 v31, v39;
	v31 =	vperm.xlane v53, v15;
	s10 =	sadd.s32 s7, s1;
	s7 =	smulhi.u32 $0x66666667, s28;
	s1 =	sadd.s32 s26, s30  }
0x62b: {  	v62 =	vperm.xlane v60, v32;
	v37 =	vperm.xlane v48, v15;
	s26 =	smulhi.u32 $0x66666667, s12;
	s12 =	sshra.s32 s12, $0x1F;
	v49 =	vmov s0;
	s0 =	sshra.s32 s28, $0x1F  }
0x62c: {  	v28 =	vsel vm9, v51, v28;
	v48 =	vmul.u32 $0xFFFFFFB0, v4;
	v31 =	vsel vm9, v61, v31;
	s28 =	sshrl.u32 s31, $0x1F;
	s30 =	sshrl.u32 s1, $0x1F;
	s9 =	smul.u32 $0x66666667, s12  }
0x62d: {  	v55 =	vsel vm9, v52, v37;
	s0 =	smul.u32 $0x66666667, s0;
	v57 =	vsel vm2, s28, v49;
	s28 =	sshrl.u32 s10, $0x1F;
	v59 =	vmov s30;
	s30 =	sshrl.u32 s8, $0x1F  }
0x62e: {  	v37 =	vperm.xlane v56, v15;
	v43 =	vsel vm3, s28, v57;
	v44 =	vsel vm2, s30, v59;
	s28 =	smulhi.u32 $0x66666667, s20;
	s30 =	sshra.s32 s20, $0x1F;
	s20 =	sshra.s32 s29, $0x5  }
0x62f: {  	v39 =	vsub.f32 $0.0e+00, v54;
	v52 =	vnsel vm1, $0x4E1F, v34;
	vm1 =	vlt.s32 v24, $0x4E1F;
	s12 =	sadd.s32 s0, s7;
	s29 =	smul.u32 $0x66666667, s30;
	s30 =	sld [smem:$0x7FC]  }
0x630: {  	v35 =	vadd.s32 v16, v48;
	v28 =	vadd.s32 v28, v55;
	v24 =	vnsel vm1, $0x4E1F, v24;
	s23 =	spop (v2sf);
	v26 =	vpop (erf);
	s6 =	sadd.s32 s25, s6;
	s7 =	sshrl.u32 s12, $0x1F  }
0x631: {  	vm1 =	vlt.s32 v4, $0x4E1F;
	v39 =	vmul.f32 $1.442695020e+00, v39;
	s25 =	smulhi.u32 $0x66666667, s24;
	s24 =	sshra.s32 s24, $0x1F;
	v63 =	vpop (erf);
	v44 =	vsel vm3, s7, v44;
	s7 =	sadd.s32 s9, s26  }
0x632: {  	v37 =	vsel vm9, v62, v37;
	v50 =	vmul.u32 $0xFFFFFFB0, v28;
	v47 =	vadd.f32 $1.000000000e+00, v63;
	s9 =	smulhi.u32 $0x66666667, s30;
	s26 =	sshra.s32 s30, $0x1F;
	s30 =	sshrl.u32 s7, $0x1F  }
0x633: {  	v4 =	vnsel vm1, $0x4E1F, v4;
	s24 =	smul.u32 $0x66666667, s24;
	v5 =	vsel vm10, s20, v5;
	v44 =	vsel vm4, s30, v44;
	s30 =	sshrl.u32 s6, $0x1F;
	s20 =	spop (v2sf)  }
0x634: {  	vm1 =	vlt.s32 v29, $0x4E1F;
	(erf) = vrcp.f32 v47;
	v51 =	vmov s30;
	s30 =	smulhi.u32 $0x66666667, s20;
	s20 =	sshra.s32 s20, $0x1F  }
0x635: {  	v16 =	vadd.s32 v31, v37;
	v58 =	vnsel vm1, $0x4E1F, v29;
	(erf) = vpow2.f32 v39;
	s20 =	smul.u32 $0x66666667, s20  }
0x636: {  	vm1 =	vlt.s32 v28, $0x4E1F;
	v20 =	vadd.s32 v20, v50;
	v31 =	vmul.u32 $0xFFFFFFB0, v16;
	s1 =	sshra.s32 s1, $0x5;
	s8 =	sshra.s32 s8, $0x5;
	s0 =	sshrl.u32 s22, $0x1F  }
0x637: {  	[tilespmem:$0x11AC0] =	vst v19;
	v19 =	vnsel vm1, $0x4E1F, v28;
	vm1 =	vlt.s32 v16, $0x4E1F;
	v43 =	vsel vm4, s0, v43;
	s0 =	smulhi.u32 $0x66666667, s21;
	s21 =	sshra.s32 s21, $0x1F;
	s20 =	sadd.s32 s20, s30  }
0x638: {  	v16 =	vnsel vm1, $0x4E1F, v16;
	v21 =	vadd.s32 v21, v31;
	v27 =	vcombine.low v42, v27;
	s24 =	sadd.s32 s24, s25;
	s21 =	smul.u32 $0x66666667, s21;
	s30 =	sshra.s32 s20, $0x1F  }
0x639: {  	v49 =	vmul.u32 $0xFFFFFFB0, v29;
	v61 =	vmov s1;
	s28 =	sadd.s32 s29, s28;
	s26 =	smul.u32 $0x66666667, s26;
	v53 =	vmov s30;
	s30 =	sshra.s32 s6, $0x5  }
0x63a: {  	[tilespmem:$0x11A80] =	vst v38;
	v27 =	vperm.xlane v27, v15;
	v5 =	vperm.xlane v5, v32;
	s0 =	sadd.s32 s21, s0;
	s21 =	smulhi.u32 $0x66666667, s11;
	s6 =	sshra.s32 s6, $0x1F;
	v25 =	vsel vm5, s30, v53  }
0x63b: {  	[tilespmem:$0x11A90] =	vst v45;
	v62 =	vsel vm2, s8, v61;
	v18 =	vadd.s32 v18, v49;
	s11 =	sshra.s32 s11, $0x1F;
	s9 =	sadd.s32 s26, s9;
	s26 =	sshra.s32 s28, $0x5;
	v25 =	vsel vm12, s6, v25  }
0x63c: {  	[tilespmem:$0x11AA0] =	vst v40;
	s25 =	sshrl.u32 s28, $0x1F;
	v5 =	vsel vm9, v5, v27;
	s11 =	smul.u32 $0x66666667, s11;
	s30 =	sshra.s32 s28, $0x1F;
	vm12 =	vcmask $0xF0C;
	v25 =	vsel vm2, s26, v25  }
0x63d: {  	[tilespmem:$0x11B00] =	vst v33;
	s7 =	sshra.s32 s7, $0x5;
	v5 =	vadd.s32 v23, v5;
	v54 =	vnsel vm5, $0x0, v51;
	s29 =	sshrl.u32 s9, $0x1F;
	v55 =	vpop (erf);
	s26 =	sshra.s32 s9, $0x5;
	v25 =	vsel vm12, s30, v25  }
0x63e: {  	[tilespmem:$0x11AB0] =	vst v30;
	v34 =	vsel vm2, s25, v54;
	s11 =	sadd.s32 s11, s21;
	v56 =	vpop (erf);
	s9 =	sshra.s32 s9, $0x1F;
	vm12 =	vcmask $0x1714;
	v25 =	vsel vm3, s26, v25;
	s26 =	sld [smem:$0x7FD]  }
0x63f: {  	[tilespmem:$0x11B10] =	vst v17;
	v57 =	vsel vm3, s29, v34;
	s29 =	sshrl.u32 s0, $0x1F;
	v27 =	vadd.f32 $1.000000000e+00, v56;
	s28 =	sshrl.u32 s24, $0x1F;
	s30 =	sshra.s32 s24, $0x5;
	v25 =	vsel vm12, s9, v25  }
0x640: {  	[tilespmem:$0xD980] =	vst v52;
	v59 =	vcombine.low v44, v43;
	v63 =	vmul.u32 $0xFFFFFFB0, v5;
	s6 =	smulhi.u32 $0x66666667, s23;
	s23 =	sshra.s32 s23, $0x1F;
	s24 =	sshra.s32 s24, $0x1F;
	v25 =	vsel vm4, s30, v25  }
0x641: {  	[tilespmem:$0x11B20] =	vst v35;
	v17 =	vsel vm4, s28, v57;
	s28 =	sshra.s32 s0, $0x5;
	s0 =	sshra.s32 s0, $0x1F;
	(erf) = vrcp.f32 v27;
	s21 =	sshra.s32 s26, $0x5;
	v25 =	vsel vm14, s24, v25  }
0x642: {  	[tilespmem:$0xD990] =	vst v24;
	s23 =	smul.u32 $0x66666667, s23;
	v17 =	vsel vm6, s29, v17;
	s29 =	sshra.s32 s31, $0x5;
	s31 =	sshra.s32 s12, $0x5;
	v60 =	vmov s21;
	v25 =	vsel vm6, s28, v25  }
0x643: {  	[tilespmem:$0xD9A0] =	vst v4;
	s12 =	sshra.s32 s11, $0x1F;
	v29 =	vsel vm3, s31, v62;
	s9 =	sshra.s32 s11, $0x5;
	s30 =	sshra.s32 s10, $0x5;
	v4 =	vsel vm2, s29, v60;
	v25 =	vsel vm15, s0, v25  }
0x644: {  	[tilespmem:$0x11B30] =	vst v18;
	s6 =	sadd.s32 s23, s6;
	v18 =	vsel vm4, s7, v29;
	s10 =	sshra.s32 s22, $0x5;
	s21 =	sshrl.u32 s11, $0x1F;
	v4 =	vsel vm3, s30, v4;
	v25 =	vsel vm7, s9, v25  }
0x645: {  	[tilespmem:$0xD9B0] =	vst v58;
	s23 =	sshrl.u32 s6, $0x1F;
	s22 =	sshra.s32 s6, $0x5;
	v17 =	vsel vm7, s21, v17;
	v4 =	vsel vm4, s10, v4;
	v25 =	vsel vm13, s12, v25  }
0x646: {  	[tilespmem:$0x11B40] =	vst v20;
	s25 =	sshrl.u32 s20, $0x1F;
	s24 =	sshra.s32 s6, $0x1F;
	v17 =	vsel vm8, s23, v17;
	v4 =	vcombine.low v18, v4;
	v18 =	vsel vm8, s22, v25  }
0x647: {  	[tilespmem:$0xD9C0] =	vst v19;
	vm1 =	vlt.s32 v5, $0x4E1F;
	s26 =	sshra.s32 s20, $0x5;
	v17 =	vsel vm10, s25, v17;
	v18 =	vsel vm11, s24, v18  }
0x648: {  	[tilespmem:$0x11AD0] =	vst v26;
	v19 =	vperm.xlane v59, v15;
	v17 =	vperm.xlane v17, v32;
	v18 =	vsel vm10, s26, v18  }
0x649: {  	[tilespmem:$0xD9D0] =	vst v16;
	v5 =	vnsel vm1, $0x4E1F, v5;
	v4 =	vperm.xlane v4, v15;
	v18 =	vperm.xlane v18, v32  }
0x64a: {  	[tilespmem:$0x11B50] =	vst v21  }
0x64b: {  	[tilespmem:$0xD9E0] =	vst v5;
	v16 =	vsel vm9, v17, v19;
	v4 =	vsel vm9, v18, v4  }
0x64c: {  	[tilespmem:$0x11AE0] =	vst v55;
	v5 =	vpop (erf);
	v4 =	vadd.s32 v16, v4  }
0x64d: {  	[tilespmem:$0x11AF0] =	vst v5;
	v17 =	vadd.s32 v22, v63;
	v16 =	vmul.u32 $0xFFFFFFB0, v4;
	vm1 =	vlt.s32 v4, $0x4E1F  }
0x64e: {  	[tilespmem:$0x11B60] =	vst v17;
	v4 =	vnsel vm1, $0x4E1F, v4  }
0x64f: {  	v5 =	vadd.s32 v41, v16;
	[tilespmem:$0xD9F0] =	vst v4  }
0x650: {  	s28 =	simm.s32 $0x0;
	[tilespmem:$0x11B70] =	vst v5  }
0x651: {  	v4 =	vld [tilespmem:s28+$0xD980];
	_ =	sdelay $0x4  }
0x652: {  	(v2sf) =	vpush v4, $0x0;
	_ =	sdelay $0xe  }
0x653: {  	s29 =	spop (v2sf)  }
0x654: {  	s0 =	sshll.u32 s29, $0x7  }
0x655: {  	s30 =	sand.u32 $0xFFFFFC00, s0  }
0x656: {  	s0 =	sand.u32 $0x380, s0;
	s1 =	sadd.s32 s5, s30  }
0x657: {  	s0 =	sor.u32 s0, s1  }
0x658: {  	s1 =	sshrl.u32 s0, $0x3  }
0x659: {  	s31 =	simm.s32 $0x1;
	s0 =	simm.s32 $0xDA80;
	s1 =	sadd.s32 s4, s1  }
0x65a: {  	[tilespmem:s0], [sflag:$0x2] =	stream.linear.gather [hbm4b:s1+s2], $0x80, $0x38;
	[tilespmem:$0x11B80] =	vst v63  }
0x65b: {  	s1 =	simm.s32 $0x8;
	v16 =	vld [tilespmem:s31+$0xD980]  }
.LBB2_79:
0x65c: {  	p0 =	sne.s32 s1, $0x1FC;
	_ =	sdelay $0x3  }
0x65d: {  	(v2sf) =	vpush v16, $0x0;
	_ =	sdelay $0xe  }
0x65e: {  	s6 =	spop (v2sf)  }
0x65f: {  	s6 =	sshll.u32 s6, $0x7  }
0x660: {  	s7 =	sand.u32 $0xFFFFFC00, s6  }
0x661: {  	s6 =	sand.u32 $0x380, s6;
	s7 =	sadd.s32 s5, s7  }
.Ltmp39:
0x662: {  	s6 =	sor.u32 s6, s7;
	(pc) =	sbr.rel @p0 .LBB2_79-.Ltmp39, $4  }
0x663: {  	s6 =	sshrl.u32 s6, $0x3  }
0x664: {  	s0 =	sadd.s32 $0x80, s0;
	s7 =	sshra.s32 s1, $0x2;
	s6 =	sadd.s32 s4, s6  }
0x665: {  	[tilespmem:s0], [sflag:$0x2] =	stream.linear.gather [hbm4b:s6+s2], $0x80, $0x38;
	[tilespmem:$0x11B80] =	vst v63  }
0x666: {  	s1 =	sadd.s32 $0x4, s1;
	v16 =	vld [tilespmem:s7+$0xD980]  }
0x667: {  	_ =	sdelay $0x3  }
0x668: {  	(v2sf) =	vpush v16, $0x0;
	_ =	sdelay $0xe  }
0x669: {  	s1 =	spop (v2sf)  }
0x66a: {  	s1 =	sshll.u32 s1, $0x7  }
0x66b: {  	s6 =	sand.u32 $0xFFFFFC00, s1  }
0x66c: {  	s1 =	sand.u32 $0x380, s1;
	s6 =	sadd.s32 s5, s6  }
0x66d: {  	s1 =	sor.u32 s1, s6  }
0x66e: {  	s1 =	sshrl.u32 s1, $0x3  }
0x66f: {  	s0 =	sadd.s32 $0x80, s0;
	s1 =	sadd.s32 s4, s1  }
0x670: {  	[tilespmem:s0], [sflag:$0x2] =	stream.linear.gather [hbm4b:s1+s2], $0x80, $0x38;
	[tilespmem:$0x11B80] =	vst v63  }
0x671: {  	_ =	swait.ge [sflag:s19], $0x80  }
0x672: {  	s11 =	simm.s32 $0x4E80;
	s0 =	simm.s32 $0x7F;
	[sflag:s19] =	ssyncset.done $0x0  }
.LBB2_81:
0x673: {  	p0 =	sne.s32 s0, $0x1;
	s0 =	sadd.s32 $0xFFFFFFFF, s0;
	[sflag:s19] =	ssyncadd.s32 $0xFFFFFF80  }
.Ltmp40:
0x674: {  	(pc) =	sbr.rel @p0 .LBB2_81-.Ltmp40, $3  }
0x675: {  	_ =	sdelay $0x1  }
0x676: {  	_ =	swait.ge [sflag:s19], $0x80  }
0x677: {  	[sflag:s19] =	ssyncset.done $0x0  }
0x678: {  	[sflag:s19] =	ssyncadd.s32 $0xFFFFFF80  }
0x679: {  	s0 =	rddreg [dreg:$0x4];
	s1 =	simm.s32 $0x11A80;
	s6 =	simm.s32 $0x3  }
0x67a: {  	[hbm4b:s0+s2] =	stream.linear.scatter [tilespmem:s1], [sflag:$0x3], $0x80, $0x38;
	[tilespmem:$0x11B80] =	vst v63  }
0x67b: {  	_ =	swait.ge [sflag:s6], $0x80  }
0x67c: {  	[sflag:s6] =	ssyncset.done $0x0  }
0x67d: {  	s26 =	simm.s32 $0x11B00;
	s25 =	rddreg [dreg:$0x5];
	[sflag:s6] =	ssyncadd.s32 $0xFFFFFF80  }
0x67e: {  	[hbm4b:s25+s2] =	stream.linear.scatter [tilespmem:s26], [sflag:$0x3], $0x80, $0x38;
	[tilespmem:$0x11B80] =	vst v63  }
0x67f: {  	_ =	swait.ge [sflag:s6], $0x80  }
0x680: {  	[sflag:s6] =	ssyncset.done $0x0  }
0x681: {  	s29 =	simm.s32 $0xDA80;
	s28 =	rddreg [dreg:$0x6];
	[sflag:s6] =	ssyncadd.s32 $0xFFFFFF80  }
0x682: {  	[hbm4b:s28+s2] =	stream.linear.scatter [tilespmem:s29], [sflag:$0x3], $0x4000, $0x38;
	[tilespmem:$0x11B80] =	vst v63  }
0x683: {  	_ =	swait.ge [sflag:s6], $0x4000  }
0x684: {  	s30 =	rddreg [dreg:$0x9]  }
0x685: {  	s31 =	rddreg [dreg:$0x8];
	s1 =	sadd.s32 $0x1, s30  }
0x686: {  	p0 =	sne.s32 s1, s31  }
.Ltmp41:
0x687: {  	_ = 	snop;
	(pc) =	sbr.rel @p0 .LBB2_2-.Ltmp41, $3  }
0x688: {  	_ =	sdelay $0x1  }
0x689: {  	[sflag:s6] =	ssyncset.done $0x0  }
0x68a: {  	[sflag:s6] =	ssyncadd.s32 $0xFFFFC000  }
.LBB2_83:
0x68b: {  	_ =	sfence.sel $0x180000  }
0x68c: {  	[bflag:$0x0] =	sbarrier.arrive $0xFFFF  }
0x68d: {  	_ =	strace $0x9000004A  }
0x68e: {  	s0 =	stileid.u32;
	[bflag:$0x2] =	sbarrier.arrive $0xFFFF  }
0x68f: {  	p0 =	sne.s32 s0, $0x0;
	s0 =	rddreg [dreg:$0x3]  }
0x690: {  	s0 =	sadd.s32 @!p0 $0x100000, s0  }
0x691: {  	[sflag:s0] =	ssyncadd.tile.s32 @!p0 $0x1;
	_ =	shalt  }
.Lfunc_end2:
_tile_overlayer_lowered:
.L_overlay_start_2:
0x692: {  	(tag) =	ssettag $0x2  }
0x693: {  	s0 =	rddreg [dreg:$0x0];
	s2 =	stileid.u32  }
0x694: {  	s1 =	rddreg [dreg:$0x1];
	p0 =	sne.s32 s2, $0x0  }
0x695: {  	s3 =	rddreg [dreg:$0x2];
	[bflag:$0x3] =	sbarrier.arrive $0xFFFF;
	s2 =	simm.s32 @!p0 $0x1C03  }
0x696: {  	[timem:s3], [sflag:s2] =	dma.local @!p0 [hbm:s0], s1  }
0x697: {  	s0 =	simm.s32 @!p0 $0x3  }
0x698: {  	_ =	swait.ge @!p0 [sflag:s0], s1  }
0x699: {  	s1 =	ssub.s32 @!p0 $0x0, s1;
	[sflag:s0] =	ssyncset.done @!p0 $0x0  }
0x69a: {  	[sflag:s0] =	ssyncadd.s32 @!p0 s1  }
0x69b: {  	[bflag:$0x3] =	sbarrier.arrive $0xFFFF  }
0x69c: {  	_ =	shalt  }

</sc_bundles>
